<compile_context>
chip_gen: v7x
topology: tpu7x:2x2x1
jax: 0.10.2.dev20260603
libtpu: 0.0.44.dev20260713+nightly
codegen_flags: <defaults>
</compile_context>

<pallas_src>
import functools

import jax
import jax.numpy as jnp
from jax import lax
from jax.experimental import pallas as pl
from jax.experimental.pallas import tpu as pltpu
from jax.experimental.pallas import tpu_sc as plsc

NC = 2
NS = 16
NW = NC * NS
CHUNK = 128


def _mesh():
    return plsc.VectorSubcoreMesh(core_axis_name="c", subcore_axis_name="s")


def _grp_for(base):
    for d in (8, 7, 6, 5, 4, 3, 2, 1):
        if base % d == 0:
            return d
    return 1


def _sc_msg_pass(n_pad, w, base, rem, grp):
    spt = n_pad // NS

    @functools.partial(
        pl.kernel,
        out_type=jax.ShapeDtypeStruct((NC, n_pad, w), jnp.float32),
        mesh=_mesh(),
        scratch_types=[
            pltpu.VMEM((base, CHUNK), jnp.int32),
            pltpu.VMEM((base, CHUNK), jnp.int32),
            pltpu.VMEM((1, CHUNK), jnp.int32),
            pltpu.VMEM((1, CHUNK), jnp.int32),
            pltpu.VMEM((grp, CHUNK, w), jnp.float32),
            pltpu.VMEM_SHARED((n_pad, w), jnp.float32),
            pltpu.SemaphoreType.DMA,
            pltpu.SemaphoreType.DMA,
        ],
        compiler_params=pltpu.CompilerParams(use_tc_tiling_on_sc=False),
    )
    def k(y_hbm, edge_hbm, out_hbm,
          idx_s, idx_d, idx_se, idx_de, rows, acc, sem_g, sem_s):
        c = lax.axis_index("c")
        s = lax.axis_index("s")
        wid = c * NS + s
        row0 = wid * base
        pltpu.sync_copy(edge_hbm.at[0, pl.ds(row0, base)], idx_s)
        pltpu.sync_copy(edge_hbm.at[1, pl.ds(row0, base)], idx_d)
        if rem:
            @pl.when(wid < rem)
            def _load_tail():
                pltpu.sync_copy(
                    edge_hbm.at[0, pl.ds(NW * base + wid, 1)], idx_se)
                pltpu.sync_copy(
                    edge_hbm.at[1, pl.ds(NW * base + wid, 1)], idx_de)

        def zrow(i, carry):
            for t in range(w // 16):
                rows[0, i, pl.ds(t * 16, 16)] = jnp.zeros((16,), jnp.float32)
            return carry

        lax.fori_loop(0, CHUNK, zrow, 0)
        r0 = s * spt
        for i in range(spt // CHUNK):
            pltpu.sync_copy(rows.at[0], acc.at[pl.ds(r0 + i * CHUNK, CHUNK)])
        plsc.subcore_barrier()

        def group(g, carry):
            gets = []
            for t in range(grp):
                j = g * grp + t
                gets.append(pltpu.async_copy(
                    y_hbm.at[idx_s.at[j]], rows.at[t], sem_g))
            puts = []
            for t in range(grp):
                j = g * grp + t
                gets[t].wait()
                puts.append(pltpu.async_copy(
                    rows.at[t], acc.at[idx_d.at[j]], sem_s, add=True))
            for t in range(grp):
                puts[t].wait()
            return carry

        lax.fori_loop(0, base // grp, group, 0)
        if rem:
            @pl.when(wid < rem)
            def _do_tail():
                pltpu.async_copy(
                    y_hbm.at[idx_se.at[0]], rows.at[0], sem_g).wait()
                pltpu.async_copy(
                    rows.at[0], acc.at[idx_de.at[0]], sem_s, add=True).wait()
        plsc.subcore_barrier()
        for i in range(spt // CHUNK):
            pltpu.sync_copy(acc.at[pl.ds(r0 + i * CHUNK, CHUNK)], rows.at[0])
            pltpu.sync_copy(rows.at[0],
                            out_hbm.at[c, pl.ds(r0 + i * CHUNK, CHUNK)])

    return k


def _sc_deg_pass(n_pad, base, rem, grp):
    spt = n_pad // NS

    @functools.partial(
        pl.kernel,
        out_type=jax.ShapeDtypeStruct((NC * n_pad,), jnp.float32),
        mesh=_mesh(),
        scratch_types=[
            pltpu.VMEM((base, CHUNK), jnp.int32),
            pltpu.VMEM((1, CHUNK), jnp.int32),
            pltpu.VMEM((CHUNK,), jnp.float32),
            pltpu.VMEM((CHUNK,), jnp.float32),
            pltpu.VMEM_SHARED((n_pad,), jnp.float32),
            pltpu.SemaphoreType.DMA,
        ],
        compiler_params=pltpu.CompilerParams(use_tc_tiling_on_sc=False),
    )
    def k(edge_hbm, out_hbm, idx_d, idx_de, ones, zbuf, acc, sem):
        c = lax.axis_index("c")
        s = lax.axis_index("s")
        wid = c * NS + s
        row0 = wid * base
        pltpu.sync_copy(edge_hbm.at[1, pl.ds(row0, base)], idx_d)
        if rem:
            @pl.when(wid < rem)
            def _load_tail():
                pltpu.sync_copy(
                    edge_hbm.at[1, pl.ds(NW * base + wid, 1)], idx_de)
        for t in range(CHUNK // 16):
            ones[pl.ds(t * 16, 16)] = jnp.ones((16,), jnp.float32)
            zbuf[pl.ds(t * 16, 16)] = jnp.zeros((16,), jnp.float32)
        r0 = s * spt
        for i in range(spt // CHUNK):
            pltpu.sync_copy(zbuf, acc.at[pl.ds(r0 + i * CHUNK, CHUNK)])
        plsc.subcore_barrier()

        def group(g, carry):
            puts = []
            for t in range(grp):
                j = g * grp + t
                puts.append(pltpu.async_copy(
                    ones, acc.at[idx_d.at[j]], sem, add=True))
            for t in range(grp):
                puts[t].wait()
            return carry

        lax.fori_loop(0, base // grp, group, 0)
        if rem:
            @pl.when(wid < rem)
            def _do_tail():
                pltpu.async_copy(
                    ones, acc.at[idx_de.at[0]], sem, add=True).wait()
        plsc.subcore_barrier()
        for i in range(spt // CHUNK):
            pltpu.sync_copy(acc.at[pl.ds(r0 + i * CHUNK, CHUNK)], zbuf)
            pltpu.sync_copy(
                zbuf, out_hbm.at[pl.ds(c * n_pad + r0 + i * CHUNK, CHUNK)])

    return k


def _k1_body(x_ref, dis_ref, wg1_ref, y1_ref):
    y1_ref[...] = jnp.dot(x_ref[...], wg1_ref[...],
                          preferred_element_type=jnp.float32) * dis_ref[...]


def _l1_body(x_ref, wli_ref, bli_ref, wosa_ref, wosb_ref, bos_ref, l1_ref):
    xs = x_ref[...]
    h = jnp.maximum(
        jnp.dot(xs, wli_ref[...], preferred_element_type=jnp.float32)
        + bli_ref[...], 0.0)
    l1_ref[...] = (jnp.dot(xs, wosa_ref[...], preferred_element_type=jnp.float32)
                   + jnp.dot(h, wosb_ref[...], preferred_element_type=jnp.float32)
                   + bos_ref[...])


def _k2_body(p_ref, y1_ref, dis_ref, bg1_ref, wg2_ref, y2_ref):
    dis = dis_ref[...]
    s1 = p_ref[0] + p_ref[1]
    g1 = dis * (s1 + y1_ref[...]) + bg1_ref[...]
    y2_ref[...] = jnp.dot(g1, wg2_ref[...],
                          preferred_element_type=jnp.float32) * dis


def _k3_body(p_ref, y2_ref, dis_ref, bg2_ref, xn_ref, wloa_ref, wlob_ref,
             blo_ref, l1_ref, z_ref):
    dis = dis_ref[...]
    g2 = dis * (p_ref[0] + p_ref[1] + y2_ref[...]) + bg2_ref[...]
    x2 = (jnp.dot(xn_ref[...], wloa_ref[...], preferred_element_type=jnp.float32)
          + jnp.dot(g2, wlob_ref[...], preferred_element_type=jnp.float32)
          + blo_ref[...])
    z_ref[...] = jnp.concatenate([l1_ref[...], x2], axis=1)


def _decode_block(z_ref, zt_ref, o_ref):
    o_ref[...] = jax.nn.sigmoid(
        jnp.dot(z_ref[...], zt_ref[...], preferred_element_type=jnp.float32))


def kernel(x_self, x_neighbor, pos_edge_index, W_lin_in, b_lin_in,
           W_lin_out_self, b_lin_out_self, W_g1, b_g1, W_g2, b_g2,
           W_lin_out, b_lin_out):
    n, d_self = x_self.shape
    d_agg = x_neighbor.shape[1]
    e = pos_edge_index.shape[1]
    d1 = W_g1.shape[1]
    d2 = W_g2.shape[1]
    out = W_lin_out.shape[1]

    n_pad = -(-(n + 1) // (NS * CHUNK)) * (NS * CHUNK)

    if e % CHUNK:
        pad = CHUNK - e % CHUNK
        fill = jnp.arange(pad, dtype=jnp.int32)
        edges3 = jnp.concatenate(
            [pos_edge_index,
             jnp.stack([fill % n, n + fill % (n_pad - n)])], axis=1)
        edges3 = edges3.reshape(2, -1, CHUNK)
    else:
        edges3 = pos_edge_index.reshape(2, -1, CHUNK)
    n_rows = edges3.shape[1]
    base = n_rows // NW
    rem = n_rows % NW
    grp = _grp_for(base)

    deg_parts = _sc_deg_pass(n_pad, base, rem, grp)(edges3)
    deg = 1.0 + deg_parts[:n] + deg_parts[n_pad:n_pad + n]
    dis = lax.rsqrt(deg)[:, None]

    blk = 400 if n % 400 == 0 else n
    grid = (n // blk,)
    full = lambda i: (0, 0)
    blk_e = 2000 if n % 2000 == 0 else blk
    grid_e = (n // blk_e,)

    y1 = pl.pallas_call(
        _k1_body,
        grid=grid_e,
        in_specs=[
            pl.BlockSpec((blk_e, d_self), lambda i: (i, 0)),
            pl.BlockSpec((blk_e, 1), lambda i: (i, 0)),
            pl.BlockSpec(W_g1.shape, full),
        ],
        out_specs=pl.BlockSpec((blk_e, d1), lambda i: (i, 0)),
        out_shape=jax.ShapeDtypeStruct((n, d1), jnp.float32),
    )(x_self, dis, W_g1)

    p1 = _sc_msg_pass(n_pad, d1, base, rem, grp)(y1, edges3)

    l1 = pl.pallas_call(
        _l1_body,
        grid=grid_e,
        in_specs=[
            pl.BlockSpec((blk_e, d_self), lambda i: (i, 0)),
            pl.BlockSpec(W_lin_in.shape, full),
            pl.BlockSpec((1, 2 * out), full),
            pl.BlockSpec((d_self, out), full),
            pl.BlockSpec((2 * out, out), full),
            pl.BlockSpec((1, out), full),
        ],
        out_specs=pl.BlockSpec((blk_e, out), lambda i: (i, 0)),
        out_shape=jax.ShapeDtypeStruct((n, out), jnp.float32),
    )(x_self, W_lin_in, b_lin_in.reshape(1, -1),
      W_lin_out_self[:d_self], W_lin_out_self[d_self:],
      b_lin_out_self.reshape(1, -1))

    y2 = pl.pallas_call(
        _k2_body,
        grid=grid_e,
        in_specs=[
            pl.BlockSpec((NC, blk_e, d1), lambda i: (0, i, 0)),
            pl.BlockSpec((blk_e, d1), lambda i: (i, 0)),
            pl.BlockSpec((blk_e, 1), lambda i: (i, 0)),
            pl.BlockSpec((1, d1), full),
            pl.BlockSpec(W_g2.shape, full),
        ],
        out_specs=pl.BlockSpec((blk_e, d2), lambda i: (i, 0)),
        out_shape=jax.ShapeDtypeStruct((n, d2), jnp.float32),
    )(p1, y1, dis, b_g1.reshape(1, -1), W_g2)

    p2 = _sc_msg_pass(n_pad, d2, base, rem, grp)(y2, edges3)

    z = pl.pallas_call(
        _k3_body,
        grid=grid_e,
        in_specs=[
            pl.BlockSpec((NC, blk_e, d2), lambda i: (0, i, 0)),
            pl.BlockSpec((blk_e, d2), lambda i: (i, 0)),
            pl.BlockSpec((blk_e, 1), lambda i: (i, 0)),
            pl.BlockSpec((1, d2), full),
            pl.BlockSpec((blk_e, d_agg), lambda i: (i, 0)),
            pl.BlockSpec((d_agg, out), full),
            pl.BlockSpec((d2, out), full),
            pl.BlockSpec((1, out), full),
            pl.BlockSpec((blk_e, out), lambda i: (i, 0)),
        ],
        out_specs=pl.BlockSpec((blk_e, 2 * out), lambda i: (i, 0)),
        out_shape=jax.ShapeDtypeStruct((n, 2 * out), jnp.float32),
    )(p2, y2, dis, b_g2.reshape(1, -1), x_neighbor,
      W_lin_out[:d_agg], W_lin_out[d_agg:], b_lin_out.reshape(1, -1), l1)

    zt = z.T
    return pl.pallas_call(
        _decode_block,
        grid=grid,
        in_specs=[
            pl.BlockSpec((blk, 2 * out), lambda i: (i, 0)),
            pl.BlockSpec((2 * out, n), full),
        ],
        out_specs=pl.BlockSpec((blk, n), lambda i: (i, 0)),
        out_shape=jax.ShapeDtypeStruct((n, n), jnp.float32),
    )(z, zt)

# --- scband reference (transcript-rebuilt; emitter-appended) ---
"""Pipeline reference for scband-mvge-45148696215965 (READ-ONLY COPY).

The authoritative reference and input builder live on the scoring server;
editing this copy changes nothing except your own understanding.
"""

import jax, jax.numpy as jnp
import numpy as np

N = 10000
E = 320000
D_SELF = 128
D_AGG = 128
OUT = 32


def _gcn_conv(x, src, dst, W, b, num_nodes):
    # PyG GCNConv: add self loops, symmetric normalization, scatter-add aggregation
    loop = jnp.arange(num_nodes, dtype=src.dtype)
    s = jnp.concatenate([src, loop])
    d = jnp.concatenate([dst, loop])
    xw = x @ W
    deg = jnp.zeros((num_nodes,), jnp.float32).at[d].add(1.0)
    dis = jnp.where(deg > 0, jax.lax.rsqrt(jnp.maximum(deg, 1e-12)), 0.0)
    norm = dis[s] * dis[d]
    msg = xw[s] * norm[:, None]
    out = jnp.zeros((num_nodes, W.shape[1]), jnp.float32).at[d].add(msg)
    return out + b


def setup_inputs(seed: int = 0) -> dict:
    key = jax.random.key(seed)
    ks = jax.random.split(key, 16)
    x_self = jax.random.normal(ks[0], (N, D_SELF), jnp.float32)
    x_neighbor = jax.random.normal(ks[1], (N, D_AGG), jnp.float32)
    pos_edge_index = jax.random.randint(ks[2], (2, E), 0, N, dtype=jnp.int32)

    def lin(k, fin, fout):
        return (jax.random.normal(k, (fin, fout), jnp.float32) / np.sqrt(fin)).astype(jnp.float32)

    W_lin_in = lin(ks[3], D_SELF, OUT * 2)
    b_lin_in = jnp.zeros((OUT * 2,), jnp.float32)
    W_lin_out_self = lin(ks[4], D_SELF + OUT * 2, OUT)
    b_lin_out_self = jnp.zeros((OUT,), jnp.float32)
    W_g1 = lin(ks[5], D_SELF, OUT * 2)
    b_g1 = jnp.zeros((OUT * 2,), jnp.float32)
    W_g2 = lin(ks[6], OUT * 2, OUT)
    b_g2 = jnp.zeros((OUT,), jnp.float32)
    W_lin_out = lin(ks[7], D_AGG + OUT, OUT)
    b_lin_out = jnp.zeros((OUT,), jnp.float32)
    return {
        'x_self': x_self,
        'x_neighbor': x_neighbor,
        'pos_edge_index': pos_edge_index,
        'W_lin_in': W_lin_in, 'b_lin_in': b_lin_in,
        'W_lin_out_self': W_lin_out_self, 'b_lin_out_self': b_lin_out_self,
        'W_g1': W_g1, 'b_g1': b_g1,
        'W_g2': W_g2, 'b_g2': b_g2,
        'W_lin_out': W_lin_out, 'b_lin_out': b_lin_out,
    }


def reference(x_self, x_neighbor, pos_edge_index, W_lin_in, b_lin_in,
              W_lin_out_self, b_lin_out_self, W_g1, b_g1, W_g2, b_g2,
              W_lin_out, b_lin_out):
    src, dst = pos_edge_index[0], pos_edge_index[1]
    # LinearEncoder branch 1 (self view)
    l1 = jax.nn.relu(x_self @ W_lin_in + b_lin_in)
    l1 = jnp.concatenate([x_self, l1], axis=1)
    l1 = l1 @ W_lin_out_self + b_lin_out_self
    # LinearEncoder branch 2 (neighbor / GCN view)
    g1 = _gcn_conv(x_self, src, dst, W_g1, b_g1, N)
    g2 = _gcn_conv(g1, src, dst, W_g2, b_g2, N)
    x2 = jnp.concatenate([x_neighbor, g2], axis=1)
    x2 = x2 @ W_lin_out + b_lin_out
    # concatenate both latent views (as in embed/loss), then full inner-product decode
    z = jnp.concatenate([l1, x2], axis=1)
    adj_pred = jax.nn.sigmoid(z @ z.T)
    return adj_pred

if __name__ == "__main__":
    import jax
    _d = setup_inputs()
    print(jax.jit(kernel)(*tuple(_d.values())))

</pallas_src>

<mosaic_0001>
#map = affine_map<(d0, d1) -> (0, 0, 0)>
#map1 = affine_map<(d0, d1) -> (0)>
module attributes {stable_mosaic.version = 14 : i64} {
  func.func @k(%arg0: i32, %arg1: i32, %arg2: memref<2x2500x128xi32, #tpu.memory_space<hbm>>, %arg3: memref<20480xf32, #tpu.memory_space<hbm>>, %arg4: memref<78x128xi32, #tpu.memory_space<vmem>>, %arg5: memref<1x128xi32, #tpu.memory_space<vmem>>, %arg6: memref<128xf32, #tpu.memory_space<vmem>>, %arg7: memref<128xf32, #tpu.memory_space<vmem>>, %arg8: memref<10240xf32, #tpu.memory_space<vmem_shared>>, %arg9: memref<!tpu.dma_semaphore, #tpu.memory_space<semaphore_mem>>) attributes {dimension_semantics = [#tpu.dimension_semantics<core_parallel>, #tpu.dimension_semantics<subcore_parallel>], iteration_bounds = array<i64: 2, 16>, scalar_prefetch = 0 : i64, scratch_operands = 6 : i64, tpu.core_type = #tpu.core_type<sc_vector_subcore>, window_params = [{transform_indices = #map}, {transform_indices = #map1}]} {
    %mul3A = arith.constant 16 : i32
    %mul3A_0 = arith.muli %arg0, %mul3A : i32
    %add3A = arith.addi %mul3A_0, %arg1 : i32
    %mul3A_1 = arith.constant 78 : i32
    %mul3A_2 = arith.muli %add3A, %mul3A_1 : i32
    %run_scoped3A = arith.constant 1 : i32
    "tpu.region"() ({
      %run_scoped3A_157 = tpu.sem_alloc : memref<!tpu.dma_semaphore, #tpu.memory_space<semaphore_mem>>
      %dma_start3A = arith.constant 0 : i32
      %dma_start3A_158 = tpu.memref_slice %arg2[%run_scoped3A, %mul3A_2, %dma_start3A] : memref<2x2500x128xi32, #tpu.memory_space<hbm>> -> memref<1x78x128xi32, #tpu.memory_space<hbm>>
      %dma_start3A_159 = tpu.memref_squeeze %dma_start3A_158 : memref<1x78x128xi32, #tpu.memory_space<hbm>> -> memref<78x128xi32, #tpu.memory_space<hbm>>
      %dma_start3A_160 = arith.constant 0 : i32
      %dma_start3A_161 = tpu.memref_slice %arg2[%run_scoped3A, %mul3A_2, %dma_start3A_160] : memref<2x2500x128xi32, #tpu.memory_space<hbm>> -> memref<1x78x128xi32, #tpu.memory_space<hbm>>
      %dma_start3A_162 = tpu.memref_squeeze %dma_start3A_161 : memref<1x78x128xi32, #tpu.memory_space<hbm>> -> memref<78x128xi32, #tpu.memory_space<hbm>>
      tpu.enqueue_dma source(%dma_start3A_162 : memref<78x128xi32, #tpu.memory_space<hbm>>) target(%arg4 : memref<78x128xi32, #tpu.memory_space<vmem>>) target_semaphore(%run_scoped3A_157 : memref<!tpu.dma_semaphore, #tpu.memory_space<semaphore_mem>>)
      %dma_wait3A = arith.constant 0 : i32
      %dma_wait3A_163 = tpu.memref_slice %arg2[%run_scoped3A, %mul3A_2, %dma_wait3A] : memref<2x2500x128xi32, #tpu.memory_space<hbm>> -> memref<1x78x128xi32, #tpu.memory_space<hbm>>
      %dma_wait3A_164 = tpu.memref_squeeze %dma_wait3A_163 : memref<1x78x128xi32, #tpu.memory_space<hbm>> -> memref<78x128xi32, #tpu.memory_space<hbm>>
      %dma_wait3A_165 = arith.constant 0 : i32
      %dma_wait3A_166 = tpu.memref_slice %arg2[%run_scoped3A, %mul3A_2, %dma_wait3A_165] : memref<2x2500x128xi32, #tpu.memory_space<hbm>> -> memref<1x78x128xi32, #tpu.memory_space<hbm>>
      %dma_wait3A_167 = tpu.memref_squeeze %dma_wait3A_166 : memref<1x78x128xi32, #tpu.memory_space<hbm>> -> memref<78x128xi32, #tpu.memory_space<hbm>>
      tpu.wait_dma2 semaphore(%run_scoped3A_157 : memref<!tpu.dma_semaphore, #tpu.memory_space<semaphore_mem>>) src(%dma_wait3A_167 : memref<78x128xi32, #tpu.memory_space<hbm>>) dst(%arg4 : memref<78x128xi32, #tpu.memory_space<vmem>>)
      tpu.yield
    }) : () -> ()
    %lt3A = arith.constant 4 : i32
    %lt3A_3 = arith.cmpi slt, %add3A, %lt3A : i32
    %convert_element_type3A = arith.extui %lt3A_3 : i1 to i32
    %cond3A = arith.constant 0 : i32
    %cond3A_4 = arith.cmpi ne, %convert_element_type3A, %cond3A : i32
    scf.if %cond3A_4 {
      %add3A_157 = arith.constant 2496 : i32
      %add3A_158 = arith.addi %add3A_157, %add3A : i32
      %run_scoped3A_159 = arith.constant 1 : i32
      "tpu.region"() ({
        %run_scoped3A_160 = tpu.sem_alloc : memref<!tpu.dma_semaphore, #tpu.memory_space<semaphore_mem>>
        %dma_start3A = arith.constant 0 : i32
        %dma_start3A_161 = tpu.memref_slice %arg2[%run_scoped3A_159, %add3A_158, %dma_start3A] : memref<2x2500x128xi32, #tpu.memory_space<hbm>> -> memref<1x1x128xi32, #tpu.memory_space<hbm>>
        %dma_start3A_162 = tpu.memref_squeeze %dma_start3A_161 : memref<1x1x128xi32, #tpu.memory_space<hbm>> -> memref<1x128xi32, #tpu.memory_space<hbm>>
        %dma_start3A_163 = arith.constant 0 : i32
        %dma_start3A_164 = tpu.memref_slice %arg2[%run_scoped3A_159, %add3A_158, %dma_start3A_163] : memref<2x2500x128xi32, #tpu.memory_space<hbm>> -> memref<1x1x128xi32, #tpu.memory_space<hbm>>
        %dma_start3A_165 = tpu.memref_squeeze %dma_start3A_164 : memref<1x1x128xi32, #tpu.memory_space<hbm>> -> memref<1x128xi32, #tpu.memory_space<hbm>>
        tpu.enqueue_dma source(%dma_start3A_165 : memref<1x128xi32, #tpu.memory_space<hbm>>) target(%arg5 : memref<1x128xi32, #tpu.memory_space<vmem>>) target_semaphore(%run_scoped3A_160 : memref<!tpu.dma_semaphore, #tpu.memory_space<semaphore_mem>>)
        %dma_wait3A = arith.constant 0 : i32
        %dma_wait3A_166 = tpu.memref_slice %arg2[%run_scoped3A_159, %add3A_158, %dma_wait3A] : memref<2x2500x128xi32, #tpu.memory_space<hbm>> -> memref<1x1x128xi32, #tpu.memory_space<hbm>>
        %dma_wait3A_167 = tpu.memref_squeeze %dma_wait3A_166 : memref<1x1x128xi32, #tpu.memory_space<hbm>> -> memref<1x128xi32, #tpu.memory_space<hbm>>
        %dma_wait3A_168 = arith.constant 0 : i32
        %dma_wait3A_169 = tpu.memref_slice %arg2[%run_scoped3A_159, %add3A_158, %dma_wait3A_168] : memref<2x2500x128xi32, #tpu.memory_space<hbm>> -> memref<1x1x128xi32, #tpu.memory_space<hbm>>
        %dma_wait3A_170 = tpu.memref_squeeze %dma_wait3A_169 : memref<1x1x128xi32, #tpu.memory_space<hbm>> -> memref<1x128xi32, #tpu.memory_space<hbm>>
        tpu.wait_dma2 semaphore(%run_scoped3A_160 : memref<!tpu.dma_semaphore, #tpu.memory_space<semaphore_mem>>) src(%dma_wait3A_170 : memref<1x128xi32, #tpu.memory_space<hbm>>) dst(%arg5 : memref<1x128xi32, #tpu.memory_space<vmem>>)
        tpu.yield
      }) : () -> ()
    } else {
    }
    %broadcast_in_dim3A = arith.constant 1.000000e+00 : f32
    %broadcast_in_dim3A_5 = vector.broadcast %broadcast_in_dim3A : f32 to vector<16xf32>
    %swap3A = arith.constant 0 : index
    %swap3A_6 = tpu.vector_load %arg6[%swap3A] {strides = array<i32>} : memref<128xf32, #tpu.memory_space<vmem>>, vector<16xf32>,
    %swap3A_7 = vector.shape_cast %swap3A_6 : vector<16xf32> to vector<16xf32>
    %swap3A_8 = vector.shape_cast %broadcast_in_dim3A_5 : vector<16xf32> to vector<16xf32>
    tpu.vector_store %arg6[%swap3A], %swap3A_8 {strides = array<i32>} : memref<128xf32, #tpu.memory_space<vmem>>, vector<16xf32>,
    %broadcast_in_dim3A_9 = arith.constant 0.000000e+00 : f32
    %broadcast_in_dim3A_10 = vector.broadcast %broadcast_in_dim3A_9 : f32 to vector<16xf32>
    %swap3A_11 = arith.constant 0 : index
    %swap3A_12 = tpu.vector_load %arg7[%swap3A_11] {strides = array<i32>} : memref<128xf32, #tpu.memory_space<vmem>>, vector<16xf32>,
    %swap3A_13 = vector.shape_cast %swap3A_12 : vector<16xf32> to vector<16xf32>
    %swap3A_14 = vector.shape_cast %broadcast_in_dim3A_10 : vector<16xf32> to vector<16xf32>
    tpu.vector_store %arg7[%swap3A_11], %swap3A_14 {strides = array<i32>} : memref<128xf32, #tpu.memory_space<vmem>>, vector<16xf32>,
    %broadcast_in_dim3A_15 = arith.constant 1.000000e+00 : f32
    %broadcast_in_dim3A_16 = vector.broadcast %broadcast_in_dim3A_15 : f32 to vector<16xf32>
    %swap3A_17 = arith.constant 16 : index
    %swap3A_18 = tpu.vector_load %arg6[%swap3A_17] {strides = array<i32>} : memref<128xf32, #tpu.memory_space<vmem>>, vector<16xf32>,
    %swap3A_19 = vector.shape_cast %swap3A_18 : vector<16xf32> to vector<16xf32>
    %swap3A_20 = vector.shape_cast %broadcast_in_dim3A_16 : vector<16xf32> to vector<16xf32>
    tpu.vector_store %arg6[%swap3A_17], %swap3A_20 {strides = array<i32>} : memref<128xf32, #tpu.memory_space<vmem>>, vector<16xf32>,
    %broadcast_in_dim3A_21 = arith.constant 0.000000e+00 : f32
    %broadcast_in_dim3A_22 = vector.broadcast %broadcast_in_dim3A_21 : f32 to vector<16xf32>
    %swap3A_23 = arith.constant 16 : index
    %swap3A_24 = tpu.vector_load %arg7[%swap3A_23] {strides = array<i32>} : memref<128xf32, #tpu.memory_space<vmem>>, vector<16xf32>,
    %swap3A_25 = vector.shape_cast %swap3A_24 : vector<16xf32> to vector<16xf32>
    %swap3A_26 = vector.shape_cast %broadcast_in_dim3A_22 : vector<16xf32> to vector<16xf32>
    tpu.vector_store %arg7[%swap3A_23], %swap3A_26 {strides = array<i32>} : memref<128xf32, #tpu.memory_space<vmem>>, vector<16xf32>,
    %broadcast_in_dim3A_27 = arith.constant 1.000000e+00 : f32
    %broadcast_in_dim3A_28 = vector.broadcast %broadcast_in_dim3A_27 : f32 to vector<16xf32>
    %swap3A_29 = arith.constant 32 : index
    %swap3A_30 = tpu.vector_load %arg6[%swap3A_29] {strides = array<i32>} : memref<128xf32, #tpu.memory_space<vmem>>, vector<16xf32>,
    %swap3A_31 = vector.shape_cast %swap3A_30 : vector<16xf32> to vector<16xf32>
    %swap3A_32 = vector.shape_cast %broadcast_in_dim3A_28 : vector<16xf32> to vector<16xf32>
    tpu.vector_store %arg6[%swap3A_29], %swap3A_32 {strides = array<i32>} : memref<128xf32, #tpu.memory_space<vmem>>, vector<16xf32>,
    %broadcast_in_dim3A_33 = arith.constant 0.000000e+00 : f32
    %broadcast_in_dim3A_34 = vector.broadcast %broadcast_in_dim3A_33 : f32 to vector<16xf32>
    %swap3A_35 = arith.constant 32 : index
    %swap3A_36 = tpu.vector_load %arg7[%swap3A_35] {strides = array<i32>} : memref<128xf32, #tpu.memory_space<vmem>>, vector<16xf32>,
    %swap3A_37 = vector.shape_cast %swap3A_36 : vector<16xf32> to vector<16xf32>
    %swap3A_38 = vector.shape_cast %broadcast_in_dim3A_34 : vector<16xf32> to vector<16xf32>
    tpu.vector_store %arg7[%swap3A_35], %swap3A_38 {strides = array<i32>} : memref<128xf32, #tpu.memory_space<vmem>>, vector<16xf32>,
    %broadcast_in_dim3A_39 = arith.constant 1.000000e+00 : f32
    %broadcast_in_dim3A_40 = vector.broadcast %broadcast_in_dim3A_39 : f32 to vector<16xf32>
    %swap3A_41 = arith.constant 48 : index
    %swap3A_42 = tpu.vector_load %arg6[%swap3A_41] {strides = array<i32>} : memref<128xf32, #tpu.memory_space<vmem>>, vector<16xf32>,
    %swap3A_43 = vector.shape_cast %swap3A_42 : vector<16xf32> to vector<16xf32>
    %swap3A_44 = vector.shape_cast %broadcast_in_dim3A_40 : vector<16xf32> to vector<16xf32>
    tpu.vector_store %arg6[%swap3A_41], %swap3A_44 {strides = array<i32>} : memref<128xf32, #tpu.memory_space<vmem>>, vector<16xf32>,
    %broadcast_in_dim3A_45 = arith.constant 0.000000e+00 : f32
    %broadcast_in_dim3A_46 = vector.broadcast %broadcast_in_dim3A_45 : f32 to vector<16xf32>
    %swap3A_47 = arith.constant 48 : index
    %swap3A_48 = tpu.vector_load %arg7[%swap3A_47] {strides = array<i32>} : memref<128xf32, #tpu.memory_space<vmem>>, vector<16xf32>,
    %swap3A_49 = vector.shape_cast %swap3A_48 : vector<16xf32> to vector<16xf32>
    %swap3A_50 = vector.shape_cast %broadcast_in_dim3A_46 : vector<16xf32> to vector<16xf32>
    tpu.vector_store %arg7[%swap3A_47], %swap3A_50 {strides = array<i32>} : memref<128xf32, #tpu.memory_space<vmem>>, vector<16xf32>,
    %broadcast_in_dim3A_51 = arith.constant 1.000000e+00 : f32
    %broadcast_in_dim3A_52 = vector.broadcast %broadcast_in_dim3A_51 : f32 to vector<16xf32>
    %swap3A_53 = arith.constant 64 : index
    %swap3A_54 = tpu.vector_load %arg6[%swap3A_53] {strides = array<i32>} : memref<128xf32, #tpu.memory_space<vmem>>, vector<16xf32>,
    %swap3A_55 = vector.shape_cast %swap3A_54 : vector<16xf32> to vector<16xf32>
    %swap3A_56 = vector.shape_cast %broadcast_in_dim3A_52 : vector<16xf32> to vector<16xf32>
    tpu.vector_store %arg6[%swap3A_53], %swap3A_56 {strides = array<i32>} : memref<128xf32, #tpu.memory_space<vmem>>, vector<16xf32>,
    %broadcast_in_dim3A_57 = arith.constant 0.000000e+00 : f32
    %broadcast_in_dim3A_58 = vector.broadcast %broadcast_in_dim3A_57 : f32 to vector<16xf32>
    %swap3A_59 = arith.constant 64 : index
    %swap3A_60 = tpu.vector_load %arg7[%swap3A_59] {strides = array<i32>} : memref<128xf32, #tpu.memory_space<vmem>>, vector<16xf32>,
    %swap3A_61 = vector.shape_cast %swap3A_60 : vector<16xf32> to vector<16xf32>
    %swap3A_62 = vector.shape_cast %broadcast_in_dim3A_58 : vector<16xf32> to vector<16xf32>
    tpu.vector_store %arg7[%swap3A_59], %swap3A_62 {strides = array<i32>} : memref<128xf32, #tpu.memory_space<vmem>>, vector<16xf32>,
    %broadcast_in_dim3A_63 = arith.constant 1.000000e+00 : f32
    %broadcast_in_dim3A_64 = vector.broadcast %broadcast_in_dim3A_63 : f32 to vector<16xf32>
    %swap3A_65 = arith.constant 80 : index
    %swap3A_66 = tpu.vector_load %arg6[%swap3A_65] {strides = array<i32>} : memref<128xf32, #tpu.memory_space<vmem>>, vector<16xf32>,
    %swap3A_67 = vector.shape_cast %swap3A_66 : vector<16xf32> to vector<16xf32>
    %swap3A_68 = vector.shape_cast %broadcast_in_dim3A_64 : vector<16xf32> to vector<16xf32>
    tpu.vector_store %arg6[%swap3A_65], %swap3A_68 {strides = array<i32>} : memref<128xf32, #tpu.memory_space<vmem>>, vector<16xf32>,
    %broadcast_in_dim3A_69 = arith.constant 0.000000e+00 : f32
    %broadcast_in_dim3A_70 = vector.broadcast %broadcast_in_dim3A_69 : f32 to vector<16xf32>
    %swap3A_71 = arith.constant 80 : index
    %swap3A_72 = tpu.vector_load %arg7[%swap3A_71] {strides = array<i32>} : memref<128xf32, #tpu.memory_space<vmem>>, vector<16xf32>,
    %swap3A_73 = vector.shape_cast %swap3A_72 : vector<16xf32> to vector<16xf32>
    %swap3A_74 = vector.shape_cast %broadcast_in_dim3A_70 : vector<16xf32> to vector<16xf32>
    tpu.vector_store %arg7[%swap3A_71], %swap3A_74 {strides = array<i32>} : memref<128xf32, #tpu.memory_space<vmem>>, vector<16xf32>,
    %broadcast_in_dim3A_75 = arith.constant 1.000000e+00 : f32
    %broadcast_in_dim3A_76 = vector.broadcast %broadcast_in_dim3A_75 : f32 to vector<16xf32>
    %swap3A_77 = arith.constant 96 : index
    %swap3A_78 = tpu.vector_load %arg6[%swap3A_77] {strides = array<i32>} : memref<128xf32, #tpu.memory_space<vmem>>, vector<16xf32>,
    %swap3A_79 = vector.shape_cast %swap3A_78 : vector<16xf32> to vector<16xf32>
    %swap3A_80 = vector.shape_cast %broadcast_in_dim3A_76 : vector<16xf32> to vector<16xf32>
    tpu.vector_store %arg6[%swap3A_77], %swap3A_80 {strides = array<i32>} : memref<128xf32, #tpu.memory_space<vmem>>, vector<16xf32>,
    %broadcast_in_dim3A_81 = arith.constant 0.000000e+00 : f32
    %broadcast_in_dim3A_82 = vector.broadcast %broadcast_in_dim3A_81 : f32 to vector<16xf32>
    %swap3A_83 = arith.constant 96 : index
    %swap3A_84 = tpu.vector_load %arg7[%swap3A_83] {strides = array<i32>} : memref<128xf32, #tpu.memory_space<vmem>>, vector<16xf32>,
    %swap3A_85 = vector.shape_cast %swap3A_84 : vector<16xf32> to vector<16xf32>
    %swap3A_86 = vector.shape_cast %broadcast_in_dim3A_82 : vector<16xf32> to vector<16xf32>
    tpu.vector_store %arg7[%swap3A_83], %swap3A_86 {strides = array<i32>} : memref<128xf32, #tpu.memory_space<vmem>>, vector<16xf32>,
    %broadcast_in_dim3A_87 = arith.constant 1.000000e+00 : f32
    %broadcast_in_dim3A_88 = vector.broadcast %broadcast_in_dim3A_87 : f32 to vector<16xf32>
    %swap3A_89 = arith.constant 112 : index
    %swap3A_90 = tpu.vector_load %arg6[%swap3A_89] {strides = array<i32>} : memref<128xf32, #tpu.memory_space<vmem>>, vector<16xf32>,
    %swap3A_91 = vector.shape_cast %swap3A_90 : vector<16xf32> to vector<16xf32>
    %swap3A_92 = vector.shape_cast %broadcast_in_dim3A_88 : vector<16xf32> to vector<16xf32>
    tpu.vector_store %arg6[%swap3A_89], %swap3A_92 {strides = array<i32>} : memref<128xf32, #tpu.memory_space<vmem>>, vector<16xf32>,
    %broadcast_in_dim3A_93 = arith.constant 0.000000e+00 : f32
    %broadcast_in_dim3A_94 = vector.broadcast %broadcast_in_dim3A_93 : f32 to vector<16xf32>
    %swap3A_95 = arith.constant 112 : index
    %swap3A_96 = tpu.vector_load %arg7[%swap3A_95] {strides = array<i32>} : memref<128xf32, #tpu.memory_space<vmem>>, vector<16xf32>,
    %swap3A_97 = vector.shape_cast %swap3A_96 : vector<16xf32> to vector<16xf32>
    %swap3A_98 = vector.shape_cast %broadcast_in_dim3A_94 : vector<16xf32> to vector<16xf32>
    tpu.vector_store %arg7[%swap3A_95], %swap3A_98 {strides = array<i32>} : memref<128xf32, #tpu.memory_space<vmem>>, vector<16xf32>,
    %mul3A_99 = arith.constant 640 : i32
    %mul3A_100 = arith.muli %arg1, %mul3A_99 : i32
    %add3A_101 = arith.constant 0 : i32
    %add3A_102 = arith.addi %mul3A_100, %add3A_101 : i32
    "tpu.region"() ({
      %run_scoped3A_157 = tpu.sem_alloc : memref<!tpu.dma_semaphore, #tpu.memory_space<semaphore_mem>>
      %dma_start3A = tpu.memref_slice %arg8[%add3A_102] : memref<10240xf32, #tpu.memory_space<vmem_shared>> -> memref<128xf32, #tpu.memory_space<vmem_shared>>
      %dma_start3A_158 = tpu.memref_slice %arg8[%add3A_102] : memref<10240xf32, #tpu.memory_space<vmem_shared>> -> memref<128xf32, #tpu.memory_space<vmem_shared>>
      tpu.enqueue_dma source(%arg7 : memref<128xf32, #tpu.memory_space<vmem>>) target(%dma_start3A_158 : memref<128xf32, #tpu.memory_space<vmem_shared>>) target_semaphore(%run_scoped3A_157 : memref<!tpu.dma_semaphore, #tpu.memory_space<semaphore_mem>>)
      %dma_wait3A = tpu.memref_slice %arg8[%add3A_102] : memref<10240xf32, #tpu.memory_space<vmem_shared>> -> memref<128xf32, #tpu.memory_space<vmem_shared>>
      %dma_wait3A_159 = tpu.memref_slice %arg8[%add3A_102] : memref<10240xf32, #tpu.memory_space<vmem_shared>> -> memref<128xf32, #tpu.memory_space<vmem_shared>>
      tpu.wait_dma2 semaphore(%run_scoped3A_157 : memref<!tpu.dma_semaphore, #tpu.memory_space<semaphore_mem>>) src(%arg7 : memref<128xf32, #tpu.memory_space<vmem>>) dst(%dma_wait3A_159 : memref<128xf32, #tpu.memory_space<vmem_shared>>)
      tpu.yield
    }) : () -> ()
    %add3A_103 = arith.constant 128 : i32
    %add3A_104 = arith.addi %mul3A_100, %add3A_103 : i32
    "tpu.region"() ({
      %run_scoped3A_157 = tpu.sem_alloc : memref<!tpu.dma_semaphore, #tpu.memory_space<semaphore_mem>>
      %dma_start3A = tpu.memref_slice %arg8[%add3A_104] : memref<10240xf32, #tpu.memory_space<vmem_shared>> -> memref<128xf32, #tpu.memory_space<vmem_shared>>
      %dma_start3A_158 = tpu.memref_slice %arg8[%add3A_104] : memref<10240xf32, #tpu.memory_space<vmem_shared>> -> memref<128xf32, #tpu.memory_space<vmem_shared>>
      tpu.enqueue_dma source(%arg7 : memref<128xf32, #tpu.memory_space<vmem>>) target(%dma_start3A_158 : memref<128xf32, #tpu.memory_space<vmem_shared>>) target_semaphore(%run_scoped3A_157 : memref<!tpu.dma_semaphore, #tpu.memory_space<semaphore_mem>>)
      %dma_wait3A = tpu.memref_slice %arg8[%add3A_104] : memref<10240xf32, #tpu.memory_space<vmem_shared>> -> memref<128xf32, #tpu.memory_space<vmem_shared>>
      %dma_wait3A_159 = tpu.memref_slice %arg8[%add3A_104] : memref<10240xf32, #tpu.memory_space<vmem_shared>> -> memref<128xf32, #tpu.memory_space<vmem_shared>>
      tpu.wait_dma2 semaphore(%run_scoped3A_157 : memref<!tpu.dma_semaphore, #tpu.memory_space<semaphore_mem>>) src(%arg7 : memref<128xf32, #tpu.memory_space<vmem>>) dst(%dma_wait3A_159 : memref<128xf32, #tpu.memory_space<vmem_shared>>)
      tpu.yield
    }) : () -> ()
    %add3A_105 = arith.constant 256 : i32
    %add3A_106 = arith.addi %mul3A_100, %add3A_105 : i32
    "tpu.region"() ({
      %run_scoped3A_157 = tpu.sem_alloc : memref<!tpu.dma_semaphore, #tpu.memory_space<semaphore_mem>>
      %dma_start3A = tpu.memref_slice %arg8[%add3A_106] : memref<10240xf32, #tpu.memory_space<vmem_shared>> -> memref<128xf32, #tpu.memory_space<vmem_shared>>
      %dma_start3A_158 = tpu.memref_slice %arg8[%add3A_106] : memref<10240xf32, #tpu.memory_space<vmem_shared>> -> memref<128xf32, #tpu.memory_space<vmem_shared>>
      tpu.enqueue_dma source(%arg7 : memref<128xf32, #tpu.memory_space<vmem>>) target(%dma_start3A_158 : memref<128xf32, #tpu.memory_space<vmem_shared>>) target_semaphore(%run_scoped3A_157 : memref<!tpu.dma_semaphore, #tpu.memory_space<semaphore_mem>>)
      %dma_wait3A = tpu.memref_slice %arg8[%add3A_106] : memref<10240xf32, #tpu.memory_space<vmem_shared>> -> memref<128xf32, #tpu.memory_space<vmem_shared>>
      %dma_wait3A_159 = tpu.memref_slice %arg8[%add3A_106] : memref<10240xf32, #tpu.memory_space<vmem_shared>> -> memref<128xf32, #tpu.memory_space<vmem_shared>>
      tpu.wait_dma2 semaphore(%run_scoped3A_157 : memref<!tpu.dma_semaphore, #tpu.memory_space<semaphore_mem>>) src(%arg7 : memref<128xf32, #tpu.memory_space<vmem>>) dst(%dma_wait3A_159 : memref<128xf32, #tpu.memory_space<vmem_shared>>)
      tpu.yield
    }) : () -> ()
    %add3A_107 = arith.constant 384 : i32
    %add3A_108 = arith.addi %mul3A_100, %add3A_107 : i32
    "tpu.region"() ({
      %run_scoped3A_157 = tpu.sem_alloc : memref<!tpu.dma_semaphore, #tpu.memory_space<semaphore_mem>>
      %dma_start3A = tpu.memref_slice %arg8[%add3A_108] : memref<10240xf32, #tpu.memory_space<vmem_shared>> -> memref<128xf32, #tpu.memory_space<vmem_shared>>
      %dma_start3A_158 = tpu.memref_slice %arg8[%add3A_108] : memref<10240xf32, #tpu.memory_space<vmem_shared>> -> memref<128xf32, #tpu.memory_space<vmem_shared>>
      tpu.enqueue_dma source(%arg7 : memref<128xf32, #tpu.memory_space<vmem>>) target(%dma_start3A_158 : memref<128xf32, #tpu.memory_space<vmem_shared>>) target_semaphore(%run_scoped3A_157 : memref<!tpu.dma_semaphore, #tpu.memory_space<semaphore_mem>>)
      %dma_wait3A = tpu.memref_slice %arg8[%add3A_108] : memref<10240xf32, #tpu.memory_space<vmem_shared>> -> memref<128xf32, #tpu.memory_space<vmem_shared>>
      %dma_wait3A_159 = tpu.memref_slice %arg8[%add3A_108] : memref<10240xf32, #tpu.memory_space<vmem_shared>> -> memref<128xf32, #tpu.memory_space<vmem_shared>>
      tpu.wait_dma2 semaphore(%run_scoped3A_157 : memref<!tpu.dma_semaphore, #tpu.memory_space<semaphore_mem>>) src(%arg7 : memref<128xf32, #tpu.memory_space<vmem>>) dst(%dma_wait3A_159 : memref<128xf32, #tpu.memory_space<vmem_shared>>)
      tpu.yield
    }) : () -> ()
    %add3A_109 = arith.constant 512 : i32
    %add3A_110 = arith.addi %mul3A_100, %add3A_109 : i32
    "tpu.region"() ({
      %run_scoped3A_157 = tpu.sem_alloc : memref<!tpu.dma_semaphore, #tpu.memory_space<semaphore_mem>>
      %dma_start3A = tpu.memref_slice %arg8[%add3A_110] : memref<10240xf32, #tpu.memory_space<vmem_shared>> -> memref<128xf32, #tpu.memory_space<vmem_shared>>
      %dma_start3A_158 = tpu.memref_slice %arg8[%add3A_110] : memref<10240xf32, #tpu.memory_space<vmem_shared>> -> memref<128xf32, #tpu.memory_space<vmem_shared>>
      tpu.enqueue_dma source(%arg7 : memref<128xf32, #tpu.memory_space<vmem>>) target(%dma_start3A_158 : memref<128xf32, #tpu.memory_space<vmem_shared>>) target_semaphore(%run_scoped3A_157 : memref<!tpu.dma_semaphore, #tpu.memory_space<semaphore_mem>>)
      %dma_wait3A = tpu.memref_slice %arg8[%add3A_110] : memref<10240xf32, #tpu.memory_space<vmem_shared>> -> memref<128xf32, #tpu.memory_space<vmem_shared>>
      %dma_wait3A_159 = tpu.memref_slice %arg8[%add3A_110] : memref<10240xf32, #tpu.memory_space<vmem_shared>> -> memref<128xf32, #tpu.memory_space<vmem_shared>>
      tpu.wait_dma2 semaphore(%run_scoped3A_157 : memref<!tpu.dma_semaphore, #tpu.memory_space<semaphore_mem>>) src(%arg7 : memref<128xf32, #tpu.memory_space<vmem>>) dst(%dma_wait3A_159 : memref<128xf32, #tpu.memory_space<vmem_shared>>)
      tpu.yield
    }) : () -> ()
    %barrier3A = arith.constant 0 : index
    tpu.barrier barrier_id(%barrier3A)
    %scan3A = arith.constant 0 : i32
    %scan3A_111 = arith.constant 0 : i32
    %scan3A_112 = arith.constant 13 : i32
    %scan3A_113 = arith.addi %scan3A_111, %scan3A_112 : i32
    %scan3A_114 = arith.constant 1 : i32
    scf.for %scan3A_157 = %scan3A_111 to %scan3A_113 step %scan3A_114  : i32 {
      %mul3A_158 = arith.constant 6 : i32
      %mul3A_159 = arith.muli %scan3A_157, %mul3A_158 : i32
      %add3A_160 = arith.constant 0 : i32
      %add3A_161 = arith.addi %mul3A_159, %add3A_160 : i32
      %dma_start3A = arith.constant 0 : i32
      %dma_start3A_162 = tpu.memref_slice %arg4[%add3A_161, %dma_start3A] : memref<78x128xi32, #tpu.memory_space<vmem>> -> memref<1x128xi32, #tpu.memory_space<vmem>>
      %dma_start3A_163 = tpu.memref_squeeze %dma_start3A_162 : memref<1x128xi32, #tpu.memory_space<vmem>> -> memref<128xi32, #tpu.memory_space<vmem>>
      %dma_start3A_164 = arith.constant 0 : i32
      %dma_start3A_165 = tpu.memref_slice %arg8[%dma_start3A_164] : memref<10240xf32, #tpu.memory_space<vmem_shared>> -> memref<10240xf32, #tpu.memory_space<vmem_shared>>
      tpu.enqueue_indirect_dma source(%arg6 : memref<128xf32, #tpu.memory_space<vmem>>) target(%dma_start3A_165 : memref<10240xf32, #tpu.memory_space<vmem_shared>>) offsets(%dma_start3A_163 : memref<128xi32, #tpu.memory_space<vmem>>) semaphore(%arg9 : memref<!tpu.dma_semaphore, #tpu.memory_space<semaphore_mem>>) {add = true}
      %mul3A_166 = arith.constant 6 : i32
      %mul3A_167 = arith.muli %scan3A_157, %mul3A_166 : i32
      %add3A_168 = arith.constant 1 : i32
      %add3A_169 = arith.addi %mul3A_167, %add3A_168 : i32
      %dma_start3A_170 = arith.constant 0 : i32
      %dma_start3A_171 = tpu.memref_slice %arg4[%add3A_169, %dma_start3A_170] : memref<78x128xi32, #tpu.memory_space<vmem>> -> memref<1x128xi32, #tpu.memory_space<vmem>>
      %dma_start3A_172 = tpu.memref_squeeze %dma_start3A_171 : memref<1x128xi32, #tpu.memory_space<vmem>> -> memref<128xi32, #tpu.memory_space<vmem>>
      %dma_start3A_173 = arith.constant 0 : i32
      %dma_start3A_174 = tpu.memref_slice %arg8[%dma_start3A_173] : memref<10240xf32, #tpu.memory_space<vmem_shared>> -> memref<10240xf32, #tpu.memory_space<vmem_shared>>
      tpu.enqueue_indirect_dma source(%arg6 : memref<128xf32, #tpu.memory_space<vmem>>) target(%dma_start3A_174 : memref<10240xf32, #tpu.memory_space<vmem_shared>>) offsets(%dma_start3A_172 : memref<128xi32, #tpu.memory_space<vmem>>) semaphore(%arg9 : memref<!tpu.dma_semaphore, #tpu.memory_space<semaphore_mem>>) {add = true}
      %mul3A_175 = arith.constant 6 : i32
      %mul3A_176 = arith.muli %scan3A_157, %mul3A_175 : i32
      %add3A_177 = arith.constant 2 : i32
      %add3A_178 = arith.addi %mul3A_176, %add3A_177 : i32
      %dma_start3A_179 = arith.constant 0 : i32
      %dma_start3A_180 = tpu.memref_slice %arg4[%add3A_178, %dma_start3A_179] : memref<78x128xi32, #tpu.memory_space<vmem>> -> memref<1x128xi32, #tpu.memory_space<vmem>>
      %dma_start3A_181 = tpu.memref_squeeze %dma_start3A_180 : memref<1x128xi32, #tpu.memory_space<vmem>> -> memref<128xi32, #tpu.memory_space<vmem>>
      %dma_start3A_182 = arith.constant 0 : i32
      %dma_start3A_183 = tpu.memref_slice %arg8[%dma_start3A_182] : memref<10240xf32, #tpu.memory_space<vmem_shared>> -> memref<10240xf32, #tpu.memory_space<vmem_shared>>
      tpu.enqueue_indirect_dma source(%arg6 : memref<128xf32, #tpu.memory_space<vmem>>) target(%dma_start3A_183 : memref<10240xf32, #tpu.memory_space<vmem_shared>>) offsets(%dma_start3A_181 : memref<128xi32, #tpu.memory_space<vmem>>) semaphore(%arg9 : memref<!tpu.dma_semaphore, #tpu.memory_space<semaphore_mem>>) {add = true}
      %mul3A_184 = arith.constant 6 : i32
      %mul3A_185 = arith.muli %scan3A_157, %mul3A_184 : i32
      %add3A_186 = arith.constant 3 : i32
      %add3A_187 = arith.addi %mul3A_185, %add3A_186 : i32
      %dma_start3A_188 = arith.constant 0 : i32
      %dma_start3A_189 = tpu.memref_slice %arg4[%add3A_187, %dma_start3A_188] : memref<78x128xi32, #tpu.memory_space<vmem>> -> memref<1x128xi32, #tpu.memory_space<vmem>>
      %dma_start3A_190 = tpu.memref_squeeze %dma_start3A_189 : memref<1x128xi32, #tpu.memory_space<vmem>> -> memref<128xi32, #tpu.memory_space<vmem>>
      %dma_start3A_191 = arith.constant 0 : i32
      %dma_start3A_192 = tpu.memref_slice %arg8[%dma_start3A_191] : memref<10240xf32, #tpu.memory_space<vmem_shared>> -> memref<10240xf32, #tpu.memory_space<vmem_shared>>
      tpu.enqueue_indirect_dma source(%arg6 : memref<128xf32, #tpu.memory_space<vmem>>) target(%dma_start3A_192 : memref<10240xf32, #tpu.memory_space<vmem_shared>>) offsets(%dma_start3A_190 : memref<128xi32, #tpu.memory_space<vmem>>) semaphore(%arg9 : memref<!tpu.dma_semaphore, #tpu.memory_space<semaphore_mem>>) {add = true}
      %mul3A_193 = arith.constant 6 : i32
      %mul3A_194 = arith.muli %scan3A_157, %mul3A_193 : i32
      %add3A_195 = arith.constant 4 : i32
      %add3A_196 = arith.addi %mul3A_194, %add3A_195 : i32
      %dma_start3A_197 = arith.constant 0 : i32
      %dma_start3A_198 = tpu.memref_slice %arg4[%add3A_196, %dma_start3A_197] : memref<78x128xi32, #tpu.memory_space<vmem>> -> memref<1x128xi32, #tpu.memory_space<vmem>>
      %dma_start3A_199 = tpu.memref_squeeze %dma_start3A_198 : memref<1x128xi32, #tpu.memory_space<vmem>> -> memref<128xi32, #tpu.memory_space<vmem>>
      %dma_start3A_200 = arith.constant 0 : i32
      %dma_start3A_201 = tpu.memref_slice %arg8[%dma_start3A_200] : memref<10240xf32, #tpu.memory_space<vmem_shared>> -> memref<10240xf32, #tpu.memory_space<vmem_shared>>
      tpu.enqueue_indirect_dma source(%arg6 : memref<128xf32, #tpu.memory_space<vmem>>) target(%dma_start3A_201 : memref<10240xf32, #tpu.memory_space<vmem_shared>>) offsets(%dma_start3A_199 : memref<128xi32, #tpu.memory_space<vmem>>) semaphore(%arg9 : memref<!tpu.dma_semaphore, #tpu.memory_space<semaphore_mem>>) {add = true}
      %mul3A_202 = arith.constant 6 : i32
      %mul3A_203 = arith.muli %scan3A_157, %mul3A_202 : i32
      %add3A_204 = arith.constant 5 : i32
      %add3A_205 = arith.addi %mul3A_203, %add3A_204 : i32
      %dma_start3A_206 = arith.constant 0 : i32
      %dma_start3A_207 = tpu.memref_slice %arg4[%add3A_205, %dma_start3A_206] : memref<78x128xi32, #tpu.memory_space<vmem>> -> memref<1x128xi32, #tpu.memory_space<vmem>>
      %dma_start3A_208 = tpu.memref_squeeze %dma_start3A_207 : memref<1x128xi32, #tpu.memory_space<vmem>> -> memref<128xi32, #tpu.memory_space<vmem>>
      %dma_start3A_209 = arith.constant 0 : i32
      %dma_start3A_210 = tpu.memref_slice %arg8[%dma_start3A_209] : memref<10240xf32, #tpu.memory_space<vmem_shared>> -> memref<10240xf32, #tpu.memory_space<vmem_shared>>
      tpu.enqueue_indirect_dma source(%arg6 : memref<128xf32, #tpu.memory_space<vmem>>) target(%dma_start3A_210 : memref<10240xf32, #tpu.memory_space<vmem_shared>>) offsets(%dma_start3A_208 : memref<128xi32, #tpu.memory_space<vmem>>) semaphore(%arg9 : memref<!tpu.dma_semaphore, #tpu.memory_space<semaphore_mem>>) {add = true}
      %dma_wait3A = arith.constant 0 : i32
      %dma_wait3A_211 = tpu.memref_slice %arg4[%add3A_161, %dma_wait3A] : memref<78x128xi32, #tpu.memory_space<vmem>> -> memref<1x128xi32, #tpu.memory_space<vmem>>
      %dma_wait3A_212 = tpu.memref_squeeze %dma_wait3A_211 : memref<1x128xi32, #tpu.memory_space<vmem>> -> memref<128xi32, #tpu.memory_space<vmem>>
      %dma_wait3A_213 = arith.constant 0 : i32
      %dma_wait3A_214 = tpu.memref_slice %arg8[%dma_wait3A_213] : memref<10240xf32, #tpu.memory_space<vmem_shared>> -> memref<10240xf32, #tpu.memory_space<vmem_shared>>
      tpu.wait_indirect_dma semaphore(%arg9 : memref<!tpu.dma_semaphore, #tpu.memory_space<semaphore_mem>>) src(%arg6 : memref<128xf32, #tpu.memory_space<vmem>>) dst(%dma_wait3A_214 : memref<10240xf32, #tpu.memory_space<vmem_shared>>)
      %dma_wait3A_215 = arith.constant 0 : i32
      %dma_wait3A_216 = tpu.memref_slice %arg4[%add3A_169, %dma_wait3A_215] : memref<78x128xi32, #tpu.memory_space<vmem>> -> memref<1x128xi32, #tpu.memory_space<vmem>>
      %dma_wait3A_217 = tpu.memref_squeeze %dma_wait3A_216 : memref<1x128xi32, #tpu.memory_space<vmem>> -> memref<128xi32, #tpu.memory_space<vmem>>
      %dma_wait3A_218 = arith.constant 0 : i32
      %dma_wait3A_219 = tpu.memref_slice %arg8[%dma_wait3A_218] : memref<10240xf32, #tpu.memory_space<vmem_shared>> -> memref<10240xf32, #tpu.memory_space<vmem_shared>>
      tpu.wait_indirect_dma semaphore(%arg9 : memref<!tpu.dma_semaphore, #tpu.memory_space<semaphore_mem>>) src(%arg6 : memref<128xf32, #tpu.memory_space<vmem>>) dst(%dma_wait3A_219 : memref<10240xf32, #tpu.memory_space<vmem_shared>>)
      %dma_wait3A_220 = arith.constant 0 : i32
      %dma_wait3A_221 = tpu.memref_slice %arg4[%add3A_178, %dma_wait3A_220] : memref<78x128xi32, #tpu.memory_space<vmem>> -> memref<1x128xi32, #tpu.memory_space<vmem>>
      %dma_wait3A_222 = tpu.memref_squeeze %dma_wait3A_221 : memref<1x128xi32, #tpu.memory_space<vmem>> -> memref<128xi32, #tpu.memory_space<vmem>>
      %dma_wait3A_223 = arith.constant 0 : i32
      %dma_wait3A_224 = tpu.memref_slice %arg8[%dma_wait3A_223] : memref<10240xf32, #tpu.memory_space<vmem_shared>> -> memref<10240xf32, #tpu.memory_space<vmem_shared>>
      tpu.wait_indirect_dma semaphore(%arg9 : memref<!tpu.dma_semaphore, #tpu.memory_space<semaphore_mem>>) src(%arg6 : memref<128xf32, #tpu.memory_space<vmem>>) dst(%dma_wait3A_224 : memref<10240xf32, #tpu.memory_space<vmem_shared>>)
      %dma_wait3A_225 = arith.constant 0 : i32
      %dma_wait3A_226 = tpu.memref_slice %arg4[%add3A_187, %dma_wait3A_225] : memref<78x128xi32, #tpu.memory_space<vmem>> -> memref<1x128xi32, #tpu.memory_space<vmem>>
      %dma_wait3A_227 = tpu.memref_squeeze %dma_wait3A_226 : memref<1x128xi32, #tpu.memory_space<vmem>> -> memref<128xi32, #tpu.memory_space<vmem>>
      %dma_wait3A_228 = arith.constant 0 : i32
      %dma_wait3A_229 = tpu.memref_slice %arg8[%dma_wait3A_228] : memref<10240xf32, #tpu.memory_space<vmem_shared>> -> memref<10240xf32, #tpu.memory_space<vmem_shared>>
      tpu.wait_indirect_dma semaphore(%arg9 : memref<!tpu.dma_semaphore, #tpu.memory_space<semaphore_mem>>) src(%arg6 : memref<128xf32, #tpu.memory_space<vmem>>) dst(%dma_wait3A_229 : memref<10240xf32, #tpu.memory_space<vmem_shared>>)
      %dma_wait3A_230 = arith.constant 0 : i32
      %dma_wait3A_231 = tpu.memref_slice %arg4[%add3A_196, %dma_wait3A_230] : memref<78x128xi32, #tpu.memory_space<vmem>> -> memref<1x128xi32, #tpu.memory_space<vmem>>
      %dma_wait3A_232 = tpu.memref_squeeze %dma_wait3A_231 : memref<1x128xi32, #tpu.memory_space<vmem>> -> memref<128xi32, #tpu.memory_space<vmem>>
      %dma_wait3A_233 = arith.constant 0 : i32
      %dma_wait3A_234 = tpu.memref_slice %arg8[%dma_wait3A_233] : memref<10240xf32, #tpu.memory_space<vmem_shared>> -> memref<10240xf32, #tpu.memory_space<vmem_shared>>
      tpu.wait_indirect_dma semaphore(%arg9 : memref<!tpu.dma_semaphore, #tpu.memory_space<semaphore_mem>>) src(%arg6 : memref<128xf32, #tpu.memory_space<vmem>>) dst(%dma_wait3A_234 : memref<10240xf32, #tpu.memory_space<vmem_shared>>)
      %dma_wait3A_235 = arith.constant 0 : i32
      %dma_wait3A_236 = tpu.memref_slice %arg4[%add3A_205, %dma_wait3A_235] : memref<78x128xi32, #tpu.memory_space<vmem>> -> memref<1x128xi32, #tpu.memory_space<vmem>>
      %dma_wait3A_237 = tpu.memref_squeeze %dma_wait3A_236 : memref<1x128xi32, #tpu.memory_space<vmem>> -> memref<128xi32, #tpu.memory_space<vmem>>
      %dma_wait3A_238 = arith.constant 0 : i32
      %dma_wait3A_239 = tpu.memref_slice %arg8[%dma_wait3A_238] : memref<10240xf32, #tpu.memory_space<vmem_shared>> -> memref<10240xf32, #tpu.memory_space<vmem_shared>>
      tpu.wait_indirect_dma semaphore(%arg9 : memref<!tpu.dma_semaphore, #tpu.memory_space<semaphore_mem>>) src(%arg6 : memref<128xf32, #tpu.memory_space<vmem>>) dst(%dma_wait3A_239 : memref<10240xf32, #tpu.memory_space<vmem_shared>>)
    }
    %scan3A_115 = arith.constant 13 : i32
    %lt3A_116 = arith.constant 4 : i32
    %lt3A_117 = arith.cmpi slt, %add3A, %lt3A_116 : i32
    %convert_element_type3A_118 = arith.extui %lt3A_117 : i1 to i32
    %cond3A_119 = arith.constant 0 : i32
    %cond3A_120 = arith.cmpi ne, %convert_element_type3A_118, %cond3A_119 : i32
    scf.if %cond3A_120 {
      %dma_start3A = arith.constant 0 : i32
      %dma_start3A_157 = arith.constant 0 : i32
      %dma_start3A_158 = tpu.memref_slice %arg5[%dma_start3A, %dma_start3A_157] : memref<1x128xi32, #tpu.memory_space<vmem>> -> memref<1x128xi32, #tpu.memory_space<vmem>>
      %dma_start3A_159 = tpu.memref_squeeze %dma_start3A_158 : memref<1x128xi32, #tpu.memory_space<vmem>> -> memref<128xi32, #tpu.memory_space<vmem>>
      %dma_start3A_160 = arith.constant 0 : i32
      %dma_start3A_161 = tpu.memref_slice %arg8[%dma_start3A_160] : memref<10240xf32, #tpu.memory_space<vmem_shared>> -> memref<10240xf32, #tpu.memory_space<vmem_shared>>
      tpu.enqueue_indirect_dma source(%arg6 : memref<128xf32, #tpu.memory_space<vmem>>) target(%dma_start3A_161 : memref<10240xf32, #tpu.memory_space<vmem_shared>>) offsets(%dma_start3A_159 : memref<128xi32, #tpu.memory_space<vmem>>) semaphore(%arg9 : memref<!tpu.dma_semaphore, #tpu.memory_space<semaphore_mem>>) {add = true}
      %dma_wait3A = arith.constant 0 : i32
      %dma_wait3A_162 = arith.constant 0 : i32
      %dma_wait3A_163 = tpu.memref_slice %arg5[%dma_wait3A, %dma_wait3A_162] : memref<1x128xi32, #tpu.memory_space<vmem>> -> memref<1x128xi32, #tpu.memory_space<vmem>>
      %dma_wait3A_164 = tpu.memref_squeeze %dma_wait3A_163 : memref<1x128xi32, #tpu.memory_space<vmem>> -> memref<128xi32, #tpu.memory_space<vmem>>
      %dma_wait3A_165 = arith.constant 0 : i32
      %dma_wait3A_166 = tpu.memref_slice %arg8[%dma_wait3A_165] : memref<10240xf32, #tpu.memory_space<vmem_shared>> -> memref<10240xf32, #tpu.memory_space<vmem_shared>>
      tpu.wait_indirect_dma semaphore(%arg9 : memref<!tpu.dma_semaphore, #tpu.memory_space<semaphore_mem>>) src(%arg6 : memref<128xf32, #tpu.memory_space<vmem>>) dst(%dma_wait3A_166 : memref<10240xf32, #tpu.memory_space<vmem_shared>>)
    } else {
    }
    %barrier3A_121 = arith.constant 0 : index
    tpu.barrier barrier_id(%barrier3A_121)
    %add3A_122 = arith.constant 0 : i32
    %add3A_123 = arith.addi %mul3A_100, %add3A_122 : i32
    "tpu.region"() ({
      %run_scoped3A_157 = tpu.sem_alloc : memref<!tpu.dma_semaphore, #tpu.memory_space<semaphore_mem>>
      %dma_start3A = tpu.memref_slice %arg8[%add3A_123] : memref<10240xf32, #tpu.memory_space<vmem_shared>> -> memref<128xf32, #tpu.memory_space<vmem_shared>>
      %dma_start3A_158 = tpu.memref_slice %arg8[%add3A_123] : memref<10240xf32, #tpu.memory_space<vmem_shared>> -> memref<128xf32, #tpu.memory_space<vmem_shared>>
      tpu.enqueue_dma source(%dma_start3A_158 : memref<128xf32, #tpu.memory_space<vmem_shared>>) target(%arg7 : memref<128xf32, #tpu.memory_space<vmem>>) target_semaphore(%run_scoped3A_157 : memref<!tpu.dma_semaphore, #tpu.memory_space<semaphore_mem>>)
      %dma_wait3A = tpu.memref_slice %arg8[%add3A_123] : memref<10240xf32, #tpu.memory_space<vmem_shared>> -> memref<128xf32, #tpu.memory_space<vmem_shared>>
      %dma_wait3A_159 = tpu.memref_slice %arg8[%add3A_123] : memref<10240xf32, #tpu.memory_space<vmem_shared>> -> memref<128xf32, #tpu.memory_space<vmem_shared>>
      tpu.wait_dma2 semaphore(%run_scoped3A_157 : memref<!tpu.dma_semaphore, #tpu.memory_space<semaphore_mem>>) src(%dma_wait3A_159 : memref<128xf32, #tpu.memory_space<vmem_shared>>) dst(%arg7 : memref<128xf32, #tpu.memory_space<vmem>>)
      tpu.yield
    }) : () -> ()
    %mul3A_124 = arith.constant 10240 : i32
    %mul3A_125 = arith.muli %arg0, %mul3A_124 : i32
    %add3A_126 = arith.addi %mul3A_125, %mul3A_100 : i32
    %add3A_127 = arith.constant 0 : i32
    %add3A_128 = arith.addi %add3A_126, %add3A_127 : i32
    "tpu.region"() ({
      %run_scoped3A_157 = tpu.sem_alloc : memref<!tpu.dma_semaphore, #tpu.memory_space<semaphore_mem>>
      %dma_start3A = tpu.memref_slice %arg3[%add3A_128] : memref<20480xf32, #tpu.memory_space<hbm>> -> memref<128xf32, #tpu.memory_space<hbm>>
      %dma_start3A_158 = tpu.memref_slice %arg3[%add3A_128] : memref<20480xf32, #tpu.memory_space<hbm>> -> memref<128xf32, #tpu.memory_space<hbm>>
      tpu.enqueue_dma source(%arg7 : memref<128xf32, #tpu.memory_space<vmem>>) target(%dma_start3A_158 : memref<128xf32, #tpu.memory_space<hbm>>) target_semaphore(%run_scoped3A_157 : memref<!tpu.dma_semaphore, #tpu.memory_space<semaphore_mem>>)
      %dma_wait3A = tpu.memref_slice %arg3[%add3A_128] : memref<20480xf32, #tpu.memory_space<hbm>> -> memref<128xf32, #tpu.memory_space<hbm>>
      %dma_wait3A_159 = tpu.memref_slice %arg3[%add3A_128] : memref<20480xf32, #tpu.memory_space<hbm>> -> memref<128xf32, #tpu.memory_space<hbm>>
      tpu.wait_dma2 semaphore(%run_scoped3A_157 : memref<!tpu.dma_semaphore, #tpu.memory_space<semaphore_mem>>) src(%arg7 : memref<128xf32, #tpu.memory_space<vmem>>) dst(%dma_wait3A_159 : memref<128xf32, #tpu.memory_space<hbm>>)
      tpu.yield
    }) : () -> ()
    %add3A_129 = arith.constant 128 : i32
    %add3A_130 = arith.addi %mul3A_100, %add3A_129 : i32
    "tpu.region"() ({
      %run_scoped3A_157 = tpu.sem_alloc : memref<!tpu.dma_semaphore, #tpu.memory_space<semaphore_mem>>
      %dma_start3A = tpu.memref_slice %arg8[%add3A_130] : memref<10240xf32, #tpu.memory_space<vmem_shared>> -> memref<128xf32, #tpu.memory_space<vmem_shared>>
      %dma_start3A_158 = tpu.memref_slice %arg8[%add3A_130] : memref<10240xf32, #tpu.memory_space<vmem_shared>> -> memref<128xf32, #tpu.memory_space<vmem_shared>>
      tpu.enqueue_dma source(%dma_start3A_158 : memref<128xf32, #tpu.memory_space<vmem_shared>>) target(%arg7 : memref<128xf32, #tpu.memory_space<vmem>>) target_semaphore(%run_scoped3A_157 : memref<!tpu.dma_semaphore, #tpu.memory_space<semaphore_mem>>)
      %dma_wait3A = tpu.memref_slice %arg8[%add3A_130] : memref<10240xf32, #tpu.memory_space<vmem_shared>> -> memref<128xf32, #tpu.memory_space<vmem_shared>>
      %dma_wait3A_159 = tpu.memref_slice %arg8[%add3A_130] : memref<10240xf32, #tpu.memory_space<vmem_shared>> -> memref<128xf32, #tpu.memory_space<vmem_shared>>
      tpu.wait_dma2 semaphore(%run_scoped3A_157 : memref<!tpu.dma_semaphore, #tpu.memory_space<semaphore_mem>>) src(%dma_wait3A_159 : memref<128xf32, #tpu.memory_space<vmem_shared>>) dst(%arg7 : memref<128xf32, #tpu.memory_space<vmem>>)
      tpu.yield
    }) : () -> ()
    %mul3A_131 = arith.constant 10240 : i32
    %mul3A_132 = arith.muli %arg0, %mul3A_131 : i32
    %add3A_133 = arith.addi %mul3A_132, %mul3A_100 : i32
    %add3A_134 = arith.constant 128 : i32
    %add3A_135 = arith.addi %add3A_133, %add3A_134 : i32
    "tpu.region"() ({
      %run_scoped3A_157 = tpu.sem_alloc : memref<!tpu.dma_semaphore, #tpu.memory_space<semaphore_mem>>
      %dma_start3A = tpu.memref_slice %arg3[%add3A_135] : memref<20480xf32, #tpu.memory_space<hbm>> -> memref<128xf32, #tpu.memory_space<hbm>>
      %dma_start3A_158 = tpu.memref_slice %arg3[%add3A_135] : memref<20480xf32, #tpu.memory_space<hbm>> -> memref<128xf32, #tpu.memory_space<hbm>>
      tpu.enqueue_dma source(%arg7 : memref<128xf32, #tpu.memory_space<vmem>>) target(%dma_start3A_158 : memref<128xf32, #tpu.memory_space<hbm>>) target_semaphore(%run_scoped3A_157 : memref<!tpu.dma_semaphore, #tpu.memory_space<semaphore_mem>>)
      %dma_wait3A = tpu.memref_slice %arg3[%add3A_135] : memref<20480xf32, #tpu.memory_space<hbm>> -> memref<128xf32, #tpu.memory_space<hbm>>
      %dma_wait3A_159 = tpu.memref_slice %arg3[%add3A_135] : memref<20480xf32, #tpu.memory_space<hbm>> -> memref<128xf32, #tpu.memory_space<hbm>>
      tpu.wait_dma2 semaphore(%run_scoped3A_157 : memref<!tpu.dma_semaphore, #tpu.memory_space<semaphore_mem>>) src(%arg7 : memref<128xf32, #tpu.memory_space<vmem>>) dst(%dma_wait3A_159 : memref<128xf32, #tpu.memory_space<hbm>>)
      tpu.yield
    }) : () -> ()
    %add3A_136 = arith.constant 256 : i32
    %add3A_137 = arith.addi %mul3A_100, %add3A_136 : i32
    "tpu.region"() ({
      %run_scoped3A_157 = tpu.sem_alloc : memref<!tpu.dma_semaphore, #tpu.memory_space<semaphore_mem>>
      %dma_start3A = tpu.memref_slice %arg8[%add3A_137] : memref<10240xf32, #tpu.memory_space<vmem_shared>> -> memref<128xf32, #tpu.memory_space<vmem_shared>>
      %dma_start3A_158 = tpu.memref_slice %arg8[%add3A_137] : memref<10240xf32, #tpu.memory_space<vmem_shared>> -> memref<128xf32, #tpu.memory_space<vmem_shared>>
      tpu.enqueue_dma source(%dma_start3A_158 : memref<128xf32, #tpu.memory_space<vmem_shared>>) target(%arg7 : memref<128xf32, #tpu.memory_space<vmem>>) target_semaphore(%run_scoped3A_157 : memref<!tpu.dma_semaphore, #tpu.memory_space<semaphore_mem>>)
      %dma_wait3A = tpu.memref_slice %arg8[%add3A_137] : memref<10240xf32, #tpu.memory_space<vmem_shared>> -> memref<128xf32, #tpu.memory_space<vmem_shared>>
      %dma_wait3A_159 = tpu.memref_slice %arg8[%add3A_137] : memref<10240xf32, #tpu.memory_space<vmem_shared>> -> memref<128xf32, #tpu.memory_space<vmem_shared>>
      tpu.wait_dma2 semaphore(%run_scoped3A_157 : memref<!tpu.dma_semaphore, #tpu.memory_space<semaphore_mem>>) src(%dma_wait3A_159 : memref<128xf32, #tpu.memory_space<vmem_shared>>) dst(%arg7 : memref<128xf32, #tpu.memory_space<vmem>>)
      tpu.yield
    }) : () -> ()
    %mul3A_138 = arith.constant 10240 : i32
    %mul3A_139 = arith.muli %arg0, %mul3A_138 : i32
    %add3A_140 = arith.addi %mul3A_139, %mul3A_100 : i32
    %add3A_141 = arith.constant 256 : i32
    %add3A_142 = arith.addi %add3A_140, %add3A_141 : i32
    "tpu.region"() ({
      %run_scoped3A_157 = tpu.sem_alloc : memref<!tpu.dma_semaphore, #tpu.memory_space<semaphore_mem>>
      %dma_start3A = tpu.memref_slice %arg3[%add3A_142] : memref<20480xf32, #tpu.memory_space<hbm>> -> memref<128xf32, #tpu.memory_space<hbm>>
      %dma_start3A_158 = tpu.memref_slice %arg3[%add3A_142] : memref<20480xf32, #tpu.memory_space<hbm>> -> memref<128xf32, #tpu.memory_space<hbm>>
      tpu.enqueue_dma source(%arg7 : memref<128xf32, #tpu.memory_space<vmem>>) target(%dma_start3A_158 : memref<128xf32, #tpu.memory_space<hbm>>) target_semaphore(%run_scoped3A_157 : memref<!tpu.dma_semaphore, #tpu.memory_space<semaphore_mem>>)
      %dma_wait3A = tpu.memref_slice %arg3[%add3A_142] : memref<20480xf32, #tpu.memory_space<hbm>> -> memref<128xf32, #tpu.memory_space<hbm>>
      %dma_wait3A_159 = tpu.memref_slice %arg3[%add3A_142] : memref<20480xf32, #tpu.memory_space<hbm>> -> memref<128xf32, #tpu.memory_space<hbm>>
      tpu.wait_dma2 semaphore(%run_scoped3A_157 : memref<!tpu.dma_semaphore, #tpu.memory_space<semaphore_mem>>) src(%arg7 : memref<128xf32, #tpu.memory_space<vmem>>) dst(%dma_wait3A_159 : memref<128xf32, #tpu.memory_space<hbm>>)
      tpu.yield
    }) : () -> ()
    %add3A_143 = arith.constant 384 : i32
    %add3A_144 = arith.addi %mul3A_100, %add3A_143 : i32
    "tpu.region"() ({
      %run_scoped3A_157 = tpu.sem_alloc : memref<!tpu.dma_semaphore, #tpu.memory_space<semaphore_mem>>
      %dma_start3A = tpu.memref_slice %arg8[%add3A_144] : memref<10240xf32, #tpu.memory_space<vmem_shared>> -> memref<128xf32, #tpu.memory_space<vmem_shared>>
      %dma_start3A_158 = tpu.memref_slice %arg8[%add3A_144] : memref<10240xf32, #tpu.memory_space<vmem_shared>> -> memref<128xf32, #tpu.memory_space<vmem_shared>>
      tpu.enqueue_dma source(%dma_start3A_158 : memref<128xf32, #tpu.memory_space<vmem_shared>>) target(%arg7 : memref<128xf32, #tpu.memory_space<vmem>>) target_semaphore(%run_scoped3A_157 : memref<!tpu.dma_semaphore, #tpu.memory_space<semaphore_mem>>)
      %dma_wait3A = tpu.memref_slice %arg8[%add3A_144] : memref<10240xf32, #tpu.memory_space<vmem_shared>> -> memref<128xf32, #tpu.memory_space<vmem_shared>>
      %dma_wait3A_159 = tpu.memref_slice %arg8[%add3A_144] : memref<10240xf32, #tpu.memory_space<vmem_shared>> -> memref<128xf32, #tpu.memory_space<vmem_shared>>
      tpu.wait_dma2 semaphore(%run_scoped3A_157 : memref<!tpu.dma_semaphore, #tpu.memory_space<semaphore_mem>>) src(%dma_wait3A_159 : memref<128xf32, #tpu.memory_space<vmem_shared>>) dst(%arg7 : memref<128xf32, #tpu.memory_space<vmem>>)
      tpu.yield
    }) : () -> ()
    %mul3A_145 = arith.constant 10240 : i32
    %mul3A_146 = arith.muli %arg0, %mul3A_145 : i32
    %add3A_147 = arith.addi %mul3A_146, %mul3A_100 : i32
    %add3A_148 = arith.constant 384 : i32
    %add3A_149 = arith.addi %add3A_147, %add3A_148 : i32
    "tpu.region"() ({
      %run_scoped3A_157 = tpu.sem_alloc : memref<!tpu.dma_semaphore, #tpu.memory_space<semaphore_mem>>
      %dma_start3A = tpu.memref_slice %arg3[%add3A_149] : memref<20480xf32, #tpu.memory_space<hbm>> -> memref<128xf32, #tpu.memory_space<hbm>>
      %dma_start3A_158 = tpu.memref_slice %arg3[%add3A_149] : memref<20480xf32, #tpu.memory_space<hbm>> -> memref<128xf32, #tpu.memory_space<hbm>>
      tpu.enqueue_dma source(%arg7 : memref<128xf32, #tpu.memory_space<vmem>>) target(%dma_start3A_158 : memref<128xf32, #tpu.memory_space<hbm>>) target_semaphore(%run_scoped3A_157 : memref<!tpu.dma_semaphore, #tpu.memory_space<semaphore_mem>>)
      %dma_wait3A = tpu.memref_slice %arg3[%add3A_149] : memref<20480xf32, #tpu.memory_space<hbm>> -> memref<128xf32, #tpu.memory_space<hbm>>
      %dma_wait3A_159 = tpu.memref_slice %arg3[%add3A_149] : memref<20480xf32, #tpu.memory_space<hbm>> -> memref<128xf32, #tpu.memory_space<hbm>>
      tpu.wait_dma2 semaphore(%run_scoped3A_157 : memref<!tpu.dma_semaphore, #tpu.memory_space<semaphore_mem>>) src(%arg7 : memref<128xf32, #tpu.memory_space<vmem>>) dst(%dma_wait3A_159 : memref<128xf32, #tpu.memory_space<hbm>>)
      tpu.yield
    }) : () -> ()
    %add3A_150 = arith.constant 512 : i32
    %add3A_151 = arith.addi %mul3A_100, %add3A_150 : i32
    "tpu.region"() ({
      %run_scoped3A_157 = tpu.sem_alloc : memref<!tpu.dma_semaphore, #tpu.memory_space<semaphore_mem>>
      %dma_start3A = tpu.memref_slice %arg8[%add3A_151] : memref<10240xf32, #tpu.memory_space<vmem_shared>> -> memref<128xf32, #tpu.memory_space<vmem_shared>>
      %dma_start3A_158 = tpu.memref_slice %arg8[%add3A_151] : memref<10240xf32, #tpu.memory_space<vmem_shared>> -> memref<128xf32, #tpu.memory_space<vmem_shared>>
      tpu.enqueue_dma source(%dma_start3A_158 : memref<128xf32, #tpu.memory_space<vmem_shared>>) target(%arg7 : memref<128xf32, #tpu.memory_space<vmem>>) target_semaphore(%run_scoped3A_157 : memref<!tpu.dma_semaphore, #tpu.memory_space<semaphore_mem>>)
      %dma_wait3A = tpu.memref_slice %arg8[%add3A_151] : memref<10240xf32, #tpu.memory_space<vmem_shared>> -> memref<128xf32, #tpu.memory_space<vmem_shared>>
      %dma_wait3A_159 = tpu.memref_slice %arg8[%add3A_151] : memref<10240xf32, #tpu.memory_space<vmem_shared>> -> memref<128xf32, #tpu.memory_space<vmem_shared>>
      tpu.wait_dma2 semaphore(%run_scoped3A_157 : memref<!tpu.dma_semaphore, #tpu.memory_space<semaphore_mem>>) src(%dma_wait3A_159 : memref<128xf32, #tpu.memory_space<vmem_shared>>) dst(%arg7 : memref<128xf32, #tpu.memory_space<vmem>>)
      tpu.yield
    }) : () -> ()
    %mul3A_152 = arith.constant 10240 : i32
    %mul3A_153 = arith.muli %arg0, %mul3A_152 : i32
    %add3A_154 = arith.addi %mul3A_153, %mul3A_100 : i32
    %add3A_155 = arith.constant 512 : i32
    %add3A_156 = arith.addi %add3A_154, %add3A_155 : i32
    "tpu.region"() ({
      %run_scoped3A_157 = tpu.sem_alloc : memref<!tpu.dma_semaphore, #tpu.memory_space<semaphore_mem>>
      %dma_start3A = tpu.memref_slice %arg3[%add3A_156] : memref<20480xf32, #tpu.memory_space<hbm>> -> memref<128xf32, #tpu.memory_space<hbm>>
      %dma_start3A_158 = tpu.memref_slice %arg3[%add3A_156] : memref<20480xf32, #tpu.memory_space<hbm>> -> memref<128xf32, #tpu.memory_space<hbm>>
      tpu.enqueue_dma source(%arg7 : memref<128xf32, #tpu.memory_space<vmem>>) target(%dma_start3A_158 : memref<128xf32, #tpu.memory_space<hbm>>) target_semaphore(%run_scoped3A_157 : memref<!tpu.dma_semaphore, #tpu.memory_space<semaphore_mem>>)
      %dma_wait3A = tpu.memref_slice %arg3[%add3A_156] : memref<20480xf32, #tpu.memory_space<hbm>> -> memref<128xf32, #tpu.memory_space<hbm>>
      %dma_wait3A_159 = tpu.memref_slice %arg3[%add3A_156] : memref<20480xf32, #tpu.memory_space<hbm>> -> memref<128xf32, #tpu.memory_space<hbm>>
      tpu.wait_dma2 semaphore(%run_scoped3A_157 : memref<!tpu.dma_semaphore, #tpu.memory_space<semaphore_mem>>) src(%arg7 : memref<128xf32, #tpu.memory_space<vmem>>) dst(%dma_wait3A_159 : memref<128xf32, #tpu.memory_space<hbm>>)
      tpu.yield
    }) : () -> ()
    return
  }
}

#map = affine_map<(d0, d1) -> (0, 0)>
#map1 = affine_map<(d0, d1) -> (0, 0, 0)>
module attributes {stable_mosaic.version = 14 : i64} {
  func.func @k(%arg0: i32, %arg1: i32, %arg2: memref<10000x64xf32, #tpu.memory_space<hbm>>, %arg3: memref<2x2500x128xi32, #tpu.memory_space<hbm>>, %arg4: memref<2x10240x64xf32, #tpu.memory_space<hbm>>, %arg5: memref<78x128xi32, #tpu.memory_space<vmem>>, %arg6: memref<78x128xi32, #tpu.memory_space<vmem>>, %arg7: memref<1x128xi32, #tpu.memory_space<vmem>>, %arg8: memref<1x128xi32, #tpu.memory_space<vmem>>, %arg9: memref<6x128x64xf32, #tpu.memory_space<vmem>>, %arg10: memref<10240x64xf32, #tpu.memory_space<vmem_shared>>, %arg11: memref<!tpu.dma_semaphore, #tpu.memory_space<semaphore_mem>>, %arg12: memref<!tpu.dma_semaphore, #tpu.memory_space<semaphore_mem>>) attributes {dimension_semantics = [#tpu.dimension_semantics<core_parallel>, #tpu.dimension_semantics<subcore_parallel>], iteration_bounds = array<i64: 2, 16>, scalar_prefetch = 0 : i64, scratch_operands = 8 : i64, tpu.core_type = #tpu.core_type<sc_vector_subcore>, window_params = [{transform_indices = #map}, {transform_indices = #map1}, {transform_indices = #map1}]} {
    %mul3A = arith.constant 16 : i32
    %mul3A_0 = arith.muli %arg0, %mul3A : i32
    %add3A = arith.addi %mul3A_0, %arg1 : i32
    %mul3A_1 = arith.constant 78 : i32
    %mul3A_2 = arith.muli %add3A, %mul3A_1 : i32
    %run_scoped3A = arith.constant 0 : i32
    "tpu.region"() ({
      %run_scoped3A_70 = tpu.sem_alloc : memref<!tpu.dma_semaphore, #tpu.memory_space<semaphore_mem>>
      %dma_start3A = arith.constant 0 : i32
      %dma_start3A_71 = tpu.memref_slice %arg3[%run_scoped3A, %mul3A_2, %dma_start3A] : memref<2x2500x128xi32, #tpu.memory_space<hbm>> -> memref<1x78x128xi32, #tpu.memory_space<hbm>>
      %dma_start3A_72 = tpu.memref_squeeze %dma_start3A_71 : memref<1x78x128xi32, #tpu.memory_space<hbm>> -> memref<78x128xi32, #tpu.memory_space<hbm>>
      %dma_start3A_73 = arith.constant 0 : i32
      %dma_start3A_74 = tpu.memref_slice %arg3[%run_scoped3A, %mul3A_2, %dma_start3A_73] : memref<2x2500x128xi32, #tpu.memory_space<hbm>> -> memref<1x78x128xi32, #tpu.memory_space<hbm>>
      %dma_start3A_75 = tpu.memref_squeeze %dma_start3A_74 : memref<1x78x128xi32, #tpu.memory_space<hbm>> -> memref<78x128xi32, #tpu.memory_space<hbm>>
      tpu.enqueue_dma source(%dma_start3A_75 : memref<78x128xi32, #tpu.memory_space<hbm>>) target(%arg5 : memref<78x128xi32, #tpu.memory_space<vmem>>) target_semaphore(%run_scoped3A_70 : memref<!tpu.dma_semaphore, #tpu.memory_space<semaphore_mem>>)
      %dma_wait3A = arith.constant 0 : i32
      %dma_wait3A_76 = tpu.memref_slice %arg3[%run_scoped3A, %mul3A_2, %dma_wait3A] : memref<2x2500x128xi32, #tpu.memory_space<hbm>> -> memref<1x78x128xi32, #tpu.memory_space<hbm>>
      %dma_wait3A_77 = tpu.memref_squeeze %dma_wait3A_76 : memref<1x78x128xi32, #tpu.memory_space<hbm>> -> memref<78x128xi32, #tpu.memory_space<hbm>>
      %dma_wait3A_78 = arith.constant 0 : i32
      %dma_wait3A_79 = tpu.memref_slice %arg3[%run_scoped3A, %mul3A_2, %dma_wait3A_78] : memref<2x2500x128xi32, #tpu.memory_space<hbm>> -> memref<1x78x128xi32, #tpu.memory_space<hbm>>
      %dma_wait3A_80 = tpu.memref_squeeze %dma_wait3A_79 : memref<1x78x128xi32, #tpu.memory_space<hbm>> -> memref<78x128xi32, #tpu.memory_space<hbm>>
      tpu.wait_dma2 semaphore(%run_scoped3A_70 : memref<!tpu.dma_semaphore, #tpu.memory_space<semaphore_mem>>) src(%dma_wait3A_80 : memref<78x128xi32, #tpu.memory_space<hbm>>) dst(%arg5 : memref<78x128xi32, #tpu.memory_space<vmem>>)
      tpu.yield
    }) : () -> ()
    %run_scoped3A_3 = arith.constant 1 : i32
    "tpu.region"() ({
      %run_scoped3A_70 = tpu.sem_alloc : memref<!tpu.dma_semaphore, #tpu.memory_space<semaphore_mem>>
      %dma_start3A = arith.constant 0 : i32
      %dma_start3A_71 = tpu.memref_slice %arg3[%run_scoped3A_3, %mul3A_2, %dma_start3A] : memref<2x2500x128xi32, #tpu.memory_space<hbm>> -> memref<1x78x128xi32, #tpu.memory_space<hbm>>
      %dma_start3A_72 = tpu.memref_squeeze %dma_start3A_71 : memref<1x78x128xi32, #tpu.memory_space<hbm>> -> memref<78x128xi32, #tpu.memory_space<hbm>>
      %dma_start3A_73 = arith.constant 0 : i32
      %dma_start3A_74 = tpu.memref_slice %arg3[%run_scoped3A_3, %mul3A_2, %dma_start3A_73] : memref<2x2500x128xi32, #tpu.memory_space<hbm>> -> memref<1x78x128xi32, #tpu.memory_space<hbm>>
      %dma_start3A_75 = tpu.memref_squeeze %dma_start3A_74 : memref<1x78x128xi32, #tpu.memory_space<hbm>> -> memref<78x128xi32, #tpu.memory_space<hbm>>
      tpu.enqueue_dma source(%dma_start3A_75 : memref<78x128xi32, #tpu.memory_space<hbm>>) target(%arg6 : memref<78x128xi32, #tpu.memory_space<vmem>>) target_semaphore(%run_scoped3A_70 : memref<!tpu.dma_semaphore, #tpu.memory_space<semaphore_mem>>)
      %dma_wait3A = arith.constant 0 : i32
      %dma_wait3A_76 = tpu.memref_slice %arg3[%run_scoped3A_3, %mul3A_2, %dma_wait3A] : memref<2x2500x128xi32, #tpu.memory_space<hbm>> -> memref<1x78x128xi32, #tpu.memory_space<hbm>>
      %dma_wait3A_77 = tpu.memref_squeeze %dma_wait3A_76 : memref<1x78x128xi32, #tpu.memory_space<hbm>> -> memref<78x128xi32, #tpu.memory_space<hbm>>
      %dma_wait3A_78 = arith.constant 0 : i32
      %dma_wait3A_79 = tpu.memref_slice %arg3[%run_scoped3A_3, %mul3A_2, %dma_wait3A_78] : memref<2x2500x128xi32, #tpu.memory_space<hbm>> -> memref<1x78x128xi32, #tpu.memory_space<hbm>>
      %dma_wait3A_80 = tpu.memref_squeeze %dma_wait3A_79 : memref<1x78x128xi32, #tpu.memory_space<hbm>> -> memref<78x128xi32, #tpu.memory_space<hbm>>
      tpu.wait_dma2 semaphore(%run_scoped3A_70 : memref<!tpu.dma_semaphore, #tpu.memory_space<semaphore_mem>>) src(%dma_wait3A_80 : memref<78x128xi32, #tpu.memory_space<hbm>>) dst(%arg6 : memref<78x128xi32, #tpu.memory_space<vmem>>)
      tpu.yield
    }) : () -> ()
    %lt3A = arith.constant 4 : i32
    %lt3A_4 = arith.cmpi slt, %add3A, %lt3A : i32
    %convert_element_type3A = arith.extui %lt3A_4 : i1 to i32
    %cond3A = arith.constant 0 : i32
    %cond3A_5 = arith.cmpi ne, %convert_element_type3A, %cond3A : i32
    scf.if %cond3A_5 {
      %add3A_70 = arith.constant 2496 : i32
      %add3A_71 = arith.addi %add3A_70, %add3A : i32
      %run_scoped3A_72 = arith.constant 0 : i32
      "tpu.region"() ({
        %run_scoped3A_76 = tpu.sem_alloc : memref<!tpu.dma_semaphore, #tpu.memory_space<semaphore_mem>>
        %dma_start3A = arith.constant 0 : i32
        %dma_start3A_77 = tpu.memref_slice %arg3[%run_scoped3A_72, %add3A_71, %dma_start3A] : memref<2x2500x128xi32, #tpu.memory_space<hbm>> -> memref<1x1x128xi32, #tpu.memory_space<hbm>>
        %dma_start3A_78 = tpu.memref_squeeze %dma_start3A_77 : memref<1x1x128xi32, #tpu.memory_space<hbm>> -> memref<1x128xi32, #tpu.memory_space<hbm>>
        %dma_start3A_79 = arith.constant 0 : i32
        %dma_start3A_80 = tpu.memref_slice %arg3[%run_scoped3A_72, %add3A_71, %dma_start3A_79] : memref<2x2500x128xi32, #tpu.memory_space<hbm>> -> memref<1x1x128xi32, #tpu.memory_space<hbm>>
        %dma_start3A_81 = tpu.memref_squeeze %dma_start3A_80 : memref<1x1x128xi32, #tpu.memory_space<hbm>> -> memref<1x128xi32, #tpu.memory_space<hbm>>
        tpu.enqueue_dma source(%dma_start3A_81 : memref<1x128xi32, #tpu.memory_space<hbm>>) target(%arg7 : memref<1x128xi32, #tpu.memory_space<vmem>>) target_semaphore(%run_scoped3A_76 : memref<!tpu.dma_semaphore, #tpu.memory_space<semaphore_mem>>)
        %dma_wait3A = arith.constant 0 : i32
        %dma_wait3A_82 = tpu.memref_slice %arg3[%run_scoped3A_72, %add3A_71, %dma_wait3A] : memref<2x2500x128xi32, #tpu.memory_space<hbm>> -> memref<1x1x128xi32, #tpu.memory_space<hbm>>
        %dma_wait3A_83 = tpu.memref_squeeze %dma_wait3A_82 : memref<1x1x128xi32, #tpu.memory_space<hbm>> -> memref<1x128xi32, #tpu.memory_space<hbm>>
        %dma_wait3A_84 = arith.constant 0 : i32
        %dma_wait3A_85 = tpu.memref_slice %arg3[%run_scoped3A_72, %add3A_71, %dma_wait3A_84] : memref<2x2500x128xi32, #tpu.memory_space<hbm>> -> memref<1x1x128xi32, #tpu.memory_space<hbm>>
        %dma_wait3A_86 = tpu.memref_squeeze %dma_wait3A_85 : memref<1x1x128xi32, #tpu.memory_space<hbm>> -> memref<1x128xi32, #tpu.memory_space<hbm>>
        tpu.wait_dma2 semaphore(%run_scoped3A_76 : memref<!tpu.dma_semaphore, #tpu.memory_space<semaphore_mem>>) src(%dma_wait3A_86 : memref<1x128xi32, #tpu.memory_space<hbm>>) dst(%arg7 : memref<1x128xi32, #tpu.memory_space<vmem>>)
        tpu.yield
      }) : () -> ()
      %add3A_73 = arith.constant 2496 : i32
      %add3A_74 = arith.addi %add3A_73, %add3A : i32
      %run_scoped3A_75 = arith.constant 1 : i32
      "tpu.region"() ({
        %run_scoped3A_76 = tpu.sem_alloc : memref<!tpu.dma_semaphore, #tpu.memory_space<semaphore_mem>>
        %dma_start3A = arith.constant 0 : i32
        %dma_start3A_77 = tpu.memref_slice %arg3[%run_scoped3A_75, %add3A_74, %dma_start3A] : memref<2x2500x128xi32, #tpu.memory_space<hbm>> -> memref<1x1x128xi32, #tpu.memory_space<hbm>>
        %dma_start3A_78 = tpu.memref_squeeze %dma_start3A_77 : memref<1x1x128xi32, #tpu.memory_space<hbm>> -> memref<1x128xi32, #tpu.memory_space<hbm>>
        %dma_start3A_79 = arith.constant 0 : i32
        %dma_start3A_80 = tpu.memref_slice %arg3[%run_scoped3A_75, %add3A_74, %dma_start3A_79] : memref<2x2500x128xi32, #tpu.memory_space<hbm>> -> memref<1x1x128xi32, #tpu.memory_space<hbm>>
        %dma_start3A_81 = tpu.memref_squeeze %dma_start3A_80 : memref<1x1x128xi32, #tpu.memory_space<hbm>> -> memref<1x128xi32, #tpu.memory_space<hbm>>
        tpu.enqueue_dma source(%dma_start3A_81 : memref<1x128xi32, #tpu.memory_space<hbm>>) target(%arg8 : memref<1x128xi32, #tpu.memory_space<vmem>>) target_semaphore(%run_scoped3A_76 : memref<!tpu.dma_semaphore, #tpu.memory_space<semaphore_mem>>)
        %dma_wait3A = arith.constant 0 : i32
        %dma_wait3A_82 = tpu.memref_slice %arg3[%run_scoped3A_75, %add3A_74, %dma_wait3A] : memref<2x2500x128xi32, #tpu.memory_space<hbm>> -> memref<1x1x128xi32, #tpu.memory_space<hbm>>
        %dma_wait3A_83 = tpu.memref_squeeze %dma_wait3A_82 : memref<1x1x128xi32, #tpu.memory_space<hbm>> -> memref<1x128xi32, #tpu.memory_space<hbm>>
        %dma_wait3A_84 = arith.constant 0 : i32
        %dma_wait3A_85 = tpu.memref_slice %arg3[%run_scoped3A_75, %add3A_74, %dma_wait3A_84] : memref<2x2500x128xi32, #tpu.memory_space<hbm>> -> memref<1x1x128xi32, #tpu.memory_space<hbm>>
        %dma_wait3A_86 = tpu.memref_squeeze %dma_wait3A_85 : memref<1x1x128xi32, #tpu.memory_space<hbm>> -> memref<1x128xi32, #tpu.memory_space<hbm>>
        tpu.wait_dma2 semaphore(%run_scoped3A_76 : memref<!tpu.dma_semaphore, #tpu.memory_space<semaphore_mem>>) src(%dma_wait3A_86 : memref<1x128xi32, #tpu.memory_space<hbm>>) dst(%arg8 : memref<1x128xi32, #tpu.memory_space<vmem>>)
        tpu.yield
      }) : () -> ()
    } else {
    }
    %scan3A = arith.constant 0 : i32
    %scan3A_6 = arith.constant 0 : i32
    %scan3A_7 = arith.constant 128 : i32
    %scan3A_8 = arith.addi %scan3A_6, %scan3A_7 : i32
    %scan3A_9 = arith.constant 1 : i32
    scf.for %scan3A_70 = %scan3A_6 to %scan3A_8 step %scan3A_9  : i32 {
      %broadcast_in_dim3A = arith.constant 0.000000e+00 : f32
      %broadcast_in_dim3A_71 = vector.broadcast %broadcast_in_dim3A : f32 to vector<16xf32>
      %swap3A = arith.constant 0 : i32
      %swap3A_72 = arith.index_cast %swap3A : i32 to index
      %swap3A_73 = arith.index_cast %scan3A_70 : i32 to index
      %swap3A_74 = arith.constant 0 : index
      %swap3A_75 = tpu.vector_load %arg9[%swap3A_72, %swap3A_73, %swap3A_74] {strides = array<i32>} : memref<6x128x64xf32, #tpu.memory_space<vmem>>, vector<1x1x16xf32>,
      %swap3A_76 = vector.shape_cast %swap3A_75 : vector<1x1x16xf32> to vector<16xf32>
      %swap3A_77 = vector.shape_cast %broadcast_in_dim3A_71 : vector<16xf32> to vector<1x1x16xf32>
      tpu.vector_store %arg9[%swap3A_72, %swap3A_73, %swap3A_74], %swap3A_77 {strides = array<i32>} : memref<6x128x64xf32, #tpu.memory_space<vmem>>, vector<1x1x16xf32>,
      %broadcast_in_dim3A_78 = arith.constant 0.000000e+00 : f32
      %broadcast_in_dim3A_79 = vector.broadcast %broadcast_in_dim3A_78 : f32 to vector<16xf32>
      %swap3A_80 = arith.constant 0 : i32
      %swap3A_81 = arith.index_cast %swap3A_80 : i32 to index
      %swap3A_82 = arith.index_cast %scan3A_70 : i32 to index
      %swap3A_83 = arith.constant 16 : index
      %swap3A_84 = tpu.vector_load %arg9[%swap3A_81, %swap3A_82, %swap3A_83] {strides = array<i32>} : memref<6x128x64xf32, #tpu.memory_space<vmem>>, vector<1x1x16xf32>,
      %swap3A_85 = vector.shape_cast %swap3A_84 : vector<1x1x16xf32> to vector<16xf32>
      %swap3A_86 = vector.shape_cast %broadcast_in_dim3A_79 : vector<16xf32> to vector<1x1x16xf32>
      tpu.vector_store %arg9[%swap3A_81, %swap3A_82, %swap3A_83], %swap3A_86 {strides = array<i32>} : memref<6x128x64xf32, #tpu.memory_space<vmem>>, vector<1x1x16xf32>,
      %broadcast_in_dim3A_87 = arith.constant 0.000000e+00 : f32
      %broadcast_in_dim3A_88 = vector.broadcast %broadcast_in_dim3A_87 : f32 to vector<16xf32>
      %swap3A_89 = arith.constant 0 : i32
      %swap3A_90 = arith.index_cast %swap3A_89 : i32 to index
      %swap3A_91 = arith.index_cast %scan3A_70 : i32 to index
      %swap3A_92 = arith.constant 32 : index
      %swap3A_93 = tpu.vector_load %arg9[%swap3A_90, %swap3A_91, %swap3A_92] {strides = array<i32>} : memref<6x128x64xf32, #tpu.memory_space<vmem>>, vector<1x1x16xf32>,
      %swap3A_94 = vector.shape_cast %swap3A_93 : vector<1x1x16xf32> to vector<16xf32>
      %swap3A_95 = vector.shape_cast %broadcast_in_dim3A_88 : vector<16xf32> to vector<1x1x16xf32>
      tpu.vector_store %arg9[%swap3A_90, %swap3A_91, %swap3A_92], %swap3A_95 {strides = array<i32>} : memref<6x128x64xf32, #tpu.memory_space<vmem>>, vector<1x1x16xf32>,
      %broadcast_in_dim3A_96 = arith.constant 0.000000e+00 : f32
      %broadcast_in_dim3A_97 = vector.broadcast %broadcast_in_dim3A_96 : f32 to vector<16xf32>
      %swap3A_98 = arith.constant 0 : i32
      %swap3A_99 = arith.index_cast %swap3A_98 : i32 to index
      %swap3A_100 = arith.index_cast %scan3A_70 : i32 to index
      %swap3A_101 = arith.constant 48 : index
      %swap3A_102 = tpu.vector_load %arg9[%swap3A_99, %swap3A_100, %swap3A_101] {strides = array<i32>} : memref<6x128x64xf32, #tpu.memory_space<vmem>>, vector<1x1x16xf32>,
      %swap3A_103 = vector.shape_cast %swap3A_102 : vector<1x1x16xf32> to vector<16xf32>
      %swap3A_104 = vector.shape_cast %broadcast_in_dim3A_97 : vector<16xf32> to vector<1x1x16xf32>
      tpu.vector_store %arg9[%swap3A_99, %swap3A_100, %swap3A_101], %swap3A_104 {strides = array<i32>} : memref<6x128x64xf32, #tpu.memory_space<vmem>>, vector<1x1x16xf32>,
    }
    %scan3A_10 = arith.constant 128 : i32
    %mul3A_11 = arith.constant 640 : i32
    %mul3A_12 = arith.muli %arg1, %mul3A_11 : i32
    %add3A_13 = arith.constant 0 : i32
    %add3A_14 = arith.addi %mul3A_12, %add3A_13 : i32
    %run_scoped3A_15 = arith.constant 0 : i32
    "tpu.region"() ({
      %run_scoped3A_70 = tpu.sem_alloc : memref<!tpu.dma_semaphore, #tpu.memory_space<semaphore_mem>>
      %dma_start3A = arith.constant 0 : i32
      %dma_start3A_71 = arith.constant 0 : i32
      %dma_start3A_72 = tpu.memref_slice %arg9[%run_scoped3A_15, %dma_start3A, %dma_start3A_71] : memref<6x128x64xf32, #tpu.memory_space<vmem>> -> memref<1x128x64xf32, #tpu.memory_space<vmem>>
      %dma_start3A_73 = tpu.memref_squeeze %dma_start3A_72 : memref<1x128x64xf32, #tpu.memory_space<vmem>> -> memref<128x64xf32, #tpu.memory_space<vmem>>
      %dma_start3A_74 = arith.constant 0 : i32
      %dma_start3A_75 = tpu.memref_slice %arg10[%add3A_14, %dma_start3A_74] : memref<10240x64xf32, #tpu.memory_space<vmem_shared>> -> memref<128x64xf32, #tpu.memory_space<vmem_shared>>
      %dma_start3A_76 = arith.constant 0 : i32
      %dma_start3A_77 = tpu.memref_slice %arg10[%add3A_14, %dma_start3A_76] : memref<10240x64xf32, #tpu.memory_space<vmem_shared>> -> memref<128x64xf32, #tpu.memory_space<vmem_shared>>
      %dma_start3A_78 = arith.constant 0 : i32
      %dma_start3A_79 = arith.constant 0 : i32
      %dma_start3A_80 = tpu.memref_slice %arg9[%run_scoped3A_15, %dma_start3A_78, %dma_start3A_79] : memref<6x128x64xf32, #tpu.memory_space<vmem>> -> memref<1x128x64xf32, #tpu.memory_space<vmem>>
      %dma_start3A_81 = tpu.memref_squeeze %dma_start3A_80 : memref<1x128x64xf32, #tpu.memory_space<vmem>> -> memref<128x64xf32, #tpu.memory_space<vmem>>
      tpu.enqueue_dma source(%dma_start3A_81 : memref<128x64xf32, #tpu.memory_space<vmem>>) target(%dma_start3A_77 : memref<128x64xf32, #tpu.memory_space<vmem_shared>>) target_semaphore(%run_scoped3A_70 : memref<!tpu.dma_semaphore, #tpu.memory_space<semaphore_mem>>)
      %dma_wait3A = arith.constant 0 : i32
      %dma_wait3A_82 = arith.constant 0 : i32
      %dma_wait3A_83 = tpu.memref_slice %arg9[%run_scoped3A_15, %dma_wait3A, %dma_wait3A_82] : memref<6x128x64xf32, #tpu.memory_space<vmem>> -> memref<1x128x64xf32, #tpu.memory_space<vmem>>
      %dma_wait3A_84 = tpu.memref_squeeze %dma_wait3A_83 : memref<1x128x64xf32, #tpu.memory_space<vmem>> -> memref<128x64xf32, #tpu.memory_space<vmem>>
      %dma_wait3A_85 = arith.constant 0 : i32
      %dma_wait3A_86 = tpu.memref_slice %arg10[%add3A_14, %dma_wait3A_85] : memref<10240x64xf32, #tpu.memory_space<vmem_shared>> -> memref<128x64xf32, #tpu.memory_space<vmem_shared>>
      %dma_wait3A_87 = arith.constant 0 : i32
      %dma_wait3A_88 = tpu.memref_slice %arg10[%add3A_14, %dma_wait3A_87] : memref<10240x64xf32, #tpu.memory_space<vmem_shared>> -> memref<128x64xf32, #tpu.memory_space<vmem_shared>>
      %dma_wait3A_89 = arith.constant 0 : i32
      %dma_wait3A_90 = arith.constant 0 : i32
      %dma_wait3A_91 = tpu.memref_slice %arg9[%run_scoped3A_15, %dma_wait3A_89, %dma_wait3A_90] : memref<6x128x64xf32, #tpu.memory_space<vmem>> -> memref<1x128x64xf32, #tpu.memory_space<vmem>>
      %dma_wait3A_92 = tpu.memref_squeeze %dma_wait3A_91 : memref<1x128x64xf32, #tpu.memory_space<vmem>> -> memref<128x64xf32, #tpu.memory_space<vmem>>
      tpu.wait_dma2 semaphore(%run_scoped3A_70 : memref<!tpu.dma_semaphore, #tpu.memory_space<semaphore_mem>>) src(%dma_wait3A_92 : memref<128x64xf32, #tpu.memory_space<vmem>>) dst(%dma_wait3A_88 : memref<128x64xf32, #tpu.memory_space<vmem_shared>>)
      tpu.yield
    }) : () -> ()
    %add3A_16 = arith.constant 128 : i32
    %add3A_17 = arith.addi %mul3A_12, %add3A_16 : i32
    %run_scoped3A_18 = arith.constant 0 : i32
    "tpu.region"() ({
      %run_scoped3A_70 = tpu.sem_alloc : memref<!tpu.dma_semaphore, #tpu.memory_space<semaphore_mem>>
      %dma_start3A = arith.constant 0 : i32
      %dma_start3A_71 = arith.constant 0 : i32
      %dma_start3A_72 = tpu.memref_slice %arg9[%run_scoped3A_18, %dma_start3A, %dma_start3A_71] : memref<6x128x64xf32, #tpu.memory_space<vmem>> -> memref<1x128x64xf32, #tpu.memory_space<vmem>>
      %dma_start3A_73 = tpu.memref_squeeze %dma_start3A_72 : memref<1x128x64xf32, #tpu.memory_space<vmem>> -> memref<128x64xf32, #tpu.memory_space<vmem>>
      %dma_start3A_74 = arith.constant 0 : i32
      %dma_start3A_75 = tpu.memref_slice %arg10[%add3A_17, %dma_start3A_74] : memref<10240x64xf32, #tpu.memory_space<vmem_shared>> -> memref<128x64xf32, #tpu.memory_space<vmem_shared>>
      %dma_start3A_76 = arith.constant 0 : i32
      %dma_start3A_77 = tpu.memref_slice %arg10[%add3A_17, %dma_start3A_76] : memref<10240x64xf32, #tpu.memory_space<vmem_shared>> -> memref<128x64xf32, #tpu.memory_space<vmem_shared>>
      %dma_start3A_78 = arith.constant 0 : i32
      %dma_start3A_79 = arith.constant 0 : i32
      %dma_start3A_80 = tpu.memref_slice %arg9[%run_scoped3A_18, %dma_start3A_78, %dma_start3A_79] : memref<6x128x64xf32, #tpu.memory_space<vmem>> -> memref<1x128x64xf32, #tpu.memory_space<vmem>>
      %dma_start3A_81 = tpu.memref_squeeze %dma_start3A_80 : memref<1x128x64xf32, #tpu.memory_space<vmem>> -> memref<128x64xf32, #tpu.memory_space<vmem>>
      tpu.enqueue_dma source(%dma_start3A_81 : memref<128x64xf32, #tpu.memory_space<vmem>>) target(%dma_start3A_77 : memref<128x64xf32, #tpu.memory_space<vmem_shared>>) target_semaphore(%run_scoped3A_70 : memref<!tpu.dma_semaphore, #tpu.memory_space<semaphore_mem>>)
      %dma_wait3A = arith.constant 0 : i32
      %dma_wait3A_82 = arith.constant 0 : i32
      %dma_wait3A_83 = tpu.memref_slice %arg9[%run_scoped3A_18, %dma_wait3A, %dma_wait3A_82] : memref<6x128x64xf32, #tpu.memory_space<vmem>> -> memref<1x128x64xf32, #tpu.memory_space<vmem>>
      %dma_wait3A_84 = tpu.memref_squeeze %dma_wait3A_83 : memref<1x128x64xf32, #tpu.memory_space<vmem>> -> memref<128x64xf32, #tpu.memory_space<vmem>>
      %dma_wait3A_85 = arith.constant 0 : i32
      %dma_wait3A_86 = tpu.memref_slice %arg10[%add3A_17, %dma_wait3A_85] : memref<10240x64xf32, #tpu.memory_space<vmem_shared>> -> memref<128x64xf32, #tpu.memory_space<vmem_shared>>
      %dma_wait3A_87 = arith.constant 0 : i32
      %dma_wait3A_88 = tpu.memref_slice %arg10[%add3A_17, %dma_wait3A_87] : memref<10240x64xf32, #tpu.memory_space<vmem_shared>> -> memref<128x64xf32, #tpu.memory_space<vmem_shared>>
      %dma_wait3A_89 = arith.constant 0 : i32
      %dma_wait3A_90 = arith.constant 0 : i32
      %dma_wait3A_91 = tpu.memref_slice %arg9[%run_scoped3A_18, %dma_wait3A_89, %dma_wait3A_90] : memref<6x128x64xf32, #tpu.memory_space<vmem>> -> memref<1x128x64xf32, #tpu.memory_space<vmem>>
      %dma_wait3A_92 = tpu.memref_squeeze %dma_wait3A_91 : memref<1x128x64xf32, #tpu.memory_space<vmem>> -> memref<128x64xf32, #tpu.memory_space<vmem>>
      tpu.wait_dma2 semaphore(%run_scoped3A_70 : memref<!tpu.dma_semaphore, #tpu.memory_space<semaphore_mem>>) src(%dma_wait3A_92 : memref<128x64xf32, #tpu.memory_space<vmem>>) dst(%dma_wait3A_88 : memref<128x64xf32, #tpu.memory_space<vmem_shared>>)
      tpu.yield
    }) : () -> ()
    %add3A_19 = arith.constant 256 : i32
    %add3A_20 = arith.addi %mul3A_12, %add3A_19 : i32
    %run_scoped3A_21 = arith.constant 0 : i32
    "tpu.region"() ({
      %run_scoped3A_70 = tpu.sem_alloc : memref<!tpu.dma_semaphore, #tpu.memory_space<semaphore_mem>>
      %dma_start3A = arith.constant 0 : i32
      %dma_start3A_71 = arith.constant 0 : i32
      %dma_start3A_72 = tpu.memref_slice %arg9[%run_scoped3A_21, %dma_start3A, %dma_start3A_71] : memref<6x128x64xf32, #tpu.memory_space<vmem>> -> memref<1x128x64xf32, #tpu.memory_space<vmem>>
      %dma_start3A_73 = tpu.memref_squeeze %dma_start3A_72 : memref<1x128x64xf32, #tpu.memory_space<vmem>> -> memref<128x64xf32, #tpu.memory_space<vmem>>
      %dma_start3A_74 = arith.constant 0 : i32
      %dma_start3A_75 = tpu.memref_slice %arg10[%add3A_20, %dma_start3A_74] : memref<10240x64xf32, #tpu.memory_space<vmem_shared>> -> memref<128x64xf32, #tpu.memory_space<vmem_shared>>
      %dma_start3A_76 = arith.constant 0 : i32
      %dma_start3A_77 = tpu.memref_slice %arg10[%add3A_20, %dma_start3A_76] : memref<10240x64xf32, #tpu.memory_space<vmem_shared>> -> memref<128x64xf32, #tpu.memory_space<vmem_shared>>
      %dma_start3A_78 = arith.constant 0 : i32
      %dma_start3A_79 = arith.constant 0 : i32
      %dma_start3A_80 = tpu.memref_slice %arg9[%run_scoped3A_21, %dma_start3A_78, %dma_start3A_79] : memref<6x128x64xf32, #tpu.memory_space<vmem>> -> memref<1x128x64xf32, #tpu.memory_space<vmem>>
      %dma_start3A_81 = tpu.memref_squeeze %dma_start3A_80 : memref<1x128x64xf32, #tpu.memory_space<vmem>> -> memref<128x64xf32, #tpu.memory_space<vmem>>
      tpu.enqueue_dma source(%dma_start3A_81 : memref<128x64xf32, #tpu.memory_space<vmem>>) target(%dma_start3A_77 : memref<128x64xf32, #tpu.memory_space<vmem_shared>>) target_semaphore(%run_scoped3A_70 : memref<!tpu.dma_semaphore, #tpu.memory_space<semaphore_mem>>)
      %dma_wait3A = arith.constant 0 : i32
      %dma_wait3A_82 = arith.constant 0 : i32
      %dma_wait3A_83 = tpu.memref_slice %arg9[%run_scoped3A_21, %dma_wait3A, %dma_wait3A_82] : memref<6x128x64xf32, #tpu.memory_space<vmem>> -> memref<1x128x64xf32, #tpu.memory_space<vmem>>
      %dma_wait3A_84 = tpu.memref_squeeze %dma_wait3A_83 : memref<1x128x64xf32, #tpu.memory_space<vmem>> -> memref<128x64xf32, #tpu.memory_space<vmem>>
      %dma_wait3A_85 = arith.constant 0 : i32
      %dma_wait3A_86 = tpu.memref_slice %arg10[%add3A_20, %dma_wait3A_85] : memref<10240x64xf32, #tpu.memory_space<vmem_shared>> -> memref<128x64xf32, #tpu.memory_space<vmem_shared>>
      %dma_wait3A_87 = arith.constant 0 : i32
      %dma_wait3A_88 = tpu.memref_slice %arg10[%add3A_20, %dma_wait3A_87] : memref<10240x64xf32, #tpu.memory_space<vmem_shared>> -> memref<128x64xf32, #tpu.memory_space<vmem_shared>>
      %dma_wait3A_89 = arith.constant 0 : i32
      %dma_wait3A_90 = arith.constant 0 : i32
      %dma_wait3A_91 = tpu.memref_slice %arg9[%run_scoped3A_21, %dma_wait3A_89, %dma_wait3A_90] : memref<6x128x64xf32, #tpu.memory_space<vmem>> -> memref<1x128x64xf32, #tpu.memory_space<vmem>>
      %dma_wait3A_92 = tpu.memref_squeeze %dma_wait3A_91 : memref<1x128x64xf32, #tpu.memory_space<vmem>> -> memref<128x64xf32, #tpu.memory_space<vmem>>
      tpu.wait_dma2 semaphore(%run_scoped3A_70 : memref<!tpu.dma_semaphore, #tpu.memory_space<semaphore_mem>>) src(%dma_wait3A_92 : memref<128x64xf32, #tpu.memory_space<vmem>>) dst(%dma_wait3A_88 : memref<128x64xf32, #tpu.memory_space<vmem_shared>>)
      tpu.yield
    }) : () -> ()
    %add3A_22 = arith.constant 384 : i32
    %add3A_23 = arith.addi %mul3A_12, %add3A_22 : i32
    %run_scoped3A_24 = arith.constant 0 : i32
    "tpu.region"() ({
      %run_scoped3A_70 = tpu.sem_alloc : memref<!tpu.dma_semaphore, #tpu.memory_space<semaphore_mem>>
      %dma_start3A = arith.constant 0 : i32
      %dma_start3A_71 = arith.constant 0 : i32
      %dma_start3A_72 = tpu.memref_slice %arg9[%run_scoped3A_24, %dma_start3A, %dma_start3A_71] : memref<6x128x64xf32, #tpu.memory_space<vmem>> -> memref<1x128x64xf32, #tpu.memory_space<vmem>>
      %dma_start3A_73 = tpu.memref_squeeze %dma_start3A_72 : memref<1x128x64xf32, #tpu.memory_space<vmem>> -> memref<128x64xf32, #tpu.memory_space<vmem>>
      %dma_start3A_74 = arith.constant 0 : i32
      %dma_start3A_75 = tpu.memref_slice %arg10[%add3A_23, %dma_start3A_74] : memref<10240x64xf32, #tpu.memory_space<vmem_shared>> -> memref<128x64xf32, #tpu.memory_space<vmem_shared>>
      %dma_start3A_76 = arith.constant 0 : i32
      %dma_start3A_77 = tpu.memref_slice %arg10[%add3A_23, %dma_start3A_76] : memref<10240x64xf32, #tpu.memory_space<vmem_shared>> -> memref<128x64xf32, #tpu.memory_space<vmem_shared>>
      %dma_start3A_78 = arith.constant 0 : i32
      %dma_start3A_79 = arith.constant 0 : i32
      %dma_start3A_80 = tpu.memref_slice %arg9[%run_scoped3A_24, %dma_start3A_78, %dma_start3A_79] : memref<6x128x64xf32, #tpu.memory_space<vmem>> -> memref<1x128x64xf32, #tpu.memory_space<vmem>>
      %dma_start3A_81 = tpu.memref_squeeze %dma_start3A_80 : memref<1x128x64xf32, #tpu.memory_space<vmem>> -> memref<128x64xf32, #tpu.memory_space<vmem>>
      tpu.enqueue_dma source(%dma_start3A_81 : memref<128x64xf32, #tpu.memory_space<vmem>>) target(%dma_start3A_77 : memref<128x64xf32, #tpu.memory_space<vmem_shared>>) target_semaphore(%run_scoped3A_70 : memref<!tpu.dma_semaphore, #tpu.memory_space<semaphore_mem>>)
      %dma_wait3A = arith.constant 0 : i32
      %dma_wait3A_82 = arith.constant 0 : i32
      %dma_wait3A_83 = tpu.memref_slice %arg9[%run_scoped3A_24, %dma_wait3A, %dma_wait3A_82] : memref<6x128x64xf32, #tpu.memory_space<vmem>> -> memref<1x128x64xf32, #tpu.memory_space<vmem>>
      %dma_wait3A_84 = tpu.memref_squeeze %dma_wait3A_83 : memref<1x128x64xf32, #tpu.memory_space<vmem>> -> memref<128x64xf32, #tpu.memory_space<vmem>>
      %dma_wait3A_85 = arith.constant 0 : i32
      %dma_wait3A_86 = tpu.memref_slice %arg10[%add3A_23, %dma_wait3A_85] : memref<10240x64xf32, #tpu.memory_space<vmem_shared>> -> memref<128x64xf32, #tpu.memory_space<vmem_shared>>
      %dma_wait3A_87 = arith.constant 0 : i32
      %dma_wait3A_88 = tpu.memref_slice %arg10[%add3A_23, %dma_wait3A_87] : memref<10240x64xf32, #tpu.memory_space<vmem_shared>> -> memref<128x64xf32, #tpu.memory_space<vmem_shared>>
      %dma_wait3A_89 = arith.constant 0 : i32
      %dma_wait3A_90 = arith.constant 0 : i32
      %dma_wait3A_91 = tpu.memref_slice %arg9[%run_scoped3A_24, %dma_wait3A_89, %dma_wait3A_90] : memref<6x128x64xf32, #tpu.memory_space<vmem>> -> memref<1x128x64xf32, #tpu.memory_space<vmem>>
      %dma_wait3A_92 = tpu.memref_squeeze %dma_wait3A_91 : memref<1x128x64xf32, #tpu.memory_space<vmem>> -> memref<128x64xf32, #tpu.memory_space<vmem>>
      tpu.wait_dma2 semaphore(%run_scoped3A_70 : memref<!tpu.dma_semaphore, #tpu.memory_space<semaphore_mem>>) src(%dma_wait3A_92 : memref<128x64xf32, #tpu.memory_space<vmem>>) dst(%dma_wait3A_88 : memref<128x64xf32, #tpu.memory_space<vmem_shared>>)
      tpu.yield
    }) : () -> ()
    %add3A_25 = arith.constant 512 : i32
    %add3A_26 = arith.addi %mul3A_12, %add3A_25 : i32
    %run_scoped3A_27 = arith.constant 0 : i32
    "tpu.region"() ({
      %run_scoped3A_70 = tpu.sem_alloc : memref<!tpu.dma_semaphore, #tpu.memory_space<semaphore_mem>>
      %dma_start3A = arith.constant 0 : i32
      %dma_start3A_71 = arith.constant 0 : i32
      %dma_start3A_72 = tpu.memref_slice %arg9[%run_scoped3A_27, %dma_start3A, %dma_start3A_71] : memref<6x128x64xf32, #tpu.memory_space<vmem>> -> memref<1x128x64xf32, #tpu.memory_space<vmem>>
      %dma_start3A_73 = tpu.memref_squeeze %dma_start3A_72 : memref<1x128x64xf32, #tpu.memory_space<vmem>> -> memref<128x64xf32, #tpu.memory_space<vmem>>
      %dma_start3A_74 = arith.constant 0 : i32
      %dma_start3A_75 = tpu.memref_slice %arg10[%add3A_26, %dma_start3A_74] : memref<10240x64xf32, #tpu.memory_space<vmem_shared>> -> memref<128x64xf32, #tpu.memory_space<vmem_shared>>
      %dma_start3A_76 = arith.constant 0 : i32
      %dma_start3A_77 = tpu.memref_slice %arg10[%add3A_26, %dma_start3A_76] : memref<10240x64xf32, #tpu.memory_space<vmem_shared>> -> memref<128x64xf32, #tpu.memory_space<vmem_shared>>
      %dma_start3A_78 = arith.constant 0 : i32
      %dma_start3A_79 = arith.constant 0 : i32
      %dma_start3A_80 = tpu.memref_slice %arg9[%run_scoped3A_27, %dma_start3A_78, %dma_start3A_79] : memref<6x128x64xf32, #tpu.memory_space<vmem>> -> memref<1x128x64xf32, #tpu.memory_space<vmem>>
      %dma_start3A_81 = tpu.memref_squeeze %dma_start3A_80 : memref<1x128x64xf32, #tpu.memory_space<vmem>> -> memref<128x64xf32, #tpu.memory_space<vmem>>
      tpu.enqueue_dma source(%dma_start3A_81 : memref<128x64xf32, #tpu.memory_space<vmem>>) target(%dma_start3A_77 : memref<128x64xf32, #tpu.memory_space<vmem_shared>>) target_semaphore(%run_scoped3A_70 : memref<!tpu.dma_semaphore, #tpu.memory_space<semaphore_mem>>)
      %dma_wait3A = arith.constant 0 : i32
      %dma_wait3A_82 = arith.constant 0 : i32
      %dma_wait3A_83 = tpu.memref_slice %arg9[%run_scoped3A_27, %dma_wait3A, %dma_wait3A_82] : memref<6x128x64xf32, #tpu.memory_space<vmem>> -> memref<1x128x64xf32, #tpu.memory_space<vmem>>
      %dma_wait3A_84 = tpu.memref_squeeze %dma_wait3A_83 : memref<1x128x64xf32, #tpu.memory_space<vmem>> -> memref<128x64xf32, #tpu.memory_space<vmem>>
      %dma_wait3A_85 = arith.constant 0 : i32
      %dma_wait3A_86 = tpu.memref_slice %arg10[%add3A_26, %dma_wait3A_85] : memref<10240x64xf32, #tpu.memory_space<vmem_shared>> -> memref<128x64xf32, #tpu.memory_space<vmem_shared>>
      %dma_wait3A_87 = arith.constant 0 : i32
      %dma_wait3A_88 = tpu.memref_slice %arg10[%add3A_26, %dma_wait3A_87] : memref<10240x64xf32, #tpu.memory_space<vmem_shared>> -> memref<128x64xf32, #tpu.memory_space<vmem_shared>>
      %dma_wait3A_89 = arith.constant 0 : i32
      %dma_wait3A_90 = arith.constant 0 : i32
      %dma_wait3A_91 = tpu.memref_slice %arg9[%run_scoped3A_27, %dma_wait3A_89, %dma_wait3A_90] : memref<6x128x64xf32, #tpu.memory_space<vmem>> -> memref<1x128x64xf32, #tpu.memory_space<vmem>>
      %dma_wait3A_92 = tpu.memref_squeeze %dma_wait3A_91 : memref<1x128x64xf32, #tpu.memory_space<vmem>> -> memref<128x64xf32, #tpu.memory_space<vmem>>
      tpu.wait_dma2 semaphore(%run_scoped3A_70 : memref<!tpu.dma_semaphore, #tpu.memory_space<semaphore_mem>>) src(%dma_wait3A_92 : memref<128x64xf32, #tpu.memory_space<vmem>>) dst(%dma_wait3A_88 : memref<128x64xf32, #tpu.memory_space<vmem_shared>>)
      tpu.yield
    }) : () -> ()
    %barrier3A = arith.constant 0 : index
    tpu.barrier barrier_id(%barrier3A)
    %scan3A_28 = arith.constant 0 : i32
    %scan3A_29 = arith.constant 0 : i32
    %scan3A_30 = arith.constant 13 : i32
    %scan3A_31 = arith.addi %scan3A_29, %scan3A_30 : i32
    %scan3A_32 = arith.constant 1 : i32
    scf.for %scan3A_70 = %scan3A_29 to %scan3A_31 step %scan3A_32  : i32 {
      %mul3A_71 = arith.constant 6 : i32
      %mul3A_72 = arith.muli %scan3A_70, %mul3A_71 : i32
      %add3A_73 = arith.constant 0 : i32
      %add3A_74 = arith.addi %mul3A_72, %add3A_73 : i32
      %dma_start3A = arith.constant 0 : i32
      %dma_start3A_75 = arith.constant 0 : i32
      %dma_start3A_76 = arith.constant 0 : i32
      %dma_start3A_77 = tpu.memref_slice %arg9[%dma_start3A, %dma_start3A_75, %dma_start3A_76] : memref<6x128x64xf32, #tpu.memory_space<vmem>> -> memref<1x128x64xf32, #tpu.memory_space<vmem>>
      %dma_start3A_78 = tpu.memref_squeeze %dma_start3A_77 : memref<1x128x64xf32, #tpu.memory_space<vmem>> -> memref<128x64xf32, #tpu.memory_space<vmem>>
      %dma_start3A_79 = arith.constant 0 : i32
      %dma_start3A_80 = tpu.memref_slice %arg5[%add3A_74, %dma_start3A_79] : memref<78x128xi32, #tpu.memory_space<vmem>> -> memref<1x128xi32, #tpu.memory_space<vmem>>
      %dma_start3A_81 = tpu.memref_squeeze %dma_start3A_80 : memref<1x128xi32, #tpu.memory_space<vmem>> -> memref<128xi32, #tpu.memory_space<vmem>>
      %dma_start3A_82 = arith.constant 0 : i32
      %dma_start3A_83 = arith.constant 0 : i32
      %dma_start3A_84 = tpu.memref_slice %arg2[%dma_start3A_82, %dma_start3A_83] : memref<10000x64xf32, #tpu.memory_space<hbm>> -> memref<10000x64xf32, #tpu.memory_space<hbm>>
      tpu.enqueue_indirect_dma source(%dma_start3A_84 : memref<10000x64xf32, #tpu.memory_space<hbm>>) target(%dma_start3A_78 : memref<128x64xf32, #tpu.memory_space<vmem>>) offsets(%dma_start3A_81 : memref<128xi32, #tpu.memory_space<vmem>>) semaphore(%arg11 : memref<!tpu.dma_semaphore, #tpu.memory_space<semaphore_mem>>)
      %mul3A_85 = arith.constant 6 : i32
      %mul3A_86 = arith.muli %scan3A_70, %mul3A_85 : i32
      %add3A_87 = arith.constant 1 : i32
      %add3A_88 = arith.addi %mul3A_86, %add3A_87 : i32
      %dma_start3A_89 = arith.constant 1 : i32
      %dma_start3A_90 = arith.constant 0 : i32
      %dma_start3A_91 = arith.constant 0 : i32
      %dma_start3A_92 = tpu.memref_slice %arg9[%dma_start3A_89, %dma_start3A_90, %dma_start3A_91] : memref<6x128x64xf32, #tpu.memory_space<vmem>> -> memref<1x128x64xf32, #tpu.memory_space<vmem>>
      %dma_start3A_93 = tpu.memref_squeeze %dma_start3A_92 : memref<1x128x64xf32, #tpu.memory_space<vmem>> -> memref<128x64xf32, #tpu.memory_space<vmem>>
      %dma_start3A_94 = arith.constant 0 : i32
      %dma_start3A_95 = tpu.memref_slice %arg5[%add3A_88, %dma_start3A_94] : memref<78x128xi32, #tpu.memory_space<vmem>> -> memref<1x128xi32, #tpu.memory_space<vmem>>
      %dma_start3A_96 = tpu.memref_squeeze %dma_start3A_95 : memref<1x128xi32, #tpu.memory_space<vmem>> -> memref<128xi32, #tpu.memory_space<vmem>>
      %dma_start3A_97 = arith.constant 0 : i32
      %dma_start3A_98 = arith.constant 0 : i32
      %dma_start3A_99 = tpu.memref_slice %arg2[%dma_start3A_97, %dma_start3A_98] : memref<10000x64xf32, #tpu.memory_space<hbm>> -> memref<10000x64xf32, #tpu.memory_space<hbm>>
      tpu.enqueue_indirect_dma source(%dma_start3A_99 : memref<10000x64xf32, #tpu.memory_space<hbm>>) target(%dma_start3A_93 : memref<128x64xf32, #tpu.memory_space<vmem>>) offsets(%dma_start3A_96 : memref<128xi32, #tpu.memory_space<vmem>>) semaphore(%arg11 : memref<!tpu.dma_semaphore, #tpu.memory_space<semaphore_mem>>)
      %mul3A_100 = arith.constant 6 : i32
      %mul3A_101 = arith.muli %scan3A_70, %mul3A_100 : i32
      %add3A_102 = arith.constant 2 : i32
      %add3A_103 = arith.addi %mul3A_101, %add3A_102 : i32
      %dma_start3A_104 = arith.constant 2 : i32
      %dma_start3A_105 = arith.constant 0 : i32
      %dma_start3A_106 = arith.constant 0 : i32
      %dma_start3A_107 = tpu.memref_slice %arg9[%dma_start3A_104, %dma_start3A_105, %dma_start3A_106] : memref<6x128x64xf32, #tpu.memory_space<vmem>> -> memref<1x128x64xf32, #tpu.memory_space<vmem>>
      %dma_start3A_108 = tpu.memref_squeeze %dma_start3A_107 : memref<1x128x64xf32, #tpu.memory_space<vmem>> -> memref<128x64xf32, #tpu.memory_space<vmem>>
      %dma_start3A_109 = arith.constant 0 : i32
      %dma_start3A_110 = tpu.memref_slice %arg5[%add3A_103, %dma_start3A_109] : memref<78x128xi32, #tpu.memory_space<vmem>> -> memref<1x128xi32, #tpu.memory_space<vmem>>
      %dma_start3A_111 = tpu.memref_squeeze %dma_start3A_110 : memref<1x128xi32, #tpu.memory_space<vmem>> -> memref<128xi32, #tpu.memory_space<vmem>>
      %dma_start3A_112 = arith.constant 0 : i32
      %dma_start3A_113 = arith.constant 0 : i32
      %dma_start3A_114 = tpu.memref_slice %arg2[%dma_start3A_112, %dma_start3A_113] : memref<10000x64xf32, #tpu.memory_space<hbm>> -> memref<10000x64xf32, #tpu.memory_space<hbm>>
      tpu.enqueue_indirect_dma source(%dma_start3A_114 : memref<10000x64xf32, #tpu.memory_space<hbm>>) target(%dma_start3A_108 : memref<128x64xf32, #tpu.memory_space<vmem>>) offsets(%dma_start3A_111 : memref<128xi32, #tpu.memory_space<vmem>>) semaphore(%arg11 : memref<!tpu.dma_semaphore, #tpu.memory_space<semaphore_mem>>)
      %mul3A_115 = arith.constant 6 : i32
      %mul3A_116 = arith.muli %scan3A_70, %mul3A_115 : i32
      %add3A_117 = arith.constant 3 : i32
      %add3A_118 = arith.addi %mul3A_116, %add3A_117 : i32
      %dma_start3A_119 = arith.constant 3 : i32
      %dma_start3A_120 = arith.constant 0 : i32
      %dma_start3A_121 = arith.constant 0 : i32
      %dma_start3A_122 = tpu.memref_slice %arg9[%dma_start3A_119, %dma_start3A_120, %dma_start3A_121] : memref<6x128x64xf32, #tpu.memory_space<vmem>> -> memref<1x128x64xf32, #tpu.memory_space<vmem>>
      %dma_start3A_123 = tpu.memref_squeeze %dma_start3A_122 : memref<1x128x64xf32, #tpu.memory_space<vmem>> -> memref<128x64xf32, #tpu.memory_space<vmem>>
      %dma_start3A_124 = arith.constant 0 : i32
      %dma_start3A_125 = tpu.memref_slice %arg5[%add3A_118, %dma_start3A_124] : memref<78x128xi32, #tpu.memory_space<vmem>> -> memref<1x128xi32, #tpu.memory_space<vmem>>
      %dma_start3A_126 = tpu.memref_squeeze %dma_start3A_125 : memref<1x128xi32, #tpu.memory_space<vmem>> -> memref<128xi32, #tpu.memory_space<vmem>>
      %dma_start3A_127 = arith.constant 0 : i32
      %dma_start3A_128 = arith.constant 0 : i32
      %dma_start3A_129 = tpu.memref_slice %arg2[%dma_start3A_127, %dma_start3A_128] : memref<10000x64xf32, #tpu.memory_space<hbm>> -> memref<10000x64xf32, #tpu.memory_space<hbm>>
      tpu.enqueue_indirect_dma source(%dma_start3A_129 : memref<10000x64xf32, #tpu.memory_space<hbm>>) target(%dma_start3A_123 : memref<128x64xf32, #tpu.memory_space<vmem>>) offsets(%dma_start3A_126 : memref<128xi32, #tpu.memory_space<vmem>>) semaphore(%arg11 : memref<!tpu.dma_semaphore, #tpu.memory_space<semaphore_mem>>)
      %mul3A_130 = arith.constant 6 : i32
      %mul3A_131 = arith.muli %scan3A_70, %mul3A_130 : i32
      %add3A_132 = arith.constant 4 : i32
      %add3A_133 = arith.addi %mul3A_131, %add3A_132 : i32
      %dma_start3A_134 = arith.constant 4 : i32
      %dma_start3A_135 = arith.constant 0 : i32
      %dma_start3A_136 = arith.constant 0 : i32
      %dma_start3A_137 = tpu.memref_slice %arg9[%dma_start3A_134, %dma_start3A_135, %dma_start3A_136] : memref<6x128x64xf32, #tpu.memory_space<vmem>> -> memref<1x128x64xf32, #tpu.memory_space<vmem>>
      %dma_start3A_138 = tpu.memref_squeeze %dma_start3A_137 : memref<1x128x64xf32, #tpu.memory_space<vmem>> -> memref<128x64xf32, #tpu.memory_space<vmem>>
      %dma_start3A_139 = arith.constant 0 : i32
      %dma_start3A_140 = tpu.memref_slice %arg5[%add3A_133, %dma_start3A_139] : memref<78x128xi32, #tpu.memory_space<vmem>> -> memref<1x128xi32, #tpu.memory_space<vmem>>
      %dma_start3A_141 = tpu.memref_squeeze %dma_start3A_140 : memref<1x128xi32, #tpu.memory_space<vmem>> -> memref<128xi32, #tpu.memory_space<vmem>>
      %dma_start3A_142 = arith.constant 0 : i32
      %dma_start3A_143 = arith.constant 0 : i32
      %dma_start3A_144 = tpu.memref_slice %arg2[%dma_start3A_142, %dma_start3A_143] : memref<10000x64xf32, #tpu.memory_space<hbm>> -> memref<10000x64xf32, #tpu.memory_space<hbm>>
      tpu.enqueue_indirect_dma source(%dma_start3A_144 : memref<10000x64xf32, #tpu.memory_space<hbm>>) target(%dma_start3A_138 : memref<128x64xf32, #tpu.memory_space<vmem>>) offsets(%dma_start3A_141 : memref<128xi32, #tpu.memory_space<vmem>>) semaphore(%arg11 : memref<!tpu.dma_semaphore, #tpu.memory_space<semaphore_mem>>)
      %mul3A_145 = arith.constant 6 : i32
      %mul3A_146 = arith.muli %scan3A_70, %mul3A_145 : i32
      %add3A_147 = arith.constant 5 : i32
      %add3A_148 = arith.addi %mul3A_146, %add3A_147 : i32
      %dma_start3A_149 = arith.constant 5 : i32
      %dma_start3A_150 = arith.constant 0 : i32
      %dma_start3A_151 = arith.constant 0 : i32
      %dma_start3A_152 = tpu.memref_slice %arg9[%dma_start3A_149, %dma_start3A_150, %dma_start3A_151] : memref<6x128x64xf32, #tpu.memory_space<vmem>> -> memref<1x128x64xf32, #tpu.memory_space<vmem>>
      %dma_start3A_153 = tpu.memref_squeeze %dma_start3A_152 : memref<1x128x64xf32, #tpu.memory_space<vmem>> -> memref<128x64xf32, #tpu.memory_space<vmem>>
      %dma_start3A_154 = arith.constant 0 : i32
      %dma_start3A_155 = tpu.memref_slice %arg5[%add3A_148, %dma_start3A_154] : memref<78x128xi32, #tpu.memory_space<vmem>> -> memref<1x128xi32, #tpu.memory_space<vmem>>
      %dma_start3A_156 = tpu.memref_squeeze %dma_start3A_155 : memref<1x128xi32, #tpu.memory_space<vmem>> -> memref<128xi32, #tpu.memory_space<vmem>>
      %dma_start3A_157 = arith.constant 0 : i32
      %dma_start3A_158 = arith.constant 0 : i32
      %dma_start3A_159 = tpu.memref_slice %arg2[%dma_start3A_157, %dma_start3A_158] : memref<10000x64xf32, #tpu.memory_space<hbm>> -> memref<10000x64xf32, #tpu.memory_space<hbm>>
      tpu.enqueue_indirect_dma source(%dma_start3A_159 : memref<10000x64xf32, #tpu.memory_space<hbm>>) target(%dma_start3A_153 : memref<128x64xf32, #tpu.memory_space<vmem>>) offsets(%dma_start3A_156 : memref<128xi32, #tpu.memory_space<vmem>>) semaphore(%arg11 : memref<!tpu.dma_semaphore, #tpu.memory_space<semaphore_mem>>)
      %mul3A_160 = arith.constant 6 : i32
      %mul3A_161 = arith.muli %scan3A_70, %mul3A_160 : i32
      %add3A_162 = arith.constant 0 : i32
      %add3A_163 = arith.addi %mul3A_161, %add3A_162 : i32
      %dma_wait3A = arith.constant 0 : i32
      %dma_wait3A_164 = arith.constant 0 : i32
      %dma_wait3A_165 = arith.constant 0 : i32
      %dma_wait3A_166 = tpu.memref_slice %arg9[%dma_wait3A, %dma_wait3A_164, %dma_wait3A_165] : memref<6x128x64xf32, #tpu.memory_space<vmem>> -> memref<1x128x64xf32, #tpu.memory_space<vmem>>
      %dma_wait3A_167 = tpu.memref_squeeze %dma_wait3A_166 : memref<1x128x64xf32, #tpu.memory_space<vmem>> -> memref<128x64xf32, #tpu.memory_space<vmem>>
      %dma_wait3A_168 = arith.constant 0 : i32
      %dma_wait3A_169 = tpu.memref_slice %arg5[%add3A_74, %dma_wait3A_168] : memref<78x128xi32, #tpu.memory_space<vmem>> -> memref<1x128xi32, #tpu.memory_space<vmem>>
      %dma_wait3A_170 = tpu.memref_squeeze %dma_wait3A_169 : memref<1x128xi32, #tpu.memory_space<vmem>> -> memref<128xi32, #tpu.memory_space<vmem>>
      %dma_wait3A_171 = arith.constant 0 : i32
      %dma_wait3A_172 = arith.constant 0 : i32
      %dma_wait3A_173 = tpu.memref_slice %arg2[%dma_wait3A_171, %dma_wait3A_172] : memref<10000x64xf32, #tpu.memory_space<hbm>> -> memref<10000x64xf32, #tpu.memory_space<hbm>>
      tpu.wait_indirect_dma semaphore(%arg11 : memref<!tpu.dma_semaphore, #tpu.memory_space<semaphore_mem>>) src(%dma_wait3A_173 : memref<10000x64xf32, #tpu.memory_space<hbm>>) dst(%dma_wait3A_167 : memref<128x64xf32, #tpu.memory_space<vmem>>)
      %dma_start3A_174 = arith.constant 0 : i32
      %dma_start3A_175 = arith.constant 0 : i32
      %dma_start3A_176 = arith.constant 0 : i32
      %dma_start3A_177 = tpu.memref_slice %arg9[%dma_start3A_174, %dma_start3A_175, %dma_start3A_176] : memref<6x128x64xf32, #tpu.memory_space<vmem>> -> memref<1x128x64xf32, #tpu.memory_space<vmem>>
      %dma_start3A_178 = tpu.memref_squeeze %dma_start3A_177 : memref<1x128x64xf32, #tpu.memory_space<vmem>> -> memref<128x64xf32, #tpu.memory_space<vmem>>
      %dma_start3A_179 = arith.constant 0 : i32
      %dma_start3A_180 = tpu.memref_slice %arg6[%add3A_163, %dma_start3A_179] : memref<78x128xi32, #tpu.memory_space<vmem>> -> memref<1x128xi32, #tpu.memory_space<vmem>>
      %dma_start3A_181 = tpu.memref_squeeze %dma_start3A_180 : memref<1x128xi32, #tpu.memory_space<vmem>> -> memref<128xi32, #tpu.memory_space<vmem>>
      %dma_start3A_182 = arith.constant 0 : i32
      %dma_start3A_183 = arith.constant 0 : i32
      %dma_start3A_184 = tpu.memref_slice %arg10[%dma_start3A_182, %dma_start3A_183] : memref<10240x64xf32, #tpu.memory_space<vmem_shared>> -> memref<10240x64xf32, #tpu.memory_space<vmem_shared>>
      tpu.enqueue_indirect_dma source(%dma_start3A_178 : memref<128x64xf32, #tpu.memory_space<vmem>>) target(%dma_start3A_184 : memref<10240x64xf32, #tpu.memory_space<vmem_shared>>) offsets(%dma_start3A_181 : memref<128xi32, #tpu.memory_space<vmem>>) semaphore(%arg12 : memref<!tpu.dma_semaphore, #tpu.memory_space<semaphore_mem>>) {add = true}
      %mul3A_185 = arith.constant 6 : i32
      %mul3A_186 = arith.muli %scan3A_70, %mul3A_185 : i32
      %add3A_187 = arith.constant 1 : i32
      %add3A_188 = arith.addi %mul3A_186, %add3A_187 : i32
      %dma_wait3A_189 = arith.constant 1 : i32
      %dma_wait3A_190 = arith.constant 0 : i32
      %dma_wait3A_191 = arith.constant 0 : i32
      %dma_wait3A_192 = tpu.memref_slice %arg9[%dma_wait3A_189, %dma_wait3A_190, %dma_wait3A_191] : memref<6x128x64xf32, #tpu.memory_space<vmem>> -> memref<1x128x64xf32, #tpu.memory_space<vmem>>
      %dma_wait3A_193 = tpu.memref_squeeze %dma_wait3A_192 : memref<1x128x64xf32, #tpu.memory_space<vmem>> -> memref<128x64xf32, #tpu.memory_space<vmem>>
      %dma_wait3A_194 = arith.constant 0 : i32
      %dma_wait3A_195 = tpu.memref_slice %arg5[%add3A_88, %dma_wait3A_194] : memref<78x128xi32, #tpu.memory_space<vmem>> -> memref<1x128xi32, #tpu.memory_space<vmem>>
      %dma_wait3A_196 = tpu.memref_squeeze %dma_wait3A_195 : memref<1x128xi32, #tpu.memory_space<vmem>> -> memref<128xi32, #tpu.memory_space<vmem>>
      %dma_wait3A_197 = arith.constant 0 : i32
      %dma_wait3A_198 = arith.constant 0 : i32
      %dma_wait3A_199 = tpu.memref_slice %arg2[%dma_wait3A_197, %dma_wait3A_198] : memref<10000x64xf32, #tpu.memory_space<hbm>> -> memref<10000x64xf32, #tpu.memory_space<hbm>>
      tpu.wait_indirect_dma semaphore(%arg11 : memref<!tpu.dma_semaphore, #tpu.memory_space<semaphore_mem>>) src(%dma_wait3A_199 : memref<10000x64xf32, #tpu.memory_space<hbm>>) dst(%dma_wait3A_193 : memref<128x64xf32, #tpu.memory_space<vmem>>)
      %dma_start3A_200 = arith.constant 1 : i32
      %dma_start3A_201 = arith.constant 0 : i32
      %dma_start3A_202 = arith.constant 0 : i32
      %dma_start3A_203 = tpu.memref_slice %arg9[%dma_start3A_200, %dma_start3A_201, %dma_start3A_202] : memref<6x128x64xf32, #tpu.memory_space<vmem>> -> memref<1x128x64xf32, #tpu.memory_space<vmem>>
      %dma_start3A_204 = tpu.memref_squeeze %dma_start3A_203 : memref<1x128x64xf32, #tpu.memory_space<vmem>> -> memref<128x64xf32, #tpu.memory_space<vmem>>
      %dma_start3A_205 = arith.constant 0 : i32
      %dma_start3A_206 = tpu.memref_slice %arg6[%add3A_188, %dma_start3A_205] : memref<78x128xi32, #tpu.memory_space<vmem>> -> memref<1x128xi32, #tpu.memory_space<vmem>>
      %dma_start3A_207 = tpu.memref_squeeze %dma_start3A_206 : memref<1x128xi32, #tpu.memory_space<vmem>> -> memref<128xi32, #tpu.memory_space<vmem>>
      %dma_start3A_208 = arith.constant 0 : i32
      %dma_start3A_209 = arith.constant 0 : i32
      %dma_start3A_210 = tpu.memref_slice %arg10[%dma_start3A_208, %dma_start3A_209] : memref<10240x64xf32, #tpu.memory_space<vmem_shared>> -> memref<10240x64xf32, #tpu.memory_space<vmem_shared>>
      tpu.enqueue_indirect_dma source(%dma_start3A_204 : memref<128x64xf32, #tpu.memory_space<vmem>>) target(%dma_start3A_210 : memref<10240x64xf32, #tpu.memory_space<vmem_shared>>) offsets(%dma_start3A_207 : memref<128xi32, #tpu.memory_space<vmem>>) semaphore(%arg12 : memref<!tpu.dma_semaphore, #tpu.memory_space<semaphore_mem>>) {add = true}
      %mul3A_211 = arith.constant 6 : i32
      %mul3A_212 = arith.muli %scan3A_70, %mul3A_211 : i32
      %add3A_213 = arith.constant 2 : i32
      %add3A_214 = arith.addi %mul3A_212, %add3A_213 : i32
      %dma_wait3A_215 = arith.constant 2 : i32
      %dma_wait3A_216 = arith.constant 0 : i32
      %dma_wait3A_217 = arith.constant 0 : i32
      %dma_wait3A_218 = tpu.memref_slice %arg9[%dma_wait3A_215, %dma_wait3A_216, %dma_wait3A_217] : memref<6x128x64xf32, #tpu.memory_space<vmem>> -> memref<1x128x64xf32, #tpu.memory_space<vmem>>
      %dma_wait3A_219 = tpu.memref_squeeze %dma_wait3A_218 : memref<1x128x64xf32, #tpu.memory_space<vmem>> -> memref<128x64xf32, #tpu.memory_space<vmem>>
      %dma_wait3A_220 = arith.constant 0 : i32
      %dma_wait3A_221 = tpu.memref_slice %arg5[%add3A_103, %dma_wait3A_220] : memref<78x128xi32, #tpu.memory_space<vmem>> -> memref<1x128xi32, #tpu.memory_space<vmem>>
      %dma_wait3A_222 = tpu.memref_squeeze %dma_wait3A_221 : memref<1x128xi32, #tpu.memory_space<vmem>> -> memref<128xi32, #tpu.memory_space<vmem>>
      %dma_wait3A_223 = arith.constant 0 : i32
      %dma_wait3A_224 = arith.constant 0 : i32
      %dma_wait3A_225 = tpu.memref_slice %arg2[%dma_wait3A_223, %dma_wait3A_224] : memref<10000x64xf32, #tpu.memory_space<hbm>> -> memref<10000x64xf32, #tpu.memory_space<hbm>>
      tpu.wait_indirect_dma semaphore(%arg11 : memref<!tpu.dma_semaphore, #tpu.memory_space<semaphore_mem>>) src(%dma_wait3A_225 : memref<10000x64xf32, #tpu.memory_space<hbm>>) dst(%dma_wait3A_219 : memref<128x64xf32, #tpu.memory_space<vmem>>)
      %dma_start3A_226 = arith.constant 2 : i32
      %dma_start3A_227 = arith.constant 0 : i32
      %dma_start3A_228 = arith.constant 0 : i32
      %dma_start3A_229 = tpu.memref_slice %arg9[%dma_start3A_226, %dma_start3A_227, %dma_start3A_228] : memref<6x128x64xf32, #tpu.memory_space<vmem>> -> memref<1x128x64xf32, #tpu.memory_space<vmem>>
      %dma_start3A_230 = tpu.memref_squeeze %dma_start3A_229 : memref<1x128x64xf32, #tpu.memory_space<vmem>> -> memref<128x64xf32, #tpu.memory_space<vmem>>
      %dma_start3A_231 = arith.constant 0 : i32
      %dma_start3A_232 = tpu.memref_slice %arg6[%add3A_214, %dma_start3A_231] : memref<78x128xi32, #tpu.memory_space<vmem>> -> memref<1x128xi32, #tpu.memory_space<vmem>>
      %dma_start3A_233 = tpu.memref_squeeze %dma_start3A_232 : memref<1x128xi32, #tpu.memory_space<vmem>> -> memref<128xi32, #tpu.memory_space<vmem>>
      %dma_start3A_234 = arith.constant 0 : i32
      %dma_start3A_235 = arith.constant 0 : i32
      %dma_start3A_236 = tpu.memref_slice %arg10[%dma_start3A_234, %dma_start3A_235] : memref<10240x64xf32, #tpu.memory_space<vmem_shared>> -> memref<10240x64xf32, #tpu.memory_space<vmem_shared>>
      tpu.enqueue_indirect_dma source(%dma_start3A_230 : memref<128x64xf32, #tpu.memory_space<vmem>>) target(%dma_start3A_236 : memref<10240x64xf32, #tpu.memory_space<vmem_shared>>) offsets(%dma_start3A_233 : memref<128xi32, #tpu.memory_space<vmem>>) semaphore(%arg12 : memref<!tpu.dma_semaphore, #tpu.memory_space<semaphore_mem>>) {add = true}
      %mul3A_237 = arith.constant 6 : i32
      %mul3A_238 = arith.muli %scan3A_70, %mul3A_237 : i32
      %add3A_239 = arith.constant 3 : i32
      %add3A_240 = arith.addi %mul3A_238, %add3A_239 : i32
      %dma_wait3A_241 = arith.constant 3 : i32
      %dma_wait3A_242 = arith.constant 0 : i32
      %dma_wait3A_243 = arith.constant 0 : i32
      %dma_wait3A_244 = tpu.memref_slice %arg9[%dma_wait3A_241, %dma_wait3A_242, %dma_wait3A_243] : memref<6x128x64xf32, #tpu.memory_space<vmem>> -> memref<1x128x64xf32, #tpu.memory_space<vmem>>
      %dma_wait3A_245 = tpu.memref_squeeze %dma_wait3A_244 : memref<1x128x64xf32, #tpu.memory_space<vmem>> -> memref<128x64xf32, #tpu.memory_space<vmem>>
      %dma_wait3A_246 = arith.constant 0 : i32
      %dma_wait3A_247 = tpu.memref_slice %arg5[%add3A_118, %dma_wait3A_246] : memref<78x128xi32, #tpu.memory_space<vmem>> -> memref<1x128xi32, #tpu.memory_space<vmem>>
      %dma_wait3A_248 = tpu.memref_squeeze %dma_wait3A_247 : memref<1x128xi32, #tpu.memory_space<vmem>> -> memref<128xi32, #tpu.memory_space<vmem>>
      %dma_wait3A_249 = arith.constant 0 : i32
      %dma_wait3A_250 = arith.constant 0 : i32
      %dma_wait3A_251 = tpu.memref_slice %arg2[%dma_wait3A_249, %dma_wait3A_250] : memref<10000x64xf32, #tpu.memory_space<hbm>> -> memref<10000x64xf32, #tpu.memory_space<hbm>>
      tpu.wait_indirect_dma semaphore(%arg11 : memref<!tpu.dma_semaphore, #tpu.memory_space<semaphore_mem>>) src(%dma_wait3A_251 : memref<10000x64xf32, #tpu.memory_space<hbm>>) dst(%dma_wait3A_245 : memref<128x64xf32, #tpu.memory_space<vmem>>)
      %dma_start3A_252 = arith.constant 3 : i32
      %dma_start3A_253 = arith.constant 0 : i32
      %dma_start3A_254 = arith.constant 0 : i32
      %dma_start3A_255 = tpu.memref_slice %arg9[%dma_start3A_252, %dma_start3A_253, %dma_start3A_254] : memref<6x128x64xf32, #tpu.memory_space<vmem>> -> memref<1x128x64xf32, #tpu.memory_space<vmem>>
      %dma_start3A_256 = tpu.memref_squeeze %dma_start3A_255 : memref<1x128x64xf32, #tpu.memory_space<vmem>> -> memref<128x64xf32, #tpu.memory_space<vmem>>
      %dma_start3A_257 = arith.constant 0 : i32
      %dma_start3A_258 = tpu.memref_slice %arg6[%add3A_240, %dma_start3A_257] : memref<78x128xi32, #tpu.memory_space<vmem>> -> memref<1x128xi32, #tpu.memory_space<vmem>>
      %dma_start3A_259 = tpu.memref_squeeze %dma_start3A_258 : memref<1x128xi32, #tpu.memory_space<vmem>> -> memref<128xi32, #tpu.memory_space<vmem>>
      %dma_start3A_260 = arith.constant 0 : i32
      %dma_start3A_261 = arith.constant 0 : i32
      %dma_start3A_262 = tpu.memref_slice %arg10[%dma_start3A_260, %dma_start3A_261] : memref<10240x64xf32, #tpu.memory_space<vmem_shared>> -> memref<10240x64xf32, #tpu.memory_space<vmem_shared>>
      tpu.enqueue_indirect_dma source(%dma_start3A_256 : memref<128x64xf32, #tpu.memory_space<vmem>>) target(%dma_start3A_262 : memref<10240x64xf32, #tpu.memory_space<vmem_shared>>) offsets(%dma_start3A_259 : memref<128xi32, #tpu.memory_space<vmem>>) semaphore(%arg12 : memref<!tpu.dma_semaphore, #tpu.memory_space<semaphore_mem>>) {add = true}
      %mul3A_263 = arith.constant 6 : i32
      %mul3A_264 = arith.muli %scan3A_70, %mul3A_263 : i32
      %add3A_265 = arith.constant 4 : i32
      %add3A_266 = arith.addi %mul3A_264, %add3A_265 : i32
      %dma_wait3A_267 = arith.constant 4 : i32
      %dma_wait3A_268 = arith.constant 0 : i32
      %dma_wait3A_269 = arith.constant 0 : i32
      %dma_wait3A_270 = tpu.memref_slice %arg9[%dma_wait3A_267, %dma_wait3A_268, %dma_wait3A_269] : memref<6x128x64xf32, #tpu.memory_space<vmem>> -> memref<1x128x64xf32, #tpu.memory_space<vmem>>
      %dma_wait3A_271 = tpu.memref_squeeze %dma_wait3A_270 : memref<1x128x64xf32, #tpu.memory_space<vmem>> -> memref<128x64xf32, #tpu.memory_space<vmem>>
      %dma_wait3A_272 = arith.constant 0 : i32
      %dma_wait3A_273 = tpu.memref_slice %arg5[%add3A_133, %dma_wait3A_272] : memref<78x128xi32, #tpu.memory_space<vmem>> -> memref<1x128xi32, #tpu.memory_space<vmem>>
      %dma_wait3A_274 = tpu.memref_squeeze %dma_wait3A_273 : memref<1x128xi32, #tpu.memory_space<vmem>> -> memref<128xi32, #tpu.memory_space<vmem>>
      %dma_wait3A_275 = arith.constant 0 : i32
      %dma_wait3A_276 = arith.constant 0 : i32
      %dma_wait3A_277 = tpu.memref_slice %arg2[%dma_wait3A_275, %dma_wait3A_276] : memref<10000x64xf32, #tpu.memory_space<hbm>> -> memref<10000x64xf32, #tpu.memory_space<hbm>>
      tpu.wait_indirect_dma semaphore(%arg11 : memref<!tpu.dma_semaphore, #tpu.memory_space<semaphore_mem>>) src(%dma_wait3A_277 : memref<10000x64xf32, #tpu.memory_space<hbm>>) dst(%dma_wait3A_271 : memref<128x64xf32, #tpu.memory_space<vmem>>)
      %dma_start3A_278 = arith.constant 4 : i32
      %dma_start3A_279 = arith.constant 0 : i32
      %dma_start3A_280 = arith.constant 0 : i32
      %dma_start3A_281 = tpu.memref_slice %arg9[%dma_start3A_278, %dma_start3A_279, %dma_start3A_280] : memref<6x128x64xf32, #tpu.memory_space<vmem>> -> memref<1x128x64xf32, #tpu.memory_space<vmem>>
      %dma_start3A_282 = tpu.memref_squeeze %dma_start3A_281 : memref<1x128x64xf32, #tpu.memory_space<vmem>> -> memref<128x64xf32, #tpu.memory_space<vmem>>
      %dma_start3A_283 = arith.constant 0 : i32
      %dma_start3A_284 = tpu.memref_slice %arg6[%add3A_266, %dma_start3A_283] : memref<78x128xi32, #tpu.memory_space<vmem>> -> memref<1x128xi32, #tpu.memory_space<vmem>>
      %dma_start3A_285 = tpu.memref_squeeze %dma_start3A_284 : memref<1x128xi32, #tpu.memory_space<vmem>> -> memref<128xi32, #tpu.memory_space<vmem>>
      %dma_start3A_286 = arith.constant 0 : i32
      %dma_start3A_287 = arith.constant 0 : i32
      %dma_start3A_288 = tpu.memref_slice %arg10[%dma_start3A_286, %dma_start3A_287] : memref<10240x64xf32, #tpu.memory_space<vmem_shared>> -> memref<10240x64xf32, #tpu.memory_space<vmem_shared>>
      tpu.enqueue_indirect_dma source(%dma_start3A_282 : memref<128x64xf32, #tpu.memory_space<vmem>>) target(%dma_start3A_288 : memref<10240x64xf32, #tpu.memory_space<vmem_shared>>) offsets(%dma_start3A_285 : memref<128xi32, #tpu.memory_space<vmem>>) semaphore(%arg12 : memref<!tpu.dma_semaphore, #tpu.memory_space<semaphore_mem>>) {add = true}
      %mul3A_289 = arith.constant 6 : i32
      %mul3A_290 = arith.muli %scan3A_70, %mul3A_289 : i32
      %add3A_291 = arith.constant 5 : i32
      %add3A_292 = arith.addi %mul3A_290, %add3A_291 : i32
      %dma_wait3A_293 = arith.constant 5 : i32
      %dma_wait3A_294 = arith.constant 0 : i32
      %dma_wait3A_295 = arith.constant 0 : i32
      %dma_wait3A_296 = tpu.memref_slice %arg9[%dma_wait3A_293, %dma_wait3A_294, %dma_wait3A_295] : memref<6x128x64xf32, #tpu.memory_space<vmem>> -> memref<1x128x64xf32, #tpu.memory_space<vmem>>
      %dma_wait3A_297 = tpu.memref_squeeze %dma_wait3A_296 : memref<1x128x64xf32, #tpu.memory_space<vmem>> -> memref<128x64xf32, #tpu.memory_space<vmem>>
      %dma_wait3A_298 = arith.constant 0 : i32
      %dma_wait3A_299 = tpu.memref_slice %arg5[%add3A_148, %dma_wait3A_298] : memref<78x128xi32, #tpu.memory_space<vmem>> -> memref<1x128xi32, #tpu.memory_space<vmem>>
      %dma_wait3A_300 = tpu.memref_squeeze %dma_wait3A_299 : memref<1x128xi32, #tpu.memory_space<vmem>> -> memref<128xi32, #tpu.memory_space<vmem>>
      %dma_wait3A_301 = arith.constant 0 : i32
      %dma_wait3A_302 = arith.constant 0 : i32
      %dma_wait3A_303 = tpu.memref_slice %arg2[%dma_wait3A_301, %dma_wait3A_302] : memref<10000x64xf32, #tpu.memory_space<hbm>> -> memref<10000x64xf32, #tpu.memory_space<hbm>>
      tpu.wait_indirect_dma semaphore(%arg11 : memref<!tpu.dma_semaphore, #tpu.memory_space<semaphore_mem>>) src(%dma_wait3A_303 : memref<10000x64xf32, #tpu.memory_space<hbm>>) dst(%dma_wait3A_297 : memref<128x64xf32, #tpu.memory_space<vmem>>)
      %dma_start3A_304 = arith.constant 5 : i32
      %dma_start3A_305 = arith.constant 0 : i32
      %dma_start3A_306 = arith.constant 0 : i32
      %dma_start3A_307 = tpu.memref_slice %arg9[%dma_start3A_304, %dma_start3A_305, %dma_start3A_306] : memref<6x128x64xf32, #tpu.memory_space<vmem>> -> memref<1x128x64xf32, #tpu.memory_space<vmem>>
      %dma_start3A_308 = tpu.memref_squeeze %dma_start3A_307 : memref<1x128x64xf32, #tpu.memory_space<vmem>> -> memref<128x64xf32, #tpu.memory_space<vmem>>
      %dma_start3A_309 = arith.constant 0 : i32
      %dma_start3A_310 = tpu.memref_slice %arg6[%add3A_292, %dma_start3A_309] : memref<78x128xi32, #tpu.memory_space<vmem>> -> memref<1x128xi32, #tpu.memory_space<vmem>>
      %dma_start3A_311 = tpu.memref_squeeze %dma_start3A_310 : memref<1x128xi32, #tpu.memory_space<vmem>> -> memref<128xi32, #tpu.memory_space<vmem>>
      %dma_start3A_312 = arith.constant 0 : i32
      %dma_start3A_313 = arith.constant 0 : i32
      %dma_start3A_314 = tpu.memref_slice %arg10[%dma_start3A_312, %dma_start3A_313] : memref<10240x64xf32, #tpu.memory_space<vmem_shared>> -> memref<10240x64xf32, #tpu.memory_space<vmem_shared>>
      tpu.enqueue_indirect_dma source(%dma_start3A_308 : memref<128x64xf32, #tpu.memory_space<vmem>>) target(%dma_start3A_314 : memref<10240x64xf32, #tpu.memory_space<vmem_shared>>) offsets(%dma_start3A_311 : memref<128xi32, #tpu.memory_space<vmem>>) semaphore(%arg12 : memref<!tpu.dma_semaphore, #tpu.memory_space<semaphore_mem>>) {add = true}
      %dma_wait3A_315 = arith.constant 0 : i32
      %dma_wait3A_316 = arith.constant 0 : i32
      %dma_wait3A_317 = arith.constant 0 : i32
      %dma_wait3A_318 = tpu.memref_slice %arg9[%dma_wait3A_315, %dma_wait3A_316, %dma_wait3A_317] : memref<6x128x64xf32, #tpu.memory_space<vmem>> -> memref<1x128x64xf32, #tpu.memory_space<vmem>>
      %dma_wait3A_319 = tpu.memref_squeeze %dma_wait3A_318 : memref<1x128x64xf32, #tpu.memory_space<vmem>> -> memref<128x64xf32, #tpu.memory_space<vmem>>
      %dma_wait3A_320 = arith.constant 0 : i32
      %dma_wait3A_321 = tpu.memref_slice %arg6[%add3A_163, %dma_wait3A_320] : memref<78x128xi32, #tpu.memory_space<vmem>> -> memref<1x128xi32, #tpu.memory_space<vmem>>
      %dma_wait3A_322 = tpu.memref_squeeze %dma_wait3A_321 : memref<1x128xi32, #tpu.memory_space<vmem>> -> memref<128xi32, #tpu.memory_space<vmem>>
      %dma_wait3A_323 = arith.constant 0 : i32
      %dma_wait3A_324 = arith.constant 0 : i32
      %dma_wait3A_325 = tpu.memref_slice %arg10[%dma_wait3A_323, %dma_wait3A_324] : memref<10240x64xf32, #tpu.memory_space<vmem_shared>> -> memref<10240x64xf32, #tpu.memory_space<vmem_shared>>
      tpu.wait_indirect_dma semaphore(%arg12 : memref<!tpu.dma_semaphore, #tpu.memory_space<semaphore_mem>>) src(%dma_wait3A_319 : memref<128x64xf32, #tpu.memory_space<vmem>>) dst(%dma_wait3A_325 : memref<10240x64xf32, #tpu.memory_space<vmem_shared>>)
      %dma_wait3A_326 = arith.constant 1 : i32
      %dma_wait3A_327 = arith.constant 0 : i32
      %dma_wait3A_328 = arith.constant 0 : i32
      %dma_wait3A_329 = tpu.memref_slice %arg9[%dma_wait3A_326, %dma_wait3A_327, %dma_wait3A_328] : memref<6x128x64xf32, #tpu.memory_space<vmem>> -> memref<1x128x64xf32, #tpu.memory_space<vmem>>
      %dma_wait3A_330 = tpu.memref_squeeze %dma_wait3A_329 : memref<1x128x64xf32, #tpu.memory_space<vmem>> -> memref<128x64xf32, #tpu.memory_space<vmem>>
      %dma_wait3A_331 = arith.constant 0 : i32
      %dma_wait3A_332 = tpu.memref_slice %arg6[%add3A_188, %dma_wait3A_331] : memref<78x128xi32, #tpu.memory_space<vmem>> -> memref<1x128xi32, #tpu.memory_space<vmem>>
      %dma_wait3A_333 = tpu.memref_squeeze %dma_wait3A_332 : memref<1x128xi32, #tpu.memory_space<vmem>> -> memref<128xi32, #tpu.memory_space<vmem>>
      %dma_wait3A_334 = arith.constant 0 : i32
      %dma_wait3A_335 = arith.constant 0 : i32
      %dma_wait3A_336 = tpu.memref_slice %arg10[%dma_wait3A_334, %dma_wait3A_335] : memref<10240x64xf32, #tpu.memory_space<vmem_shared>> -> memref<10240x64xf32, #tpu.memory_space<vmem_shared>>
      tpu.wait_indirect_dma semaphore(%arg12 : memref<!tpu.dma_semaphore, #tpu.memory_space<semaphore_mem>>) src(%dma_wait3A_330 : memref<128x64xf32, #tpu.memory_space<vmem>>) dst(%dma_wait3A_336 : memref<10240x64xf32, #tpu.memory_space<vmem_shared>>)
      %dma_wait3A_337 = arith.constant 2 : i32
      %dma_wait3A_338 = arith.constant 0 : i32
      %dma_wait3A_339 = arith.constant 0 : i32
      %dma_wait3A_340 = tpu.memref_slice %arg9[%dma_wait3A_337, %dma_wait3A_338, %dma_wait3A_339] : memref<6x128x64xf32, #tpu.memory_space<vmem>> -> memref<1x128x64xf32, #tpu.memory_space<vmem>>
      %dma_wait3A_341 = tpu.memref_squeeze %dma_wait3A_340 : memref<1x128x64xf32, #tpu.memory_space<vmem>> -> memref<128x64xf32, #tpu.memory_space<vmem>>
      %dma_wait3A_342 = arith.constant 0 : i32
      %dma_wait3A_343 = tpu.memref_slice %arg6[%add3A_214, %dma_wait3A_342] : memref<78x128xi32, #tpu.memory_space<vmem>> -> memref<1x128xi32, #tpu.memory_space<vmem>>
      %dma_wait3A_344 = tpu.memref_squeeze %dma_wait3A_343 : memref<1x128xi32, #tpu.memory_space<vmem>> -> memref<128xi32, #tpu.memory_space<vmem>>
      %dma_wait3A_345 = arith.constant 0 : i32
      %dma_wait3A_346 = arith.constant 0 : i32
      %dma_wait3A_347 = tpu.memref_slice %arg10[%dma_wait3A_345, %dma_wait3A_346] : memref<10240x64xf32, #tpu.memory_space<vmem_shared>> -> memref<10240x64xf32, #tpu.memory_space<vmem_shared>>
      tpu.wait_indirect_dma semaphore(%arg12 : memref<!tpu.dma_semaphore, #tpu.memory_space<semaphore_mem>>) src(%dma_wait3A_341 : memref<128x64xf32, #tpu.memory_space<vmem>>) dst(%dma_wait3A_347 : memref<10240x64xf32, #tpu.memory_space<vmem_shared>>)
      %dma_wait3A_348 = arith.constant 3 : i32
      %dma_wait3A_349 = arith.constant 0 : i32
      %dma_wait3A_350 = arith.constant 0 : i32
      %dma_wait3A_351 = tpu.memref_slice %arg9[%dma_wait3A_348, %dma_wait3A_349, %dma_wait3A_350] : memref<6x128x64xf32, #tpu.memory_space<vmem>> -> memref<1x128x64xf32, #tpu.memory_space<vmem>>
      %dma_wait3A_352 = tpu.memref_squeeze %dma_wait3A_351 : memref<1x128x64xf32, #tpu.memory_space<vmem>> -> memref<128x64xf32, #tpu.memory_space<vmem>>
      %dma_wait3A_353 = arith.constant 0 : i32
      %dma_wait3A_354 = tpu.memref_slice %arg6[%add3A_240, %dma_wait3A_353] : memref<78x128xi32, #tpu.memory_space<vmem>> -> memref<1x128xi32, #tpu.memory_space<vmem>>
      %dma_wait3A_355 = tpu.memref_squeeze %dma_wait3A_354 : memref<1x128xi32, #tpu.memory_space<vmem>> -> memref<128xi32, #tpu.memory_space<vmem>>
      %dma_wait3A_356 = arith.constant 0 : i32
      %dma_wait3A_357 = arith.constant 0 : i32
      %dma_wait3A_358 = tpu.memref_slice %arg10[%dma_wait3A_356, %dma_wait3A_357] : memref<10240x64xf32, #tpu.memory_space<vmem_shared>> -> memref<10240x64xf32, #tpu.memory_space<vmem_shared>>
      tpu.wait_indirect_dma semaphore(%arg12 : memref<!tpu.dma_semaphore, #tpu.memory_space<semaphore_mem>>) src(%dma_wait3A_352 : memref<128x64xf32, #tpu.memory_space<vmem>>) dst(%dma_wait3A_358 : memref<10240x64xf32, #tpu.memory_space<vmem_shared>>)
      %dma_wait3A_359 = arith.constant 4 : i32
      %dma_wait3A_360 = arith.constant 0 : i32
      %dma_wait3A_361 = arith.constant 0 : i32
      %dma_wait3A_362 = tpu.memref_slice %arg9[%dma_wait3A_359, %dma_wait3A_360, %dma_wait3A_361] : memref<6x128x64xf32, #tpu.memory_space<vmem>> -> memref<1x128x64xf32, #tpu.memory_space<vmem>>
      %dma_wait3A_363 = tpu.memref_squeeze %dma_wait3A_362 : memref<1x128x64xf32, #tpu.memory_space<vmem>> -> memref<128x64xf32, #tpu.memory_space<vmem>>
      %dma_wait3A_364 = arith.constant 0 : i32
      %dma_wait3A_365 = tpu.memref_slice %arg6[%add3A_266, %dma_wait3A_364] : memref<78x128xi32, #tpu.memory_space<vmem>> -> memref<1x128xi32, #tpu.memory_space<vmem>>
      %dma_wait3A_366 = tpu.memref_squeeze %dma_wait3A_365 : memref<1x128xi32, #tpu.memory_space<vmem>> -> memref<128xi32, #tpu.memory_space<vmem>>
      %dma_wait3A_367 = arith.constant 0 : i32
      %dma_wait3A_368 = arith.constant 0 : i32
      %dma_wait3A_369 = tpu.memref_slice %arg10[%dma_wait3A_367, %dma_wait3A_368] : memref<10240x64xf32, #tpu.memory_space<vmem_shared>> -> memref<10240x64xf32, #tpu.memory_space<vmem_shared>>
      tpu.wait_indirect_dma semaphore(%arg12 : memref<!tpu.dma_semaphore, #tpu.memory_space<semaphore_mem>>) src(%dma_wait3A_363 : memref<128x64xf32, #tpu.memory_space<vmem>>) dst(%dma_wait3A_369 : memref<10240x64xf32, #tpu.memory_space<vmem_shared>>)
      %dma_wait3A_370 = arith.constant 5 : i32
      %dma_wait3A_371 = arith.constant 0 : i32
      %dma_wait3A_372 = arith.constant 0 : i32
      %dma_wait3A_373 = tpu.memref_slice %arg9[%dma_wait3A_370, %dma_wait3A_371, %dma_wait3A_372] : memref<6x128x64xf32, #tpu.memory_space<vmem>> -> memref<1x128x64xf32, #tpu.memory_space<vmem>>
      %dma_wait3A_374 = tpu.memref_squeeze %dma_wait3A_373 : memref<1x128x64xf32, #tpu.memory_space<vmem>> -> memref<128x64xf32, #tpu.memory_space<vmem>>
      %dma_wait3A_375 = arith.constant 0 : i32
      %dma_wait3A_376 = tpu.memref_slice %arg6[%add3A_292, %dma_wait3A_375] : memref<78x128xi32, #tpu.memory_space<vmem>> -> memref<1x128xi32, #tpu.memory_space<vmem>>
      %dma_wait3A_377 = tpu.memref_squeeze %dma_wait3A_376 : memref<1x128xi32, #tpu.memory_space<vmem>> -> memref<128xi32, #tpu.memory_space<vmem>>
      %dma_wait3A_378 = arith.constant 0 : i32
      %dma_wait3A_379 = arith.constant 0 : i32
      %dma_wait3A_380 = tpu.memref_slice %arg10[%dma_wait3A_378, %dma_wait3A_379] : memref<10240x64xf32, #tpu.memory_space<vmem_shared>> -> memref<10240x64xf32, #tpu.memory_space<vmem_shared>>
      tpu.wait_indirect_dma semaphore(%arg12 : memref<!tpu.dma_semaphore, #tpu.memory_space<semaphore_mem>>) src(%dma_wait3A_374 : memref<128x64xf32, #tpu.memory_space<vmem>>) dst(%dma_wait3A_380 : memref<10240x64xf32, #tpu.memory_space<vmem_shared>>)
    }
    %scan3A_33 = arith.constant 13 : i32
    %lt3A_34 = arith.constant 4 : i32
    %lt3A_35 = arith.cmpi slt, %add3A, %lt3A_34 : i32
    %convert_element_type3A_36 = arith.extui %lt3A_35 : i1 to i32
    %cond3A_37 = arith.constant 0 : i32
    %cond3A_38 = arith.cmpi ne, %convert_element_type3A_36, %cond3A_37 : i32
    scf.if %cond3A_38 {
      %dma_start3A = arith.constant 0 : i32
      %dma_start3A_70 = arith.constant 0 : i32
      %dma_start3A_71 = arith.constant 0 : i32
      %dma_start3A_72 = arith.constant 0 : i32
      %dma_start3A_73 = tpu.memref_slice %arg9[%dma_start3A_70, %dma_start3A_71, %dma_start3A_72] : memref<6x128x64xf32, #tpu.memory_space<vmem>> -> memref<1x128x64xf32, #tpu.memory_space<vmem>>
      %dma_start3A_74 = tpu.memref_squeeze %dma_start3A_73 : memref<1x128x64xf32, #tpu.memory_space<vmem>> -> memref<128x64xf32, #tpu.memory_space<vmem>>
      %dma_start3A_75 = arith.constant 0 : i32
      %dma_start3A_76 = tpu.memref_slice %arg7[%dma_start3A, %dma_start3A_75] : memref<1x128xi32, #tpu.memory_space<vmem>> -> memref<1x128xi32, #tpu.memory_space<vmem>>
      %dma_start3A_77 = tpu.memref_squeeze %dma_start3A_76 : memref<1x128xi32, #tpu.memory_space<vmem>> -> memref<128xi32, #tpu.memory_space<vmem>>
      %dma_start3A_78 = arith.constant 0 : i32
      %dma_start3A_79 = arith.constant 0 : i32
      %dma_start3A_80 = tpu.memref_slice %arg2[%dma_start3A_78, %dma_start3A_79] : memref<10000x64xf32, #tpu.memory_space<hbm>> -> memref<10000x64xf32, #tpu.memory_space<hbm>>
      tpu.enqueue_indirect_dma source(%dma_start3A_80 : memref<10000x64xf32, #tpu.memory_space<hbm>>) target(%dma_start3A_74 : memref<128x64xf32, #tpu.memory_space<vmem>>) offsets(%dma_start3A_77 : memref<128xi32, #tpu.memory_space<vmem>>) semaphore(%arg11 : memref<!tpu.dma_semaphore, #tpu.memory_space<semaphore_mem>>)
      %dma_wait3A = arith.constant 0 : i32
      %dma_wait3A_81 = arith.constant 0 : i32
      %dma_wait3A_82 = arith.constant 0 : i32
      %dma_wait3A_83 = arith.constant 0 : i32
      %dma_wait3A_84 = tpu.memref_slice %arg9[%dma_wait3A_81, %dma_wait3A_82, %dma_wait3A_83] : memref<6x128x64xf32, #tpu.memory_space<vmem>> -> memref<1x128x64xf32, #tpu.memory_space<vmem>>
      %dma_wait3A_85 = tpu.memref_squeeze %dma_wait3A_84 : memref<1x128x64xf32, #tpu.memory_space<vmem>> -> memref<128x64xf32, #tpu.memory_space<vmem>>
      %dma_wait3A_86 = arith.constant 0 : i32
      %dma_wait3A_87 = tpu.memref_slice %arg7[%dma_wait3A, %dma_wait3A_86] : memref<1x128xi32, #tpu.memory_space<vmem>> -> memref<1x128xi32, #tpu.memory_space<vmem>>
      %dma_wait3A_88 = tpu.memref_squeeze %dma_wait3A_87 : memref<1x128xi32, #tpu.memory_space<vmem>> -> memref<128xi32, #tpu.memory_space<vmem>>
      %dma_wait3A_89 = arith.constant 0 : i32
      %dma_wait3A_90 = arith.constant 0 : i32
      %dma_wait3A_91 = tpu.memref_slice %arg2[%dma_wait3A_89, %dma_wait3A_90] : memref<10000x64xf32, #tpu.memory_space<hbm>> -> memref<10000x64xf32, #tpu.memory_space<hbm>>
      tpu.wait_indirect_dma semaphore(%arg11 : memref<!tpu.dma_semaphore, #tpu.memory_space<semaphore_mem>>) src(%dma_wait3A_91 : memref<10000x64xf32, #tpu.memory_space<hbm>>) dst(%dma_wait3A_85 : memref<128x64xf32, #tpu.memory_space<vmem>>)
      %dma_start3A_92 = arith.constant 0 : i32
      %dma_start3A_93 = arith.constant 0 : i32
      %dma_start3A_94 = arith.constant 0 : i32
      %dma_start3A_95 = arith.constant 0 : i32
      %dma_start3A_96 = tpu.memref_slice %arg9[%dma_start3A_92, %dma_start3A_94, %dma_start3A_95] : memref<6x128x64xf32, #tpu.memory_space<vmem>> -> memref<1x128x64xf32, #tpu.memory_space<vmem>>
      %dma_start3A_97 = tpu.memref_squeeze %dma_start3A_96 : memref<1x128x64xf32, #tpu.memory_space<vmem>> -> memref<128x64xf32, #tpu.memory_space<vmem>>
      %dma_start3A_98 = arith.constant 0 : i32
      %dma_start3A_99 = tpu.memref_slice %arg8[%dma_start3A_93, %dma_start3A_98] : memref<1x128xi32, #tpu.memory_space<vmem>> -> memref<1x128xi32, #tpu.memory_space<vmem>>
      %dma_start3A_100 = tpu.memref_squeeze %dma_start3A_99 : memref<1x128xi32, #tpu.memory_space<vmem>> -> memref<128xi32, #tpu.memory_space<vmem>>
      %dma_start3A_101 = arith.constant 0 : i32
      %dma_start3A_102 = arith.constant 0 : i32
      %dma_start3A_103 = tpu.memref_slice %arg10[%dma_start3A_101, %dma_start3A_102] : memref<10240x64xf32, #tpu.memory_space<vmem_shared>> -> memref<10240x64xf32, #tpu.memory_space<vmem_shared>>
      tpu.enqueue_indirect_dma source(%dma_start3A_97 : memref<128x64xf32, #tpu.memory_space<vmem>>) target(%dma_start3A_103 : memref<10240x64xf32, #tpu.memory_space<vmem_shared>>) offsets(%dma_start3A_100 : memref<128xi32, #tpu.memory_space<vmem>>) semaphore(%arg12 : memref<!tpu.dma_semaphore, #tpu.memory_space<semaphore_mem>>) {add = true}
      %dma_wait3A_104 = arith.constant 0 : i32
      %dma_wait3A_105 = arith.constant 0 : i32
      %dma_wait3A_106 = arith.constant 0 : i32
      %dma_wait3A_107 = arith.constant 0 : i32
      %dma_wait3A_108 = tpu.memref_slice %arg9[%dma_wait3A_104, %dma_wait3A_106, %dma_wait3A_107] : memref<6x128x64xf32, #tpu.memory_space<vmem>> -> memref<1x128x64xf32, #tpu.memory_space<vmem>>
      %dma_wait3A_109 = tpu.memref_squeeze %dma_wait3A_108 : memref<1x128x64xf32, #tpu.memory_space<vmem>> -> memref<128x64xf32, #tpu.memory_space<vmem>>
      %dma_wait3A_110 = arith.constant 0 : i32
      %dma_wait3A_111 = tpu.memref_slice %arg8[%dma_wait3A_105, %dma_wait3A_110] : memref<1x128xi32, #tpu.memory_space<vmem>> -> memref<1x128xi32, #tpu.memory_space<vmem>>
      %dma_wait3A_112 = tpu.memref_squeeze %dma_wait3A_111 : memref<1x128xi32, #tpu.memory_space<vmem>> -> memref<128xi32, #tpu.memory_space<vmem>>
      %dma_wait3A_113 = arith.constant 0 : i32
      %dma_wait3A_114 = arith.constant 0 : i32
      %dma_wait3A_115 = tpu.memref_slice %arg10[%dma_wait3A_113, %dma_wait3A_114] : memref<10240x64xf32, #tpu.memory_space<vmem_shared>> -> memref<10240x64xf32, #tpu.memory_space<vmem_shared>>
      tpu.wait_indirect_dma semaphore(%arg12 : memref<!tpu.dma_semaphore, #tpu.memory_space<semaphore_mem>>) src(%dma_wait3A_109 : memref<128x64xf32, #tpu.memory_space<vmem>>) dst(%dma_wait3A_115 : memref<10240x64xf32, #tpu.memory_space<vmem_shared>>)
    } else {
    }
    %barrier3A_39 = arith.constant 0 : index
    tpu.barrier barrier_id(%barrier3A_39)
    %add3A_40 = arith.constant 0 : i32
    %add3A_41 = arith.addi %mul3A_12, %add3A_40 : i32
    %run_scoped3A_42 = arith.constant 0 : i32
    "tpu.region"() ({
      %run_scoped3A_70 = tpu.sem_alloc : memref<!tpu.dma_semaphore, #tpu.memory_space<semaphore_mem>>
      %dma_start3A = arith.constant 0 : i32
      %dma_start3A_71 = arith.constant 0 : i32
      %dma_start3A_72 = tpu.memref_slice %arg9[%run_scoped3A_42, %dma_start3A, %dma_start3A_71] : memref<6x128x64xf32, #tpu.memory_space<vmem>> -> memref<1x128x64xf32, #tpu.memory_space<vmem>>
      %dma_start3A_73 = tpu.memref_squeeze %dma_start3A_72 : memref<1x128x64xf32, #tpu.memory_space<vmem>> -> memref<128x64xf32, #tpu.memory_space<vmem>>
      %dma_start3A_74 = arith.constant 0 : i32
      %dma_start3A_75 = tpu.memref_slice %arg10[%add3A_41, %dma_start3A_74] : memref<10240x64xf32, #tpu.memory_space<vmem_shared>> -> memref<128x64xf32, #tpu.memory_space<vmem_shared>>
      %dma_start3A_76 = arith.constant 0 : i32
      %dma_start3A_77 = arith.constant 0 : i32
      %dma_start3A_78 = tpu.memref_slice %arg9[%run_scoped3A_42, %dma_start3A_76, %dma_start3A_77] : memref<6x128x64xf32, #tpu.memory_space<vmem>> -> memref<1x128x64xf32, #tpu.memory_space<vmem>>
      %dma_start3A_79 = tpu.memref_squeeze %dma_start3A_78 : memref<1x128x64xf32, #tpu.memory_space<vmem>> -> memref<128x64xf32, #tpu.memory_space<vmem>>
      %dma_start3A_80 = arith.constant 0 : i32
      %dma_start3A_81 = tpu.memref_slice %arg10[%add3A_41, %dma_start3A_80] : memref<10240x64xf32, #tpu.memory_space<vmem_shared>> -> memref<128x64xf32, #tpu.memory_space<vmem_shared>>
      tpu.enqueue_dma source(%dma_start3A_81 : memref<128x64xf32, #tpu.memory_space<vmem_shared>>) target(%dma_start3A_79 : memref<128x64xf32, #tpu.memory_space<vmem>>) target_semaphore(%run_scoped3A_70 : memref<!tpu.dma_semaphore, #tpu.memory_space<semaphore_mem>>)
      %dma_wait3A = arith.constant 0 : i32
      %dma_wait3A_82 = arith.constant 0 : i32
      %dma_wait3A_83 = tpu.memref_slice %arg9[%run_scoped3A_42, %dma_wait3A, %dma_wait3A_82] : memref<6x128x64xf32, #tpu.memory_space<vmem>> -> memref<1x128x64xf32, #tpu.memory_space<vmem>>
      %dma_wait3A_84 = tpu.memref_squeeze %dma_wait3A_83 : memref<1x128x64xf32, #tpu.memory_space<vmem>> -> memref<128x64xf32, #tpu.memory_space<vmem>>
      %dma_wait3A_85 = arith.constant 0 : i32
      %dma_wait3A_86 = tpu.memref_slice %arg10[%add3A_41, %dma_wait3A_85] : memref<10240x64xf32, #tpu.memory_space<vmem_shared>> -> memref<128x64xf32, #tpu.memory_space<vmem_shared>>
      %dma_wait3A_87 = arith.constant 0 : i32
      %dma_wait3A_88 = arith.constant 0 : i32
      %dma_wait3A_89 = tpu.memref_slice %arg9[%run_scoped3A_42, %dma_wait3A_87, %dma_wait3A_88] : memref<6x128x64xf32, #tpu.memory_space<vmem>> -> memref<1x128x64xf32, #tpu.memory_space<vmem>>
      %dma_wait3A_90 = tpu.memref_squeeze %dma_wait3A_89 : memref<1x128x64xf32, #tpu.memory_space<vmem>> -> memref<128x64xf32, #tpu.memory_space<vmem>>
      %dma_wait3A_91 = arith.constant 0 : i32
      %dma_wait3A_92 = tpu.memref_slice %arg10[%add3A_41, %dma_wait3A_91] : memref<10240x64xf32, #tpu.memory_space<vmem_shared>> -> memref<128x64xf32, #tpu.memory_space<vmem_shared>>
      tpu.wait_dma2 semaphore(%run_scoped3A_70 : memref<!tpu.dma_semaphore, #tpu.memory_space<semaphore_mem>>) src(%dma_wait3A_92 : memref<128x64xf32, #tpu.memory_space<vmem_shared>>) dst(%dma_wait3A_90 : memref<128x64xf32, #tpu.memory_space<vmem>>)
      tpu.yield
    }) : () -> ()
    %add3A_43 = arith.constant 0 : i32
    %add3A_44 = arith.addi %mul3A_12, %add3A_43 : i32
    %run_scoped3A_45 = arith.constant 0 : i32
    "tpu.region"() ({
      %run_scoped3A_70 = tpu.sem_alloc : memref<!tpu.dma_semaphore, #tpu.memory_space<semaphore_mem>>
      %dma_start3A = arith.constant 0 : i32
      %dma_start3A_71 = arith.constant 0 : i32
      %dma_start3A_72 = tpu.memref_slice %arg9[%run_scoped3A_45, %dma_start3A, %dma_start3A_71] : memref<6x128x64xf32, #tpu.memory_space<vmem>> -> memref<1x128x64xf32, #tpu.memory_space<vmem>>
      %dma_start3A_73 = tpu.memref_squeeze %dma_start3A_72 : memref<1x128x64xf32, #tpu.memory_space<vmem>> -> memref<128x64xf32, #tpu.memory_space<vmem>>
      %dma_start3A_74 = arith.constant 0 : i32
      %dma_start3A_75 = tpu.memref_slice %arg4[%arg0, %add3A_44, %dma_start3A_74] : memref<2x10240x64xf32, #tpu.memory_space<hbm>> -> memref<1x128x64xf32, #tpu.memory_space<hbm>>
      %dma_start3A_76 = tpu.memref_squeeze %dma_start3A_75 : memref<1x128x64xf32, #tpu.memory_space<hbm>> -> memref<128x64xf32, #tpu.memory_space<hbm>>
      %dma_start3A_77 = arith.constant 0 : i32
      %dma_start3A_78 = tpu.memref_slice %arg4[%arg0, %add3A_44, %dma_start3A_77] : memref<2x10240x64xf32, #tpu.memory_space<hbm>> -> memref<1x128x64xf32, #tpu.memory_space<hbm>>
      %dma_start3A_79 = tpu.memref_squeeze %dma_start3A_78 : memref<1x128x64xf32, #tpu.memory_space<hbm>> -> memref<128x64xf32, #tpu.memory_space<hbm>>
      %dma_start3A_80 = arith.constant 0 : i32
      %dma_start3A_81 = arith.constant 0 : i32
      %dma_start3A_82 = tpu.memref_slice %arg9[%run_scoped3A_45, %dma_start3A_80, %dma_start3A_81] : memref<6x128x64xf32, #tpu.memory_space<vmem>> -> memref<1x128x64xf32, #tpu.memory_space<vmem>>
      %dma_start3A_83 = tpu.memref_squeeze %dma_start3A_82 : memref<1x128x64xf32, #tpu.memory_space<vmem>> -> memref<128x64xf32, #tpu.memory_space<vmem>>
      tpu.enqueue_dma source(%dma_start3A_83 : memref<128x64xf32, #tpu.memory_space<vmem>>) target(%dma_start3A_79 : memref<128x64xf32, #tpu.memory_space<hbm>>) target_semaphore(%run_scoped3A_70 : memref<!tpu.dma_semaphore, #tpu.memory_space<semaphore_mem>>)
      %dma_wait3A = arith.constant 0 : i32
      %dma_wait3A_84 = arith.constant 0 : i32
      %dma_wait3A_85 = tpu.memref_slice %arg9[%run_scoped3A_45, %dma_wait3A, %dma_wait3A_84] : memref<6x128x64xf32, #tpu.memory_space<vmem>> -> memref<1x128x64xf32, #tpu.memory_space<vmem>>
      %dma_wait3A_86 = tpu.memref_squeeze %dma_wait3A_85 : memref<1x128x64xf32, #tpu.memory_space<vmem>> -> memref<128x64xf32, #tpu.memory_space<vmem>>
      %dma_wait3A_87 = arith.constant 0 : i32
      %dma_wait3A_88 = tpu.memref_slice %arg4[%arg0, %add3A_44, %dma_wait3A_87] : memref<2x10240x64xf32, #tpu.memory_space<hbm>> -> memref<1x128x64xf32, #tpu.memory_space<hbm>>
      %dma_wait3A_89 = tpu.memref_squeeze %dma_wait3A_88 : memref<1x128x64xf32, #tpu.memory_space<hbm>> -> memref<128x64xf32, #tpu.memory_space<hbm>>
      %dma_wait3A_90 = arith.constant 0 : i32
      %dma_wait3A_91 = tpu.memref_slice %arg4[%arg0, %add3A_44, %dma_wait3A_90] : memref<2x10240x64xf32, #tpu.memory_space<hbm>> -> memref<1x128x64xf32, #tpu.memory_space<hbm>>
      %dma_wait3A_92 = tpu.memref_squeeze %dma_wait3A_91 : memref<1x128x64xf32, #tpu.memory_space<hbm>> -> memref<128x64xf32, #tpu.memory_space<hbm>>
      %dma_wait3A_93 = arith.constant 0 : i32
      %dma_wait3A_94 = arith.constant 0 : i32
      %dma_wait3A_95 = tpu.memref_slice %arg9[%run_scoped3A_45, %dma_wait3A_93, %dma_wait3A_94] : memref<6x128x64xf32, #tpu.memory_space<vmem>> -> memref<1x128x64xf32, #tpu.memory_space<vmem>>
      %dma_wait3A_96 = tpu.memref_squeeze %dma_wait3A_95 : memref<1x128x64xf32, #tpu.memory_space<vmem>> -> memref<128x64xf32, #tpu.memory_space<vmem>>
      tpu.wait_dma2 semaphore(%run_scoped3A_70 : memref<!tpu.dma_semaphore, #tpu.memory_space<semaphore_mem>>) src(%dma_wait3A_96 : memref<128x64xf32, #tpu.memory_space<vmem>>) dst(%dma_wait3A_92 : memref<128x64xf32, #tpu.memory_space<hbm>>)
      tpu.yield
    }) : () -> ()
    %add3A_46 = arith.constant 128 : i32
    %add3A_47 = arith.addi %mul3A_12, %add3A_46 : i32
    %run_scoped3A_48 = arith.constant 0 : i32
    "tpu.region"() ({
      %run_scoped3A_70 = tpu.sem_alloc : memref<!tpu.dma_semaphore, #tpu.memory_space<semaphore_mem>>
      %dma_start3A = arith.constant 0 : i32
      %dma_start3A_71 = arith.constant 0 : i32
      %dma_start3A_72 = tpu.memref_slice %arg9[%run_scoped3A_48, %dma_start3A, %dma_start3A_71] : memref<6x128x64xf32, #tpu.memory_space<vmem>> -> memref<1x128x64xf32, #tpu.memory_space<vmem>>
      %dma_start3A_73 = tpu.memref_squeeze %dma_start3A_72 : memref<1x128x64xf32, #tpu.memory_space<vmem>> -> memref<128x64xf32, #tpu.memory_space<vmem>>
      %dma_start3A_74 = arith.constant 0 : i32
      %dma_start3A_75 = tpu.memref_slice %arg10[%add3A_47, %dma_start3A_74] : memref<10240x64xf32, #tpu.memory_space<vmem_shared>> -> memref<128x64xf32, #tpu.memory_space<vmem_shared>>
      %dma_start3A_76 = arith.constant 0 : i32
      %dma_start3A_77 = arith.constant 0 : i32
      %dma_start3A_78 = tpu.memref_slice %arg9[%run_scoped3A_48, %dma_start3A_76, %dma_start3A_77] : memref<6x128x64xf32, #tpu.memory_space<vmem>> -> memref<1x128x64xf32, #tpu.memory_space<vmem>>
      %dma_start3A_79 = tpu.memref_squeeze %dma_start3A_78 : memref<1x128x64xf32, #tpu.memory_space<vmem>> -> memref<128x64xf32, #tpu.memory_space<vmem>>
      %dma_start3A_80 = arith.constant 0 : i32
      %dma_start3A_81 = tpu.memref_slice %arg10[%add3A_47, %dma_start3A_80] : memref<10240x64xf32, #tpu.memory_space<vmem_shared>> -> memref<128x64xf32, #tpu.memory_space<vmem_shared>>
      tpu.enqueue_dma source(%dma_start3A_81 : memref<128x64xf32, #tpu.memory_space<vmem_shared>>) target(%dma_start3A_79 : memref<128x64xf32, #tpu.memory_space<vmem>>) target_semaphore(%run_scoped3A_70 : memref<!tpu.dma_semaphore, #tpu.memory_space<semaphore_mem>>)
      %dma_wait3A = arith.constant 0 : i32
      %dma_wait3A_82 = arith.constant 0 : i32
      %dma_wait3A_83 = tpu.memref_slice %arg9[%run_scoped3A_48, %dma_wait3A, %dma_wait3A_82] : memref<6x128x64xf32, #tpu.memory_space<vmem>> -> memref<1x128x64xf32, #tpu.memory_space<vmem>>
      %dma_wait3A_84 = tpu.memref_squeeze %dma_wait3A_83 : memref<1x128x64xf32, #tpu.memory_space<vmem>> -> memref<128x64xf32, #tpu.memory_space<vmem>>
      %dma_wait3A_85 = arith.constant 0 : i32
      %dma_wait3A_86 = tpu.memref_slice %arg10[%add3A_47, %dma_wait3A_85] : memref<10240x64xf32, #tpu.memory_space<vmem_shared>> -> memref<128x64xf32, #tpu.memory_space<vmem_shared>>
      %dma_wait3A_87 = arith.constant 0 : i32
      %dma_wait3A_88 = arith.constant 0 : i32
      %dma_wait3A_89 = tpu.memref_slice %arg9[%run_scoped3A_48, %dma_wait3A_87, %dma_wait3A_88] : memref<6x128x64xf32, #tpu.memory_space<vmem>> -> memref<1x128x64xf32, #tpu.memory_space<vmem>>
      %dma_wait3A_90 = tpu.memref_squeeze %dma_wait3A_89 : memref<1x128x64xf32, #tpu.memory_space<vmem>> -> memref<128x64xf32, #tpu.memory_space<vmem>>
      %dma_wait3A_91 = arith.constant 0 : i32
      %dma_wait3A_92 = tpu.memref_slice %arg10[%add3A_47, %dma_wait3A_91] : memref<10240x64xf32, #tpu.memory_space<vmem_shared>> -> memref<128x64xf32, #tpu.memory_space<vmem_shared>>
      tpu.wait_dma2 semaphore(%run_scoped3A_70 : memref<!tpu.dma_semaphore, #tpu.memory_space<semaphore_mem>>) src(%dma_wait3A_92 : memref<128x64xf32, #tpu.memory_space<vmem_shared>>) dst(%dma_wait3A_90 : memref<128x64xf32, #tpu.memory_space<vmem>>)
      tpu.yield
    }) : () -> ()
    %add3A_49 = arith.constant 128 : i32
    %add3A_50 = arith.addi %mul3A_12, %add3A_49 : i32
    %run_scoped3A_51 = arith.constant 0 : i32
    "tpu.region"() ({
      %run_scoped3A_70 = tpu.sem_alloc : memref<!tpu.dma_semaphore, #tpu.memory_space<semaphore_mem>>
      %dma_start3A = arith.constant 0 : i32
      %dma_start3A_71 = arith.constant 0 : i32
      %dma_start3A_72 = tpu.memref_slice %arg9[%run_scoped3A_51, %dma_start3A, %dma_start3A_71] : memref<6x128x64xf32, #tpu.memory_space<vmem>> -> memref<1x128x64xf32, #tpu.memory_space<vmem>>
      %dma_start3A_73 = tpu.memref_squeeze %dma_start3A_72 : memref<1x128x64xf32, #tpu.memory_space<vmem>> -> memref<128x64xf32, #tpu.memory_space<vmem>>
      %dma_start3A_74 = arith.constant 0 : i32
      %dma_start3A_75 = tpu.memref_slice %arg4[%arg0, %add3A_50, %dma_start3A_74] : memref<2x10240x64xf32, #tpu.memory_space<hbm>> -> memref<1x128x64xf32, #tpu.memory_space<hbm>>
      %dma_start3A_76 = tpu.memref_squeeze %dma_start3A_75 : memref<1x128x64xf32, #tpu.memory_space<hbm>> -> memref<128x64xf32, #tpu.memory_space<hbm>>
      %dma_start3A_77 = arith.constant 0 : i32
      %dma_start3A_78 = tpu.memref_slice %arg4[%arg0, %add3A_50, %dma_start3A_77] : memref<2x10240x64xf32, #tpu.memory_space<hbm>> -> memref<1x128x64xf32, #tpu.memory_space<hbm>>
      %dma_start3A_79 = tpu.memref_squeeze %dma_start3A_78 : memref<1x128x64xf32, #tpu.memory_space<hbm>> -> memref<128x64xf32, #tpu.memory_space<hbm>>
      %dma_start3A_80 = arith.constant 0 : i32
      %dma_start3A_81 = arith.constant 0 : i32
      %dma_start3A_82 = tpu.memref_slice %arg9[%run_scoped3A_51, %dma_start3A_80, %dma_start3A_81] : memref<6x128x64xf32, #tpu.memory_space<vmem>> -> memref<1x128x64xf32, #tpu.memory_space<vmem>>
      %dma_start3A_83 = tpu.memref_squeeze %dma_start3A_82 : memref<1x128x64xf32, #tpu.memory_space<vmem>> -> memref<128x64xf32, #tpu.memory_space<vmem>>
      tpu.enqueue_dma source(%dma_start3A_83 : memref<128x64xf32, #tpu.memory_space<vmem>>) target(%dma_start3A_79 : memref<128x64xf32, #tpu.memory_space<hbm>>) target_semaphore(%run_scoped3A_70 : memref<!tpu.dma_semaphore, #tpu.memory_space<semaphore_mem>>)
      %dma_wait3A = arith.constant 0 : i32
      %dma_wait3A_84 = arith.constant 0 : i32
      %dma_wait3A_85 = tpu.memref_slice %arg9[%run_scoped3A_51, %dma_wait3A, %dma_wait3A_84] : memref<6x128x64xf32, #tpu.memory_space<vmem>> -> memref<1x128x64xf32, #tpu.memory_space<vmem>>
      %dma_wait3A_86 = tpu.memref_squeeze %dma_wait3A_85 : memref<1x128x64xf32, #tpu.memory_space<vmem>> -> memref<128x64xf32, #tpu.memory_space<vmem>>
      %dma_wait3A_87 = arith.constant 0 : i32
      %dma_wait3A_88 = tpu.memref_slice %arg4[%arg0, %add3A_50, %dma_wait3A_87] : memref<2x10240x64xf32, #tpu.memory_space<hbm>> -> memref<1x128x64xf32, #tpu.memory_space<hbm>>
      %dma_wait3A_89 = tpu.memref_squeeze %dma_wait3A_88 : memref<1x128x64xf32, #tpu.memory_space<hbm>> -> memref<128x64xf32, #tpu.memory_space<hbm>>
      %dma_wait3A_90 = arith.constant 0 : i32
      %dma_wait3A_91 = tpu.memref_slice %arg4[%arg0, %add3A_50, %dma_wait3A_90] : memref<2x10240x64xf32, #tpu.memory_space<hbm>> -> memref<1x128x64xf32, #tpu.memory_space<hbm>>
      %dma_wait3A_92 = tpu.memref_squeeze %dma_wait3A_91 : memref<1x128x64xf32, #tpu.memory_space<hbm>> -> memref<128x64xf32, #tpu.memory_space<hbm>>
      %dma_wait3A_93 = arith.constant 0 : i32
      %dma_wait3A_94 = arith.constant 0 : i32
      %dma_wait3A_95 = tpu.memref_slice %arg9[%run_scoped3A_51, %dma_wait3A_93, %dma_wait3A_94] : memref<6x128x64xf32, #tpu.memory_space<vmem>> -> memref<1x128x64xf32, #tpu.memory_space<vmem>>
      %dma_wait3A_96 = tpu.memref_squeeze %dma_wait3A_95 : memref<1x128x64xf32, #tpu.memory_space<vmem>> -> memref<128x64xf32, #tpu.memory_space<vmem>>
      tpu.wait_dma2 semaphore(%run_scoped3A_70 : memref<!tpu.dma_semaphore, #tpu.memory_space<semaphore_mem>>) src(%dma_wait3A_96 : memref<128x64xf32, #tpu.memory_space<vmem>>) dst(%dma_wait3A_92 : memref<128x64xf32, #tpu.memory_space<hbm>>)
      tpu.yield
    }) : () -> ()
    %add3A_52 = arith.constant 256 : i32
    %add3A_53 = arith.addi %mul3A_12, %add3A_52 : i32
    %run_scoped3A_54 = arith.constant 0 : i32
    "tpu.region"() ({
      %run_scoped3A_70 = tpu.sem_alloc : memref<!tpu.dma_semaphore, #tpu.memory_space<semaphore_mem>>
      %dma_start3A = arith.constant 0 : i32
      %dma_start3A_71 = arith.constant 0 : i32
      %dma_start3A_72 = tpu.memref_slice %arg9[%run_scoped3A_54, %dma_start3A, %dma_start3A_71] : memref<6x128x64xf32, #tpu.memory_space<vmem>> -> memref<1x128x64xf32, #tpu.memory_space<vmem>>
      %dma_start3A_73 = tpu.memref_squeeze %dma_start3A_72 : memref<1x128x64xf32, #tpu.memory_space<vmem>> -> memref<128x64xf32, #tpu.memory_space<vmem>>
      %dma_start3A_74 = arith.constant 0 : i32
      %dma_start3A_75 = tpu.memref_slice %arg10[%add3A_53, %dma_start3A_74] : memref<10240x64xf32, #tpu.memory_space<vmem_shared>> -> memref<128x64xf32, #tpu.memory_space<vmem_shared>>
      %dma_start3A_76 = arith.constant 0 : i32
      %dma_start3A_77 = arith.constant 0 : i32
      %dma_start3A_78 = tpu.memref_slice %arg9[%run_scoped3A_54, %dma_start3A_76, %dma_start3A_77] : memref<6x128x64xf32, #tpu.memory_space<vmem>> -> memref<1x128x64xf32, #tpu.memory_space<vmem>>
      %dma_start3A_79 = tpu.memref_squeeze %dma_start3A_78 : memref<1x128x64xf32, #tpu.memory_space<vmem>> -> memref<128x64xf32, #tpu.memory_space<vmem>>
      %dma_start3A_80 = arith.constant 0 : i32
      %dma_start3A_81 = tpu.memref_slice %arg10[%add3A_53, %dma_start3A_80] : memref<10240x64xf32, #tpu.memory_space<vmem_shared>> -> memref<128x64xf32, #tpu.memory_space<vmem_shared>>
      tpu.enqueue_dma source(%dma_start3A_81 : memref<128x64xf32, #tpu.memory_space<vmem_shared>>) target(%dma_start3A_79 : memref<128x64xf32, #tpu.memory_space<vmem>>) target_semaphore(%run_scoped3A_70 : memref<!tpu.dma_semaphore, #tpu.memory_space<semaphore_mem>>)
      %dma_wait3A = arith.constant 0 : i32
      %dma_wait3A_82 = arith.constant 0 : i32
      %dma_wait3A_83 = tpu.memref_slice %arg9[%run_scoped3A_54, %dma_wait3A, %dma_wait3A_82] : memref<6x128x64xf32, #tpu.memory_space<vmem>> -> memref<1x128x64xf32, #tpu.memory_space<vmem>>
      %dma_wait3A_84 = tpu.memref_squeeze %dma_wait3A_83 : memref<1x128x64xf32, #tpu.memory_space<vmem>> -> memref<128x64xf32, #tpu.memory_space<vmem>>
      %dma_wait3A_85 = arith.constant 0 : i32
      %dma_wait3A_86 = tpu.memref_slice %arg10[%add3A_53, %dma_wait3A_85] : memref<10240x64xf32, #tpu.memory_space<vmem_shared>> -> memref<128x64xf32, #tpu.memory_space<vmem_shared>>
      %dma_wait3A_87 = arith.constant 0 : i32
      %dma_wait3A_88 = arith.constant 0 : i32
      %dma_wait3A_89 = tpu.memref_slice %arg9[%run_scoped3A_54, %dma_wait3A_87, %dma_wait3A_88] : memref<6x128x64xf32, #tpu.memory_space<vmem>> -> memref<1x128x64xf32, #tpu.memory_space<vmem>>
      %dma_wait3A_90 = tpu.memref_squeeze %dma_wait3A_89 : memref<1x128x64xf32, #tpu.memory_space<vmem>> -> memref<128x64xf32, #tpu.memory_space<vmem>>
      %dma_wait3A_91 = arith.constant 0 : i32
      %dma_wait3A_92 = tpu.memref_slice %arg10[%add3A_53, %dma_wait3A_91] : memref<10240x64xf32, #tpu.memory_space<vmem_shared>> -> memref<128x64xf32, #tpu.memory_space<vmem_shared>>
      tpu.wait_dma2 semaphore(%run_scoped3A_70 : memref<!tpu.dma_semaphore, #tpu.memory_space<semaphore_mem>>) src(%dma_wait3A_92 : memref<128x64xf32, #tpu.memory_space<vmem_shared>>) dst(%dma_wait3A_90 : memref<128x64xf32, #tpu.memory_space<vmem>>)
      tpu.yield
    }) : () -> ()
    %add3A_55 = arith.constant 256 : i32
    %add3A_56 = arith.addi %mul3A_12, %add3A_55 : i32
    %run_scoped3A_57 = arith.constant 0 : i32
    "tpu.region"() ({
      %run_scoped3A_70 = tpu.sem_alloc : memref<!tpu.dma_semaphore, #tpu.memory_space<semaphore_mem>>
      %dma_start3A = arith.constant 0 : i32
      %dma_start3A_71 = arith.constant 0 : i32
      %dma_start3A_72 = tpu.memref_slice %arg9[%run_scoped3A_57, %dma_start3A, %dma_start3A_71] : memref<6x128x64xf32, #tpu.memory_space<vmem>> -> memref<1x128x64xf32, #tpu.memory_space<vmem>>
      %dma_start3A_73 = tpu.memref_squeeze %dma_start3A_72 : memref<1x128x64xf32, #tpu.memory_space<vmem>> -> memref<128x64xf32, #tpu.memory_space<vmem>>
      %dma_start3A_74 = arith.constant 0 : i32
      %dma_start3A_75 = tpu.memref_slice %arg4[%arg0, %add3A_56, %dma_start3A_74] : memref<2x10240x64xf32, #tpu.memory_space<hbm>> -> memref<1x128x64xf32, #tpu.memory_space<hbm>>
      %dma_start3A_76 = tpu.memref_squeeze %dma_start3A_75 : memref<1x128x64xf32, #tpu.memory_space<hbm>> -> memref<128x64xf32, #tpu.memory_space<hbm>>
      %dma_start3A_77 = arith.constant 0 : i32
      %dma_start3A_78 = tpu.memref_slice %arg4[%arg0, %add3A_56, %dma_start3A_77] : memref<2x10240x64xf32, #tpu.memory_space<hbm>> -> memref<1x128x64xf32, #tpu.memory_space<hbm>>
      %dma_start3A_79 = tpu.memref_squeeze %dma_start3A_78 : memref<1x128x64xf32, #tpu.memory_space<hbm>> -> memref<128x64xf32, #tpu.memory_space<hbm>>
      %dma_start3A_80 = arith.constant 0 : i32
      %dma_start3A_81 = arith.constant 0 : i32
      %dma_start3A_82 = tpu.memref_slice %arg9[%run_scoped3A_57, %dma_start3A_80, %dma_start3A_81] : memref<6x128x64xf32, #tpu.memory_space<vmem>> -> memref<1x128x64xf32, #tpu.memory_space<vmem>>
      %dma_start3A_83 = tpu.memref_squeeze %dma_start3A_82 : memref<1x128x64xf32, #tpu.memory_space<vmem>> -> memref<128x64xf32, #tpu.memory_space<vmem>>
      tpu.enqueue_dma source(%dma_start3A_83 : memref<128x64xf32, #tpu.memory_space<vmem>>) target(%dma_start3A_79 : memref<128x64xf32, #tpu.memory_space<hbm>>) target_semaphore(%run_scoped3A_70 : memref<!tpu.dma_semaphore, #tpu.memory_space<semaphore_mem>>)
      %dma_wait3A = arith.constant 0 : i32
      %dma_wait3A_84 = arith.constant 0 : i32
      %dma_wait3A_85 = tpu.memref_slice %arg9[%run_scoped3A_57, %dma_wait3A, %dma_wait3A_84] : memref<6x128x64xf32, #tpu.memory_space<vmem>> -> memref<1x128x64xf32, #tpu.memory_space<vmem>>
      %dma_wait3A_86 = tpu.memref_squeeze %dma_wait3A_85 : memref<1x128x64xf32, #tpu.memory_space<vmem>> -> memref<128x64xf32, #tpu.memory_space<vmem>>
      %dma_wait3A_87 = arith.constant 0 : i32
      %dma_wait3A_88 = tpu.memref_slice %arg4[%arg0, %add3A_56, %dma_wait3A_87] : memref<2x10240x64xf32, #tpu.memory_space<hbm>> -> memref<1x128x64xf32, #tpu.memory_space<hbm>>
      %dma_wait3A_89 = tpu.memref_squeeze %dma_wait3A_88 : memref<1x128x64xf32, #tpu.memory_space<hbm>> -> memref<128x64xf32, #tpu.memory_space<hbm>>
      %dma_wait3A_90 = arith.constant 0 : i32
      %dma_wait3A_91 = tpu.memref_slice %arg4[%arg0, %add3A_56, %dma_wait3A_90] : memref<2x10240x64xf32, #tpu.memory_space<hbm>> -> memref<1x128x64xf32, #tpu.memory_space<hbm>>
      %dma_wait3A_92 = tpu.memref_squeeze %dma_wait3A_91 : memref<1x128x64xf32, #tpu.memory_space<hbm>> -> memref<128x64xf32, #tpu.memory_space<hbm>>
      %dma_wait3A_93 = arith.constant 0 : i32
      %dma_wait3A_94 = arith.constant 0 : i32
      %dma_wait3A_95 = tpu.memref_slice %arg9[%run_scoped3A_57, %dma_wait3A_93, %dma_wait3A_94] : memref<6x128x64xf32, #tpu.memory_space<vmem>> -> memref<1x128x64xf32, #tpu.memory_space<vmem>>
      %dma_wait3A_96 = tpu.memref_squeeze %dma_wait3A_95 : memref<1x128x64xf32, #tpu.memory_space<vmem>> -> memref<128x64xf32, #tpu.memory_space<vmem>>
      tpu.wait_dma2 semaphore(%run_scoped3A_70 : memref<!tpu.dma_semaphore, #tpu.memory_space<semaphore_mem>>) src(%dma_wait3A_96 : memref<128x64xf32, #tpu.memory_space<vmem>>) dst(%dma_wait3A_92 : memref<128x64xf32, #tpu.memory_space<hbm>>)
      tpu.yield
    }) : () -> ()
    %add3A_58 = arith.constant 384 : i32
    %add3A_59 = arith.addi %mul3A_12, %add3A_58 : i32
    %run_scoped3A_60 = arith.constant 0 : i32
    "tpu.region"() ({
      %run_scoped3A_70 = tpu.sem_alloc : memref<!tpu.dma_semaphore, #tpu.memory_space<semaphore_mem>>
      %dma_start3A = arith.constant 0 : i32
      %dma_start3A_71 = arith.constant 0 : i32
      %dma_start3A_72 = tpu.memref_slice %arg9[%run_scoped3A_60, %dma_start3A, %dma_start3A_71] : memref<6x128x64xf32, #tpu.memory_space<vmem>> -> memref<1x128x64xf32, #tpu.memory_space<vmem>>
      %dma_start3A_73 = tpu.memref_squeeze %dma_start3A_72 : memref<1x128x64xf32, #tpu.memory_space<vmem>> -> memref<128x64xf32, #tpu.memory_space<vmem>>
      %dma_start3A_74 = arith.constant 0 : i32
      %dma_start3A_75 = tpu.memref_slice %arg10[%add3A_59, %dma_start3A_74] : memref<10240x64xf32, #tpu.memory_space<vmem_shared>> -> memref<128x64xf32, #tpu.memory_space<vmem_shared>>
      %dma_start3A_76 = arith.constant 0 : i32
      %dma_start3A_77 = arith.constant 0 : i32
      %dma_start3A_78 = tpu.memref_slice %arg9[%run_scoped3A_60, %dma_start3A_76, %dma_start3A_77] : memref<6x128x64xf32, #tpu.memory_space<vmem>> -> memref<1x128x64xf32, #tpu.memory_space<vmem>>
      %dma_start3A_79 = tpu.memref_squeeze %dma_start3A_78 : memref<1x128x64xf32, #tpu.memory_space<vmem>> -> memref<128x64xf32, #tpu.memory_space<vmem>>
      %dma_start3A_80 = arith.constant 0 : i32
      %dma_start3A_81 = tpu.memref_slice %arg10[%add3A_59, %dma_start3A_80] : memref<10240x64xf32, #tpu.memory_space<vmem_shared>> -> memref<128x64xf32, #tpu.memory_space<vmem_shared>>
      tpu.enqueue_dma source(%dma_start3A_81 : memref<128x64xf32, #tpu.memory_space<vmem_shared>>) target(%dma_start3A_79 : memref<128x64xf32, #tpu.memory_space<vmem>>) target_semaphore(%run_scoped3A_70 : memref<!tpu.dma_semaphore, #tpu.memory_space<semaphore_mem>>)
      %dma_wait3A = arith.constant 0 : i32
      %dma_wait3A_82 = arith.constant 0 : i32
      %dma_wait3A_83 = tpu.memref_slice %arg9[%run_scoped3A_60, %dma_wait3A, %dma_wait3A_82] : memref<6x128x64xf32, #tpu.memory_space<vmem>> -> memref<1x128x64xf32, #tpu.memory_space<vmem>>
      %dma_wait3A_84 = tpu.memref_squeeze %dma_wait3A_83 : memref<1x128x64xf32, #tpu.memory_space<vmem>> -> memref<128x64xf32, #tpu.memory_space<vmem>>
      %dma_wait3A_85 = arith.constant 0 : i32
      %dma_wait3A_86 = tpu.memref_slice %arg10[%add3A_59, %dma_wait3A_85] : memref<10240x64xf32, #tpu.memory_space<vmem_shared>> -> memref<128x64xf32, #tpu.memory_space<vmem_shared>>
      %dma_wait3A_87 = arith.constant 0 : i32
      %dma_wait3A_88 = arith.constant 0 : i32
      %dma_wait3A_89 = tpu.memref_slice %arg9[%run_scoped3A_60, %dma_wait3A_87, %dma_wait3A_88] : memref<6x128x64xf32, #tpu.memory_space<vmem>> -> memref<1x128x64xf32, #tpu.memory_space<vmem>>
      %dma_wait3A_90 = tpu.memref_squeeze %dma_wait3A_89 : memref<1x128x64xf32, #tpu.memory_space<vmem>> -> memref<128x64xf32, #tpu.memory_space<vmem>>
      %dma_wait3A_91 = arith.constant 0 : i32
      %dma_wait3A_92 = tpu.memref_slice %arg10[%add3A_59, %dma_wait3A_91] : memref<10240x64xf32, #tpu.memory_space<vmem_shared>> -> memref<128x64xf32, #tpu.memory_space<vmem_shared>>
      tpu.wait_dma2 semaphore(%run_scoped3A_70 : memref<!tpu.dma_semaphore, #tpu.memory_space<semaphore_mem>>) src(%dma_wait3A_92 : memref<128x64xf32, #tpu.memory_space<vmem_shared>>) dst(%dma_wait3A_90 : memref<128x64xf32, #tpu.memory_space<vmem>>)
      tpu.yield
    }) : () -> ()
    %add3A_61 = arith.constant 384 : i32
    %add3A_62 = arith.addi %mul3A_12, %add3A_61 : i32
    %run_scoped3A_63 = arith.constant 0 : i32
    "tpu.region"() ({
      %run_scoped3A_70 = tpu.sem_alloc : memref<!tpu.dma_semaphore, #tpu.memory_space<semaphore_mem>>
      %dma_start3A = arith.constant 0 : i32
      %dma_start3A_71 = arith.constant 0 : i32
      %dma_start3A_72 = tpu.memref_slice %arg9[%run_scoped3A_63, %dma_start3A, %dma_start3A_71] : memref<6x128x64xf32, #tpu.memory_space<vmem>> -> memref<1x128x64xf32, #tpu.memory_space<vmem>>
      %dma_start3A_73 = tpu.memref_squeeze %dma_start3A_72 : memref<1x128x64xf32, #tpu.memory_space<vmem>> -> memref<128x64xf32, #tpu.memory_space<vmem>>
      %dma_start3A_74 = arith.constant 0 : i32
      %dma_start3A_75 = tpu.memref_slice %arg4[%arg0, %add3A_62, %dma_start3A_74] : memref<2x10240x64xf32, #tpu.memory_space<hbm>> -> memref<1x128x64xf32, #tpu.memory_space<hbm>>
      %dma_start3A_76 = tpu.memref_squeeze %dma_start3A_75 : memref<1x128x64xf32, #tpu.memory_space<hbm>> -> memref<128x64xf32, #tpu.memory_space<hbm>>
      %dma_start3A_77 = arith.constant 0 : i32
      %dma_start3A_78 = tpu.memref_slice %arg4[%arg0, %add3A_62, %dma_start3A_77] : memref<2x10240x64xf32, #tpu.memory_space<hbm>> -> memref<1x128x64xf32, #tpu.memory_space<hbm>>
      %dma_start3A_79 = tpu.memref_squeeze %dma_start3A_78 : memref<1x128x64xf32, #tpu.memory_space<hbm>> -> memref<128x64xf32, #tpu.memory_space<hbm>>
      %dma_start3A_80 = arith.constant 0 : i32
      %dma_start3A_81 = arith.constant 0 : i32
      %dma_start3A_82 = tpu.memref_slice %arg9[%run_scoped3A_63, %dma_start3A_80, %dma_start3A_81] : memref<6x128x64xf32, #tpu.memory_space<vmem>> -> memref<1x128x64xf32, #tpu.memory_space<vmem>>
      %dma_start3A_83 = tpu.memref_squeeze %dma_start3A_82 : memref<1x128x64xf32, #tpu.memory_space<vmem>> -> memref<128x64xf32, #tpu.memory_space<vmem>>
      tpu.enqueue_dma source(%dma_start3A_83 : memref<128x64xf32, #tpu.memory_space<vmem>>) target(%dma_start3A_79 : memref<128x64xf32, #tpu.memory_space<hbm>>) target_semaphore(%run_scoped3A_70 : memref<!tpu.dma_semaphore, #tpu.memory_space<semaphore_mem>>)
      %dma_wait3A = arith.constant 0 : i32
      %dma_wait3A_84 = arith.constant 0 : i32
      %dma_wait3A_85 = tpu.memref_slice %arg9[%run_scoped3A_63, %dma_wait3A, %dma_wait3A_84] : memref<6x128x64xf32, #tpu.memory_space<vmem>> -> memref<1x128x64xf32, #tpu.memory_space<vmem>>
      %dma_wait3A_86 = tpu.memref_squeeze %dma_wait3A_85 : memref<1x128x64xf32, #tpu.memory_space<vmem>> -> memref<128x64xf32, #tpu.memory_space<vmem>>
      %dma_wait3A_87 = arith.constant 0 : i32
      %dma_wait3A_88 = tpu.memref_slice %arg4[%arg0, %add3A_62, %dma_wait3A_87] : memref<2x10240x64xf32, #tpu.memory_space<hbm>> -> memref<1x128x64xf32, #tpu.memory_space<hbm>>
      %dma_wait3A_89 = tpu.memref_squeeze %dma_wait3A_88 : memref<1x128x64xf32, #tpu.memory_space<hbm>> -> memref<128x64xf32, #tpu.memory_space<hbm>>
      %dma_wait3A_90 = arith.constant 0 : i32
      %dma_wait3A_91 = tpu.memref_slice %arg4[%arg0, %add3A_62, %dma_wait3A_90] : memref<2x10240x64xf32, #tpu.memory_space<hbm>> -> memref<1x128x64xf32, #tpu.memory_space<hbm>>
      %dma_wait3A_92 = tpu.memref_squeeze %dma_wait3A_91 : memref<1x128x64xf32, #tpu.memory_space<hbm>> -> memref<128x64xf32, #tpu.memory_space<hbm>>
      %dma_wait3A_93 = arith.constant 0 : i32
      %dma_wait3A_94 = arith.constant 0 : i32
      %dma_wait3A_95 = tpu.memref_slice %arg9[%run_scoped3A_63, %dma_wait3A_93, %dma_wait3A_94] : memref<6x128x64xf32, #tpu.memory_space<vmem>> -> memref<1x128x64xf32, #tpu.memory_space<vmem>>
      %dma_wait3A_96 = tpu.memref_squeeze %dma_wait3A_95 : memref<1x128x64xf32, #tpu.memory_space<vmem>> -> memref<128x64xf32, #tpu.memory_space<vmem>>
      tpu.wait_dma2 semaphore(%run_scoped3A_70 : memref<!tpu.dma_semaphore, #tpu.memory_space<semaphore_mem>>) src(%dma_wait3A_96 : memref<128x64xf32, #tpu.memory_space<vmem>>) dst(%dma_wait3A_92 : memref<128x64xf32, #tpu.memory_space<hbm>>)
      tpu.yield
    }) : () -> ()
    %add3A_64 = arith.constant 512 : i32
    %add3A_65 = arith.addi %mul3A_12, %add3A_64 : i32
    %run_scoped3A_66 = arith.constant 0 : i32
    "tpu.region"() ({
      %run_scoped3A_70 = tpu.sem_alloc : memref<!tpu.dma_semaphore, #tpu.memory_space<semaphore_mem>>
      %dma_start3A = arith.constant 0 : i32
      %dma_start3A_71 = arith.constant 0 : i32
      %dma_start3A_72 = tpu.memref_slice %arg9[%run_scoped3A_66, %dma_start3A, %dma_start3A_71] : memref<6x128x64xf32, #tpu.memory_space<vmem>> -> memref<1x128x64xf32, #tpu.memory_space<vmem>>
      %dma_start3A_73 = tpu.memref_squeeze %dma_start3A_72 : memref<1x128x64xf32, #tpu.memory_space<vmem>> -> memref<128x64xf32, #tpu.memory_space<vmem>>
      %dma_start3A_74 = arith.constant 0 : i32
      %dma_start3A_75 = tpu.memref_slice %arg10[%add3A_65, %dma_start3A_74] : memref<10240x64xf32, #tpu.memory_space<vmem_shared>> -> memref<128x64xf32, #tpu.memory_space<vmem_shared>>
      %dma_start3A_76 = arith.constant 0 : i32
      %dma_start3A_77 = arith.constant 0 : i32
      %dma_start3A_78 = tpu.memref_slice %arg9[%run_scoped3A_66, %dma_start3A_76, %dma_start3A_77] : memref<6x128x64xf32, #tpu.memory_space<vmem>> -> memref<1x128x64xf32, #tpu.memory_space<vmem>>
      %dma_start3A_79 = tpu.memref_squeeze %dma_start3A_78 : memref<1x128x64xf32, #tpu.memory_space<vmem>> -> memref<128x64xf32, #tpu.memory_space<vmem>>
      %dma_start3A_80 = arith.constant 0 : i32
      %dma_start3A_81 = tpu.memref_slice %arg10[%add3A_65, %dma_start3A_80] : memref<10240x64xf32, #tpu.memory_space<vmem_shared>> -> memref<128x64xf32, #tpu.memory_space<vmem_shared>>
      tpu.enqueue_dma source(%dma_start3A_81 : memref<128x64xf32, #tpu.memory_space<vmem_shared>>) target(%dma_start3A_79 : memref<128x64xf32, #tpu.memory_space<vmem>>) target_semaphore(%run_scoped3A_70 : memref<!tpu.dma_semaphore, #tpu.memory_space<semaphore_mem>>)
      %dma_wait3A = arith.constant 0 : i32
      %dma_wait3A_82 = arith.constant 0 : i32
      %dma_wait3A_83 = tpu.memref_slice %arg9[%run_scoped3A_66, %dma_wait3A, %dma_wait3A_82] : memref<6x128x64xf32, #tpu.memory_space<vmem>> -> memref<1x128x64xf32, #tpu.memory_space<vmem>>
      %dma_wait3A_84 = tpu.memref_squeeze %dma_wait3A_83 : memref<1x128x64xf32, #tpu.memory_space<vmem>> -> memref<128x64xf32, #tpu.memory_space<vmem>>
      %dma_wait3A_85 = arith.constant 0 : i32
      %dma_wait3A_86 = tpu.memref_slice %arg10[%add3A_65, %dma_wait3A_85] : memref<10240x64xf32, #tpu.memory_space<vmem_shared>> -> memref<128x64xf32, #tpu.memory_space<vmem_shared>>
      %dma_wait3A_87 = arith.constant 0 : i32
      %dma_wait3A_88 = arith.constant 0 : i32
      %dma_wait3A_89 = tpu.memref_slice %arg9[%run_scoped3A_66, %dma_wait3A_87, %dma_wait3A_88] : memref<6x128x64xf32, #tpu.memory_space<vmem>> -> memref<1x128x64xf32, #tpu.memory_space<vmem>>
      %dma_wait3A_90 = tpu.memref_squeeze %dma_wait3A_89 : memref<1x128x64xf32, #tpu.memory_space<vmem>> -> memref<128x64xf32, #tpu.memory_space<vmem>>
      %dma_wait3A_91 = arith.constant 0 : i32
      %dma_wait3A_92 = tpu.memref_slice %arg10[%add3A_65, %dma_wait3A_91] : memref<10240x64xf32, #tpu.memory_space<vmem_shared>> -> memref<128x64xf32, #tpu.memory_space<vmem_shared>>
      tpu.wait_dma2 semaphore(%run_scoped3A_70 : memref<!tpu.dma_semaphore, #tpu.memory_space<semaphore_mem>>) src(%dma_wait3A_92 : memref<128x64xf32, #tpu.memory_space<vmem_shared>>) dst(%dma_wait3A_90 : memref<128x64xf32, #tpu.memory_space<vmem>>)
      tpu.yield
    }) : () -> ()
    %add3A_67 = arith.constant 512 : i32
    %add3A_68 = arith.addi %mul3A_12, %add3A_67 : i32
    %run_scoped3A_69 = arith.constant 0 : i32
    "tpu.region"() ({
      %run_scoped3A_70 = tpu.sem_alloc : memref<!tpu.dma_semaphore, #tpu.memory_space<semaphore_mem>>
      %dma_start3A = arith.constant 0 : i32
      %dma_start3A_71 = arith.constant 0 : i32
      %dma_start3A_72 = tpu.memref_slice %arg9[%run_scoped3A_69, %dma_start3A, %dma_start3A_71] : memref<6x128x64xf32, #tpu.memory_space<vmem>> -> memref<1x128x64xf32, #tpu.memory_space<vmem>>
      %dma_start3A_73 = tpu.memref_squeeze %dma_start3A_72 : memref<1x128x64xf32, #tpu.memory_space<vmem>> -> memref<128x64xf32, #tpu.memory_space<vmem>>
      %dma_start3A_74 = arith.constant 0 : i32
      %dma_start3A_75 = tpu.memref_slice %arg4[%arg0, %add3A_68, %dma_start3A_74] : memref<2x10240x64xf32, #tpu.memory_space<hbm>> -> memref<1x128x64xf32, #tpu.memory_space<hbm>>
      %dma_start3A_76 = tpu.memref_squeeze %dma_start3A_75 : memref<1x128x64xf32, #tpu.memory_space<hbm>> -> memref<128x64xf32, #tpu.memory_space<hbm>>
      %dma_start3A_77 = arith.constant 0 : i32
      %dma_start3A_78 = tpu.memref_slice %arg4[%arg0, %add3A_68, %dma_start3A_77] : memref<2x10240x64xf32, #tpu.memory_space<hbm>> -> memref<1x128x64xf32, #tpu.memory_space<hbm>>
      %dma_start3A_79 = tpu.memref_squeeze %dma_start3A_78 : memref<1x128x64xf32, #tpu.memory_space<hbm>> -> memref<128x64xf32, #tpu.memory_space<hbm>>
      %dma_start3A_80 = arith.constant 0 : i32
      %dma_start3A_81 = arith.constant 0 : i32
      %dma_start3A_82 = tpu.memref_slice %arg9[%run_scoped3A_69, %dma_start3A_80, %dma_start3A_81] : memref<6x128x64xf32, #tpu.memory_space<vmem>> -> memref<1x128x64xf32, #tpu.memory_space<vmem>>
      %dma_start3A_83 = tpu.memref_squeeze %dma_start3A_82 : memref<1x128x64xf32, #tpu.memory_space<vmem>> -> memref<128x64xf32, #tpu.memory_space<vmem>>
      tpu.enqueue_dma source(%dma_start3A_83 : memref<128x64xf32, #tpu.memory_space<vmem>>) target(%dma_start3A_79 : memref<128x64xf32, #tpu.memory_space<hbm>>) target_semaphore(%run_scoped3A_70 : memref<!tpu.dma_semaphore, #tpu.memory_space<semaphore_mem>>)
      %dma_wait3A = arith.constant 0 : i32
      %dma_wait3A_84 = arith.constant 0 : i32
      %dma_wait3A_85 = tpu.memref_slice %arg9[%run_scoped3A_69, %dma_wait3A, %dma_wait3A_84] : memref<6x128x64xf32, #tpu.memory_space<vmem>> -> memref<1x128x64xf32, #tpu.memory_space<vmem>>
      %dma_wait3A_86 = tpu.memref_squeeze %dma_wait3A_85 : memref<1x128x64xf32, #tpu.memory_space<vmem>> -> memref<128x64xf32, #tpu.memory_space<vmem>>
      %dma_wait3A_87 = arith.constant 0 : i32
      %dma_wait3A_88 = tpu.memref_slice %arg4[%arg0, %add3A_68, %dma_wait3A_87] : memref<2x10240x64xf32, #tpu.memory_space<hbm>> -> memref<1x128x64xf32, #tpu.memory_space<hbm>>
      %dma_wait3A_89 = tpu.memref_squeeze %dma_wait3A_88 : memref<1x128x64xf32, #tpu.memory_space<hbm>> -> memref<128x64xf32, #tpu.memory_space<hbm>>
      %dma_wait3A_90 = arith.constant 0 : i32
      %dma_wait3A_91 = tpu.memref_slice %arg4[%arg0, %add3A_68, %dma_wait3A_90] : memref<2x10240x64xf32, #tpu.memory_space<hbm>> -> memref<1x128x64xf32, #tpu.memory_space<hbm>>
      %dma_wait3A_92 = tpu.memref_squeeze %dma_wait3A_91 : memref<1x128x64xf32, #tpu.memory_space<hbm>> -> memref<128x64xf32, #tpu.memory_space<hbm>>
      %dma_wait3A_93 = arith.constant 0 : i32
      %dma_wait3A_94 = arith.constant 0 : i32
      %dma_wait3A_95 = tpu.memref_slice %arg9[%run_scoped3A_69, %dma_wait3A_93, %dma_wait3A_94] : memref<6x128x64xf32, #tpu.memory_space<vmem>> -> memref<1x128x64xf32, #tpu.memory_space<vmem>>
      %dma_wait3A_96 = tpu.memref_squeeze %dma_wait3A_95 : memref<1x128x64xf32, #tpu.memory_space<vmem>> -> memref<128x64xf32, #tpu.memory_space<vmem>>
      tpu.wait_dma2 semaphore(%run_scoped3A_70 : memref<!tpu.dma_semaphore, #tpu.memory_space<semaphore_mem>>) src(%dma_wait3A_96 : memref<128x64xf32, #tpu.memory_space<vmem>>) dst(%dma_wait3A_92 : memref<128x64xf32, #tpu.memory_space<hbm>>)
      tpu.yield
    }) : () -> ()
    return
  }
}

#map = affine_map<(d0, d1) -> (0, 0)>
#map1 = affine_map<(d0, d1) -> (0, 0, 0)>
module attributes {stable_mosaic.version = 14 : i64} {
  func.func @k(%arg0: i32, %arg1: i32, %arg2: memref<10000x32xf32, #tpu.memory_space<hbm>>, %arg3: memref<2x2500x128xi32, #tpu.memory_space<hbm>>, %arg4: memref<2x10240x32xf32, #tpu.memory_space<hbm>>, %arg5: memref<78x128xi32, #tpu.memory_space<vmem>>, %arg6: memref<78x128xi32, #tpu.memory_space<vmem>>, %arg7: memref<1x128xi32, #tpu.memory_space<vmem>>, %arg8: memref<1x128xi32, #tpu.memory_space<vmem>>, %arg9: memref<6x128x32xf32, #tpu.memory_space<vmem>>, %arg10: memref<10240x32xf32, #tpu.memory_space<vmem_shared>>, %arg11: memref<!tpu.dma_semaphore, #tpu.memory_space<semaphore_mem>>, %arg12: memref<!tpu.dma_semaphore, #tpu.memory_space<semaphore_mem>>) attributes {dimension_semantics = [#tpu.dimension_semantics<core_parallel>, #tpu.dimension_semantics<subcore_parallel>], iteration_bounds = array<i64: 2, 16>, scalar_prefetch = 0 : i64, scratch_operands = 8 : i64, tpu.core_type = #tpu.core_type<sc_vector_subcore>, window_params = [{transform_indices = #map}, {transform_indices = #map1}, {transform_indices = #map1}]} {
    %mul3A = arith.constant 16 : i32
    %mul3A_0 = arith.muli %arg0, %mul3A : i32
    %add3A = arith.addi %mul3A_0, %arg1 : i32
    %mul3A_1 = arith.constant 78 : i32
    %mul3A_2 = arith.muli %add3A, %mul3A_1 : i32
    %run_scoped3A = arith.constant 0 : i32
    "tpu.region"() ({
      %run_scoped3A_70 = tpu.sem_alloc : memref<!tpu.dma_semaphore, #tpu.memory_space<semaphore_mem>>
      %dma_start3A = arith.constant 0 : i32
      %dma_start3A_71 = tpu.memref_slice %arg3[%run_scoped3A, %mul3A_2, %dma_start3A] : memref<2x2500x128xi32, #tpu.memory_space<hbm>> -> memref<1x78x128xi32, #tpu.memory_space<hbm>>
      %dma_start3A_72 = tpu.memref_squeeze %dma_start3A_71 : memref<1x78x128xi32, #tpu.memory_space<hbm>> -> memref<78x128xi32, #tpu.memory_space<hbm>>
      %dma_start3A_73 = arith.constant 0 : i32
      %dma_start3A_74 = tpu.memref_slice %arg3[%run_scoped3A, %mul3A_2, %dma_start3A_73] : memref<2x2500x128xi32, #tpu.memory_space<hbm>> -> memref<1x78x128xi32, #tpu.memory_space<hbm>>
      %dma_start3A_75 = tpu.memref_squeeze %dma_start3A_74 : memref<1x78x128xi32, #tpu.memory_space<hbm>> -> memref<78x128xi32, #tpu.memory_space<hbm>>
      tpu.enqueue_dma source(%dma_start3A_75 : memref<78x128xi32, #tpu.memory_space<hbm>>) target(%arg5 : memref<78x128xi32, #tpu.memory_space<vmem>>) target_semaphore(%run_scoped3A_70 : memref<!tpu.dma_semaphore, #tpu.memory_space<semaphore_mem>>)
      %dma_wait3A = arith.constant 0 : i32
      %dma_wait3A_76 = tpu.memref_slice %arg3[%run_scoped3A, %mul3A_2, %dma_wait3A] : memref<2x2500x128xi32, #tpu.memory_space<hbm>> -> memref<1x78x128xi32, #tpu.memory_space<hbm>>
      %dma_wait3A_77 = tpu.memref_squeeze %dma_wait3A_76 : memref<1x78x128xi32, #tpu.memory_space<hbm>> -> memref<78x128xi32, #tpu.memory_space<hbm>>
      %dma_wait3A_78 = arith.constant 0 : i32
      %dma_wait3A_79 = tpu.memref_slice %arg3[%run_scoped3A, %mul3A_2, %dma_wait3A_78] : memref<2x2500x128xi32, #tpu.memory_space<hbm>> -> memref<1x78x128xi32, #tpu.memory_space<hbm>>
      %dma_wait3A_80 = tpu.memref_squeeze %dma_wait3A_79 : memref<1x78x128xi32, #tpu.memory_space<hbm>> -> memref<78x128xi32, #tpu.memory_space<hbm>>
      tpu.wait_dma2 semaphore(%run_scoped3A_70 : memref<!tpu.dma_semaphore, #tpu.memory_space<semaphore_mem>>) src(%dma_wait3A_80 : memref<78x128xi32, #tpu.memory_space<hbm>>) dst(%arg5 : memref<78x128xi32, #tpu.memory_space<vmem>>)
      tpu.yield
    }) : () -> ()
    %run_scoped3A_3 = arith.constant 1 : i32
    "tpu.region"() ({
      %run_scoped3A_70 = tpu.sem_alloc : memref<!tpu.dma_semaphore, #tpu.memory_space<semaphore_mem>>
      %dma_start3A = arith.constant 0 : i32
      %dma_start3A_71 = tpu.memref_slice %arg3[%run_scoped3A_3, %mul3A_2, %dma_start3A] : memref<2x2500x128xi32, #tpu.memory_space<hbm>> -> memref<1x78x128xi32, #tpu.memory_space<hbm>>
      %dma_start3A_72 = tpu.memref_squeeze %dma_start3A_71 : memref<1x78x128xi32, #tpu.memory_space<hbm>> -> memref<78x128xi32, #tpu.memory_space<hbm>>
      %dma_start3A_73 = arith.constant 0 : i32
      %dma_start3A_74 = tpu.memref_slice %arg3[%run_scoped3A_3, %mul3A_2, %dma_start3A_73] : memref<2x2500x128xi32, #tpu.memory_space<hbm>> -> memref<1x78x128xi32, #tpu.memory_space<hbm>>
      %dma_start3A_75 = tpu.memref_squeeze %dma_start3A_74 : memref<1x78x128xi32, #tpu.memory_space<hbm>> -> memref<78x128xi32, #tpu.memory_space<hbm>>
      tpu.enqueue_dma source(%dma_start3A_75 : memref<78x128xi32, #tpu.memory_space<hbm>>) target(%arg6 : memref<78x128xi32, #tpu.memory_space<vmem>>) target_semaphore(%run_scoped3A_70 : memref<!tpu.dma_semaphore, #tpu.memory_space<semaphore_mem>>)
      %dma_wait3A = arith.constant 0 : i32
      %dma_wait3A_76 = tpu.memref_slice %arg3[%run_scoped3A_3, %mul3A_2, %dma_wait3A] : memref<2x2500x128xi32, #tpu.memory_space<hbm>> -> memref<1x78x128xi32, #tpu.memory_space<hbm>>
      %dma_wait3A_77 = tpu.memref_squeeze %dma_wait3A_76 : memref<1x78x128xi32, #tpu.memory_space<hbm>> -> memref<78x128xi32, #tpu.memory_space<hbm>>
      %dma_wait3A_78 = arith.constant 0 : i32
      %dma_wait3A_79 = tpu.memref_slice %arg3[%run_scoped3A_3, %mul3A_2, %dma_wait3A_78] : memref<2x2500x128xi32, #tpu.memory_space<hbm>> -> memref<1x78x128xi32, #tpu.memory_space<hbm>>
      %dma_wait3A_80 = tpu.memref_squeeze %dma_wait3A_79 : memref<1x78x128xi32, #tpu.memory_space<hbm>> -> memref<78x128xi32, #tpu.memory_space<hbm>>
      tpu.wait_dma2 semaphore(%run_scoped3A_70 : memref<!tpu.dma_semaphore, #tpu.memory_space<semaphore_mem>>) src(%dma_wait3A_80 : memref<78x128xi32, #tpu.memory_space<hbm>>) dst(%arg6 : memref<78x128xi32, #tpu.memory_space<vmem>>)
      tpu.yield
    }) : () -> ()
    %lt3A = arith.constant 4 : i32
    %lt3A_4 = arith.cmpi slt, %add3A, %lt3A : i32
    %convert_element_type3A = arith.extui %lt3A_4 : i1 to i32
    %cond3A = arith.constant 0 : i32
    %cond3A_5 = arith.cmpi ne, %convert_element_type3A, %cond3A : i32
    scf.if %cond3A_5 {
      %add3A_70 = arith.constant 2496 : i32
      %add3A_71 = arith.addi %add3A_70, %add3A : i32
      %run_scoped3A_72 = arith.constant 0 : i32
      "tpu.region"() ({
        %run_scoped3A_76 = tpu.sem_alloc : memref<!tpu.dma_semaphore, #tpu.memory_space<semaphore_mem>>
        %dma_start3A = arith.constant 0 : i32
        %dma_start3A_77 = tpu.memref_slice %arg3[%run_scoped3A_72, %add3A_71, %dma_start3A] : memref<2x2500x128xi32, #tpu.memory_space<hbm>> -> memref<1x1x128xi32, #tpu.memory_space<hbm>>
        %dma_start3A_78 = tpu.memref_squeeze %dma_start3A_77 : memref<1x1x128xi32, #tpu.memory_space<hbm>> -> memref<1x128xi32, #tpu.memory_space<hbm>>
        %dma_start3A_79 = arith.constant 0 : i32
        %dma_start3A_80 = tpu.memref_slice %arg3[%run_scoped3A_72, %add3A_71, %dma_start3A_79] : memref<2x2500x128xi32, #tpu.memory_space<hbm>> -> memref<1x1x128xi32, #tpu.memory_space<hbm>>
        %dma_start3A_81 = tpu.memref_squeeze %dma_start3A_80 : memref<1x1x128xi32, #tpu.memory_space<hbm>> -> memref<1x128xi32, #tpu.memory_space<hbm>>
        tpu.enqueue_dma source(%dma_start3A_81 : memref<1x128xi32, #tpu.memory_space<hbm>>) target(%arg7 : memref<1x128xi32, #tpu.memory_space<vmem>>) target_semaphore(%run_scoped3A_76 : memref<!tpu.dma_semaphore, #tpu.memory_space<semaphore_mem>>)
        %dma_wait3A = arith.constant 0 : i32
        %dma_wait3A_82 = tpu.memref_slice %arg3[%run_scoped3A_72, %add3A_71, %dma_wait3A] : memref<2x2500x128xi32, #tpu.memory_space<hbm>> -> memref<1x1x128xi32, #tpu.memory_space<hbm>>
        %dma_wait3A_83 = tpu.memref_squeeze %dma_wait3A_82 : memref<1x1x128xi32, #tpu.memory_space<hbm>> -> memref<1x128xi32, #tpu.memory_space<hbm>>
        %dma_wait3A_84 = arith.constant 0 : i32
        %dma_wait3A_85 = tpu.memref_slice %arg3[%run_scoped3A_72, %add3A_71, %dma_wait3A_84] : memref<2x2500x128xi32, #tpu.memory_space<hbm>> -> memref<1x1x128xi32, #tpu.memory_space<hbm>>
        %dma_wait3A_86 = tpu.memref_squeeze %dma_wait3A_85 : memref<1x1x128xi32, #tpu.memory_space<hbm>> -> memref<1x128xi32, #tpu.memory_space<hbm>>
        tpu.wait_dma2 semaphore(%run_scoped3A_76 : memref<!tpu.dma_semaphore, #tpu.memory_space<semaphore_mem>>) src(%dma_wait3A_86 : memref<1x128xi32, #tpu.memory_space<hbm>>) dst(%arg7 : memref<1x128xi32, #tpu.memory_space<vmem>>)
        tpu.yield
      }) : () -> ()
      %add3A_73 = arith.constant 2496 : i32
      %add3A_74 = arith.addi %add3A_73, %add3A : i32
      %run_scoped3A_75 = arith.constant 1 : i32
      "tpu.region"() ({
        %run_scoped3A_76 = tpu.sem_alloc : memref<!tpu.dma_semaphore, #tpu.memory_space<semaphore_mem>>
        %dma_start3A = arith.constant 0 : i32
        %dma_start3A_77 = tpu.memref_slice %arg3[%run_scoped3A_75, %add3A_74, %dma_start3A] : memref<2x2500x128xi32, #tpu.memory_space<hbm>> -> memref<1x1x128xi32, #tpu.memory_space<hbm>>
        %dma_start3A_78 = tpu.memref_squeeze %dma_start3A_77 : memref<1x1x128xi32, #tpu.memory_space<hbm>> -> memref<1x128xi32, #tpu.memory_space<hbm>>
        %dma_start3A_79 = arith.constant 0 : i32
        %dma_start3A_80 = tpu.memref_slice %arg3[%run_scoped3A_75, %add3A_74, %dma_start3A_79] : memref<2x2500x128xi32, #tpu.memory_space<hbm>> -> memref<1x1x128xi32, #tpu.memory_space<hbm>>
        %dma_start3A_81 = tpu.memref_squeeze %dma_start3A_80 : memref<1x1x128xi32, #tpu.memory_space<hbm>> -> memref<1x128xi32, #tpu.memory_space<hbm>>
        tpu.enqueue_dma source(%dma_start3A_81 : memref<1x128xi32, #tpu.memory_space<hbm>>) target(%arg8 : memref<1x128xi32, #tpu.memory_space<vmem>>) target_semaphore(%run_scoped3A_76 : memref<!tpu.dma_semaphore, #tpu.memory_space<semaphore_mem>>)
        %dma_wait3A = arith.constant 0 : i32
        %dma_wait3A_82 = tpu.memref_slice %arg3[%run_scoped3A_75, %add3A_74, %dma_wait3A] : memref<2x2500x128xi32, #tpu.memory_space<hbm>> -> memref<1x1x128xi32, #tpu.memory_space<hbm>>
        %dma_wait3A_83 = tpu.memref_squeeze %dma_wait3A_82 : memref<1x1x128xi32, #tpu.memory_space<hbm>> -> memref<1x128xi32, #tpu.memory_space<hbm>>
        %dma_wait3A_84 = arith.constant 0 : i32
        %dma_wait3A_85 = tpu.memref_slice %arg3[%run_scoped3A_75, %add3A_74, %dma_wait3A_84] : memref<2x2500x128xi32, #tpu.memory_space<hbm>> -> memref<1x1x128xi32, #tpu.memory_space<hbm>>
        %dma_wait3A_86 = tpu.memref_squeeze %dma_wait3A_85 : memref<1x1x128xi32, #tpu.memory_space<hbm>> -> memref<1x128xi32, #tpu.memory_space<hbm>>
        tpu.wait_dma2 semaphore(%run_scoped3A_76 : memref<!tpu.dma_semaphore, #tpu.memory_space<semaphore_mem>>) src(%dma_wait3A_86 : memref<1x128xi32, #tpu.memory_space<hbm>>) dst(%arg8 : memref<1x128xi32, #tpu.memory_space<vmem>>)
        tpu.yield
      }) : () -> ()
    } else {
    }
    %scan3A = arith.constant 0 : i32
    %scan3A_6 = arith.constant 0 : i32
    %scan3A_7 = arith.constant 128 : i32
    %scan3A_8 = arith.addi %scan3A_6, %scan3A_7 : i32
    %scan3A_9 = arith.constant 1 : i32
    scf.for %scan3A_70 = %scan3A_6 to %scan3A_8 step %scan3A_9  : i32 {
      %broadcast_in_dim3A = arith.constant 0.000000e+00 : f32
      %broadcast_in_dim3A_71 = vector.broadcast %broadcast_in_dim3A : f32 to vector<16xf32>
      %swap3A = arith.constant 0 : i32
      %swap3A_72 = arith.index_cast %swap3A : i32 to index
      %swap3A_73 = arith.index_cast %scan3A_70 : i32 to index
      %swap3A_74 = arith.constant 0 : index
      %swap3A_75 = tpu.vector_load %arg9[%swap3A_72, %swap3A_73, %swap3A_74] {strides = array<i32>} : memref<6x128x32xf32, #tpu.memory_space<vmem>>, vector<1x1x16xf32>,
      %swap3A_76 = vector.shape_cast %swap3A_75 : vector<1x1x16xf32> to vector<16xf32>
      %swap3A_77 = vector.shape_cast %broadcast_in_dim3A_71 : vector<16xf32> to vector<1x1x16xf32>
      tpu.vector_store %arg9[%swap3A_72, %swap3A_73, %swap3A_74], %swap3A_77 {strides = array<i32>} : memref<6x128x32xf32, #tpu.memory_space<vmem>>, vector<1x1x16xf32>,
      %broadcast_in_dim3A_78 = arith.constant 0.000000e+00 : f32
      %broadcast_in_dim3A_79 = vector.broadcast %broadcast_in_dim3A_78 : f32 to vector<16xf32>
      %swap3A_80 = arith.constant 0 : i32
      %swap3A_81 = arith.index_cast %swap3A_80 : i32 to index
      %swap3A_82 = arith.index_cast %scan3A_70 : i32 to index
      %swap3A_83 = arith.constant 16 : index
      %swap3A_84 = tpu.vector_load %arg9[%swap3A_81, %swap3A_82, %swap3A_83] {strides = array<i32>} : memref<6x128x32xf32, #tpu.memory_space<vmem>>, vector<1x1x16xf32>,
      %swap3A_85 = vector.shape_cast %swap3A_84 : vector<1x1x16xf32> to vector<16xf32>
      %swap3A_86 = vector.shape_cast %broadcast_in_dim3A_79 : vector<16xf32> to vector<1x1x16xf32>
      tpu.vector_store %arg9[%swap3A_81, %swap3A_82, %swap3A_83], %swap3A_86 {strides = array<i32>} : memref<6x128x32xf32, #tpu.memory_space<vmem>>, vector<1x1x16xf32>,
    }
    %scan3A_10 = arith.constant 128 : i32
    %mul3A_11 = arith.constant 640 : i32
    %mul3A_12 = arith.muli %arg1, %mul3A_11 : i32
    %add3A_13 = arith.constant 0 : i32
    %add3A_14 = arith.addi %mul3A_12, %add3A_13 : i32
    %run_scoped3A_15 = arith.constant 0 : i32
    "tpu.region"() ({
      %run_scoped3A_70 = tpu.sem_alloc : memref<!tpu.dma_semaphore, #tpu.memory_space<semaphore_mem>>
      %dma_start3A = arith.constant 0 : i32
      %dma_start3A_71 = arith.constant 0 : i32
      %dma_start3A_72 = tpu.memref_slice %arg9[%run_scoped3A_15, %dma_start3A, %dma_start3A_71] : memref<6x128x32xf32, #tpu.memory_space<vmem>> -> memref<1x128x32xf32, #tpu.memory_space<vmem>>
      %dma_start3A_73 = tpu.memref_squeeze %dma_start3A_72 : memref<1x128x32xf32, #tpu.memory_space<vmem>> -> memref<128x32xf32, #tpu.memory_space<vmem>>
      %dma_start3A_74 = arith.constant 0 : i32
      %dma_start3A_75 = tpu.memref_slice %arg10[%add3A_14, %dma_start3A_74] : memref<10240x32xf32, #tpu.memory_space<vmem_shared>> -> memref<128x32xf32, #tpu.memory_space<vmem_shared>>
      %dma_start3A_76 = arith.constant 0 : i32
      %dma_start3A_77 = tpu.memref_slice %arg10[%add3A_14, %dma_start3A_76] : memref<10240x32xf32, #tpu.memory_space<vmem_shared>> -> memref<128x32xf32, #tpu.memory_space<vmem_shared>>
      %dma_start3A_78 = arith.constant 0 : i32
      %dma_start3A_79 = arith.constant 0 : i32
      %dma_start3A_80 = tpu.memref_slice %arg9[%run_scoped3A_15, %dma_start3A_78, %dma_start3A_79] : memref<6x128x32xf32, #tpu.memory_space<vmem>> -> memref<1x128x32xf32, #tpu.memory_space<vmem>>
      %dma_start3A_81 = tpu.memref_squeeze %dma_start3A_80 : memref<1x128x32xf32, #tpu.memory_space<vmem>> -> memref<128x32xf32, #tpu.memory_space<vmem>>
      tpu.enqueue_dma source(%dma_start3A_81 : memref<128x32xf32, #tpu.memory_space<vmem>>) target(%dma_start3A_77 : memref<128x32xf32, #tpu.memory_space<vmem_shared>>) target_semaphore(%run_scoped3A_70 : memref<!tpu.dma_semaphore, #tpu.memory_space<semaphore_mem>>)
      %dma_wait3A = arith.constant 0 : i32
      %dma_wait3A_82 = arith.constant 0 : i32
      %dma_wait3A_83 = tpu.memref_slice %arg9[%run_scoped3A_15, %dma_wait3A, %dma_wait3A_82] : memref<6x128x32xf32, #tpu.memory_space<vmem>> -> memref<1x128x32xf32, #tpu.memory_space<vmem>>
      %dma_wait3A_84 = tpu.memref_squeeze %dma_wait3A_83 : memref<1x128x32xf32, #tpu.memory_space<vmem>> -> memref<128x32xf32, #tpu.memory_space<vmem>>
      %dma_wait3A_85 = arith.constant 0 : i32
      %dma_wait3A_86 = tpu.memref_slice %arg10[%add3A_14, %dma_wait3A_85] : memref<10240x32xf32, #tpu.memory_space<vmem_shared>> -> memref<128x32xf32, #tpu.memory_space<vmem_shared>>
      %dma_wait3A_87 = arith.constant 0 : i32
      %dma_wait3A_88 = tpu.memref_slice %arg10[%add3A_14, %dma_wait3A_87] : memref<10240x32xf32, #tpu.memory_space<vmem_shared>> -> memref<128x32xf32, #tpu.memory_space<vmem_shared>>
      %dma_wait3A_89 = arith.constant 0 : i32
      %dma_wait3A_90 = arith.constant 0 : i32
      %dma_wait3A_91 = tpu.memref_slice %arg9[%run_scoped3A_15, %dma_wait3A_89, %dma_wait3A_90] : memref<6x128x32xf32, #tpu.memory_space<vmem>> -> memref<1x128x32xf32, #tpu.memory_space<vmem>>
      %dma_wait3A_92 = tpu.memref_squeeze %dma_wait3A_91 : memref<1x128x32xf32, #tpu.memory_space<vmem>> -> memref<128x32xf32, #tpu.memory_space<vmem>>
      tpu.wait_dma2 semaphore(%run_scoped3A_70 : memref<!tpu.dma_semaphore, #tpu.memory_space<semaphore_mem>>) src(%dma_wait3A_92 : memref<128x32xf32, #tpu.memory_space<vmem>>) dst(%dma_wait3A_88 : memref<128x32xf32, #tpu.memory_space<vmem_shared>>)
      tpu.yield
    }) : () -> ()
    %add3A_16 = arith.constant 128 : i32
    %add3A_17 = arith.addi %mul3A_12, %add3A_16 : i32
    %run_scoped3A_18 = arith.constant 0 : i32
    "tpu.region"() ({
      %run_scoped3A_70 = tpu.sem_alloc : memref<!tpu.dma_semaphore, #tpu.memory_space<semaphore_mem>>
      %dma_start3A = arith.constant 0 : i32
      %dma_start3A_71 = arith.constant 0 : i32
      %dma_start3A_72 = tpu.memref_slice %arg9[%run_scoped3A_18, %dma_start3A, %dma_start3A_71] : memref<6x128x32xf32, #tpu.memory_space<vmem>> -> memref<1x128x32xf32, #tpu.memory_space<vmem>>
      %dma_start3A_73 = tpu.memref_squeeze %dma_start3A_72 : memref<1x128x32xf32, #tpu.memory_space<vmem>> -> memref<128x32xf32, #tpu.memory_space<vmem>>
      %dma_start3A_74 = arith.constant 0 : i32
      %dma_start3A_75 = tpu.memref_slice %arg10[%add3A_17, %dma_start3A_74] : memref<10240x32xf32, #tpu.memory_space<vmem_shared>> -> memref<128x32xf32, #tpu.memory_space<vmem_shared>>
      %dma_start3A_76 = arith.constant 0 : i32
      %dma_start3A_77 = tpu.memref_slice %arg10[%add3A_17, %dma_start3A_76] : memref<10240x32xf32, #tpu.memory_space<vmem_shared>> -> memref<128x32xf32, #tpu.memory_space<vmem_shared>>
      %dma_start3A_78 = arith.constant 0 : i32
      %dma_start3A_79 = arith.constant 0 : i32
      %dma_start3A_80 = tpu.memref_slice %arg9[%run_scoped3A_18, %dma_start3A_78, %dma_start3A_79] : memref<6x128x32xf32, #tpu.memory_space<vmem>> -> memref<1x128x32xf32, #tpu.memory_space<vmem>>
      %dma_start3A_81 = tpu.memref_squeeze %dma_start3A_80 : memref<1x128x32xf32, #tpu.memory_space<vmem>> -> memref<128x32xf32, #tpu.memory_space<vmem>>
      tpu.enqueue_dma source(%dma_start3A_81 : memref<128x32xf32, #tpu.memory_space<vmem>>) target(%dma_start3A_77 : memref<128x32xf32, #tpu.memory_space<vmem_shared>>) target_semaphore(%run_scoped3A_70 : memref<!tpu.dma_semaphore, #tpu.memory_space<semaphore_mem>>)
      %dma_wait3A = arith.constant 0 : i32
      %dma_wait3A_82 = arith.constant 0 : i32
      %dma_wait3A_83 = tpu.memref_slice %arg9[%run_scoped3A_18, %dma_wait3A, %dma_wait3A_82] : memref<6x128x32xf32, #tpu.memory_space<vmem>> -> memref<1x128x32xf32, #tpu.memory_space<vmem>>
      %dma_wait3A_84 = tpu.memref_squeeze %dma_wait3A_83 : memref<1x128x32xf32, #tpu.memory_space<vmem>> -> memref<128x32xf32, #tpu.memory_space<vmem>>
      %dma_wait3A_85 = arith.constant 0 : i32
      %dma_wait3A_86 = tpu.memref_slice %arg10[%add3A_17, %dma_wait3A_85] : memref<10240x32xf32, #tpu.memory_space<vmem_shared>> -> memref<128x32xf32, #tpu.memory_space<vmem_shared>>
      %dma_wait3A_87 = arith.constant 0 : i32
      %dma_wait3A_88 = tpu.memref_slice %arg10[%add3A_17, %dma_wait3A_87] : memref<10240x32xf32, #tpu.memory_space<vmem_shared>> -> memref<128x32xf32, #tpu.memory_space<vmem_shared>>
      %dma_wait3A_89 = arith.constant 0 : i32
      %dma_wait3A_90 = arith.constant 0 : i32
      %dma_wait3A_91 = tpu.memref_slice %arg9[%run_scoped3A_18, %dma_wait3A_89, %dma_wait3A_90] : memref<6x128x32xf32, #tpu.memory_space<vmem>> -> memref<1x128x32xf32, #tpu.memory_space<vmem>>
      %dma_wait3A_92 = tpu.memref_squeeze %dma_wait3A_91 : memref<1x128x32xf32, #tpu.memory_space<vmem>> -> memref<128x32xf32, #tpu.memory_space<vmem>>
      tpu.wait_dma2 semaphore(%run_scoped3A_70 : memref<!tpu.dma_semaphore, #tpu.memory_space<semaphore_mem>>) src(%dma_wait3A_92 : memref<128x32xf32, #tpu.memory_space<vmem>>) dst(%dma_wait3A_88 : memref<128x32xf32, #tpu.memory_space<vmem_shared>>)
      tpu.yield
    }) : () -> ()
    %add3A_19 = arith.constant 256 : i32
    %add3A_20 = arith.addi %mul3A_12, %add3A_19 : i32
    %run_scoped3A_21 = arith.constant 0 : i32
    "tpu.region"() ({
      %run_scoped3A_70 = tpu.sem_alloc : memref<!tpu.dma_semaphore, #tpu.memory_space<semaphore_mem>>
      %dma_start3A = arith.constant 0 : i32
      %dma_start3A_71 = arith.constant 0 : i32
      %dma_start3A_72 = tpu.memref_slice %arg9[%run_scoped3A_21, %dma_start3A, %dma_start3A_71] : memref<6x128x32xf32, #tpu.memory_space<vmem>> -> memref<1x128x32xf32, #tpu.memory_space<vmem>>
      %dma_start3A_73 = tpu.memref_squeeze %dma_start3A_72 : memref<1x128x32xf32, #tpu.memory_space<vmem>> -> memref<128x32xf32, #tpu.memory_space<vmem>>
      %dma_start3A_74 = arith.constant 0 : i32
      %dma_start3A_75 = tpu.memref_slice %arg10[%add3A_20, %dma_start3A_74] : memref<10240x32xf32, #tpu.memory_space<vmem_shared>> -> memref<128x32xf32, #tpu.memory_space<vmem_shared>>
      %dma_start3A_76 = arith.constant 0 : i32
      %dma_start3A_77 = tpu.memref_slice %arg10[%add3A_20, %dma_start3A_76] : memref<10240x32xf32, #tpu.memory_space<vmem_shared>> -> memref<128x32xf32, #tpu.memory_space<vmem_shared>>
      %dma_start3A_78 = arith.constant 0 : i32
      %dma_start3A_79 = arith.constant 0 : i32
      %dma_start3A_80 = tpu.memref_slice %arg9[%run_scoped3A_21, %dma_start3A_78, %dma_start3A_79] : memref<6x128x32xf32, #tpu.memory_space<vmem>> -> memref<1x128x32xf32, #tpu.memory_space<vmem>>
      %dma_start3A_81 = tpu.memref_squeeze %dma_start3A_80 : memref<1x128x32xf32, #tpu.memory_space<vmem>> -> memref<128x32xf32, #tpu.memory_space<vmem>>
      tpu.enqueue_dma source(%dma_start3A_81 : memref<128x32xf32, #tpu.memory_space<vmem>>) target(%dma_start3A_77 : memref<128x32xf32, #tpu.memory_space<vmem_shared>>) target_semaphore(%run_scoped3A_70 : memref<!tpu.dma_semaphore, #tpu.memory_space<semaphore_mem>>)
      %dma_wait3A = arith.constant 0 : i32
      %dma_wait3A_82 = arith.constant 0 : i32
      %dma_wait3A_83 = tpu.memref_slice %arg9[%run_scoped3A_21, %dma_wait3A, %dma_wait3A_82] : memref<6x128x32xf32, #tpu.memory_space<vmem>> -> memref<1x128x32xf32, #tpu.memory_space<vmem>>
      %dma_wait3A_84 = tpu.memref_squeeze %dma_wait3A_83 : memref<1x128x32xf32, #tpu.memory_space<vmem>> -> memref<128x32xf32, #tpu.memory_space<vmem>>
      %dma_wait3A_85 = arith.constant 0 : i32
      %dma_wait3A_86 = tpu.memref_slice %arg10[%add3A_20, %dma_wait3A_85] : memref<10240x32xf32, #tpu.memory_space<vmem_shared>> -> memref<128x32xf32, #tpu.memory_space<vmem_shared>>
      %dma_wait3A_87 = arith.constant 0 : i32
      %dma_wait3A_88 = tpu.memref_slice %arg10[%add3A_20, %dma_wait3A_87] : memref<10240x32xf32, #tpu.memory_space<vmem_shared>> -> memref<128x32xf32, #tpu.memory_space<vmem_shared>>
      %dma_wait3A_89 = arith.constant 0 : i32
      %dma_wait3A_90 = arith.constant 0 : i32
      %dma_wait3A_91 = tpu.memref_slice %arg9[%run_scoped3A_21, %dma_wait3A_89, %dma_wait3A_90] : memref<6x128x32xf32, #tpu.memory_space<vmem>> -> memref<1x128x32xf32, #tpu.memory_space<vmem>>
      %dma_wait3A_92 = tpu.memref_squeeze %dma_wait3A_91 : memref<1x128x32xf32, #tpu.memory_space<vmem>> -> memref<128x32xf32, #tpu.memory_space<vmem>>
      tpu.wait_dma2 semaphore(%run_scoped3A_70 : memref<!tpu.dma_semaphore, #tpu.memory_space<semaphore_mem>>) src(%dma_wait3A_92 : memref<128x32xf32, #tpu.memory_space<vmem>>) dst(%dma_wait3A_88 : memref<128x32xf32, #tpu.memory_space<vmem_shared>>)
      tpu.yield
    }) : () -> ()
    %add3A_22 = arith.constant 384 : i32
    %add3A_23 = arith.addi %mul3A_12, %add3A_22 : i32
    %run_scoped3A_24 = arith.constant 0 : i32
    "tpu.region"() ({
      %run_scoped3A_70 = tpu.sem_alloc : memref<!tpu.dma_semaphore, #tpu.memory_space<semaphore_mem>>
      %dma_start3A = arith.constant 0 : i32
      %dma_start3A_71 = arith.constant 0 : i32
      %dma_start3A_72 = tpu.memref_slice %arg9[%run_scoped3A_24, %dma_start3A, %dma_start3A_71] : memref<6x128x32xf32, #tpu.memory_space<vmem>> -> memref<1x128x32xf32, #tpu.memory_space<vmem>>
      %dma_start3A_73 = tpu.memref_squeeze %dma_start3A_72 : memref<1x128x32xf32, #tpu.memory_space<vmem>> -> memref<128x32xf32, #tpu.memory_space<vmem>>
      %dma_start3A_74 = arith.constant 0 : i32
      %dma_start3A_75 = tpu.memref_slice %arg10[%add3A_23, %dma_start3A_74] : memref<10240x32xf32, #tpu.memory_space<vmem_shared>> -> memref<128x32xf32, #tpu.memory_space<vmem_shared>>
      %dma_start3A_76 = arith.constant 0 : i32
      %dma_start3A_77 = tpu.memref_slice %arg10[%add3A_23, %dma_start3A_76] : memref<10240x32xf32, #tpu.memory_space<vmem_shared>> -> memref<128x32xf32, #tpu.memory_space<vmem_shared>>
      %dma_start3A_78 = arith.constant 0 : i32
      %dma_start3A_79 = arith.constant 0 : i32
      %dma_start3A_80 = tpu.memref_slice %arg9[%run_scoped3A_24, %dma_start3A_78, %dma_start3A_79] : memref<6x128x32xf32, #tpu.memory_space<vmem>> -> memref<1x128x32xf32, #tpu.memory_space<vmem>>
      %dma_start3A_81 = tpu.memref_squeeze %dma_start3A_80 : memref<1x128x32xf32, #tpu.memory_space<vmem>> -> memref<128x32xf32, #tpu.memory_space<vmem>>
      tpu.enqueue_dma source(%dma_start3A_81 : memref<128x32xf32, #tpu.memory_space<vmem>>) target(%dma_start3A_77 : memref<128x32xf32, #tpu.memory_space<vmem_shared>>) target_semaphore(%run_scoped3A_70 : memref<!tpu.dma_semaphore, #tpu.memory_space<semaphore_mem>>)
      %dma_wait3A = arith.constant 0 : i32
      %dma_wait3A_82 = arith.constant 0 : i32
      %dma_wait3A_83 = tpu.memref_slice %arg9[%run_scoped3A_24, %dma_wait3A, %dma_wait3A_82] : memref<6x128x32xf32, #tpu.memory_space<vmem>> -> memref<1x128x32xf32, #tpu.memory_space<vmem>>
      %dma_wait3A_84 = tpu.memref_squeeze %dma_wait3A_83 : memref<1x128x32xf32, #tpu.memory_space<vmem>> -> memref<128x32xf32, #tpu.memory_space<vmem>>
      %dma_wait3A_85 = arith.constant 0 : i32
      %dma_wait3A_86 = tpu.memref_slice %arg10[%add3A_23, %dma_wait3A_85] : memref<10240x32xf32, #tpu.memory_space<vmem_shared>> -> memref<128x32xf32, #tpu.memory_space<vmem_shared>>
      %dma_wait3A_87 = arith.constant 0 : i32
      %dma_wait3A_88 = tpu.memref_slice %arg10[%add3A_23, %dma_wait3A_87] : memref<10240x32xf32, #tpu.memory_space<vmem_shared>> -> memref<128x32xf32, #tpu.memory_space<vmem_shared>>
      %dma_wait3A_89 = arith.constant 0 : i32
      %dma_wait3A_90 = arith.constant 0 : i32
      %dma_wait3A_91 = tpu.memref_slice %arg9[%run_scoped3A_24, %dma_wait3A_89, %dma_wait3A_90] : memref<6x128x32xf32, #tpu.memory_space<vmem>> -> memref<1x128x32xf32, #tpu.memory_space<vmem>>
      %dma_wait3A_92 = tpu.memref_squeeze %dma_wait3A_91 : memref<1x128x32xf32, #tpu.memory_space<vmem>> -> memref<128x32xf32, #tpu.memory_space<vmem>>
      tpu.wait_dma2 semaphore(%run_scoped3A_70 : memref<!tpu.dma_semaphore, #tpu.memory_space<semaphore_mem>>) src(%dma_wait3A_92 : memref<128x32xf32, #tpu.memory_space<vmem>>) dst(%dma_wait3A_88 : memref<128x32xf32, #tpu.memory_space<vmem_shared>>)
      tpu.yield
    }) : () -> ()
    %add3A_25 = arith.constant 512 : i32
    %add3A_26 = arith.addi %mul3A_12, %add3A_25 : i32
    %run_scoped3A_27 = arith.constant 0 : i32
    "tpu.region"() ({
      %run_scoped3A_70 = tpu.sem_alloc : memref<!tpu.dma_semaphore, #tpu.memory_space<semaphore_mem>>
      %dma_start3A = arith.constant 0 : i32
      %dma_start3A_71 = arith.constant 0 : i32
      %dma_start3A_72 = tpu.memref_slice %arg9[%run_scoped3A_27, %dma_start3A, %dma_start3A_71] : memref<6x128x32xf32, #tpu.memory_space<vmem>> -> memref<1x128x32xf32, #tpu.memory_space<vmem>>
      %dma_start3A_73 = tpu.memref_squeeze %dma_start3A_72 : memref<1x128x32xf32, #tpu.memory_space<vmem>> -> memref<128x32xf32, #tpu.memory_space<vmem>>
      %dma_start3A_74 = arith.constant 0 : i32
      %dma_start3A_75 = tpu.memref_slice %arg10[%add3A_26, %dma_start3A_74] : memref<10240x32xf32, #tpu.memory_space<vmem_shared>> -> memref<128x32xf32, #tpu.memory_space<vmem_shared>>
      %dma_start3A_76 = arith.constant 0 : i32
      %dma_start3A_77 = tpu.memref_slice %arg10[%add3A_26, %dma_start3A_76] : memref<10240x32xf32, #tpu.memory_space<vmem_shared>> -> memref<128x32xf32, #tpu.memory_space<vmem_shared>>
      %dma_start3A_78 = arith.constant 0 : i32
      %dma_start3A_79 = arith.constant 0 : i32
      %dma_start3A_80 = tpu.memref_slice %arg9[%run_scoped3A_27, %dma_start3A_78, %dma_start3A_79] : memref<6x128x32xf32, #tpu.memory_space<vmem>> -> memref<1x128x32xf32, #tpu.memory_space<vmem>>
      %dma_start3A_81 = tpu.memref_squeeze %dma_start3A_80 : memref<1x128x32xf32, #tpu.memory_space<vmem>> -> memref<128x32xf32, #tpu.memory_space<vmem>>
      tpu.enqueue_dma source(%dma_start3A_81 : memref<128x32xf32, #tpu.memory_space<vmem>>) target(%dma_start3A_77 : memref<128x32xf32, #tpu.memory_space<vmem_shared>>) target_semaphore(%run_scoped3A_70 : memref<!tpu.dma_semaphore, #tpu.memory_space<semaphore_mem>>)
      %dma_wait3A = arith.constant 0 : i32
      %dma_wait3A_82 = arith.constant 0 : i32
      %dma_wait3A_83 = tpu.memref_slice %arg9[%run_scoped3A_27, %dma_wait3A, %dma_wait3A_82] : memref<6x128x32xf32, #tpu.memory_space<vmem>> -> memref<1x128x32xf32, #tpu.memory_space<vmem>>
      %dma_wait3A_84 = tpu.memref_squeeze %dma_wait3A_83 : memref<1x128x32xf32, #tpu.memory_space<vmem>> -> memref<128x32xf32, #tpu.memory_space<vmem>>
      %dma_wait3A_85 = arith.constant 0 : i32
      %dma_wait3A_86 = tpu.memref_slice %arg10[%add3A_26, %dma_wait3A_85] : memref<10240x32xf32, #tpu.memory_space<vmem_shared>> -> memref<128x32xf32, #tpu.memory_space<vmem_shared>>
      %dma_wait3A_87 = arith.constant 0 : i32
      %dma_wait3A_88 = tpu.memref_slice %arg10[%add3A_26, %dma_wait3A_87] : memref<10240x32xf32, #tpu.memory_space<vmem_shared>> -> memref<128x32xf32, #tpu.memory_space<vmem_shared>>
      %dma_wait3A_89 = arith.constant 0 : i32
      %dma_wait3A_90 = arith.constant 0 : i32
      %dma_wait3A_91 = tpu.memref_slice %arg9[%run_scoped3A_27, %dma_wait3A_89, %dma_wait3A_90] : memref<6x128x32xf32, #tpu.memory_space<vmem>> -> memref<1x128x32xf32, #tpu.memory_space<vmem>>
      %dma_wait3A_92 = tpu.memref_squeeze %dma_wait3A_91 : memref<1x128x32xf32, #tpu.memory_space<vmem>> -> memref<128x32xf32, #tpu.memory_space<vmem>>
      tpu.wait_dma2 semaphore(%run_scoped3A_70 : memref<!tpu.dma_semaphore, #tpu.memory_space<semaphore_mem>>) src(%dma_wait3A_92 : memref<128x32xf32, #tpu.memory_space<vmem>>) dst(%dma_wait3A_88 : memref<128x32xf32, #tpu.memory_space<vmem_shared>>)
      tpu.yield
    }) : () -> ()
    %barrier3A = arith.constant 0 : index
    tpu.barrier barrier_id(%barrier3A)
    %scan3A_28 = arith.constant 0 : i32
    %scan3A_29 = arith.constant 0 : i32
    %scan3A_30 = arith.constant 13 : i32
    %scan3A_31 = arith.addi %scan3A_29, %scan3A_30 : i32
    %scan3A_32 = arith.constant 1 : i32
    scf.for %scan3A_70 = %scan3A_29 to %scan3A_31 step %scan3A_32  : i32 {
      %mul3A_71 = arith.constant 6 : i32
      %mul3A_72 = arith.muli %scan3A_70, %mul3A_71 : i32
      %add3A_73 = arith.constant 0 : i32
      %add3A_74 = arith.addi %mul3A_72, %add3A_73 : i32
      %dma_start3A = arith.constant 0 : i32
      %dma_start3A_75 = arith.constant 0 : i32
      %dma_start3A_76 = arith.constant 0 : i32
      %dma_start3A_77 = tpu.memref_slice %arg9[%dma_start3A, %dma_start3A_75, %dma_start3A_76] : memref<6x128x32xf32, #tpu.memory_space<vmem>> -> memref<1x128x32xf32, #tpu.memory_space<vmem>>
      %dma_start3A_78 = tpu.memref_squeeze %dma_start3A_77 : memref<1x128x32xf32, #tpu.memory_space<vmem>> -> memref<128x32xf32, #tpu.memory_space<vmem>>
      %dma_start3A_79 = arith.constant 0 : i32
      %dma_start3A_80 = tpu.memref_slice %arg5[%add3A_74, %dma_start3A_79] : memref<78x128xi32, #tpu.memory_space<vmem>> -> memref<1x128xi32, #tpu.memory_space<vmem>>
      %dma_start3A_81 = tpu.memref_squeeze %dma_start3A_80 : memref<1x128xi32, #tpu.memory_space<vmem>> -> memref<128xi32, #tpu.memory_space<vmem>>
      %dma_start3A_82 = arith.constant 0 : i32
      %dma_start3A_83 = arith.constant 0 : i32
      %dma_start3A_84 = tpu.memref_slice %arg2[%dma_start3A_82, %dma_start3A_83] : memref<10000x32xf32, #tpu.memory_space<hbm>> -> memref<10000x32xf32, #tpu.memory_space<hbm>>
      tpu.enqueue_indirect_dma source(%dma_start3A_84 : memref<10000x32xf32, #tpu.memory_space<hbm>>) target(%dma_start3A_78 : memref<128x32xf32, #tpu.memory_space<vmem>>) offsets(%dma_start3A_81 : memref<128xi32, #tpu.memory_space<vmem>>) semaphore(%arg11 : memref<!tpu.dma_semaphore, #tpu.memory_space<semaphore_mem>>)
      %mul3A_85 = arith.constant 6 : i32
      %mul3A_86 = arith.muli %scan3A_70, %mul3A_85 : i32
      %add3A_87 = arith.constant 1 : i32
      %add3A_88 = arith.addi %mul3A_86, %add3A_87 : i32
      %dma_start3A_89 = arith.constant 1 : i32
      %dma_start3A_90 = arith.constant 0 : i32
      %dma_start3A_91 = arith.constant 0 : i32
      %dma_start3A_92 = tpu.memref_slice %arg9[%dma_start3A_89, %dma_start3A_90, %dma_start3A_91] : memref<6x128x32xf32, #tpu.memory_space<vmem>> -> memref<1x128x32xf32, #tpu.memory_space<vmem>>
      %dma_start3A_93 = tpu.memref_squeeze %dma_start3A_92 : memref<1x128x32xf32, #tpu.memory_space<vmem>> -> memref<128x32xf32, #tpu.memory_space<vmem>>
      %dma_start3A_94 = arith.constant 0 : i32
      %dma_start3A_95 = tpu.memref_slice %arg5[%add3A_88, %dma_start3A_94] : memref<78x128xi32, #tpu.memory_space<vmem>> -> memref<1x128xi32, #tpu.memory_space<vmem>>
      %dma_start3A_96 = tpu.memref_squeeze %dma_start3A_95 : memref<1x128xi32, #tpu.memory_space<vmem>> -> memref<128xi32, #tpu.memory_space<vmem>>
      %dma_start3A_97 = arith.constant 0 : i32
      %dma_start3A_98 = arith.constant 0 : i32
      %dma_start3A_99 = tpu.memref_slice %arg2[%dma_start3A_97, %dma_start3A_98] : memref<10000x32xf32, #tpu.memory_space<hbm>> -> memref<10000x32xf32, #tpu.memory_space<hbm>>
      tpu.enqueue_indirect_dma source(%dma_start3A_99 : memref<10000x32xf32, #tpu.memory_space<hbm>>) target(%dma_start3A_93 : memref<128x32xf32, #tpu.memory_space<vmem>>) offsets(%dma_start3A_96 : memref<128xi32, #tpu.memory_space<vmem>>) semaphore(%arg11 : memref<!tpu.dma_semaphore, #tpu.memory_space<semaphore_mem>>)
      %mul3A_100 = arith.constant 6 : i32
      %mul3A_101 = arith.muli %scan3A_70, %mul3A_100 : i32
      %add3A_102 = arith.constant 2 : i32
      %add3A_103 = arith.addi %mul3A_101, %add3A_102 : i32
      %dma_start3A_104 = arith.constant 2 : i32
      %dma_start3A_105 = arith.constant 0 : i32
      %dma_start3A_106 = arith.constant 0 : i32
      %dma_start3A_107 = tpu.memref_slice %arg9[%dma_start3A_104, %dma_start3A_105, %dma_start3A_106] : memref<6x128x32xf32, #tpu.memory_space<vmem>> -> memref<1x128x32xf32, #tpu.memory_space<vmem>>
      %dma_start3A_108 = tpu.memref_squeeze %dma_start3A_107 : memref<1x128x32xf32, #tpu.memory_space<vmem>> -> memref<128x32xf32, #tpu.memory_space<vmem>>
      %dma_start3A_109 = arith.constant 0 : i32
      %dma_start3A_110 = tpu.memref_slice %arg5[%add3A_103, %dma_start3A_109] : memref<78x128xi32, #tpu.memory_space<vmem>> -> memref<1x128xi32, #tpu.memory_space<vmem>>
      %dma_start3A_111 = tpu.memref_squeeze %dma_start3A_110 : memref<1x128xi32, #tpu.memory_space<vmem>> -> memref<128xi32, #tpu.memory_space<vmem>>
      %dma_start3A_112 = arith.constant 0 : i32
      %dma_start3A_113 = arith.constant 0 : i32
      %dma_start3A_114 = tpu.memref_slice %arg2[%dma_start3A_112, %dma_start3A_113] : memref<10000x32xf32, #tpu.memory_space<hbm>> -> memref<10000x32xf32, #tpu.memory_space<hbm>>
      tpu.enqueue_indirect_dma source(%dma_start3A_114 : memref<10000x32xf32, #tpu.memory_space<hbm>>) target(%dma_start3A_108 : memref<128x32xf32, #tpu.memory_space<vmem>>) offsets(%dma_start3A_111 : memref<128xi32, #tpu.memory_space<vmem>>) semaphore(%arg11 : memref<!tpu.dma_semaphore, #tpu.memory_space<semaphore_mem>>)
      %mul3A_115 = arith.constant 6 : i32
      %mul3A_116 = arith.muli %scan3A_70, %mul3A_115 : i32
      %add3A_117 = arith.constant 3 : i32
      %add3A_118 = arith.addi %mul3A_116, %add3A_117 : i32
      %dma_start3A_119 = arith.constant 3 : i32
      %dma_start3A_120 = arith.constant 0 : i32
      %dma_start3A_121 = arith.constant 0 : i32
      %dma_start3A_122 = tpu.memref_slice %arg9[%dma_start3A_119, %dma_start3A_120, %dma_start3A_121] : memref<6x128x32xf32, #tpu.memory_space<vmem>> -> memref<1x128x32xf32, #tpu.memory_space<vmem>>
      %dma_start3A_123 = tpu.memref_squeeze %dma_start3A_122 : memref<1x128x32xf32, #tpu.memory_space<vmem>> -> memref<128x32xf32, #tpu.memory_space<vmem>>
      %dma_start3A_124 = arith.constant 0 : i32
      %dma_start3A_125 = tpu.memref_slice %arg5[%add3A_118, %dma_start3A_124] : memref<78x128xi32, #tpu.memory_space<vmem>> -> memref<1x128xi32, #tpu.memory_space<vmem>>
      %dma_start3A_126 = tpu.memref_squeeze %dma_start3A_125 : memref<1x128xi32, #tpu.memory_space<vmem>> -> memref<128xi32, #tpu.memory_space<vmem>>
      %dma_start3A_127 = arith.constant 0 : i32
      %dma_start3A_128 = arith.constant 0 : i32
      %dma_start3A_129 = tpu.memref_slice %arg2[%dma_start3A_127, %dma_start3A_128] : memref<10000x32xf32, #tpu.memory_space<hbm>> -> memref<10000x32xf32, #tpu.memory_space<hbm>>
      tpu.enqueue_indirect_dma source(%dma_start3A_129 : memref<10000x32xf32, #tpu.memory_space<hbm>>) target(%dma_start3A_123 : memref<128x32xf32, #tpu.memory_space<vmem>>) offsets(%dma_start3A_126 : memref<128xi32, #tpu.memory_space<vmem>>) semaphore(%arg11 : memref<!tpu.dma_semaphore, #tpu.memory_space<semaphore_mem>>)
      %mul3A_130 = arith.constant 6 : i32
      %mul3A_131 = arith.muli %scan3A_70, %mul3A_130 : i32
      %add3A_132 = arith.constant 4 : i32
      %add3A_133 = arith.addi %mul3A_131, %add3A_132 : i32
      %dma_start3A_134 = arith.constant 4 : i32
      %dma_start3A_135 = arith.constant 0 : i32
      %dma_start3A_136 = arith.constant 0 : i32
      %dma_start3A_137 = tpu.memref_slice %arg9[%dma_start3A_134, %dma_start3A_135, %dma_start3A_136] : memref<6x128x32xf32, #tpu.memory_space<vmem>> -> memref<1x128x32xf32, #tpu.memory_space<vmem>>
      %dma_start3A_138 = tpu.memref_squeeze %dma_start3A_137 : memref<1x128x32xf32, #tpu.memory_space<vmem>> -> memref<128x32xf32, #tpu.memory_space<vmem>>
      %dma_start3A_139 = arith.constant 0 : i32
      %dma_start3A_140 = tpu.memref_slice %arg5[%add3A_133, %dma_start3A_139] : memref<78x128xi32, #tpu.memory_space<vmem>> -> memref<1x128xi32, #tpu.memory_space<vmem>>
      %dma_start3A_141 = tpu.memref_squeeze %dma_start3A_140 : memref<1x128xi32, #tpu.memory_space<vmem>> -> memref<128xi32, #tpu.memory_space<vmem>>
      %dma_start3A_142 = arith.constant 0 : i32
      %dma_start3A_143 = arith.constant 0 : i32
      %dma_start3A_144 = tpu.memref_slice %arg2[%dma_start3A_142, %dma_start3A_143] : memref<10000x32xf32, #tpu.memory_space<hbm>> -> memref<10000x32xf32, #tpu.memory_space<hbm>>
      tpu.enqueue_indirect_dma source(%dma_start3A_144 : memref<10000x32xf32, #tpu.memory_space<hbm>>) target(%dma_start3A_138 : memref<128x32xf32, #tpu.memory_space<vmem>>) offsets(%dma_start3A_141 : memref<128xi32, #tpu.memory_space<vmem>>) semaphore(%arg11 : memref<!tpu.dma_semaphore, #tpu.memory_space<semaphore_mem>>)
      %mul3A_145 = arith.constant 6 : i32
      %mul3A_146 = arith.muli %scan3A_70, %mul3A_145 : i32
      %add3A_147 = arith.constant 5 : i32
      %add3A_148 = arith.addi %mul3A_146, %add3A_147 : i32
      %dma_start3A_149 = arith.constant 5 : i32
      %dma_start3A_150 = arith.constant 0 : i32
      %dma_start3A_151 = arith.constant 0 : i32
      %dma_start3A_152 = tpu.memref_slice %arg9[%dma_start3A_149, %dma_start3A_150, %dma_start3A_151] : memref<6x128x32xf32, #tpu.memory_space<vmem>> -> memref<1x128x32xf32, #tpu.memory_space<vmem>>
      %dma_start3A_153 = tpu.memref_squeeze %dma_start3A_152 : memref<1x128x32xf32, #tpu.memory_space<vmem>> -> memref<128x32xf32, #tpu.memory_space<vmem>>
      %dma_start3A_154 = arith.constant 0 : i32
      %dma_start3A_155 = tpu.memref_slice %arg5[%add3A_148, %dma_start3A_154] : memref<78x128xi32, #tpu.memory_space<vmem>> -> memref<1x128xi32, #tpu.memory_space<vmem>>
      %dma_start3A_156 = tpu.memref_squeeze %dma_start3A_155 : memref<1x128xi32, #tpu.memory_space<vmem>> -> memref<128xi32, #tpu.memory_space<vmem>>
      %dma_start3A_157 = arith.constant 0 : i32
      %dma_start3A_158 = arith.constant 0 : i32
      %dma_start3A_159 = tpu.memref_slice %arg2[%dma_start3A_157, %dma_start3A_158] : memref<10000x32xf32, #tpu.memory_space<hbm>> -> memref<10000x32xf32, #tpu.memory_space<hbm>>
      tpu.enqueue_indirect_dma source(%dma_start3A_159 : memref<10000x32xf32, #tpu.memory_space<hbm>>) target(%dma_start3A_153 : memref<128x32xf32, #tpu.memory_space<vmem>>) offsets(%dma_start3A_156 : memref<128xi32, #tpu.memory_space<vmem>>) semaphore(%arg11 : memref<!tpu.dma_semaphore, #tpu.memory_space<semaphore_mem>>)
      %mul3A_160 = arith.constant 6 : i32
      %mul3A_161 = arith.muli %scan3A_70, %mul3A_160 : i32
      %add3A_162 = arith.constant 0 : i32
      %add3A_163 = arith.addi %mul3A_161, %add3A_162 : i32
      %dma_wait3A = arith.constant 0 : i32
      %dma_wait3A_164 = arith.constant 0 : i32
      %dma_wait3A_165 = arith.constant 0 : i32
      %dma_wait3A_166 = tpu.memref_slice %arg9[%dma_wait3A, %dma_wait3A_164, %dma_wait3A_165] : memref<6x128x32xf32, #tpu.memory_space<vmem>> -> memref<1x128x32xf32, #tpu.memory_space<vmem>>
      %dma_wait3A_167 = tpu.memref_squeeze %dma_wait3A_166 : memref<1x128x32xf32, #tpu.memory_space<vmem>> -> memref<128x32xf32, #tpu.memory_space<vmem>>
      %dma_wait3A_168 = arith.constant 0 : i32
      %dma_wait3A_169 = tpu.memref_slice %arg5[%add3A_74, %dma_wait3A_168] : memref<78x128xi32, #tpu.memory_space<vmem>> -> memref<1x128xi32, #tpu.memory_space<vmem>>
      %dma_wait3A_170 = tpu.memref_squeeze %dma_wait3A_169 : memref<1x128xi32, #tpu.memory_space<vmem>> -> memref<128xi32, #tpu.memory_space<vmem>>
      %dma_wait3A_171 = arith.constant 0 : i32
      %dma_wait3A_172 = arith.constant 0 : i32
      %dma_wait3A_173 = tpu.memref_slice %arg2[%dma_wait3A_171, %dma_wait3A_172] : memref<10000x32xf32, #tpu.memory_space<hbm>> -> memref<10000x32xf32, #tpu.memory_space<hbm>>
      tpu.wait_indirect_dma semaphore(%arg11 : memref<!tpu.dma_semaphore, #tpu.memory_space<semaphore_mem>>) src(%dma_wait3A_173 : memref<10000x32xf32, #tpu.memory_space<hbm>>) dst(%dma_wait3A_167 : memref<128x32xf32, #tpu.memory_space<vmem>>)
      %dma_start3A_174 = arith.constant 0 : i32
      %dma_start3A_175 = arith.constant 0 : i32
      %dma_start3A_176 = arith.constant 0 : i32
      %dma_start3A_177 = tpu.memref_slice %arg9[%dma_start3A_174, %dma_start3A_175, %dma_start3A_176] : memref<6x128x32xf32, #tpu.memory_space<vmem>> -> memref<1x128x32xf32, #tpu.memory_space<vmem>>
      %dma_start3A_178 = tpu.memref_squeeze %dma_start3A_177 : memref<1x128x32xf32, #tpu.memory_space<vmem>> -> memref<128x32xf32, #tpu.memory_space<vmem>>
      %dma_start3A_179 = arith.constant 0 : i32
      %dma_start3A_180 = tpu.memref_slice %arg6[%add3A_163, %dma_start3A_179] : memref<78x128xi32, #tpu.memory_space<vmem>> -> memref<1x128xi32, #tpu.memory_space<vmem>>
      %dma_start3A_181 = tpu.memref_squeeze %dma_start3A_180 : memref<1x128xi32, #tpu.memory_space<vmem>> -> memref<128xi32, #tpu.memory_space<vmem>>
      %dma_start3A_182 = arith.constant 0 : i32
      %dma_start3A_183 = arith.constant 0 : i32
      %dma_start3A_184 = tpu.memref_slice %arg10[%dma_start3A_182, %dma_start3A_183] : memref<10240x32xf32, #tpu.memory_space<vmem_shared>> -> memref<10240x32xf32, #tpu.memory_space<vmem_shared>>
      tpu.enqueue_indirect_dma source(%dma_start3A_178 : memref<128x32xf32, #tpu.memory_space<vmem>>) target(%dma_start3A_184 : memref<10240x32xf32, #tpu.memory_space<vmem_shared>>) offsets(%dma_start3A_181 : memref<128xi32, #tpu.memory_space<vmem>>) semaphore(%arg12 : memref<!tpu.dma_semaphore, #tpu.memory_space<semaphore_mem>>) {add = true}
      %mul3A_185 = arith.constant 6 : i32
      %mul3A_186 = arith.muli %scan3A_70, %mul3A_185 : i32
      %add3A_187 = arith.constant 1 : i32
      %add3A_188 = arith.addi %mul3A_186, %add3A_187 : i32
      %dma_wait3A_189 = arith.constant 1 : i32
      %dma_wait3A_190 = arith.constant 0 : i32
      %dma_wait3A_191 = arith.constant 0 : i32
      %dma_wait3A_192 = tpu.memref_slice %arg9[%dma_wait3A_189, %dma_wait3A_190, %dma_wait3A_191] : memref<6x128x32xf32, #tpu.memory_space<vmem>> -> memref<1x128x32xf32, #tpu.memory_space<vmem>>
      %dma_wait3A_193 = tpu.memref_squeeze %dma_wait3A_192 : memref<1x128x32xf32, #tpu.memory_space<vmem>> -> memref<128x32xf32, #tpu.memory_space<vmem>>
      %dma_wait3A_194 = arith.constant 0 : i32
      %dma_wait3A_195 = tpu.memref_slice %arg5[%add3A_88, %dma_wait3A_194] : memref<78x128xi32, #tpu.memory_space<vmem>> -> memref<1x128xi32, #tpu.memory_space<vmem>>
      %dma_wait3A_196 = tpu.memref_squeeze %dma_wait3A_195 : memref<1x128xi32, #tpu.memory_space<vmem>> -> memref<128xi32, #tpu.memory_space<vmem>>
      %dma_wait3A_197 = arith.constant 0 : i32
      %dma_wait3A_198 = arith.constant 0 : i32
      %dma_wait3A_199 = tpu.memref_slice %arg2[%dma_wait3A_197, %dma_wait3A_198] : memref<10000x32xf32, #tpu.memory_space<hbm>> -> memref<10000x32xf32, #tpu.memory_space<hbm>>
      tpu.wait_indirect_dma semaphore(%arg11 : memref<!tpu.dma_semaphore, #tpu.memory_space<semaphore_mem>>) src(%dma_wait3A_199 : memref<10000x32xf32, #tpu.memory_space<hbm>>) dst(%dma_wait3A_193 : memref<128x32xf32, #tpu.memory_space<vmem>>)
      %dma_start3A_200 = arith.constant 1 : i32
      %dma_start3A_201 = arith.constant 0 : i32
      %dma_start3A_202 = arith.constant 0 : i32
      %dma_start3A_203 = tpu.memref_slice %arg9[%dma_start3A_200, %dma_start3A_201, %dma_start3A_202] : memref<6x128x32xf32, #tpu.memory_space<vmem>> -> memref<1x128x32xf32, #tpu.memory_space<vmem>>
      %dma_start3A_204 = tpu.memref_squeeze %dma_start3A_203 : memref<1x128x32xf32, #tpu.memory_space<vmem>> -> memref<128x32xf32, #tpu.memory_space<vmem>>
      %dma_start3A_205 = arith.constant 0 : i32
      %dma_start3A_206 = tpu.memref_slice %arg6[%add3A_188, %dma_start3A_205] : memref<78x128xi32, #tpu.memory_space<vmem>> -> memref<1x128xi32, #tpu.memory_space<vmem>>
      %dma_start3A_207 = tpu.memref_squeeze %dma_start3A_206 : memref<1x128xi32, #tpu.memory_space<vmem>> -> memref<128xi32, #tpu.memory_space<vmem>>
      %dma_start3A_208 = arith.constant 0 : i32
      %dma_start3A_209 = arith.constant 0 : i32
      %dma_start3A_210 = tpu.memref_slice %arg10[%dma_start3A_208, %dma_start3A_209] : memref<10240x32xf32, #tpu.memory_space<vmem_shared>> -> memref<10240x32xf32, #tpu.memory_space<vmem_shared>>
      tpu.enqueue_indirect_dma source(%dma_start3A_204 : memref<128x32xf32, #tpu.memory_space<vmem>>) target(%dma_start3A_210 : memref<10240x32xf32, #tpu.memory_space<vmem_shared>>) offsets(%dma_start3A_207 : memref<128xi32, #tpu.memory_space<vmem>>) semaphore(%arg12 : memref<!tpu.dma_semaphore, #tpu.memory_space<semaphore_mem>>) {add = true}
      %mul3A_211 = arith.constant 6 : i32
      %mul3A_212 = arith.muli %scan3A_70, %mul3A_211 : i32
      %add3A_213 = arith.constant 2 : i32
      %add3A_214 = arith.addi %mul3A_212, %add3A_213 : i32
      %dma_wait3A_215 = arith.constant 2 : i32
      %dma_wait3A_216 = arith.constant 0 : i32
      %dma_wait3A_217 = arith.constant 0 : i32
      %dma_wait3A_218 = tpu.memref_slice %arg9[%dma_wait3A_215, %dma_wait3A_216, %dma_wait3A_217] : memref<6x128x32xf32, #tpu.memory_space<vmem>> -> memref<1x128x32xf32, #tpu.memory_space<vmem>>
      %dma_wait3A_219 = tpu.memref_squeeze %dma_wait3A_218 : memref<1x128x32xf32, #tpu.memory_space<vmem>> -> memref<128x32xf32, #tpu.memory_space<vmem>>
      %dma_wait3A_220 = arith.constant 0 : i32
      %dma_wait3A_221 = tpu.memref_slice %arg5[%add3A_103, %dma_wait3A_220] : memref<78x128xi32, #tpu.memory_space<vmem>> -> memref<1x128xi32, #tpu.memory_space<vmem>>
      %dma_wait3A_222 = tpu.memref_squeeze %dma_wait3A_221 : memref<1x128xi32, #tpu.memory_space<vmem>> -> memref<128xi32, #tpu.memory_space<vmem>>
      %dma_wait3A_223 = arith.constant 0 : i32
      %dma_wait3A_224 = arith.constant 0 : i32
      %dma_wait3A_225 = tpu.memref_slice %arg2[%dma_wait3A_223, %dma_wait3A_224] : memref<10000x32xf32, #tpu.memory_space<hbm>> -> memref<10000x32xf32, #tpu.memory_space<hbm>>
      tpu.wait_indirect_dma semaphore(%arg11 : memref<!tpu.dma_semaphore, #tpu.memory_space<semaphore_mem>>) src(%dma_wait3A_225 : memref<10000x32xf32, #tpu.memory_space<hbm>>) dst(%dma_wait3A_219 : memref<128x32xf32, #tpu.memory_space<vmem>>)
      %dma_start3A_226 = arith.constant 2 : i32
      %dma_start3A_227 = arith.constant 0 : i32
      %dma_start3A_228 = arith.constant 0 : i32
      %dma_start3A_229 = tpu.memref_slice %arg9[%dma_start3A_226, %dma_start3A_227, %dma_start3A_228] : memref<6x128x32xf32, #tpu.memory_space<vmem>> -> memref<1x128x32xf32, #tpu.memory_space<vmem>>
      %dma_start3A_230 = tpu.memref_squeeze %dma_start3A_229 : memref<1x128x32xf32, #tpu.memory_space<vmem>> -> memref<128x32xf32, #tpu.memory_space<vmem>>
      %dma_start3A_231 = arith.constant 0 : i32
      %dma_start3A_232 = tpu.memref_slice %arg6[%add3A_214, %dma_start3A_231] : memref<78x128xi32, #tpu.memory_space<vmem>> -> memref<1x128xi32, #tpu.memory_space<vmem>>
      %dma_start3A_233 = tpu.memref_squeeze %dma_start3A_232 : memref<1x128xi32, #tpu.memory_space<vmem>> -> memref<128xi32, #tpu.memory_space<vmem>>
      %dma_start3A_234 = arith.constant 0 : i32
      %dma_start3A_235 = arith.constant 0 : i32
      %dma_start3A_236 = tpu.memref_slice %arg10[%dma_start3A_234, %dma_start3A_235] : memref<10240x32xf32, #tpu.memory_space<vmem_shared>> -> memref<10240x32xf32, #tpu.memory_space<vmem_shared>>
      tpu.enqueue_indirect_dma source(%dma_start3A_230 : memref<128x32xf32, #tpu.memory_space<vmem>>) target(%dma_start3A_236 : memref<10240x32xf32, #tpu.memory_space<vmem_shared>>) offsets(%dma_start3A_233 : memref<128xi32, #tpu.memory_space<vmem>>) semaphore(%arg12 : memref<!tpu.dma_semaphore, #tpu.memory_space<semaphore_mem>>) {add = true}
      %mul3A_237 = arith.constant 6 : i32
      %mul3A_238 = arith.muli %scan3A_70, %mul3A_237 : i32
      %add3A_239 = arith.constant 3 : i32
      %add3A_240 = arith.addi %mul3A_238, %add3A_239 : i32
      %dma_wait3A_241 = arith.constant 3 : i32
      %dma_wait3A_242 = arith.constant 0 : i32
      %dma_wait3A_243 = arith.constant 0 : i32
      %dma_wait3A_244 = tpu.memref_slice %arg9[%dma_wait3A_241, %dma_wait3A_242, %dma_wait3A_243] : memref<6x128x32xf32, #tpu.memory_space<vmem>> -> memref<1x128x32xf32, #tpu.memory_space<vmem>>
      %dma_wait3A_245 = tpu.memref_squeeze %dma_wait3A_244 : memref<1x128x32xf32, #tpu.memory_space<vmem>> -> memref<128x32xf32, #tpu.memory_space<vmem>>
      %dma_wait3A_246 = arith.constant 0 : i32
      %dma_wait3A_247 = tpu.memref_slice %arg5[%add3A_118, %dma_wait3A_246] : memref<78x128xi32, #tpu.memory_space<vmem>> -> memref<1x128xi32, #tpu.memory_space<vmem>>
      %dma_wait3A_248 = tpu.memref_squeeze %dma_wait3A_247 : memref<1x128xi32, #tpu.memory_space<vmem>> -> memref<128xi32, #tpu.memory_space<vmem>>
      %dma_wait3A_249 = arith.constant 0 : i32
      %dma_wait3A_250 = arith.constant 0 : i32
      %dma_wait3A_251 = tpu.memref_slice %arg2[%dma_wait3A_249, %dma_wait3A_250] : memref<10000x32xf32, #tpu.memory_space<hbm>> -> memref<10000x32xf32, #tpu.memory_space<hbm>>
      tpu.wait_indirect_dma semaphore(%arg11 : memref<!tpu.dma_semaphore, #tpu.memory_space<semaphore_mem>>) src(%dma_wait3A_251 : memref<10000x32xf32, #tpu.memory_space<hbm>>) dst(%dma_wait3A_245 : memref<128x32xf32, #tpu.memory_space<vmem>>)
      %dma_start3A_252 = arith.constant 3 : i32
      %dma_start3A_253 = arith.constant 0 : i32
      %dma_start3A_254 = arith.constant 0 : i32
      %dma_start3A_255 = tpu.memref_slice %arg9[%dma_start3A_252, %dma_start3A_253, %dma_start3A_254] : memref<6x128x32xf32, #tpu.memory_space<vmem>> -> memref<1x128x32xf32, #tpu.memory_space<vmem>>
      %dma_start3A_256 = tpu.memref_squeeze %dma_start3A_255 : memref<1x128x32xf32, #tpu.memory_space<vmem>> -> memref<128x32xf32, #tpu.memory_space<vmem>>
      %dma_start3A_257 = arith.constant 0 : i32
      %dma_start3A_258 = tpu.memref_slice %arg6[%add3A_240, %dma_start3A_257] : memref<78x128xi32, #tpu.memory_space<vmem>> -> memref<1x128xi32, #tpu.memory_space<vmem>>
      %dma_start3A_259 = tpu.memref_squeeze %dma_start3A_258 : memref<1x128xi32, #tpu.memory_space<vmem>> -> memref<128xi32, #tpu.memory_space<vmem>>
      %dma_start3A_260 = arith.constant 0 : i32
      %dma_start3A_261 = arith.constant 0 : i32
      %dma_start3A_262 = tpu.memref_slice %arg10[%dma_start3A_260, %dma_start3A_261] : memref<10240x32xf32, #tpu.memory_space<vmem_shared>> -> memref<10240x32xf32, #tpu.memory_space<vmem_shared>>
      tpu.enqueue_indirect_dma source(%dma_start3A_256 : memref<128x32xf32, #tpu.memory_space<vmem>>) target(%dma_start3A_262 : memref<10240x32xf32, #tpu.memory_space<vmem_shared>>) offsets(%dma_start3A_259 : memref<128xi32, #tpu.memory_space<vmem>>) semaphore(%arg12 : memref<!tpu.dma_semaphore, #tpu.memory_space<semaphore_mem>>) {add = true}
      %mul3A_263 = arith.constant 6 : i32
      %mul3A_264 = arith.muli %scan3A_70, %mul3A_263 : i32
      %add3A_265 = arith.constant 4 : i32
      %add3A_266 = arith.addi %mul3A_264, %add3A_265 : i32
      %dma_wait3A_267 = arith.constant 4 : i32
      %dma_wait3A_268 = arith.constant 0 : i32
      %dma_wait3A_269 = arith.constant 0 : i32
      %dma_wait3A_270 = tpu.memref_slice %arg9[%dma_wait3A_267, %dma_wait3A_268, %dma_wait3A_269] : memref<6x128x32xf32, #tpu.memory_space<vmem>> -> memref<1x128x32xf32, #tpu.memory_space<vmem>>
      %dma_wait3A_271 = tpu.memref_squeeze %dma_wait3A_270 : memref<1x128x32xf32, #tpu.memory_space<vmem>> -> memref<128x32xf32, #tpu.memory_space<vmem>>
      %dma_wait3A_272 = arith.constant 0 : i32
      %dma_wait3A_273 = tpu.memref_slice %arg5[%add3A_133, %dma_wait3A_272] : memref<78x128xi32, #tpu.memory_space<vmem>> -> memref<1x128xi32, #tpu.memory_space<vmem>>
      %dma_wait3A_274 = tpu.memref_squeeze %dma_wait3A_273 : memref<1x128xi32, #tpu.memory_space<vmem>> -> memref<128xi32, #tpu.memory_space<vmem>>
      %dma_wait3A_275 = arith.constant 0 : i32
      %dma_wait3A_276 = arith.constant 0 : i32
      %dma_wait3A_277 = tpu.memref_slice %arg2[%dma_wait3A_275, %dma_wait3A_276] : memref<10000x32xf32, #tpu.memory_space<hbm>> -> memref<10000x32xf32, #tpu.memory_space<hbm>>
      tpu.wait_indirect_dma semaphore(%arg11 : memref<!tpu.dma_semaphore, #tpu.memory_space<semaphore_mem>>) src(%dma_wait3A_277 : memref<10000x32xf32, #tpu.memory_space<hbm>>) dst(%dma_wait3A_271 : memref<128x32xf32, #tpu.memory_space<vmem>>)
      %dma_start3A_278 = arith.constant 4 : i32
      %dma_start3A_279 = arith.constant 0 : i32
      %dma_start3A_280 = arith.constant 0 : i32
      %dma_start3A_281 = tpu.memref_slice %arg9[%dma_start3A_278, %dma_start3A_279, %dma_start3A_280] : memref<6x128x32xf32, #tpu.memory_space<vmem>> -> memref<1x128x32xf32, #tpu.memory_space<vmem>>
      %dma_start3A_282 = tpu.memref_squeeze %dma_start3A_281 : memref<1x128x32xf32, #tpu.memory_space<vmem>> -> memref<128x32xf32, #tpu.memory_space<vmem>>
      %dma_start3A_283 = arith.constant 0 : i32
      %dma_start3A_284 = tpu.memref_slice %arg6[%add3A_266, %dma_start3A_283] : memref<78x128xi32, #tpu.memory_space<vmem>> -> memref<1x128xi32, #tpu.memory_space<vmem>>
      %dma_start3A_285 = tpu.memref_squeeze %dma_start3A_284 : memref<1x128xi32, #tpu.memory_space<vmem>> -> memref<128xi32, #tpu.memory_space<vmem>>
      %dma_start3A_286 = arith.constant 0 : i32
      %dma_start3A_287 = arith.constant 0 : i32
      %dma_start3A_288 = tpu.memref_slice %arg10[%dma_start3A_286, %dma_start3A_287] : memref<10240x32xf32, #tpu.memory_space<vmem_shared>> -> memref<10240x32xf32, #tpu.memory_space<vmem_shared>>
      tpu.enqueue_indirect_dma source(%dma_start3A_282 : memref<128x32xf32, #tpu.memory_space<vmem>>) target(%dma_start3A_288 : memref<10240x32xf32, #tpu.memory_space<vmem_shared>>) offsets(%dma_start3A_285 : memref<128xi32, #tpu.memory_space<vmem>>) semaphore(%arg12 : memref<!tpu.dma_semaphore, #tpu.memory_space<semaphore_mem>>) {add = true}
      %mul3A_289 = arith.constant 6 : i32
      %mul3A_290 = arith.muli %scan3A_70, %mul3A_289 : i32
      %add3A_291 = arith.constant 5 : i32
      %add3A_292 = arith.addi %mul3A_290, %add3A_291 : i32
      %dma_wait3A_293 = arith.constant 5 : i32
      %dma_wait3A_294 = arith.constant 0 : i32
      %dma_wait3A_295 = arith.constant 0 : i32
      %dma_wait3A_296 = tpu.memref_slice %arg9[%dma_wait3A_293, %dma_wait3A_294, %dma_wait3A_295] : memref<6x128x32xf32, #tpu.memory_space<vmem>> -> memref<1x128x32xf32, #tpu.memory_space<vmem>>
      %dma_wait3A_297 = tpu.memref_squeeze %dma_wait3A_296 : memref<1x128x32xf32, #tpu.memory_space<vmem>> -> memref<128x32xf32, #tpu.memory_space<vmem>>
      %dma_wait3A_298 = arith.constant 0 : i32
      %dma_wait3A_299 = tpu.memref_slice %arg5[%add3A_148, %dma_wait3A_298] : memref<78x128xi32, #tpu.memory_space<vmem>> -> memref<1x128xi32, #tpu.memory_space<vmem>>
      %dma_wait3A_300 = tpu.memref_squeeze %dma_wait3A_299 : memref<1x128xi32, #tpu.memory_space<vmem>> -> memref<128xi32, #tpu.memory_space<vmem>>
      %dma_wait3A_301 = arith.constant 0 : i32
      %dma_wait3A_302 = arith.constant 0 : i32
      %dma_wait3A_303 = tpu.memref_slice %arg2[%dma_wait3A_301, %dma_wait3A_302] : memref<10000x32xf32, #tpu.memory_space<hbm>> -> memref<10000x32xf32, #tpu.memory_space<hbm>>
      tpu.wait_indirect_dma semaphore(%arg11 : memref<!tpu.dma_semaphore, #tpu.memory_space<semaphore_mem>>) src(%dma_wait3A_303 : memref<10000x32xf32, #tpu.memory_space<hbm>>) dst(%dma_wait3A_297 : memref<128x32xf32, #tpu.memory_space<vmem>>)
      %dma_start3A_304 = arith.constant 5 : i32
      %dma_start3A_305 = arith.constant 0 : i32
      %dma_start3A_306 = arith.constant 0 : i32
      %dma_start3A_307 = tpu.memref_slice %arg9[%dma_start3A_304, %dma_start3A_305, %dma_start3A_306] : memref<6x128x32xf32, #tpu.memory_space<vmem>> -> memref<1x128x32xf32, #tpu.memory_space<vmem>>
      %dma_start3A_308 = tpu.memref_squeeze %dma_start3A_307 : memref<1x128x32xf32, #tpu.memory_space<vmem>> -> memref<128x32xf32, #tpu.memory_space<vmem>>
      %dma_start3A_309 = arith.constant 0 : i32
      %dma_start3A_310 = tpu.memref_slice %arg6[%add3A_292, %dma_start3A_309] : memref<78x128xi32, #tpu.memory_space<vmem>> -> memref<1x128xi32, #tpu.memory_space<vmem>>
      %dma_start3A_311 = tpu.memref_squeeze %dma_start3A_310 : memref<1x128xi32, #tpu.memory_space<vmem>> -> memref<128xi32, #tpu.memory_space<vmem>>
      %dma_start3A_312 = arith.constant 0 : i32
      %dma_start3A_313 = arith.constant 0 : i32
      %dma_start3A_314 = tpu.memref_slice %arg10[%dma_start3A_312, %dma_start3A_313] : memref<10240x32xf32, #tpu.memory_space<vmem_shared>> -> memref<10240x32xf32, #tpu.memory_space<vmem_shared>>
      tpu.enqueue_indirect_dma source(%dma_start3A_308 : memref<128x32xf32, #tpu.memory_space<vmem>>) target(%dma_start3A_314 : memref<10240x32xf32, #tpu.memory_space<vmem_shared>>) offsets(%dma_start3A_311 : memref<128xi32, #tpu.memory_space<vmem>>) semaphore(%arg12 : memref<!tpu.dma_semaphore, #tpu.memory_space<semaphore_mem>>) {add = true}
      %dma_wait3A_315 = arith.constant 0 : i32
      %dma_wait3A_316 = arith.constant 0 : i32
      %dma_wait3A_317 = arith.constant 0 : i32
      %dma_wait3A_318 = tpu.memref_slice %arg9[%dma_wait3A_315, %dma_wait3A_316, %dma_wait3A_317] : memref<6x128x32xf32, #tpu.memory_space<vmem>> -> memref<1x128x32xf32, #tpu.memory_space<vmem>>
      %dma_wait3A_319 = tpu.memref_squeeze %dma_wait3A_318 : memref<1x128x32xf32, #tpu.memory_space<vmem>> -> memref<128x32xf32, #tpu.memory_space<vmem>>
      %dma_wait3A_320 = arith.constant 0 : i32
      %dma_wait3A_321 = tpu.memref_slice %arg6[%add3A_163, %dma_wait3A_320] : memref<78x128xi32, #tpu.memory_space<vmem>> -> memref<1x128xi32, #tpu.memory_space<vmem>>
      %dma_wait3A_322 = tpu.memref_squeeze %dma_wait3A_321 : memref<1x128xi32, #tpu.memory_space<vmem>> -> memref<128xi32, #tpu.memory_space<vmem>>
      %dma_wait3A_323 = arith.constant 0 : i32
      %dma_wait3A_324 = arith.constant 0 : i32
      %dma_wait3A_325 = tpu.memref_slice %arg10[%dma_wait3A_323, %dma_wait3A_324] : memref<10240x32xf32, #tpu.memory_space<vmem_shared>> -> memref<10240x32xf32, #tpu.memory_space<vmem_shared>>
      tpu.wait_indirect_dma semaphore(%arg12 : memref<!tpu.dma_semaphore, #tpu.memory_space<semaphore_mem>>) src(%dma_wait3A_319 : memref<128x32xf32, #tpu.memory_space<vmem>>) dst(%dma_wait3A_325 : memref<10240x32xf32, #tpu.memory_space<vmem_shared>>)
      %dma_wait3A_326 = arith.constant 1 : i32
      %dma_wait3A_327 = arith.constant 0 : i32
      %dma_wait3A_328 = arith.constant 0 : i32
      %dma_wait3A_329 = tpu.memref_slice %arg9[%dma_wait3A_326, %dma_wait3A_327, %dma_wait3A_328] : memref<6x128x32xf32, #tpu.memory_space<vmem>> -> memref<1x128x32xf32, #tpu.memory_space<vmem>>
      %dma_wait3A_330 = tpu.memref_squeeze %dma_wait3A_329 : memref<1x128x32xf32, #tpu.memory_space<vmem>> -> memref<128x32xf32, #tpu.memory_space<vmem>>
      %dma_wait3A_331 = arith.constant 0 : i32
      %dma_wait3A_332 = tpu.memref_slice %arg6[%add3A_188, %dma_wait3A_331] : memref<78x128xi32, #tpu.memory_space<vmem>> -> memref<1x128xi32, #tpu.memory_space<vmem>>
      %dma_wait3A_333 = tpu.memref_squeeze %dma_wait3A_332 : memref<1x128xi32, #tpu.memory_space<vmem>> -> memref<128xi32, #tpu.memory_space<vmem>>
      %dma_wait3A_334 = arith.constant 0 : i32
      %dma_wait3A_335 = arith.constant 0 : i32
      %dma_wait3A_336 = tpu.memref_slice %arg10[%dma_wait3A_334, %dma_wait3A_335] : memref<10240x32xf32, #tpu.memory_space<vmem_shared>> -> memref<10240x32xf32, #tpu.memory_space<vmem_shared>>
      tpu.wait_indirect_dma semaphore(%arg12 : memref<!tpu.dma_semaphore, #tpu.memory_space<semaphore_mem>>) src(%dma_wait3A_330 : memref<128x32xf32, #tpu.memory_space<vmem>>) dst(%dma_wait3A_336 : memref<10240x32xf32, #tpu.memory_space<vmem_shared>>)
      %dma_wait3A_337 = arith.constant 2 : i32
      %dma_wait3A_338 = arith.constant 0 : i32
      %dma_wait3A_339 = arith.constant 0 : i32
      %dma_wait3A_340 = tpu.memref_slice %arg9[%dma_wait3A_337, %dma_wait3A_338, %dma_wait3A_339] : memref<6x128x32xf32, #tpu.memory_space<vmem>> -> memref<1x128x32xf32, #tpu.memory_space<vmem>>
      %dma_wait3A_341 = tpu.memref_squeeze %dma_wait3A_340 : memref<1x128x32xf32, #tpu.memory_space<vmem>> -> memref<128x32xf32, #tpu.memory_space<vmem>>
      %dma_wait3A_342 = arith.constant 0 : i32
      %dma_wait3A_343 = tpu.memref_slice %arg6[%add3A_214, %dma_wait3A_342] : memref<78x128xi32, #tpu.memory_space<vmem>> -> memref<1x128xi32, #tpu.memory_space<vmem>>
      %dma_wait3A_344 = tpu.memref_squeeze %dma_wait3A_343 : memref<1x128xi32, #tpu.memory_space<vmem>> -> memref<128xi32, #tpu.memory_space<vmem>>
      %dma_wait3A_345 = arith.constant 0 : i32
      %dma_wait3A_346 = arith.constant 0 : i32
      %dma_wait3A_347 = tpu.memref_slice %arg10[%dma_wait3A_345, %dma_wait3A_346] : memref<10240x32xf32, #tpu.memory_space<vmem_shared>> -> memref<10240x32xf32, #tpu.memory_space<vmem_shared>>
      tpu.wait_indirect_dma semaphore(%arg12 : memref<!tpu.dma_semaphore, #tpu.memory_space<semaphore_mem>>) src(%dma_wait3A_341 : memref<128x32xf32, #tpu.memory_space<vmem>>) dst(%dma_wait3A_347 : memref<10240x32xf32, #tpu.memory_space<vmem_shared>>)
      %dma_wait3A_348 = arith.constant 3 : i32
      %dma_wait3A_349 = arith.constant 0 : i32
      %dma_wait3A_350 = arith.constant 0 : i32
      %dma_wait3A_351 = tpu.memref_slice %arg9[%dma_wait3A_348, %dma_wait3A_349, %dma_wait3A_350] : memref<6x128x32xf32, #tpu.memory_space<vmem>> -> memref<1x128x32xf32, #tpu.memory_space<vmem>>
      %dma_wait3A_352 = tpu.memref_squeeze %dma_wait3A_351 : memref<1x128x32xf32, #tpu.memory_space<vmem>> -> memref<128x32xf32, #tpu.memory_space<vmem>>
      %dma_wait3A_353 = arith.constant 0 : i32
      %dma_wait3A_354 = tpu.memref_slice %arg6[%add3A_240, %dma_wait3A_353] : memref<78x128xi32, #tpu.memory_space<vmem>> -> memref<1x128xi32, #tpu.memory_space<vmem>>
      %dma_wait3A_355 = tpu.memref_squeeze %dma_wait3A_354 : memref<1x128xi32, #tpu.memory_space<vmem>> -> memref<128xi32, #tpu.memory_space<vmem>>
      %dma_wait3A_356 = arith.constant 0 : i32
      %dma_wait3A_357 = arith.constant 0 : i32
      %dma_wait3A_358 = tpu.memref_slice %arg10[%dma_wait3A_356, %dma_wait3A_357] : memref<10240x32xf32, #tpu.memory_space<vmem_shared>> -> memref<10240x32xf32, #tpu.memory_space<vmem_shared>>
      tpu.wait_indirect_dma semaphore(%arg12 : memref<!tpu.dma_semaphore, #tpu.memory_space<semaphore_mem>>) src(%dma_wait3A_352 : memref<128x32xf32, #tpu.memory_space<vmem>>) dst(%dma_wait3A_358 : memref<10240x32xf32, #tpu.memory_space<vmem_shared>>)
      %dma_wait3A_359 = arith.constant 4 : i32
      %dma_wait3A_360 = arith.constant 0 : i32
      %dma_wait3A_361 = arith.constant 0 : i32
      %dma_wait3A_362 = tpu.memref_slice %arg9[%dma_wait3A_359, %dma_wait3A_360, %dma_wait3A_361] : memref<6x128x32xf32, #tpu.memory_space<vmem>> -> memref<1x128x32xf32, #tpu.memory_space<vmem>>
      %dma_wait3A_363 = tpu.memref_squeeze %dma_wait3A_362 : memref<1x128x32xf32, #tpu.memory_space<vmem>> -> memref<128x32xf32, #tpu.memory_space<vmem>>
      %dma_wait3A_364 = arith.constant 0 : i32
      %dma_wait3A_365 = tpu.memref_slice %arg6[%add3A_266, %dma_wait3A_364] : memref<78x128xi32, #tpu.memory_space<vmem>> -> memref<1x128xi32, #tpu.memory_space<vmem>>
      %dma_wait3A_366 = tpu.memref_squeeze %dma_wait3A_365 : memref<1x128xi32, #tpu.memory_space<vmem>> -> memref<128xi32, #tpu.memory_space<vmem>>
      %dma_wait3A_367 = arith.constant 0 : i32
      %dma_wait3A_368 = arith.constant 0 : i32
      %dma_wait3A_369 = tpu.memref_slice %arg10[%dma_wait3A_367, %dma_wait3A_368] : memref<10240x32xf32, #tpu.memory_space<vmem_shared>> -> memref<10240x32xf32, #tpu.memory_space<vmem_shared>>
      tpu.wait_indirect_dma semaphore(%arg12 : memref<!tpu.dma_semaphore, #tpu.memory_space<semaphore_mem>>) src(%dma_wait3A_363 : memref<128x32xf32, #tpu.memory_space<vmem>>) dst(%dma_wait3A_369 : memref<10240x32xf32, #tpu.memory_space<vmem_shared>>)
      %dma_wait3A_370 = arith.constant 5 : i32
      %dma_wait3A_371 = arith.constant 0 : i32
      %dma_wait3A_372 = arith.constant 0 : i32
      %dma_wait3A_373 = tpu.memref_slice %arg9[%dma_wait3A_370, %dma_wait3A_371, %dma_wait3A_372] : memref<6x128x32xf32, #tpu.memory_space<vmem>> -> memref<1x128x32xf32, #tpu.memory_space<vmem>>
      %dma_wait3A_374 = tpu.memref_squeeze %dma_wait3A_373 : memref<1x128x32xf32, #tpu.memory_space<vmem>> -> memref<128x32xf32, #tpu.memory_space<vmem>>
      %dma_wait3A_375 = arith.constant 0 : i32
      %dma_wait3A_376 = tpu.memref_slice %arg6[%add3A_292, %dma_wait3A_375] : memref<78x128xi32, #tpu.memory_space<vmem>> -> memref<1x128xi32, #tpu.memory_space<vmem>>
      %dma_wait3A_377 = tpu.memref_squeeze %dma_wait3A_376 : memref<1x128xi32, #tpu.memory_space<vmem>> -> memref<128xi32, #tpu.memory_space<vmem>>
      %dma_wait3A_378 = arith.constant 0 : i32
      %dma_wait3A_379 = arith.constant 0 : i32
      %dma_wait3A_380 = tpu.memref_slice %arg10[%dma_wait3A_378, %dma_wait3A_379] : memref<10240x32xf32, #tpu.memory_space<vmem_shared>> -> memref<10240x32xf32, #tpu.memory_space<vmem_shared>>
      tpu.wait_indirect_dma semaphore(%arg12 : memref<!tpu.dma_semaphore, #tpu.memory_space<semaphore_mem>>) src(%dma_wait3A_374 : memref<128x32xf32, #tpu.memory_space<vmem>>) dst(%dma_wait3A_380 : memref<10240x32xf32, #tpu.memory_space<vmem_shared>>)
    }
    %scan3A_33 = arith.constant 13 : i32
    %lt3A_34 = arith.constant 4 : i32
    %lt3A_35 = arith.cmpi slt, %add3A, %lt3A_34 : i32
    %convert_element_type3A_36 = arith.extui %lt3A_35 : i1 to i32
    %cond3A_37 = arith.constant 0 : i32
    %cond3A_38 = arith.cmpi ne, %convert_element_type3A_36, %cond3A_37 : i32
    scf.if %cond3A_38 {
      %dma_start3A = arith.constant 0 : i32
      %dma_start3A_70 = arith.constant 0 : i32
      %dma_start3A_71 = arith.constant 0 : i32
      %dma_start3A_72 = arith.constant 0 : i32
      %dma_start3A_73 = tpu.memref_slice %arg9[%dma_start3A_70, %dma_start3A_71, %dma_start3A_72] : memref<6x128x32xf32, #tpu.memory_space<vmem>> -> memref<1x128x32xf32, #tpu.memory_space<vmem>>
      %dma_start3A_74 = tpu.memref_squeeze %dma_start3A_73 : memref<1x128x32xf32, #tpu.memory_space<vmem>> -> memref<128x32xf32, #tpu.memory_space<vmem>>
      %dma_start3A_75 = arith.constant 0 : i32
      %dma_start3A_76 = tpu.memref_slice %arg7[%dma_start3A, %dma_start3A_75] : memref<1x128xi32, #tpu.memory_space<vmem>> -> memref<1x128xi32, #tpu.memory_space<vmem>>
      %dma_start3A_77 = tpu.memref_squeeze %dma_start3A_76 : memref<1x128xi32, #tpu.memory_space<vmem>> -> memref<128xi32, #tpu.memory_space<vmem>>
      %dma_start3A_78 = arith.constant 0 : i32
      %dma_start3A_79 = arith.constant 0 : i32
      %dma_start3A_80 = tpu.memref_slice %arg2[%dma_start3A_78, %dma_start3A_79] : memref<10000x32xf32, #tpu.memory_space<hbm>> -> memref<10000x32xf32, #tpu.memory_space<hbm>>
      tpu.enqueue_indirect_dma source(%dma_start3A_80 : memref<10000x32xf32, #tpu.memory_space<hbm>>) target(%dma_start3A_74 : memref<128x32xf32, #tpu.memory_space<vmem>>) offsets(%dma_start3A_77 : memref<128xi32, #tpu.memory_space<vmem>>) semaphore(%arg11 : memref<!tpu.dma_semaphore, #tpu.memory_space<semaphore_mem>>)
      %dma_wait3A = arith.constant 0 : i32
      %dma_wait3A_81 = arith.constant 0 : i32
      %dma_wait3A_82 = arith.constant 0 : i32
      %dma_wait3A_83 = arith.constant 0 : i32
      %dma_wait3A_84 = tpu.memref_slice %arg9[%dma_wait3A_81, %dma_wait3A_82, %dma_wait3A_83] : memref<6x128x32xf32, #tpu.memory_space<vmem>> -> memref<1x128x32xf32, #tpu.memory_space<vmem>>
      %dma_wait3A_85 = tpu.memref_squeeze %dma_wait3A_84 : memref<1x128x32xf32, #tpu.memory_space<vmem>> -> memref<128x32xf32, #tpu.memory_space<vmem>>
      %dma_wait3A_86 = arith.constant 0 : i32
      %dma_wait3A_87 = tpu.memref_slice %arg7[%dma_wait3A, %dma_wait3A_86] : memref<1x128xi32, #tpu.memory_space<vmem>> -> memref<1x128xi32, #tpu.memory_space<vmem>>
      %dma_wait3A_88 = tpu.memref_squeeze %dma_wait3A_87 : memref<1x128xi32, #tpu.memory_space<vmem>> -> memref<128xi32, #tpu.memory_space<vmem>>
      %dma_wait3A_89 = arith.constant 0 : i32
      %dma_wait3A_90 = arith.constant 0 : i32
      %dma_wait3A_91 = tpu.memref_slice %arg2[%dma_wait3A_89, %dma_wait3A_90] : memref<10000x32xf32, #tpu.memory_space<hbm>> -> memref<10000x32xf32, #tpu.memory_space<hbm>>
      tpu.wait_indirect_dma semaphore(%arg11 : memref<!tpu.dma_semaphore, #tpu.memory_space<semaphore_mem>>) src(%dma_wait3A_91 : memref<10000x32xf32, #tpu.memory_space<hbm>>) dst(%dma_wait3A_85 : memref<128x32xf32, #tpu.memory_space<vmem>>)
      %dma_start3A_92 = arith.constant 0 : i32
      %dma_start3A_93 = arith.constant 0 : i32
      %dma_start3A_94 = arith.constant 0 : i32
      %dma_start3A_95 = arith.constant 0 : i32
      %dma_start3A_96 = tpu.memref_slice %arg9[%dma_start3A_92, %dma_start3A_94, %dma_start3A_95] : memref<6x128x32xf32, #tpu.memory_space<vmem>> -> memref<1x128x32xf32, #tpu.memory_space<vmem>>
      %dma_start3A_97 = tpu.memref_squeeze %dma_start3A_96 : memref<1x128x32xf32, #tpu.memory_space<vmem>> -> memref<128x32xf32, #tpu.memory_space<vmem>>
      %dma_start3A_98 = arith.constant 0 : i32
      %dma_start3A_99 = tpu.memref_slice %arg8[%dma_start3A_93, %dma_start3A_98] : memref<1x128xi32, #tpu.memory_space<vmem>> -> memref<1x128xi32, #tpu.memory_space<vmem>>
      %dma_start3A_100 = tpu.memref_squeeze %dma_start3A_99 : memref<1x128xi32, #tpu.memory_space<vmem>> -> memref<128xi32, #tpu.memory_space<vmem>>
      %dma_start3A_101 = arith.constant 0 : i32
      %dma_start3A_102 = arith.constant 0 : i32
      %dma_start3A_103 = tpu.memref_slice %arg10[%dma_start3A_101, %dma_start3A_102] : memref<10240x32xf32, #tpu.memory_space<vmem_shared>> -> memref<10240x32xf32, #tpu.memory_space<vmem_shared>>
      tpu.enqueue_indirect_dma source(%dma_start3A_97 : memref<128x32xf32, #tpu.memory_space<vmem>>) target(%dma_start3A_103 : memref<10240x32xf32, #tpu.memory_space<vmem_shared>>) offsets(%dma_start3A_100 : memref<128xi32, #tpu.memory_space<vmem>>) semaphore(%arg12 : memref<!tpu.dma_semaphore, #tpu.memory_space<semaphore_mem>>) {add = true}
      %dma_wait3A_104 = arith.constant 0 : i32
      %dma_wait3A_105 = arith.constant 0 : i32
      %dma_wait3A_106 = arith.constant 0 : i32
      %dma_wait3A_107 = arith.constant 0 : i32
      %dma_wait3A_108 = tpu.memref_slice %arg9[%dma_wait3A_104, %dma_wait3A_106, %dma_wait3A_107] : memref<6x128x32xf32, #tpu.memory_space<vmem>> -> memref<1x128x32xf32, #tpu.memory_space<vmem>>
      %dma_wait3A_109 = tpu.memref_squeeze %dma_wait3A_108 : memref<1x128x32xf32, #tpu.memory_space<vmem>> -> memref<128x32xf32, #tpu.memory_space<vmem>>
      %dma_wait3A_110 = arith.constant 0 : i32
      %dma_wait3A_111 = tpu.memref_slice %arg8[%dma_wait3A_105, %dma_wait3A_110] : memref<1x128xi32, #tpu.memory_space<vmem>> -> memref<1x128xi32, #tpu.memory_space<vmem>>
      %dma_wait3A_112 = tpu.memref_squeeze %dma_wait3A_111 : memref<1x128xi32, #tpu.memory_space<vmem>> -> memref<128xi32, #tpu.memory_space<vmem>>
      %dma_wait3A_113 = arith.constant 0 : i32
      %dma_wait3A_114 = arith.constant 0 : i32
      %dma_wait3A_115 = tpu.memref_slice %arg10[%dma_wait3A_113, %dma_wait3A_114] : memref<10240x32xf32, #tpu.memory_space<vmem_shared>> -> memref<10240x32xf32, #tpu.memory_space<vmem_shared>>
      tpu.wait_indirect_dma semaphore(%arg12 : memref<!tpu.dma_semaphore, #tpu.memory_space<semaphore_mem>>) src(%dma_wait3A_109 : memref<128x32xf32, #tpu.memory_space<vmem>>) dst(%dma_wait3A_115 : memref<10240x32xf32, #tpu.memory_space<vmem_shared>>)
    } else {
    }
    %barrier3A_39 = arith.constant 0 : index
    tpu.barrier barrier_id(%barrier3A_39)
    %add3A_40 = arith.constant 0 : i32
    %add3A_41 = arith.addi %mul3A_12, %add3A_40 : i32
    %run_scoped3A_42 = arith.constant 0 : i32
    "tpu.region"() ({
      %run_scoped3A_70 = tpu.sem_alloc : memref<!tpu.dma_semaphore, #tpu.memory_space<semaphore_mem>>
      %dma_start3A = arith.constant 0 : i32
      %dma_start3A_71 = arith.constant 0 : i32
      %dma_start3A_72 = tpu.memref_slice %arg9[%run_scoped3A_42, %dma_start3A, %dma_start3A_71] : memref<6x128x32xf32, #tpu.memory_space<vmem>> -> memref<1x128x32xf32, #tpu.memory_space<vmem>>
      %dma_start3A_73 = tpu.memref_squeeze %dma_start3A_72 : memref<1x128x32xf32, #tpu.memory_space<vmem>> -> memref<128x32xf32, #tpu.memory_space<vmem>>
      %dma_start3A_74 = arith.constant 0 : i32
      %dma_start3A_75 = tpu.memref_slice %arg10[%add3A_41, %dma_start3A_74] : memref<10240x32xf32, #tpu.memory_space<vmem_shared>> -> memref<128x32xf32, #tpu.memory_space<vmem_shared>>
      %dma_start3A_76 = arith.constant 0 : i32
      %dma_start3A_77 = arith.constant 0 : i32
      %dma_start3A_78 = tpu.memref_slice %arg9[%run_scoped3A_42, %dma_start3A_76, %dma_start3A_77] : memref<6x128x32xf32, #tpu.memory_space<vmem>> -> memref<1x128x32xf32, #tpu.memory_space<vmem>>
      %dma_start3A_79 = tpu.memref_squeeze %dma_start3A_78 : memref<1x128x32xf32, #tpu.memory_space<vmem>> -> memref<128x32xf32, #tpu.memory_space<vmem>>
      %dma_start3A_80 = arith.constant 0 : i32
      %dma_start3A_81 = tpu.memref_slice %arg10[%add3A_41, %dma_start3A_80] : memref<10240x32xf32, #tpu.memory_space<vmem_shared>> -> memref<128x32xf32, #tpu.memory_space<vmem_shared>>
      tpu.enqueue_dma source(%dma_start3A_81 : memref<128x32xf32, #tpu.memory_space<vmem_shared>>) target(%dma_start3A_79 : memref<128x32xf32, #tpu.memory_space<vmem>>) target_semaphore(%run_scoped3A_70 : memref<!tpu.dma_semaphore, #tpu.memory_space<semaphore_mem>>)
      %dma_wait3A = arith.constant 0 : i32
      %dma_wait3A_82 = arith.constant 0 : i32
      %dma_wait3A_83 = tpu.memref_slice %arg9[%run_scoped3A_42, %dma_wait3A, %dma_wait3A_82] : memref<6x128x32xf32, #tpu.memory_space<vmem>> -> memref<1x128x32xf32, #tpu.memory_space<vmem>>
      %dma_wait3A_84 = tpu.memref_squeeze %dma_wait3A_83 : memref<1x128x32xf32, #tpu.memory_space<vmem>> -> memref<128x32xf32, #tpu.memory_space<vmem>>
      %dma_wait3A_85 = arith.constant 0 : i32
      %dma_wait3A_86 = tpu.memref_slice %arg10[%add3A_41, %dma_wait3A_85] : memref<10240x32xf32, #tpu.memory_space<vmem_shared>> -> memref<128x32xf32, #tpu.memory_space<vmem_shared>>
      %dma_wait3A_87 = arith.constant 0 : i32
      %dma_wait3A_88 = arith.constant 0 : i32
      %dma_wait3A_89 = tpu.memref_slice %arg9[%run_scoped3A_42, %dma_wait3A_87, %dma_wait3A_88] : memref<6x128x32xf32, #tpu.memory_space<vmem>> -> memref<1x128x32xf32, #tpu.memory_space<vmem>>
      %dma_wait3A_90 = tpu.memref_squeeze %dma_wait3A_89 : memref<1x128x32xf32, #tpu.memory_space<vmem>> -> memref<128x32xf32, #tpu.memory_space<vmem>>
      %dma_wait3A_91 = arith.constant 0 : i32
      %dma_wait3A_92 = tpu.memref_slice %arg10[%add3A_41, %dma_wait3A_91] : memref<10240x32xf32, #tpu.memory_space<vmem_shared>> -> memref<128x32xf32, #tpu.memory_space<vmem_shared>>
      tpu.wait_dma2 semaphore(%run_scoped3A_70 : memref<!tpu.dma_semaphore, #tpu.memory_space<semaphore_mem>>) src(%dma_wait3A_92 : memref<128x32xf32, #tpu.memory_space<vmem_shared>>) dst(%dma_wait3A_90 : memref<128x32xf32, #tpu.memory_space<vmem>>)
      tpu.yield
    }) : () -> ()
    %add3A_43 = arith.constant 0 : i32
    %add3A_44 = arith.addi %mul3A_12, %add3A_43 : i32
    %run_scoped3A_45 = arith.constant 0 : i32
    "tpu.region"() ({
      %run_scoped3A_70 = tpu.sem_alloc : memref<!tpu.dma_semaphore, #tpu.memory_space<semaphore_mem>>
      %dma_start3A = arith.constant 0 : i32
      %dma_start3A_71 = arith.constant 0 : i32
      %dma_start3A_72 = tpu.memref_slice %arg9[%run_scoped3A_45, %dma_start3A, %dma_start3A_71] : memref<6x128x32xf32, #tpu.memory_space<vmem>> -> memref<1x128x32xf32, #tpu.memory_space<vmem>>
      %dma_start3A_73 = tpu.memref_squeeze %dma_start3A_72 : memref<1x128x32xf32, #tpu.memory_space<vmem>> -> memref<128x32xf32, #tpu.memory_space<vmem>>
      %dma_start3A_74 = arith.constant 0 : i32
      %dma_start3A_75 = tpu.memref_slice %arg4[%arg0, %add3A_44, %dma_start3A_74] : memref<2x10240x32xf32, #tpu.memory_space<hbm>> -> memref<1x128x32xf32, #tpu.memory_space<hbm>>
      %dma_start3A_76 = tpu.memref_squeeze %dma_start3A_75 : memref<1x128x32xf32, #tpu.memory_space<hbm>> -> memref<128x32xf32, #tpu.memory_space<hbm>>
      %dma_start3A_77 = arith.constant 0 : i32
      %dma_start3A_78 = tpu.memref_slice %arg4[%arg0, %add3A_44, %dma_start3A_77] : memref<2x10240x32xf32, #tpu.memory_space<hbm>> -> memref<1x128x32xf32, #tpu.memory_space<hbm>>
      %dma_start3A_79 = tpu.memref_squeeze %dma_start3A_78 : memref<1x128x32xf32, #tpu.memory_space<hbm>> -> memref<128x32xf32, #tpu.memory_space<hbm>>
      %dma_start3A_80 = arith.constant 0 : i32
      %dma_start3A_81 = arith.constant 0 : i32
      %dma_start3A_82 = tpu.memref_slice %arg9[%run_scoped3A_45, %dma_start3A_80, %dma_start3A_81] : memref<6x128x32xf32, #tpu.memory_space<vmem>> -> memref<1x128x32xf32, #tpu.memory_space<vmem>>
      %dma_start3A_83 = tpu.memref_squeeze %dma_start3A_82 : memref<1x128x32xf32, #tpu.memory_space<vmem>> -> memref<128x32xf32, #tpu.memory_space<vmem>>
      tpu.enqueue_dma source(%dma_start3A_83 : memref<128x32xf32, #tpu.memory_space<vmem>>) target(%dma_start3A_79 : memref<128x32xf32, #tpu.memory_space<hbm>>) target_semaphore(%run_scoped3A_70 : memref<!tpu.dma_semaphore, #tpu.memory_space<semaphore_mem>>)
      %dma_wait3A = arith.constant 0 : i32
      %dma_wait3A_84 = arith.constant 0 : i32
      %dma_wait3A_85 = tpu.memref_slice %arg9[%run_scoped3A_45, %dma_wait3A, %dma_wait3A_84] : memref<6x128x32xf32, #tpu.memory_space<vmem>> -> memref<1x128x32xf32, #tpu.memory_space<vmem>>
      %dma_wait3A_86 = tpu.memref_squeeze %dma_wait3A_85 : memref<1x128x32xf32, #tpu.memory_space<vmem>> -> memref<128x32xf32, #tpu.memory_space<vmem>>
      %dma_wait3A_87 = arith.constant 0 : i32
      %dma_wait3A_88 = tpu.memref_slice %arg4[%arg0, %add3A_44, %dma_wait3A_87] : memref<2x10240x32xf32, #tpu.memory_space<hbm>> -> memref<1x128x32xf32, #tpu.memory_space<hbm>>
      %dma_wait3A_89 = tpu.memref_squeeze %dma_wait3A_88 : memref<1x128x32xf32, #tpu.memory_space<hbm>> -> memref<128x32xf32, #tpu.memory_space<hbm>>
      %dma_wait3A_90 = arith.constant 0 : i32
      %dma_wait3A_91 = tpu.memref_slice %arg4[%arg0, %add3A_44, %dma_wait3A_90] : memref<2x10240x32xf32, #tpu.memory_space<hbm>> -> memref<1x128x32xf32, #tpu.memory_space<hbm>>
      %dma_wait3A_92 = tpu.memref_squeeze %dma_wait3A_91 : memref<1x128x32xf32, #tpu.memory_space<hbm>> -> memref<128x32xf32, #tpu.memory_space<hbm>>
      %dma_wait3A_93 = arith.constant 0 : i32
      %dma_wait3A_94 = arith.constant 0 : i32
      %dma_wait3A_95 = tpu.memref_slice %arg9[%run_scoped3A_45, %dma_wait3A_93, %dma_wait3A_94] : memref<6x128x32xf32, #tpu.memory_space<vmem>> -> memref<1x128x32xf32, #tpu.memory_space<vmem>>
      %dma_wait3A_96 = tpu.memref_squeeze %dma_wait3A_95 : memref<1x128x32xf32, #tpu.memory_space<vmem>> -> memref<128x32xf32, #tpu.memory_space<vmem>>
      tpu.wait_dma2 semaphore(%run_scoped3A_70 : memref<!tpu.dma_semaphore, #tpu.memory_space<semaphore_mem>>) src(%dma_wait3A_96 : memref<128x32xf32, #tpu.memory_space<vmem>>) dst(%dma_wait3A_92 : memref<128x32xf32, #tpu.memory_space<hbm>>)
      tpu.yield
    }) : () -> ()
    %add3A_46 = arith.constant 128 : i32
    %add3A_47 = arith.addi %mul3A_12, %add3A_46 : i32
    %run_scoped3A_48 = arith.constant 0 : i32
    "tpu.region"() ({
      %run_scoped3A_70 = tpu.sem_alloc : memref<!tpu.dma_semaphore, #tpu.memory_space<semaphore_mem>>
      %dma_start3A = arith.constant 0 : i32
      %dma_start3A_71 = arith.constant 0 : i32
      %dma_start3A_72 = tpu.memref_slice %arg9[%run_scoped3A_48, %dma_start3A, %dma_start3A_71] : memref<6x128x32xf32, #tpu.memory_space<vmem>> -> memref<1x128x32xf32, #tpu.memory_space<vmem>>
      %dma_start3A_73 = tpu.memref_squeeze %dma_start3A_72 : memref<1x128x32xf32, #tpu.memory_space<vmem>> -> memref<128x32xf32, #tpu.memory_space<vmem>>
      %dma_start3A_74 = arith.constant 0 : i32
      %dma_start3A_75 = tpu.memref_slice %arg10[%add3A_47, %dma_start3A_74] : memref<10240x32xf32, #tpu.memory_space<vmem_shared>> -> memref<128x32xf32, #tpu.memory_space<vmem_shared>>
      %dma_start3A_76 = arith.constant 0 : i32
      %dma_start3A_77 = arith.constant 0 : i32
      %dma_start3A_78 = tpu.memref_slice %arg9[%run_scoped3A_48, %dma_start3A_76, %dma_start3A_77] : memref<6x128x32xf32, #tpu.memory_space<vmem>> -> memref<1x128x32xf32, #tpu.memory_space<vmem>>
      %dma_start3A_79 = tpu.memref_squeeze %dma_start3A_78 : memref<1x128x32xf32, #tpu.memory_space<vmem>> -> memref<128x32xf32, #tpu.memory_space<vmem>>
      %dma_start3A_80 = arith.constant 0 : i32
      %dma_start3A_81 = tpu.memref_slice %arg10[%add3A_47, %dma_start3A_80] : memref<10240x32xf32, #tpu.memory_space<vmem_shared>> -> memref<128x32xf32, #tpu.memory_space<vmem_shared>>
      tpu.enqueue_dma source(%dma_start3A_81 : memref<128x32xf32, #tpu.memory_space<vmem_shared>>) target(%dma_start3A_79 : memref<128x32xf32, #tpu.memory_space<vmem>>) target_semaphore(%run_scoped3A_70 : memref<!tpu.dma_semaphore, #tpu.memory_space<semaphore_mem>>)
      %dma_wait3A = arith.constant 0 : i32
      %dma_wait3A_82 = arith.constant 0 : i32
      %dma_wait3A_83 = tpu.memref_slice %arg9[%run_scoped3A_48, %dma_wait3A, %dma_wait3A_82] : memref<6x128x32xf32, #tpu.memory_space<vmem>> -> memref<1x128x32xf32, #tpu.memory_space<vmem>>
      %dma_wait3A_84 = tpu.memref_squeeze %dma_wait3A_83 : memref<1x128x32xf32, #tpu.memory_space<vmem>> -> memref<128x32xf32, #tpu.memory_space<vmem>>
      %dma_wait3A_85 = arith.constant 0 : i32
      %dma_wait3A_86 = tpu.memref_slice %arg10[%add3A_47, %dma_wait3A_85] : memref<10240x32xf32, #tpu.memory_space<vmem_shared>> -> memref<128x32xf32, #tpu.memory_space<vmem_shared>>
      %dma_wait3A_87 = arith.constant 0 : i32
      %dma_wait3A_88 = arith.constant 0 : i32
      %dma_wait3A_89 = tpu.memref_slice %arg9[%run_scoped3A_48, %dma_wait3A_87, %dma_wait3A_88] : memref<6x128x32xf32, #tpu.memory_space<vmem>> -> memref<1x128x32xf32, #tpu.memory_space<vmem>>
      %dma_wait3A_90 = tpu.memref_squeeze %dma_wait3A_89 : memref<1x128x32xf32, #tpu.memory_space<vmem>> -> memref<128x32xf32, #tpu.memory_space<vmem>>
      %dma_wait3A_91 = arith.constant 0 : i32
      %dma_wait3A_92 = tpu.memref_slice %arg10[%add3A_47, %dma_wait3A_91] : memref<10240x32xf32, #tpu.memory_space<vmem_shared>> -> memref<128x32xf32, #tpu.memory_space<vmem_shared>>
      tpu.wait_dma2 semaphore(%run_scoped3A_70 : memref<!tpu.dma_semaphore, #tpu.memory_space<semaphore_mem>>) src(%dma_wait3A_92 : memref<128x32xf32, #tpu.memory_space<vmem_shared>>) dst(%dma_wait3A_90 : memref<128x32xf32, #tpu.memory_space<vmem>>)
      tpu.yield
    }) : () -> ()
    %add3A_49 = arith.constant 128 : i32
    %add3A_50 = arith.addi %mul3A_12, %add3A_49 : i32
    %run_scoped3A_51 = arith.constant 0 : i32
    "tpu.region"() ({
      %run_scoped3A_70 = tpu.sem_alloc : memref<!tpu.dma_semaphore, #tpu.memory_space<semaphore_mem>>
      %dma_start3A = arith.constant 0 : i32
      %dma_start3A_71 = arith.constant 0 : i32
      %dma_start3A_72 = tpu.memref_slice %arg9[%run_scoped3A_51, %dma_start3A, %dma_start3A_71] : memref<6x128x32xf32, #tpu.memory_space<vmem>> -> memref<1x128x32xf32, #tpu.memory_space<vmem>>
      %dma_start3A_73 = tpu.memref_squeeze %dma_start3A_72 : memref<1x128x32xf32, #tpu.memory_space<vmem>> -> memref<128x32xf32, #tpu.memory_space<vmem>>
      %dma_start3A_74 = arith.constant 0 : i32
      %dma_start3A_75 = tpu.memref_slice %arg4[%arg0, %add3A_50, %dma_start3A_74] : memref<2x10240x32xf32, #tpu.memory_space<hbm>> -> memref<1x128x32xf32, #tpu.memory_space<hbm>>
      %dma_start3A_76 = tpu.memref_squeeze %dma_start3A_75 : memref<1x128x32xf32, #tpu.memory_space<hbm>> -> memref<128x32xf32, #tpu.memory_space<hbm>>
      %dma_start3A_77 = arith.constant 0 : i32
      %dma_start3A_78 = tpu.memref_slice %arg4[%arg0, %add3A_50, %dma_start3A_77] : memref<2x10240x32xf32, #tpu.memory_space<hbm>> -> memref<1x128x32xf32, #tpu.memory_space<hbm>>
      %dma_start3A_79 = tpu.memref_squeeze %dma_start3A_78 : memref<1x128x32xf32, #tpu.memory_space<hbm>> -> memref<128x32xf32, #tpu.memory_space<hbm>>
      %dma_start3A_80 = arith.constant 0 : i32
      %dma_start3A_81 = arith.constant 0 : i32
      %dma_start3A_82 = tpu.memref_slice %arg9[%run_scoped3A_51, %dma_start3A_80, %dma_start3A_81] : memref<6x128x32xf32, #tpu.memory_space<vmem>> -> memref<1x128x32xf32, #tpu.memory_space<vmem>>
      %dma_start3A_83 = tpu.memref_squeeze %dma_start3A_82 : memref<1x128x32xf32, #tpu.memory_space<vmem>> -> memref<128x32xf32, #tpu.memory_space<vmem>>
      tpu.enqueue_dma source(%dma_start3A_83 : memref<128x32xf32, #tpu.memory_space<vmem>>) target(%dma_start3A_79 : memref<128x32xf32, #tpu.memory_space<hbm>>) target_semaphore(%run_scoped3A_70 : memref<!tpu.dma_semaphore, #tpu.memory_space<semaphore_mem>>)
      %dma_wait3A = arith.constant 0 : i32
      %dma_wait3A_84 = arith.constant 0 : i32
      %dma_wait3A_85 = tpu.memref_slice %arg9[%run_scoped3A_51, %dma_wait3A, %dma_wait3A_84] : memref<6x128x32xf32, #tpu.memory_space<vmem>> -> memref<1x128x32xf32, #tpu.memory_space<vmem>>
      %dma_wait3A_86 = tpu.memref_squeeze %dma_wait3A_85 : memref<1x128x32xf32, #tpu.memory_space<vmem>> -> memref<128x32xf32, #tpu.memory_space<vmem>>
      %dma_wait3A_87 = arith.constant 0 : i32
      %dma_wait3A_88 = tpu.memref_slice %arg4[%arg0, %add3A_50, %dma_wait3A_87] : memref<2x10240x32xf32, #tpu.memory_space<hbm>> -> memref<1x128x32xf32, #tpu.memory_space<hbm>>
      %dma_wait3A_89 = tpu.memref_squeeze %dma_wait3A_88 : memref<1x128x32xf32, #tpu.memory_space<hbm>> -> memref<128x32xf32, #tpu.memory_space<hbm>>
      %dma_wait3A_90 = arith.constant 0 : i32
      %dma_wait3A_91 = tpu.memref_slice %arg4[%arg0, %add3A_50, %dma_wait3A_90] : memref<2x10240x32xf32, #tpu.memory_space<hbm>> -> memref<1x128x32xf32, #tpu.memory_space<hbm>>
      %dma_wait3A_92 = tpu.memref_squeeze %dma_wait3A_91 : memref<1x128x32xf32, #tpu.memory_space<hbm>> -> memref<128x32xf32, #tpu.memory_space<hbm>>
      %dma_wait3A_93 = arith.constant 0 : i32
      %dma_wait3A_94 = arith.constant 0 : i32
      %dma_wait3A_95 = tpu.memref_slice %arg9[%run_scoped3A_51, %dma_wait3A_93, %dma_wait3A_94] : memref<6x128x32xf32, #tpu.memory_space<vmem>> -> memref<1x128x32xf32, #tpu.memory_space<vmem>>
      %dma_wait3A_96 = tpu.memref_squeeze %dma_wait3A_95 : memref<1x128x32xf32, #tpu.memory_space<vmem>> -> memref<128x32xf32, #tpu.memory_space<vmem>>
      tpu.wait_dma2 semaphore(%run_scoped3A_70 : memref<!tpu.dma_semaphore, #tpu.memory_space<semaphore_mem>>) src(%dma_wait3A_96 : memref<128x32xf32, #tpu.memory_space<vmem>>) dst(%dma_wait3A_92 : memref<128x32xf32, #tpu.memory_space<hbm>>)
      tpu.yield
    }) : () -> ()
    %add3A_52 = arith.constant 256 : i32
    %add3A_53 = arith.addi %mul3A_12, %add3A_52 : i32
    %run_scoped3A_54 = arith.constant 0 : i32
    "tpu.region"() ({
      %run_scoped3A_70 = tpu.sem_alloc : memref<!tpu.dma_semaphore, #tpu.memory_space<semaphore_mem>>
      %dma_start3A = arith.constant 0 : i32
      %dma_start3A_71 = arith.constant 0 : i32
      %dma_start3A_72 = tpu.memref_slice %arg9[%run_scoped3A_54, %dma_start3A, %dma_start3A_71] : memref<6x128x32xf32, #tpu.memory_space<vmem>> -> memref<1x128x32xf32, #tpu.memory_space<vmem>>
      %dma_start3A_73 = tpu.memref_squeeze %dma_start3A_72 : memref<1x128x32xf32, #tpu.memory_space<vmem>> -> memref<128x32xf32, #tpu.memory_space<vmem>>
      %dma_start3A_74 = arith.constant 0 : i32
      %dma_start3A_75 = tpu.memref_slice %arg10[%add3A_53, %dma_start3A_74] : memref<10240x32xf32, #tpu.memory_space<vmem_shared>> -> memref<128x32xf32, #tpu.memory_space<vmem_shared>>
      %dma_start3A_76 = arith.constant 0 : i32
      %dma_start3A_77 = arith.constant 0 : i32
      %dma_start3A_78 = tpu.memref_slice %arg9[%run_scoped3A_54, %dma_start3A_76, %dma_start3A_77] : memref<6x128x32xf32, #tpu.memory_space<vmem>> -> memref<1x128x32xf32, #tpu.memory_space<vmem>>
      %dma_start3A_79 = tpu.memref_squeeze %dma_start3A_78 : memref<1x128x32xf32, #tpu.memory_space<vmem>> -> memref<128x32xf32, #tpu.memory_space<vmem>>
      %dma_start3A_80 = arith.constant 0 : i32
      %dma_start3A_81 = tpu.memref_slice %arg10[%add3A_53, %dma_start3A_80] : memref<10240x32xf32, #tpu.memory_space<vmem_shared>> -> memref<128x32xf32, #tpu.memory_space<vmem_shared>>
      tpu.enqueue_dma source(%dma_start3A_81 : memref<128x32xf32, #tpu.memory_space<vmem_shared>>) target(%dma_start3A_79 : memref<128x32xf32, #tpu.memory_space<vmem>>) target_semaphore(%run_scoped3A_70 : memref<!tpu.dma_semaphore, #tpu.memory_space<semaphore_mem>>)
      %dma_wait3A = arith.constant 0 : i32
      %dma_wait3A_82 = arith.constant 0 : i32
      %dma_wait3A_83 = tpu.memref_slice %arg9[%run_scoped3A_54, %dma_wait3A, %dma_wait3A_82] : memref<6x128x32xf32, #tpu.memory_space<vmem>> -> memref<1x128x32xf32, #tpu.memory_space<vmem>>
      %dma_wait3A_84 = tpu.memref_squeeze %dma_wait3A_83 : memref<1x128x32xf32, #tpu.memory_space<vmem>> -> memref<128x32xf32, #tpu.memory_space<vmem>>
      %dma_wait3A_85 = arith.constant 0 : i32
      %dma_wait3A_86 = tpu.memref_slice %arg10[%add3A_53, %dma_wait3A_85] : memref<10240x32xf32, #tpu.memory_space<vmem_shared>> -> memref<128x32xf32, #tpu.memory_space<vmem_shared>>
      %dma_wait3A_87 = arith.constant 0 : i32
      %dma_wait3A_88 = arith.constant 0 : i32
      %dma_wait3A_89 = tpu.memref_slice %arg9[%run_scoped3A_54, %dma_wait3A_87, %dma_wait3A_88] : memref<6x128x32xf32, #tpu.memory_space<vmem>> -> memref<1x128x32xf32, #tpu.memory_space<vmem>>
      %dma_wait3A_90 = tpu.memref_squeeze %dma_wait3A_89 : memref<1x128x32xf32, #tpu.memory_space<vmem>> -> memref<128x32xf32, #tpu.memory_space<vmem>>
      %dma_wait3A_91 = arith.constant 0 : i32
      %dma_wait3A_92 = tpu.memref_slice %arg10[%add3A_53, %dma_wait3A_91] : memref<10240x32xf32, #tpu.memory_space<vmem_shared>> -> memref<128x32xf32, #tpu.memory_space<vmem_shared>>
      tpu.wait_dma2 semaphore(%run_scoped3A_70 : memref<!tpu.dma_semaphore, #tpu.memory_space<semaphore_mem>>) src(%dma_wait3A_92 : memref<128x32xf32, #tpu.memory_space<vmem_shared>>) dst(%dma_wait3A_90 : memref<128x32xf32, #tpu.memory_space<vmem>>)
      tpu.yield
    }) : () -> ()
    %add3A_55 = arith.constant 256 : i32
    %add3A_56 = arith.addi %mul3A_12, %add3A_55 : i32
    %run_scoped3A_57 = arith.constant 0 : i32
    "tpu.region"() ({
      %run_scoped3A_70 = tpu.sem_alloc : memref<!tpu.dma_semaphore, #tpu.memory_space<semaphore_mem>>
      %dma_start3A = arith.constant 0 : i32
      %dma_start3A_71 = arith.constant 0 : i32
      %dma_start3A_72 = tpu.memref_slice %arg9[%run_scoped3A_57, %dma_start3A, %dma_start3A_71] : memref<6x128x32xf32, #tpu.memory_space<vmem>> -> memref<1x128x32xf32, #tpu.memory_space<vmem>>
      %dma_start3A_73 = tpu.memref_squeeze %dma_start3A_72 : memref<1x128x32xf32, #tpu.memory_space<vmem>> -> memref<128x32xf32, #tpu.memory_space<vmem>>
      %dma_start3A_74 = arith.constant 0 : i32
      %dma_start3A_75 = tpu.memref_slice %arg4[%arg0, %add3A_56, %dma_start3A_74] : memref<2x10240x32xf32, #tpu.memory_space<hbm>> -> memref<1x128x32xf32, #tpu.memory_space<hbm>>
      %dma_start3A_76 = tpu.memref_squeeze %dma_start3A_75 : memref<1x128x32xf32, #tpu.memory_space<hbm>> -> memref<128x32xf32, #tpu.memory_space<hbm>>
      %dma_start3A_77 = arith.constant 0 : i32
      %dma_start3A_78 = tpu.memref_slice %arg4[%arg0, %add3A_56, %dma_start3A_77] : memref<2x10240x32xf32, #tpu.memory_space<hbm>> -> memref<1x128x32xf32, #tpu.memory_space<hbm>>
      %dma_start3A_79 = tpu.memref_squeeze %dma_start3A_78 : memref<1x128x32xf32, #tpu.memory_space<hbm>> -> memref<128x32xf32, #tpu.memory_space<hbm>>
      %dma_start3A_80 = arith.constant 0 : i32
      %dma_start3A_81 = arith.constant 0 : i32
      %dma_start3A_82 = tpu.memref_slice %arg9[%run_scoped3A_57, %dma_start3A_80, %dma_start3A_81] : memref<6x128x32xf32, #tpu.memory_space<vmem>> -> memref<1x128x32xf32, #tpu.memory_space<vmem>>
      %dma_start3A_83 = tpu.memref_squeeze %dma_start3A_82 : memref<1x128x32xf32, #tpu.memory_space<vmem>> -> memref<128x32xf32, #tpu.memory_space<vmem>>
      tpu.enqueue_dma source(%dma_start3A_83 : memref<128x32xf32, #tpu.memory_space<vmem>>) target(%dma_start3A_79 : memref<128x32xf32, #tpu.memory_space<hbm>>) target_semaphore(%run_scoped3A_70 : memref<!tpu.dma_semaphore, #tpu.memory_space<semaphore_mem>>)
      %dma_wait3A = arith.constant 0 : i32
      %dma_wait3A_84 = arith.constant 0 : i32
      %dma_wait3A_85 = tpu.memref_slice %arg9[%run_scoped3A_57, %dma_wait3A, %dma_wait3A_84] : memref<6x128x32xf32, #tpu.memory_space<vmem>> -> memref<1x128x32xf32, #tpu.memory_space<vmem>>
      %dma_wait3A_86 = tpu.memref_squeeze %dma_wait3A_85 : memref<1x128x32xf32, #tpu.memory_space<vmem>> -> memref<128x32xf32, #tpu.memory_space<vmem>>
      %dma_wait3A_87 = arith.constant 0 : i32
      %dma_wait3A_88 = tpu.memref_slice %arg4[%arg0, %add3A_56, %dma_wait3A_87] : memref<2x10240x32xf32, #tpu.memory_space<hbm>> -> memref<1x128x32xf32, #tpu.memory_space<hbm>>
      %dma_wait3A_89 = tpu.memref_squeeze %dma_wait3A_88 : memref<1x128x32xf32, #tpu.memory_space<hbm>> -> memref<128x32xf32, #tpu.memory_space<hbm>>
      %dma_wait3A_90 = arith.constant 0 : i32
      %dma_wait3A_91 = tpu.memref_slice %arg4[%arg0, %add3A_56, %dma_wait3A_90] : memref<2x10240x32xf32, #tpu.memory_space<hbm>> -> memref<1x128x32xf32, #tpu.memory_space<hbm>>
      %dma_wait3A_92 = tpu.memref_squeeze %dma_wait3A_91 : memref<1x128x32xf32, #tpu.memory_space<hbm>> -> memref<128x32xf32, #tpu.memory_space<hbm>>
      %dma_wait3A_93 = arith.constant 0 : i32
      %dma_wait3A_94 = arith.constant 0 : i32
      %dma_wait3A_95 = tpu.memref_slice %arg9[%run_scoped3A_57, %dma_wait3A_93, %dma_wait3A_94] : memref<6x128x32xf32, #tpu.memory_space<vmem>> -> memref<1x128x32xf32, #tpu.memory_space<vmem>>
      %dma_wait3A_96 = tpu.memref_squeeze %dma_wait3A_95 : memref<1x128x32xf32, #tpu.memory_space<vmem>> -> memref<128x32xf32, #tpu.memory_space<vmem>>
      tpu.wait_dma2 semaphore(%run_scoped3A_70 : memref<!tpu.dma_semaphore, #tpu.memory_space<semaphore_mem>>) src(%dma_wait3A_96 : memref<128x32xf32, #tpu.memory_space<vmem>>) dst(%dma_wait3A_92 : memref<128x32xf32, #tpu.memory_space<hbm>>)
      tpu.yield
    }) : () -> ()
    %add3A_58 = arith.constant 384 : i32
    %add3A_59 = arith.addi %mul3A_12, %add3A_58 : i32
    %run_scoped3A_60 = arith.constant 0 : i32
    "tpu.region"() ({
      %run_scoped3A_70 = tpu.sem_alloc : memref<!tpu.dma_semaphore, #tpu.memory_space<semaphore_mem>>
      %dma_start3A = arith.constant 0 : i32
      %dma_start3A_71 = arith.constant 0 : i32
      %dma_start3A_72 = tpu.memref_slice %arg9[%run_scoped3A_60, %dma_start3A, %dma_start3A_71] : memref<6x128x32xf32, #tpu.memory_space<vmem>> -> memref<1x128x32xf32, #tpu.memory_space<vmem>>
      %dma_start3A_73 = tpu.memref_squeeze %dma_start3A_72 : memref<1x128x32xf32, #tpu.memory_space<vmem>> -> memref<128x32xf32, #tpu.memory_space<vmem>>
      %dma_start3A_74 = arith.constant 0 : i32
      %dma_start3A_75 = tpu.memref_slice %arg10[%add3A_59, %dma_start3A_74] : memref<10240x32xf32, #tpu.memory_space<vmem_shared>> -> memref<128x32xf32, #tpu.memory_space<vmem_shared>>
      %dma_start3A_76 = arith.constant 0 : i32
      %dma_start3A_77 = arith.constant 0 : i32
      %dma_start3A_78 = tpu.memref_slice %arg9[%run_scoped3A_60, %dma_start3A_76, %dma_start3A_77] : memref<6x128x32xf32, #tpu.memory_space<vmem>> -> memref<1x128x32xf32, #tpu.memory_space<vmem>>
      %dma_start3A_79 = tpu.memref_squeeze %dma_start3A_78 : memref<1x128x32xf32, #tpu.memory_space<vmem>> -> memref<128x32xf32, #tpu.memory_space<vmem>>
      %dma_start3A_80 = arith.constant 0 : i32
      %dma_start3A_81 = tpu.memref_slice %arg10[%add3A_59, %dma_start3A_80] : memref<10240x32xf32, #tpu.memory_space<vmem_shared>> -> memref<128x32xf32, #tpu.memory_space<vmem_shared>>
      tpu.enqueue_dma source(%dma_start3A_81 : memref<128x32xf32, #tpu.memory_space<vmem_shared>>) target(%dma_start3A_79 : memref<128x32xf32, #tpu.memory_space<vmem>>) target_semaphore(%run_scoped3A_70 : memref<!tpu.dma_semaphore, #tpu.memory_space<semaphore_mem>>)
      %dma_wait3A = arith.constant 0 : i32
      %dma_wait3A_82 = arith.constant 0 : i32
      %dma_wait3A_83 = tpu.memref_slice %arg9[%run_scoped3A_60, %dma_wait3A, %dma_wait3A_82] : memref<6x128x32xf32, #tpu.memory_space<vmem>> -> memref<1x128x32xf32, #tpu.memory_space<vmem>>
      %dma_wait3A_84 = tpu.memref_squeeze %dma_wait3A_83 : memref<1x128x32xf32, #tpu.memory_space<vmem>> -> memref<128x32xf32, #tpu.memory_space<vmem>>
      %dma_wait3A_85 = arith.constant 0 : i32
      %dma_wait3A_86 = tpu.memref_slice %arg10[%add3A_59, %dma_wait3A_85] : memref<10240x32xf32, #tpu.memory_space<vmem_shared>> -> memref<128x32xf32, #tpu.memory_space<vmem_shared>>
      %dma_wait3A_87 = arith.constant 0 : i32
      %dma_wait3A_88 = arith.constant 0 : i32
      %dma_wait3A_89 = tpu.memref_slice %arg9[%run_scoped3A_60, %dma_wait3A_87, %dma_wait3A_88] : memref<6x128x32xf32, #tpu.memory_space<vmem>> -> memref<1x128x32xf32, #tpu.memory_space<vmem>>
      %dma_wait3A_90 = tpu.memref_squeeze %dma_wait3A_89 : memref<1x128x32xf32, #tpu.memory_space<vmem>> -> memref<128x32xf32, #tpu.memory_space<vmem>>
      %dma_wait3A_91 = arith.constant 0 : i32
      %dma_wait3A_92 = tpu.memref_slice %arg10[%add3A_59, %dma_wait3A_91] : memref<10240x32xf32, #tpu.memory_space<vmem_shared>> -> memref<128x32xf32, #tpu.memory_space<vmem_shared>>
      tpu.wait_dma2 semaphore(%run_scoped3A_70 : memref<!tpu.dma_semaphore, #tpu.memory_space<semaphore_mem>>) src(%dma_wait3A_92 : memref<128x32xf32, #tpu.memory_space<vmem_shared>>) dst(%dma_wait3A_90 : memref<128x32xf32, #tpu.memory_space<vmem>>)
      tpu.yield
    }) : () -> ()
    %add3A_61 = arith.constant 384 : i32
    %add3A_62 = arith.addi %mul3A_12, %add3A_61 : i32
    %run_scoped3A_63 = arith.constant 0 : i32
    "tpu.region"() ({
      %run_scoped3A_70 = tpu.sem_alloc : memref<!tpu.dma_semaphore, #tpu.memory_space<semaphore_mem>>
      %dma_start3A = arith.constant 0 : i32
      %dma_start3A_71 = arith.constant 0 : i32
      %dma_start3A_72 = tpu.memref_slice %arg9[%run_scoped3A_63, %dma_start3A, %dma_start3A_71] : memref<6x128x32xf32, #tpu.memory_space<vmem>> -> memref<1x128x32xf32, #tpu.memory_space<vmem>>
      %dma_start3A_73 = tpu.memref_squeeze %dma_start3A_72 : memref<1x128x32xf32, #tpu.memory_space<vmem>> -> memref<128x32xf32, #tpu.memory_space<vmem>>
      %dma_start3A_74 = arith.constant 0 : i32
      %dma_start3A_75 = tpu.memref_slice %arg4[%arg0, %add3A_62, %dma_start3A_74] : memref<2x10240x32xf32, #tpu.memory_space<hbm>> -> memref<1x128x32xf32, #tpu.memory_space<hbm>>
      %dma_start3A_76 = tpu.memref_squeeze %dma_start3A_75 : memref<1x128x32xf32, #tpu.memory_space<hbm>> -> memref<128x32xf32, #tpu.memory_space<hbm>>
      %dma_start3A_77 = arith.constant 0 : i32
      %dma_start3A_78 = tpu.memref_slice %arg4[%arg0, %add3A_62, %dma_start3A_77] : memref<2x10240x32xf32, #tpu.memory_space<hbm>> -> memref<1x128x32xf32, #tpu.memory_space<hbm>>
      %dma_start3A_79 = tpu.memref_squeeze %dma_start3A_78 : memref<1x128x32xf32, #tpu.memory_space<hbm>> -> memref<128x32xf32, #tpu.memory_space<hbm>>
      %dma_start3A_80 = arith.constant 0 : i32
      %dma_start3A_81 = arith.constant 0 : i32
      %dma_start3A_82 = tpu.memref_slice %arg9[%run_scoped3A_63, %dma_start3A_80, %dma_start3A_81] : memref<6x128x32xf32, #tpu.memory_space<vmem>> -> memref<1x128x32xf32, #tpu.memory_space<vmem>>
      %dma_start3A_83 = tpu.memref_squeeze %dma_start3A_82 : memref<1x128x32xf32, #tpu.memory_space<vmem>> -> memref<128x32xf32, #tpu.memory_space<vmem>>
      tpu.enqueue_dma source(%dma_start3A_83 : memref<128x32xf32, #tpu.memory_space<vmem>>) target(%dma_start3A_79 : memref<128x32xf32, #tpu.memory_space<hbm>>) target_semaphore(%run_scoped3A_70 : memref<!tpu.dma_semaphore, #tpu.memory_space<semaphore_mem>>)
      %dma_wait3A = arith.constant 0 : i32
      %dma_wait3A_84 = arith.constant 0 : i32
      %dma_wait3A_85 = tpu.memref_slice %arg9[%run_scoped3A_63, %dma_wait3A, %dma_wait3A_84] : memref<6x128x32xf32, #tpu.memory_space<vmem>> -> memref<1x128x32xf32, #tpu.memory_space<vmem>>
      %dma_wait3A_86 = tpu.memref_squeeze %dma_wait3A_85 : memref<1x128x32xf32, #tpu.memory_space<vmem>> -> memref<128x32xf32, #tpu.memory_space<vmem>>
      %dma_wait3A_87 = arith.constant 0 : i32
      %dma_wait3A_88 = tpu.memref_slice %arg4[%arg0, %add3A_62, %dma_wait3A_87] : memref<2x10240x32xf32, #tpu.memory_space<hbm>> -> memref<1x128x32xf32, #tpu.memory_space<hbm>>
      %dma_wait3A_89 = tpu.memref_squeeze %dma_wait3A_88 : memref<1x128x32xf32, #tpu.memory_space<hbm>> -> memref<128x32xf32, #tpu.memory_space<hbm>>
      %dma_wait3A_90 = arith.constant 0 : i32
      %dma_wait3A_91 = tpu.memref_slice %arg4[%arg0, %add3A_62, %dma_wait3A_90] : memref<2x10240x32xf32, #tpu.memory_space<hbm>> -> memref<1x128x32xf32, #tpu.memory_space<hbm>>
      %dma_wait3A_92 = tpu.memref_squeeze %dma_wait3A_91 : memref<1x128x32xf32, #tpu.memory_space<hbm>> -> memref<128x32xf32, #tpu.memory_space<hbm>>
      %dma_wait3A_93 = arith.constant 0 : i32
      %dma_wait3A_94 = arith.constant 0 : i32
      %dma_wait3A_95 = tpu.memref_slice %arg9[%run_scoped3A_63, %dma_wait3A_93, %dma_wait3A_94] : memref<6x128x32xf32, #tpu.memory_space<vmem>> -> memref<1x128x32xf32, #tpu.memory_space<vmem>>
      %dma_wait3A_96 = tpu.memref_squeeze %dma_wait3A_95 : memref<1x128x32xf32, #tpu.memory_space<vmem>> -> memref<128x32xf32, #tpu.memory_space<vmem>>
      tpu.wait_dma2 semaphore(%run_scoped3A_70 : memref<!tpu.dma_semaphore, #tpu.memory_space<semaphore_mem>>) src(%dma_wait3A_96 : memref<128x32xf32, #tpu.memory_space<vmem>>) dst(%dma_wait3A_92 : memref<128x32xf32, #tpu.memory_space<hbm>>)
      tpu.yield
    }) : () -> ()
    %add3A_64 = arith.constant 512 : i32
    %add3A_65 = arith.addi %mul3A_12, %add3A_64 : i32
    %run_scoped3A_66 = arith.constant 0 : i32
    "tpu.region"() ({
      %run_scoped3A_70 = tpu.sem_alloc : memref<!tpu.dma_semaphore, #tpu.memory_space<semaphore_mem>>
      %dma_start3A = arith.constant 0 : i32
      %dma_start3A_71 = arith.constant 0 : i32
      %dma_start3A_72 = tpu.memref_slice %arg9[%run_scoped3A_66, %dma_start3A, %dma_start3A_71] : memref<6x128x32xf32, #tpu.memory_space<vmem>> -> memref<1x128x32xf32, #tpu.memory_space<vmem>>
      %dma_start3A_73 = tpu.memref_squeeze %dma_start3A_72 : memref<1x128x32xf32, #tpu.memory_space<vmem>> -> memref<128x32xf32, #tpu.memory_space<vmem>>
      %dma_start3A_74 = arith.constant 0 : i32
      %dma_start3A_75 = tpu.memref_slice %arg10[%add3A_65, %dma_start3A_74] : memref<10240x32xf32, #tpu.memory_space<vmem_shared>> -> memref<128x32xf32, #tpu.memory_space<vmem_shared>>
      %dma_start3A_76 = arith.constant 0 : i32
      %dma_start3A_77 = arith.constant 0 : i32
      %dma_start3A_78 = tpu.memref_slice %arg9[%run_scoped3A_66, %dma_start3A_76, %dma_start3A_77] : memref<6x128x32xf32, #tpu.memory_space<vmem>> -> memref<1x128x32xf32, #tpu.memory_space<vmem>>
      %dma_start3A_79 = tpu.memref_squeeze %dma_start3A_78 : memref<1x128x32xf32, #tpu.memory_space<vmem>> -> memref<128x32xf32, #tpu.memory_space<vmem>>
      %dma_start3A_80 = arith.constant 0 : i32
      %dma_start3A_81 = tpu.memref_slice %arg10[%add3A_65, %dma_start3A_80] : memref<10240x32xf32, #tpu.memory_space<vmem_shared>> -> memref<128x32xf32, #tpu.memory_space<vmem_shared>>
      tpu.enqueue_dma source(%dma_start3A_81 : memref<128x32xf32, #tpu.memory_space<vmem_shared>>) target(%dma_start3A_79 : memref<128x32xf32, #tpu.memory_space<vmem>>) target_semaphore(%run_scoped3A_70 : memref<!tpu.dma_semaphore, #tpu.memory_space<semaphore_mem>>)
      %dma_wait3A = arith.constant 0 : i32
      %dma_wait3A_82 = arith.constant 0 : i32
      %dma_wait3A_83 = tpu.memref_slice %arg9[%run_scoped3A_66, %dma_wait3A, %dma_wait3A_82] : memref<6x128x32xf32, #tpu.memory_space<vmem>> -> memref<1x128x32xf32, #tpu.memory_space<vmem>>
      %dma_wait3A_84 = tpu.memref_squeeze %dma_wait3A_83 : memref<1x128x32xf32, #tpu.memory_space<vmem>> -> memref<128x32xf32, #tpu.memory_space<vmem>>
      %dma_wait3A_85 = arith.constant 0 : i32
      %dma_wait3A_86 = tpu.memref_slice %arg10[%add3A_65, %dma_wait3A_85] : memref<10240x32xf32, #tpu.memory_space<vmem_shared>> -> memref<128x32xf32, #tpu.memory_space<vmem_shared>>
      %dma_wait3A_87 = arith.constant 0 : i32
      %dma_wait3A_88 = arith.constant 0 : i32
      %dma_wait3A_89 = tpu.memref_slice %arg9[%run_scoped3A_66, %dma_wait3A_87, %dma_wait3A_88] : memref<6x128x32xf32, #tpu.memory_space<vmem>> -> memref<1x128x32xf32, #tpu.memory_space<vmem>>
      %dma_wait3A_90 = tpu.memref_squeeze %dma_wait3A_89 : memref<1x128x32xf32, #tpu.memory_space<vmem>> -> memref<128x32xf32, #tpu.memory_space<vmem>>
      %dma_wait3A_91 = arith.constant 0 : i32
      %dma_wait3A_92 = tpu.memref_slice %arg10[%add3A_65, %dma_wait3A_91] : memref<10240x32xf32, #tpu.memory_space<vmem_shared>> -> memref<128x32xf32, #tpu.memory_space<vmem_shared>>
      tpu.wait_dma2 semaphore(%run_scoped3A_70 : memref<!tpu.dma_semaphore, #tpu.memory_space<semaphore_mem>>) src(%dma_wait3A_92 : memref<128x32xf32, #tpu.memory_space<vmem_shared>>) dst(%dma_wait3A_90 : memref<128x32xf32, #tpu.memory_space<vmem>>)
      tpu.yield
    }) : () -> ()
    %add3A_67 = arith.constant 512 : i32
    %add3A_68 = arith.addi %mul3A_12, %add3A_67 : i32
    %run_scoped3A_69 = arith.constant 0 : i32
    "tpu.region"() ({
      %run_scoped3A_70 = tpu.sem_alloc : memref<!tpu.dma_semaphore, #tpu.memory_space<semaphore_mem>>
      %dma_start3A = arith.constant 0 : i32
      %dma_start3A_71 = arith.constant 0 : i32
      %dma_start3A_72 = tpu.memref_slice %arg9[%run_scoped3A_69, %dma_start3A, %dma_start3A_71] : memref<6x128x32xf32, #tpu.memory_space<vmem>> -> memref<1x128x32xf32, #tpu.memory_space<vmem>>
      %dma_start3A_73 = tpu.memref_squeeze %dma_start3A_72 : memref<1x128x32xf32, #tpu.memory_space<vmem>> -> memref<128x32xf32, #tpu.memory_space<vmem>>
      %dma_start3A_74 = arith.constant 0 : i32
      %dma_start3A_75 = tpu.memref_slice %arg4[%arg0, %add3A_68, %dma_start3A_74] : memref<2x10240x32xf32, #tpu.memory_space<hbm>> -> memref<1x128x32xf32, #tpu.memory_space<hbm>>
      %dma_start3A_76 = tpu.memref_squeeze %dma_start3A_75 : memref<1x128x32xf32, #tpu.memory_space<hbm>> -> memref<128x32xf32, #tpu.memory_space<hbm>>
      %dma_start3A_77 = arith.constant 0 : i32
      %dma_start3A_78 = tpu.memref_slice %arg4[%arg0, %add3A_68, %dma_start3A_77] : memref<2x10240x32xf32, #tpu.memory_space<hbm>> -> memref<1x128x32xf32, #tpu.memory_space<hbm>>
      %dma_start3A_79 = tpu.memref_squeeze %dma_start3A_78 : memref<1x128x32xf32, #tpu.memory_space<hbm>> -> memref<128x32xf32, #tpu.memory_space<hbm>>
      %dma_start3A_80 = arith.constant 0 : i32
      %dma_start3A_81 = arith.constant 0 : i32
      %dma_start3A_82 = tpu.memref_slice %arg9[%run_scoped3A_69, %dma_start3A_80, %dma_start3A_81] : memref<6x128x32xf32, #tpu.memory_space<vmem>> -> memref<1x128x32xf32, #tpu.memory_space<vmem>>
      %dma_start3A_83 = tpu.memref_squeeze %dma_start3A_82 : memref<1x128x32xf32, #tpu.memory_space<vmem>> -> memref<128x32xf32, #tpu.memory_space<vmem>>
      tpu.enqueue_dma source(%dma_start3A_83 : memref<128x32xf32, #tpu.memory_space<vmem>>) target(%dma_start3A_79 : memref<128x32xf32, #tpu.memory_space<hbm>>) target_semaphore(%run_scoped3A_70 : memref<!tpu.dma_semaphore, #tpu.memory_space<semaphore_mem>>)
      %dma_wait3A = arith.constant 0 : i32
      %dma_wait3A_84 = arith.constant 0 : i32
      %dma_wait3A_85 = tpu.memref_slice %arg9[%run_scoped3A_69, %dma_wait3A, %dma_wait3A_84] : memref<6x128x32xf32, #tpu.memory_space<vmem>> -> memref<1x128x32xf32, #tpu.memory_space<vmem>>
      %dma_wait3A_86 = tpu.memref_squeeze %dma_wait3A_85 : memref<1x128x32xf32, #tpu.memory_space<vmem>> -> memref<128x32xf32, #tpu.memory_space<vmem>>
      %dma_wait3A_87 = arith.constant 0 : i32
      %dma_wait3A_88 = tpu.memref_slice %arg4[%arg0, %add3A_68, %dma_wait3A_87] : memref<2x10240x32xf32, #tpu.memory_space<hbm>> -> memref<1x128x32xf32, #tpu.memory_space<hbm>>
      %dma_wait3A_89 = tpu.memref_squeeze %dma_wait3A_88 : memref<1x128x32xf32, #tpu.memory_space<hbm>> -> memref<128x32xf32, #tpu.memory_space<hbm>>
      %dma_wait3A_90 = arith.constant 0 : i32
      %dma_wait3A_91 = tpu.memref_slice %arg4[%arg0, %add3A_68, %dma_wait3A_90] : memref<2x10240x32xf32, #tpu.memory_space<hbm>> -> memref<1x128x32xf32, #tpu.memory_space<hbm>>
      %dma_wait3A_92 = tpu.memref_squeeze %dma_wait3A_91 : memref<1x128x32xf32, #tpu.memory_space<hbm>> -> memref<128x32xf32, #tpu.memory_space<hbm>>
      %dma_wait3A_93 = arith.constant 0 : i32
      %dma_wait3A_94 = arith.constant 0 : i32
      %dma_wait3A_95 = tpu.memref_slice %arg9[%run_scoped3A_69, %dma_wait3A_93, %dma_wait3A_94] : memref<6x128x32xf32, #tpu.memory_space<vmem>> -> memref<1x128x32xf32, #tpu.memory_space<vmem>>
      %dma_wait3A_96 = tpu.memref_squeeze %dma_wait3A_95 : memref<1x128x32xf32, #tpu.memory_space<vmem>> -> memref<128x32xf32, #tpu.memory_space<vmem>>
      tpu.wait_dma2 semaphore(%run_scoped3A_70 : memref<!tpu.dma_semaphore, #tpu.memory_space<semaphore_mem>>) src(%dma_wait3A_96 : memref<128x32xf32, #tpu.memory_space<vmem>>) dst(%dma_wait3A_92 : memref<128x32xf32, #tpu.memory_space<hbm>>)
      tpu.yield
    }) : () -> ()
    return
  }
}

module attributes {stable_mosaic.version = 14 : i64} {
  func.func @_k1_body(%arg0: i32, %arg1: memref<2000x128xf32, #tpu.memory_space<vmem>>, %arg2: memref<2000x1xf32, #tpu.memory_space<vmem>>, %arg3: memref<128x64xf32, #tpu.memory_space<vmem>>, %arg4: memref<2000x64xf32, #tpu.memory_space<vmem>>) attributes {dimension_semantics = [#tpu.dimension_semantics<arbitrary>], iteration_bounds = array<i64: 5>, scalar_prefetch = 0 : i64, scratch_operands = 0 : i64, tpu.core_type = #tpu.core_type<tc>, window_params = [{transform_indices = @transform_0, window_bounds = array<i64: 2000, 128>}, {transform_indices = @transform_1, window_bounds = array<i64: 2000, 1>}, {pipeline_mode = #tpu.pipeline_mode<synchronous>, transform_indices = @transform_2, window_bounds = array<i64: 128, 64>}, {transform_indices = @transform_3, window_bounds = array<i64: 2000, 64>}]} {
    %get3A = arith.constant 0 : index
    %get3A_0 = arith.constant 0 : index
    %get3A_1 = vector.load %arg1[%get3A, %get3A_0] : memref<2000x128xf32, #tpu.memory_space<vmem>>, vector<2000x128xf32>
    %get3A_2 = arith.constant 0 : index
    %get3A_3 = arith.constant 0 : index
    %get3A_4 = vector.load %arg3[%get3A_2, %get3A_3] : memref<128x64xf32, #tpu.memory_space<vmem>>, vector<128x64xf32>
    %dot_general3A = arith.constant dense<0.000000e+00> : vector<2000x64xf32>
    %dot_general3A_5 = tpu.matmul %get3A_1, %get3A_4, %dot_general3A {dimension_numbers = #tpu.dot_dimension_numbers<[1], [0], [0], [1], [0, 0, 1, 1], [], []>, transpose_lhs_hint = false} : vector<2000x128xf32>, vector<128x64xf32>, vector<2000x64xf32> -> vector<2000x64xf32>
    %get3A_6 = arith.constant 0 : index
    %get3A_7 = arith.constant 0 : index
    %get3A_8 = vector.load %arg2[%get3A_6, %get3A_7] : memref<2000x1xf32, #tpu.memory_space<vmem>>, vector<2000x1xf32>
    %mul3A = vector.broadcast %get3A_8 : vector<2000x1xf32> to vector<2000x64xf32>
    %mul3A_9 = arith.mulf %dot_general3A_5, %mul3A : vector<2000x64xf32>
    %swap3A = arith.constant 0 : index
    %swap3A_10 = arith.constant 0 : index
    %swap3A_11 = vector.load %arg4[%swap3A, %swap3A_10] : memref<2000x64xf32, #tpu.memory_space<vmem>>, vector<2000x64xf32>
    tpu.vector_store %arg4[%swap3A, %swap3A_10], %mul3A_9 {strides = array<i32>} : memref<2000x64xf32, #tpu.memory_space<vmem>>, vector<2000x64xf32>,
    return
  }
  func.func @transform_0(%arg0: i32) -> (i32, i32) {
    %c0_i32 = arith.constant 0 : i32
    %c0_i32_0 = arith.constant 0 : i32
    return %arg0, %c0_i32 : i32, i32
  }
  func.func @transform_1(%arg0: i32) -> (i32, i32) {
    %c0_i32 = arith.constant 0 : i32
    %c0_i32_0 = arith.constant 0 : i32
    return %arg0, %c0_i32 : i32, i32
  }
  func.func @transform_2(%arg0: i32) -> (i32, i32) {
    %c0_i32 = arith.constant 0 : i32
    %c0_i32_0 = arith.constant 0 : i32
    %c0_i32_1 = arith.constant 0 : i32
    return %c0_i32, %c0_i32_0 : i32, i32
  }
  func.func @transform_3(%arg0: i32) -> (i32, i32) {
    %c0_i32 = arith.constant 0 : i32
    %c0_i32_0 = arith.constant 0 : i32
    return %arg0, %c0_i32 : i32, i32
  }
}

module attributes {stable_mosaic.version = 14 : i64} {
  func.func @_k2_body(%arg0: i32, %arg1: memref<2x2000x64xf32, #tpu.memory_space<vmem>>, %arg2: memref<2000x64xf32, #tpu.memory_space<vmem>>, %arg3: memref<2000x1xf32, #tpu.memory_space<vmem>>, %arg4: memref<1x64xf32, #tpu.memory_space<vmem>>, %arg5: memref<64x32xf32, #tpu.memory_space<vmem>>, %arg6: memref<2000x32xf32, #tpu.memory_space<vmem>>) attributes {dimension_semantics = [#tpu.dimension_semantics<arbitrary>], iteration_bounds = array<i64: 5>, scalar_prefetch = 0 : i64, scratch_operands = 0 : i64, tpu.core_type = #tpu.core_type<tc>, window_params = [{transform_indices = @transform_0, window_bounds = array<i64: 2, 2000, 64>}, {transform_indices = @transform_1, window_bounds = array<i64: 2000, 64>}, {transform_indices = @transform_2, window_bounds = array<i64: 2000, 1>}, {pipeline_mode = #tpu.pipeline_mode<synchronous>, transform_indices = @transform_3, window_bounds = array<i64: 1, 64>}, {pipeline_mode = #tpu.pipeline_mode<synchronous>, transform_indices = @transform_4, window_bounds = array<i64: 64, 32>}, {transform_indices = @transform_5, window_bounds = array<i64: 2000, 32>}]} {
    %get3A = arith.constant 0 : index
    %get3A_0 = arith.constant 0 : index
    %get3A_1 = vector.load %arg3[%get3A, %get3A_0] : memref<2000x1xf32, #tpu.memory_space<vmem>>, vector<2000x1xf32>
    %get3A_2 = arith.constant 0 : index
    %get3A_3 = arith.constant 0 : index
    %get3A_4 = arith.constant 0 : index
    %get3A_5 = vector.load %arg1[%get3A_2, %get3A_3, %get3A_4] : memref<2x2000x64xf32, #tpu.memory_space<vmem>>, vector<1x2000x64xf32>
    %get3A_6 = vector.shape_cast %get3A_5 : vector<1x2000x64xf32> to vector<2000x64xf32>
    %get3A_7 = arith.constant 1 : index
    %get3A_8 = arith.constant 0 : index
    %get3A_9 = arith.constant 0 : index
    %get3A_10 = vector.load %arg1[%get3A_7, %get3A_8, %get3A_9] : memref<2x2000x64xf32, #tpu.memory_space<vmem>>, vector<1x2000x64xf32>
    %get3A_11 = vector.shape_cast %get3A_10 : vector<1x2000x64xf32> to vector<2000x64xf32>
    %add3A = arith.addf %get3A_6, %get3A_11 : vector<2000x64xf32>
    %get3A_12 = arith.constant 0 : index
    %get3A_13 = arith.constant 0 : index
    %get3A_14 = vector.load %arg2[%get3A_12, %get3A_13] : memref<2000x64xf32, #tpu.memory_space<vmem>>, vector<2000x64xf32>
    %add3A_15 = arith.addf %add3A, %get3A_14 : vector<2000x64xf32>
    %mul3A = vector.broadcast %get3A_1 : vector<2000x1xf32> to vector<2000x64xf32>
    %mul3A_16 = arith.mulf %mul3A, %add3A_15 : vector<2000x64xf32>
    %get3A_17 = arith.constant 0 : index
    %get3A_18 = arith.constant 0 : index
    %get3A_19 = vector.load %arg4[%get3A_17, %get3A_18] : memref<1x64xf32, #tpu.memory_space<vmem>>, vector<1x64xf32>
    %add3A_20 = vector.broadcast %get3A_19 : vector<1x64xf32> to vector<2000x64xf32>
    %add3A_21 = arith.addf %mul3A_16, %add3A_20 : vector<2000x64xf32>
    %get3A_22 = arith.constant 0 : index
    %get3A_23 = arith.constant 0 : index
    %get3A_24 = vector.load %arg5[%get3A_22, %get3A_23] : memref<64x32xf32, #tpu.memory_space<vmem>>, vector<64x32xf32>
    %dot_general3A = arith.constant dense<0.000000e+00> : vector<2000x32xf32>
    %dot_general3A_25 = tpu.matmul %add3A_21, %get3A_24, %dot_general3A {dimension_numbers = #tpu.dot_dimension_numbers<[1], [0], [0], [1], [0, 0, 1, 1], [], []>, transpose_lhs_hint = false} : vector<2000x64xf32>, vector<64x32xf32>, vector<2000x32xf32> -> vector<2000x32xf32>
    %mul3A_26 = vector.broadcast %get3A_1 : vector<2000x1xf32> to vector<2000x32xf32>
    %mul3A_27 = arith.mulf %dot_general3A_25, %mul3A_26 : vector<2000x32xf32>
    %swap3A = arith.constant 0 : index
    %swap3A_28 = arith.constant 0 : index
    %swap3A_29 = vector.load %arg6[%swap3A, %swap3A_28] : memref<2000x32xf32, #tpu.memory_space<vmem>>, vector<2000x32xf32>
    tpu.vector_store %arg6[%swap3A, %swap3A_28], %mul3A_27 {strides = array<i32>} : memref<2000x32xf32, #tpu.memory_space<vmem>>, vector<2000x32xf32>,
    return
  }
  func.func @transform_0(%arg0: i32) -> (i32, i32, i32) {
    %c0_i32 = arith.constant 0 : i32
    %c0_i32_0 = arith.constant 0 : i32
    %c0_i32_1 = arith.constant 0 : i32
    return %c0_i32, %arg0, %c0_i32_0 : i32, i32, i32
  }
  func.func @transform_1(%arg0: i32) -> (i32, i32) {
    %c0_i32 = arith.constant 0 : i32
    %c0_i32_0 = arith.constant 0 : i32
    return %arg0, %c0_i32 : i32, i32
  }
  func.func @transform_2(%arg0: i32) -> (i32, i32) {
    %c0_i32 = arith.constant 0 : i32
    %c0_i32_0 = arith.constant 0 : i32
    return %arg0, %c0_i32 : i32, i32
  }
  func.func @transform_3(%arg0: i32) -> (i32, i32) {
    %c0_i32 = arith.constant 0 : i32
    %c0_i32_0 = arith.constant 0 : i32
    %c0_i32_1 = arith.constant 0 : i32
    return %c0_i32, %c0_i32_0 : i32, i32
  }
  func.func @transform_4(%arg0: i32) -> (i32, i32) {
    %c0_i32 = arith.constant 0 : i32
    %c0_i32_0 = arith.constant 0 : i32
    %c0_i32_1 = arith.constant 0 : i32
    return %c0_i32, %c0_i32_0 : i32, i32
  }
  func.func @transform_5(%arg0: i32) -> (i32, i32) {
    %c0_i32 = arith.constant 0 : i32
    %c0_i32_0 = arith.constant 0 : i32
    return %arg0, %c0_i32 : i32, i32
  }
}

module attributes {stable_mosaic.version = 14 : i64} {
  func.func @_l1_body(%arg0: i32, %arg1: memref<2000x128xf32, #tpu.memory_space<vmem>>, %arg2: memref<128x64xf32, #tpu.memory_space<vmem>>, %arg3: memref<1x64xf32, #tpu.memory_space<vmem>>, %arg4: memref<128x32xf32, #tpu.memory_space<vmem>>, %arg5: memref<64x32xf32, #tpu.memory_space<vmem>>, %arg6: memref<1x32xf32, #tpu.memory_space<vmem>>, %arg7: memref<2000x32xf32, #tpu.memory_space<vmem>>) attributes {dimension_semantics = [#tpu.dimension_semantics<arbitrary>], iteration_bounds = array<i64: 5>, scalar_prefetch = 0 : i64, scratch_operands = 0 : i64, tpu.core_type = #tpu.core_type<tc>, window_params = [{transform_indices = @transform_0, window_bounds = array<i64: 2000, 128>}, {pipeline_mode = #tpu.pipeline_mode<synchronous>, transform_indices = @transform_1, window_bounds = array<i64: 128, 64>}, {pipeline_mode = #tpu.pipeline_mode<synchronous>, transform_indices = @transform_2, window_bounds = array<i64: 1, 64>}, {pipeline_mode = #tpu.pipeline_mode<synchronous>, transform_indices = @transform_3, window_bounds = array<i64: 128, 32>}, {pipeline_mode = #tpu.pipeline_mode<synchronous>, transform_indices = @transform_4, window_bounds = array<i64: 64, 32>}, {pipeline_mode = #tpu.pipeline_mode<synchronous>, transform_indices = @transform_5, window_bounds = array<i64: 1, 32>}, {transform_indices = @transform_6, window_bounds = array<i64: 2000, 32>}]} {
    %get3A = arith.constant 0 : index
    %get3A_0 = arith.constant 0 : index
    %get3A_1 = vector.load %arg1[%get3A, %get3A_0] : memref<2000x128xf32, #tpu.memory_space<vmem>>, vector<2000x128xf32>
    %get3A_2 = arith.constant 0 : index
    %get3A_3 = arith.constant 0 : index
    %get3A_4 = vector.load %arg2[%get3A_2, %get3A_3] : memref<128x64xf32, #tpu.memory_space<vmem>>, vector<128x64xf32>
    %dot_general3A = arith.constant dense<0.000000e+00> : vector<2000x64xf32>
    %dot_general3A_5 = tpu.matmul %get3A_1, %get3A_4, %dot_general3A {dimension_numbers = #tpu.dot_dimension_numbers<[1], [0], [0], [1], [0, 0, 1, 1], [], []>, transpose_lhs_hint = false} : vector<2000x128xf32>, vector<128x64xf32>, vector<2000x64xf32> -> vector<2000x64xf32>
    %get3A_6 = arith.constant 0 : index
    %get3A_7 = arith.constant 0 : index
    %get3A_8 = vector.load %arg3[%get3A_6, %get3A_7] : memref<1x64xf32, #tpu.memory_space<vmem>>, vector<1x64xf32>
    %add3A = vector.broadcast %get3A_8 : vector<1x64xf32> to vector<2000x64xf32>
    %add3A_9 = arith.addf %dot_general3A_5, %add3A : vector<2000x64xf32>
    %max3A = arith.constant 0.000000e+00 : f32
    %max3A_10 = vector.broadcast %max3A : f32 to vector<2000x64xf32>
    %max3A_11 = arith.maximumf %add3A_9, %max3A_10 : vector<2000x64xf32>
    %get3A_12 = arith.constant 0 : index
    %get3A_13 = arith.constant 0 : index
    %get3A_14 = vector.load %arg4[%get3A_12, %get3A_13] : memref<128x32xf32, #tpu.memory_space<vmem>>, vector<128x32xf32>
    %dot_general3A_15 = arith.constant dense<0.000000e+00> : vector<2000x32xf32>
    %dot_general3A_16 = tpu.matmul %get3A_1, %get3A_14, %dot_general3A_15 {dimension_numbers = #tpu.dot_dimension_numbers<[1], [0], [0], [1], [0, 0, 1, 1], [], []>, transpose_lhs_hint = false} : vector<2000x128xf32>, vector<128x32xf32>, vector<2000x32xf32> -> vector<2000x32xf32>
    %get3A_17 = arith.constant 0 : index
    %get3A_18 = arith.constant 0 : index
    %get3A_19 = vector.load %arg5[%get3A_17, %get3A_18] : memref<64x32xf32, #tpu.memory_space<vmem>>, vector<64x32xf32>
    %dot_general3A_20 = arith.constant dense<0.000000e+00> : vector<2000x32xf32>
    %dot_general3A_21 = tpu.matmul %max3A_11, %get3A_19, %dot_general3A_20 {dimension_numbers = #tpu.dot_dimension_numbers<[1], [0], [0], [1], [0, 0, 1, 1], [], []>, transpose_lhs_hint = false} : vector<2000x64xf32>, vector<64x32xf32>, vector<2000x32xf32> -> vector<2000x32xf32>
    %add3A_22 = arith.addf %dot_general3A_16, %dot_general3A_21 : vector<2000x32xf32>
    %get3A_23 = arith.constant 0 : index
    %get3A_24 = arith.constant 0 : index
    %get3A_25 = vector.load %arg6[%get3A_23, %get3A_24] : memref<1x32xf32, #tpu.memory_space<vmem>>, vector<1x32xf32>
    %add3A_26 = vector.broadcast %get3A_25 : vector<1x32xf32> to vector<2000x32xf32>
    %add3A_27 = arith.addf %add3A_22, %add3A_26 : vector<2000x32xf32>
    %swap3A = arith.constant 0 : index
    %swap3A_28 = arith.constant 0 : index
    %swap3A_29 = vector.load %arg7[%swap3A, %swap3A_28] : memref<2000x32xf32, #tpu.memory_space<vmem>>, vector<2000x32xf32>
    tpu.vector_store %arg7[%swap3A, %swap3A_28], %add3A_27 {strides = array<i32>} : memref<2000x32xf32, #tpu.memory_space<vmem>>, vector<2000x32xf32>,
    return
  }
  func.func @transform_0(%arg0: i32) -> (i32, i32) {
    %c0_i32 = arith.constant 0 : i32
    %c0_i32_0 = arith.constant 0 : i32
    return %arg0, %c0_i32 : i32, i32
  }
  func.func @transform_1(%arg0: i32) -> (i32, i32) {
    %c0_i32 = arith.constant 0 : i32
    %c0_i32_0 = arith.constant 0 : i32
    %c0_i32_1 = arith.constant 0 : i32
    return %c0_i32, %c0_i32_0 : i32, i32
  }
  func.func @transform_2(%arg0: i32) -> (i32, i32) {
    %c0_i32 = arith.constant 0 : i32
    %c0_i32_0 = arith.constant 0 : i32
    %c0_i32_1 = arith.constant 0 : i32
    return %c0_i32, %c0_i32_0 : i32, i32
  }
  func.func @transform_3(%arg0: i32) -> (i32, i32) {
    %c0_i32 = arith.constant 0 : i32
    %c0_i32_0 = arith.constant 0 : i32
    %c0_i32_1 = arith.constant 0 : i32
    return %c0_i32, %c0_i32_0 : i32, i32
  }
  func.func @transform_4(%arg0: i32) -> (i32, i32) {
    %c0_i32 = arith.constant 0 : i32
    %c0_i32_0 = arith.constant 0 : i32
    %c0_i32_1 = arith.constant 0 : i32
    return %c0_i32, %c0_i32_0 : i32, i32
  }
  func.func @transform_5(%arg0: i32) -> (i32, i32) {
    %c0_i32 = arith.constant 0 : i32
    %c0_i32_0 = arith.constant 0 : i32
    %c0_i32_1 = arith.constant 0 : i32
    return %c0_i32, %c0_i32_0 : i32, i32
  }
  func.func @transform_6(%arg0: i32) -> (i32, i32) {
    %c0_i32 = arith.constant 0 : i32
    %c0_i32_0 = arith.constant 0 : i32
    return %arg0, %c0_i32 : i32, i32
  }
}

module attributes {stable_mosaic.version = 14 : i64} {
  func.func @_k3_body(%arg0: i32, %arg1: memref<2x2000x32xf32, #tpu.memory_space<vmem>>, %arg2: memref<2000x32xf32, #tpu.memory_space<vmem>>, %arg3: memref<2000x1xf32, #tpu.memory_space<vmem>>, %arg4: memref<1x32xf32, #tpu.memory_space<vmem>>, %arg5: memref<2000x128xf32, #tpu.memory_space<vmem>>, %arg6: memref<128x32xf32, #tpu.memory_space<vmem>>, %arg7: memref<32x32xf32, #tpu.memory_space<vmem>>, %arg8: memref<1x32xf32, #tpu.memory_space<vmem>>, %arg9: memref<2000x32xf32, #tpu.memory_space<vmem>>, %arg10: memref<2000x64xf32, #tpu.memory_space<vmem>>) attributes {dimension_semantics = [#tpu.dimension_semantics<arbitrary>], iteration_bounds = array<i64: 5>, scalar_prefetch = 0 : i64, scratch_operands = 0 : i64, tpu.core_type = #tpu.core_type<tc>, window_params = [{transform_indices = @transform_0, window_bounds = array<i64: 2, 2000, 32>}, {transform_indices = @transform_1, window_bounds = array<i64: 2000, 32>}, {transform_indices = @transform_2, window_bounds = array<i64: 2000, 1>}, {pipeline_mode = #tpu.pipeline_mode<synchronous>, transform_indices = @transform_3, window_bounds = array<i64: 1, 32>}, {transform_indices = @transform_4, window_bounds = array<i64: 2000, 128>}, {pipeline_mode = #tpu.pipeline_mode<synchronous>, transform_indices = @transform_5, window_bounds = array<i64: 128, 32>}, {pipeline_mode = #tpu.pipeline_mode<synchronous>, transform_indices = @transform_6, window_bounds = array<i64: 32, 32>}, {pipeline_mode = #tpu.pipeline_mode<synchronous>, transform_indices = @transform_7, window_bounds = array<i64: 1, 32>}, {transform_indices = @transform_8, window_bounds = array<i64: 2000, 32>}, {transform_indices = @transform_9, window_bounds = array<i64: 2000, 64>}]} {
    %get3A = arith.constant 0 : index
    %get3A_0 = arith.constant 0 : index
    %get3A_1 = vector.load %arg3[%get3A, %get3A_0] : memref<2000x1xf32, #tpu.memory_space<vmem>>, vector<2000x1xf32>
    %get3A_2 = arith.constant 0 : index
    %get3A_3 = arith.constant 0 : index
    %get3A_4 = arith.constant 0 : index
    %get3A_5 = vector.load %arg1[%get3A_2, %get3A_3, %get3A_4] : memref<2x2000x32xf32, #tpu.memory_space<vmem>>, vector<1x2000x32xf32>
    %get3A_6 = vector.shape_cast %get3A_5 : vector<1x2000x32xf32> to vector<2000x32xf32>
    %get3A_7 = arith.constant 1 : index
    %get3A_8 = arith.constant 0 : index
    %get3A_9 = arith.constant 0 : index
    %get3A_10 = vector.load %arg1[%get3A_7, %get3A_8, %get3A_9] : memref<2x2000x32xf32, #tpu.memory_space<vmem>>, vector<1x2000x32xf32>
    %get3A_11 = vector.shape_cast %get3A_10 : vector<1x2000x32xf32> to vector<2000x32xf32>
    %add3A = arith.addf %get3A_6, %get3A_11 : vector<2000x32xf32>
    %get3A_12 = arith.constant 0 : index
    %get3A_13 = arith.constant 0 : index
    %get3A_14 = vector.load %arg2[%get3A_12, %get3A_13] : memref<2000x32xf32, #tpu.memory_space<vmem>>, vector<2000x32xf32>
    %add3A_15 = arith.addf %add3A, %get3A_14 : vector<2000x32xf32>
    %mul3A = vector.broadcast %get3A_1 : vector<2000x1xf32> to vector<2000x32xf32>
    %mul3A_16 = arith.mulf %mul3A, %add3A_15 : vector<2000x32xf32>
    %get3A_17 = arith.constant 0 : index
    %get3A_18 = arith.constant 0 : index
    %get3A_19 = vector.load %arg4[%get3A_17, %get3A_18] : memref<1x32xf32, #tpu.memory_space<vmem>>, vector<1x32xf32>
    %add3A_20 = vector.broadcast %get3A_19 : vector<1x32xf32> to vector<2000x32xf32>
    %add3A_21 = arith.addf %mul3A_16, %add3A_20 : vector<2000x32xf32>
    %get3A_22 = arith.constant 0 : index
    %get3A_23 = arith.constant 0 : index
    %get3A_24 = vector.load %arg5[%get3A_22, %get3A_23] : memref<2000x128xf32, #tpu.memory_space<vmem>>, vector<2000x128xf32>
    %get3A_25 = arith.constant 0 : index
    %get3A_26 = arith.constant 0 : index
    %get3A_27 = vector.load %arg6[%get3A_25, %get3A_26] : memref<128x32xf32, #tpu.memory_space<vmem>>, vector<128x32xf32>
    %dot_general3A = arith.constant dense<0.000000e+00> : vector<2000x32xf32>
    %dot_general3A_28 = tpu.matmul %get3A_24, %get3A_27, %dot_general3A {dimension_numbers = #tpu.dot_dimension_numbers<[1], [0], [0], [1], [0, 0, 1, 1], [], []>, transpose_lhs_hint = false} : vector<2000x128xf32>, vector<128x32xf32>, vector<2000x32xf32> -> vector<2000x32xf32>
    %get3A_29 = arith.constant 0 : index
    %get3A_30 = arith.constant 0 : index
    %get3A_31 = vector.load %arg7[%get3A_29, %get3A_30] : memref<32x32xf32, #tpu.memory_space<vmem>>, vector<32x32xf32>
    %dot_general3A_32 = arith.constant dense<0.000000e+00> : vector<2000x32xf32>
    %dot_general3A_33 = tpu.matmul %add3A_21, %get3A_31, %dot_general3A_32 {dimension_numbers = #tpu.dot_dimension_numbers<[1], [0], [0], [1], [0, 0, 1, 1], [], []>, transpose_lhs_hint = false} : vector<2000x32xf32>, vector<32x32xf32>, vector<2000x32xf32> -> vector<2000x32xf32>
    %add3A_34 = arith.addf %dot_general3A_28, %dot_general3A_33 : vector<2000x32xf32>
    %get3A_35 = arith.constant 0 : index
    %get3A_36 = arith.constant 0 : index
    %get3A_37 = vector.load %arg8[%get3A_35, %get3A_36] : memref<1x32xf32, #tpu.memory_space<vmem>>, vector<1x32xf32>
    %add3A_38 = vector.broadcast %get3A_37 : vector<1x32xf32> to vector<2000x32xf32>
    %add3A_39 = arith.addf %add3A_34, %add3A_38 : vector<2000x32xf32>
    %get3A_40 = arith.constant 0 : index
    %get3A_41 = arith.constant 0 : index
    %get3A_42 = vector.load %arg9[%get3A_40, %get3A_41] : memref<2000x32xf32, #tpu.memory_space<vmem>>, vector<2000x32xf32>
    %concatenate3A = tpu.concatenate %get3A_42, %add3A_39 in 1 : vector<2000x32xf32>, vector<2000x32xf32> -> vector<2000x64xf32>
    %swap3A = arith.constant 0 : index
    %swap3A_43 = arith.constant 0 : index
    %swap3A_44 = vector.load %arg10[%swap3A, %swap3A_43] : memref<2000x64xf32, #tpu.memory_space<vmem>>, vector<2000x64xf32>
    tpu.vector_store %arg10[%swap3A, %swap3A_43], %concatenate3A {strides = array<i32>} : memref<2000x64xf32, #tpu.memory_space<vmem>>, vector<2000x64xf32>,
    return
  }
  func.func @transform_0(%arg0: i32) -> (i32, i32, i32) {
    %c0_i32 = arith.constant 0 : i32
    %c0_i32_0 = arith.constant 0 : i32
    %c0_i32_1 = arith.constant 0 : i32
    return %c0_i32, %arg0, %c0_i32_0 : i32, i32, i32
  }
  func.func @transform_1(%arg0: i32) -> (i32, i32) {
    %c0_i32 = arith.constant 0 : i32
    %c0_i32_0 = arith.constant 0 : i32
    return %arg0, %c0_i32 : i32, i32
  }
  func.func @transform_2(%arg0: i32) -> (i32, i32) {
    %c0_i32 = arith.constant 0 : i32
    %c0_i32_0 = arith.constant 0 : i32
    return %arg0, %c0_i32 : i32, i32
  }
  func.func @transform_3(%arg0: i32) -> (i32, i32) {
    %c0_i32 = arith.constant 0 : i32
    %c0_i32_0 = arith.constant 0 : i32
    %c0_i32_1 = arith.constant 0 : i32
    return %c0_i32, %c0_i32_0 : i32, i32
  }
  func.func @transform_4(%arg0: i32) -> (i32, i32) {
    %c0_i32 = arith.constant 0 : i32
    %c0_i32_0 = arith.constant 0 : i32
    return %arg0, %c0_i32 : i32, i32
  }
  func.func @transform_5(%arg0: i32) -> (i32, i32) {
    %c0_i32 = arith.constant 0 : i32
    %c0_i32_0 = arith.constant 0 : i32
    %c0_i32_1 = arith.constant 0 : i32
    return %c0_i32, %c0_i32_0 : i32, i32
  }
  func.func @transform_6(%arg0: i32) -> (i32, i32) {
    %c0_i32 = arith.constant 0 : i32
    %c0_i32_0 = arith.constant 0 : i32
    %c0_i32_1 = arith.constant 0 : i32
    return %c0_i32, %c0_i32_0 : i32, i32
  }
  func.func @transform_7(%arg0: i32) -> (i32, i32) {
    %c0_i32 = arith.constant 0 : i32
    %c0_i32_0 = arith.constant 0 : i32
    %c0_i32_1 = arith.constant 0 : i32
    return %c0_i32, %c0_i32_0 : i32, i32
  }
  func.func @transform_8(%arg0: i32) -> (i32, i32) {
    %c0_i32 = arith.constant 0 : i32
    %c0_i32_0 = arith.constant 0 : i32
    return %arg0, %c0_i32 : i32, i32
  }
  func.func @transform_9(%arg0: i32) -> (i32, i32) {
    %c0_i32 = arith.constant 0 : i32
    %c0_i32_0 = arith.constant 0 : i32
    return %arg0, %c0_i32 : i32, i32
  }
}

module attributes {stable_mosaic.version = 14 : i64} {
  func.func @_decode_block(%arg0: i32, %arg1: memref<400x64xf32, #tpu.memory_space<vmem>>, %arg2: memref<64x10000xf32, #tpu.memory_space<vmem>>, %arg3: memref<400x10000xf32, #tpu.memory_space<vmem>>) attributes {dimension_semantics = [#tpu.dimension_semantics<arbitrary>], iteration_bounds = array<i64: 25>, scalar_prefetch = 0 : i64, scratch_operands = 0 : i64, tpu.core_type = #tpu.core_type<tc>, window_params = [{transform_indices = @transform_0, window_bounds = array<i64: 400, 64>}, {pipeline_mode = #tpu.pipeline_mode<synchronous>, transform_indices = @transform_1, window_bounds = array<i64: 64, 10000>}, {transform_indices = @transform_2, window_bounds = array<i64: 400, 10000>}]} {
    %get3A = arith.constant 0 : index
    %get3A_0 = arith.constant 0 : index
    %get3A_1 = vector.load %arg1[%get3A, %get3A_0] : memref<400x64xf32, #tpu.memory_space<vmem>>, vector<400x64xf32>
    %get3A_2 = arith.constant 0 : index
    %get3A_3 = arith.constant 0 : index
    %get3A_4 = vector.load %arg2[%get3A_2, %get3A_3] : memref<64x10000xf32, #tpu.memory_space<vmem>>, vector<64x10000xf32>
    %dot_general3A = arith.constant dense<0.000000e+00> : vector<400x10000xf32>
    %dot_general3A_5 = tpu.matmul %get3A_1, %get3A_4, %dot_general3A {dimension_numbers = #tpu.dot_dimension_numbers<[1], [0], [0], [1], [0, 0, 1, 1], [], []>, transpose_lhs_hint = false} : vector<400x64xf32>, vector<64x10000xf32>, vector<400x10000xf32> -> vector<400x10000xf32>
    %logistic3A = arith.negf %dot_general3A_5 : vector<400x10000xf32>
    %logistic3A_6 = math.exp %logistic3A : vector<400x10000xf32>
    %logistic3A_7 = arith.constant 1.000000e+00 : f32
    %logistic3A_8 = vector.broadcast %logistic3A_7 : f32 to vector<400x10000xf32>
    %logistic3A_9 = arith.addf %logistic3A_8, %logistic3A_6 : vector<400x10000xf32>
    %logistic3A_10 = arith.divf %logistic3A_8, %logistic3A_9 : vector<400x10000xf32>
    %swap3A = arith.constant 0 : index
    %swap3A_11 = arith.constant 0 : index
    %swap3A_12 = vector.load %arg3[%swap3A, %swap3A_11] : memref<400x10000xf32, #tpu.memory_space<vmem>>, vector<400x10000xf32>
    tpu.vector_store %arg3[%swap3A, %swap3A_11], %logistic3A_10 {strides = array<i32>} : memref<400x10000xf32, #tpu.memory_space<vmem>>, vector<400x10000xf32>,
    return
  }
  func.func @transform_0(%arg0: i32) -> (i32, i32) {
    %c0_i32 = arith.constant 0 : i32
    %c0_i32_0 = arith.constant 0 : i32
    return %arg0, %c0_i32 : i32, i32
  }
  func.func @transform_1(%arg0: i32) -> (i32, i32) {
    %c0_i32 = arith.constant 0 : i32
    %c0_i32_0 = arith.constant 0 : i32
    %c0_i32_1 = arith.constant 0 : i32
    return %c0_i32, %c0_i32_0 : i32, i32
  }
  func.func @transform_2(%arg0: i32) -> (i32, i32) {
    %c0_i32 = arith.constant 0 : i32
    %c0_i32_0 = arith.constant 0 : i32
    return %arg0, %c0_i32 : i32, i32
  }
}

</mosaic_0001>

<sc_bundles>
// kernel: kernel.10.cloned.1.call-start
scs
__scs_entry_jumppad:
0x0: {  	(pc) =	sbr.rel $0x88, $3  }
0x1: {  	(tag) =	ssettag $0x0;
	lr =	simm.s32 $0x1  }
0x2: {  	[smem:$0x3F94] =	sst lr;
	_ =	strace $0xD0000000  }
0x3: {  	_ = 	snop  }
0x4: {  	_ = 	snop  }
0x5: {  	_ = 	snop  }
0x6: {  	_ = 	snop  }
0x7: {  	_ = 	snop  }
__scs_overlays_trampoline_lowered:
0x8: {  	[smem:$0x3FA3] =	sst s0  }
0x9: {  	[smem:$0x3FA4] =	sst s1  }
0xa: {  	[smem:$0x3FA5] =	sst s2  }
0xb: {  	[smem:$0x3FA6] =	sst s3  }
0xc: {  	[smem:$0x3FA7] =	sst s4  }
0xd: {  	[smem:$0x3FA8] =	sst s5  }
0xe: {  	[smem:$0x3FA9] =	sst s6  }
0xf: {  	[smem:$0x3FAA] =	sst s7  }
0x10: {  	[smem:$0x3FAB] =	sst s8  }
0x11: {  	[smem:$0x3FAC] =	sst s9;
	s0 =	simm.s32 @!p0 $0x0  }
0x12: {  	s1 =	sld [smem:$0x3F92];
	s0 =	simm.s32 @p0 $0x1  }
0x13: {  	[smem:$0x3FAD] =	sst s0;
	s0 =	simm.s32 @!p1 $0x0  }
0x14: {  	s2 =	sld [smem:$0x3F91];
	s0 =	simm.s32 @p1 $0x1  }
0x15: {  	[smem:$0x3FAE] =	sst s0;
	s0 =	simm.s32 @!p2 $0x0  }
0x16: {  	s3 =	sld [smem:$0x3FDB];
	s0 =	simm.s32 @p2 $0x1  }
0x17: {  	s4 =	simm.s32 $0x1BF5;
	[smem:$0x3FB0] =	sst s0  }
0x18: {  	s0 =	sld [smem:$0x3F93];
	_ =	swait.ge [sflag:s4], $0x0  }
0x19: {  	s7 =	sld [smem:$0x3F94]  }
0x1a: {  	s8 =	sadd.s32 $0xFFFFE003, lr  }
0x1b: {  	s9 =	sadd.s32 $0xFFFFFEF7, lr;
	s5 =	simm.s32 $0xFFFFFFFF;
	p2 =	slt.u32 s8, $0xFFFFF086  }
0x1c: {  	p1 =	slt.u32 s9, $0xF7A;
	s5 =	simm.s32 @!p2 $0x0  }
0x1d: {  	s5 =	simm.s32 @p1 $0x1;
	p0 =	seq.s32 s7, s2  }
0x1e: {  	s7 =	smul.u32 @!p0 $0xF7A, s2;
	p2 =	seq.s32 @!p0 s5, $0x0  }
0x1f: {  	s9 =	smul.u32 $0xF7A, s1;
	s8 =	simm.s32 @!p0 $0x1BF5;
	p2 =	por !p2, p0  }
0x20: {  	[sflag:s8] =	ssyncset.s32 @!p0 $0xFFFFF086;
	s6 =	sadd.s32 @!p0 s3, s7;
	s7 =	simm.s32 @!p0 $0x108  }
0x21: {  	s3 =	sadd.s32 s3, s9;
	s6 =	sadd.s32 @!p0 $0x88, s6;
	s7 =	simm.s32 @p2 $0x1082  }
0x22: {  	[simem:s7], [sflag:s8] =	dma.local @!p0 [hbm:s6], $0xF7A  }
0x23: {  	s9 =	sor.u32 $0xD0000000, s2;
	s6 =	simm.s32 $0x108;
	_ =	swait.ge @!p0 [sflag:s8], $0x0  }
0x24: {  	s3 =	sadd.s32 $0x88, s3;
	s6 =	simm.s32 @!p1 $0x1082;
	[sflag:s4] =	ssyncset.s32 $0xFFFFF086  }
0x25: {  	[simem:s6], [sflag:s4] =	dma.local [hbm:s3], $0xF7A  }
0x26: {  	[smem:$0x3F94] =	sst s1;
	(tag) =	ssettag s2;
	_ =	strace s9  }
0x27: {  	s1 =	sld [smem:$0x3FA4]  }
0x28: {  	s2 =	sld [smem:$0x3FA5]  }
0x29: {  	s4 =	sld [smem:$0x3FA7]  }
0x2a: {  	p0 =	seq.s32 s5, $0x0;
	s5 =	sld [smem:$0x3FA8]  }
0x2b: {  	s6 =	sld [smem:$0x3FA9]  }
0x2c: {  	s7 =	sld [smem:$0x3FAA]  }
0x2d: {  	s3 =	simm.s32 $0x108;
	s8 =	sld [smem:$0x3FAB]  }
0x2e: {  	s3 =	simm.s32 @!p0 $0x1082;
	s9 =	sld [smem:$0x3FAC]  }
0x2f: {  	lr =	sadd.s32 s0, s3;
	s0 =	sld [smem:$0x3FA3]  }
0x30: {  	s3 =	sld [smem:$0x3FA6]  }
0x31: {  	[smem:$0x3FAF] =	sst s10  }
0x32: {  	s10 =	sld [smem:$0x3FAD];
	_ =	sdelay $0x3  }
0x33: {  	p0 =	seq.s32 s10, $0x1;
	s10 =	sld [smem:$0x3FAF];
	_ =	sdelay $0x3  }
0x34: {  	[smem:$0x3FAF] =	sst s10  }
0x35: {  	s10 =	sld [smem:$0x3FAE];
	_ =	sdelay $0x3  }
0x36: {  	p1 =	seq.s32 s10, $0x1;
	s10 =	sld [smem:$0x3FAF];
	_ =	sdelay $0x3  }
0x37: {  	[smem:$0x3FAF] =	sst s10  }
0x38: {  	s10 =	sld [smem:$0x3FB0]  }
0x39: {  	_ = 	snop;
	(pc) =	sbr.ind lr, $3  }
0x3a: {  	_ = 	snop  }
0x3b: {  	_ = 	snop  }
0x3c: {  	p2 =	seq.s32 s10, $0x1;
	s10 =	sld [smem:$0x3FAF]  }
0x3d: {  	_ =	shalt  }
0x3e: {  	_ =	shalt  }
0x3f: {  	_ =	shalt  }
0x40: {  	_ =	shalt  }
0x41: {  	_ =	shalt  }
0x42: {  	_ =	shalt  }
0x43: {  	_ =	shalt  }
0x44: {  	_ =	shalt  }
0x45: {  	_ =	shalt  }
0x46: {  	_ =	shalt  }
0x47: {  	_ =	shalt  }
0x48: {  	_ =	shalt  }
0x49: {  	_ =	shalt  }
0x4a: {  	_ =	shalt  }
0x4b: {  	_ =	shalt  }
0x4c: {  	_ =	shalt  }
0x4d: {  	_ =	shalt  }
0x4e: {  	_ =	shalt  }
0x4f: {  	_ =	shalt  }
0x50: {  	_ =	shalt  }
0x51: {  	_ =	shalt  }
0x52: {  	_ =	shalt  }
0x53: {  	_ =	shalt  }
0x54: {  	_ =	shalt  }
0x55: {  	_ =	shalt  }
0x56: {  	_ =	shalt  }
0x57: {  	_ =	shalt  }
0x58: {  	_ =	shalt  }
0x59: {  	_ =	shalt  }
0x5a: {  	_ =	shalt  }
0x5b: {  	_ =	shalt  }
0x5c: {  	_ =	shalt  }
0x5d: {  	_ =	shalt  }
0x5e: {  	_ =	shalt  }
0x5f: {  	_ =	shalt  }
0x60: {  	_ =	shalt  }
0x61: {  	_ =	shalt  }
0x62: {  	_ =	shalt  }
0x63: {  	_ =	shalt  }
0x64: {  	_ =	shalt  }
0x65: {  	_ =	shalt  }
0x66: {  	_ =	shalt  }
0x67: {  	_ =	shalt  }
0x68: {  	_ =	shalt  }
0x69: {  	_ =	shalt  }
0x6a: {  	_ =	shalt  }
0x6b: {  	_ =	shalt  }
0x6c: {  	_ =	shalt  }
0x6d: {  	_ =	shalt  }
0x6e: {  	_ =	shalt  }
0x6f: {  	_ =	shalt  }
0x70: {  	_ =	shalt  }
0x71: {  	_ =	shalt  }
0x72: {  	_ =	shalt  }
0x73: {  	_ =	shalt  }
0x74: {  	_ =	shalt  }
0x75: {  	_ =	shalt  }
0x76: {  	_ =	shalt  }
0x77: {  	_ =	shalt  }
0x78: {  	_ =	shalt  }
0x79: {  	_ =	shalt  }
0x7a: {  	_ =	shalt  }
0x7b: {  	_ =	shalt  }
0x7c: {  	_ =	shalt  }
0x7d: {  	_ =	shalt  }
0x7e: {  	_ =	shalt  }
0x7f: {  	_ =	shalt  }
0x80: {  	_ =	shalt  }
0x81: {  	_ =	shalt  }
0x82: {  	_ =	shalt  }
0x83: {  	_ =	shalt  }
0x84: {  	_ =	shalt  }
0x85: {  	_ =	shalt  }
0x86: {  	_ =	shalt  }
0x87: {  	_ =	shalt  }
.Lfunc_end0:
.L_simem_size_0:
called_computation_lowered:
.L_overlay_start_0:
0x88: {  	s2 =	sld [smem:$0x3FD9]  }
0x89: {  	s3 =	sld [smem:$0x3FFE];
	_ =	sdelay $0x1  }
0x8a: {  	s1 =	srdreg.scid  }
0x8b: {  	s0 =	sand.u32 $0x1, s1  }
0x8c: {  	s17 =	sshll.u32 s0, $0xA;
	s2 =	sadd.s32 s3, s2  }
0x8d: {  	s2 =	sadd.s32 s2, s17  }
0x8e: {  	[smem:$0x3FBB] =	sst s2  }
0x8f: {  	_ = 	snop  }
0x90: {  	s2 =	sld [smem:$0x3FD0];
	(tm) =	ssettm $0x1  }
0x91: {  	s18 =	sld [smem:$0x3FFB];
	_ =	sdelay $0x3  }
0x92: {  	_ =	strace s18  }
0x93: {  	s3 =	sld [smem:$0x3FFC];
	_ =	sdelay $0x3  }
0x94: {  	_ =	strace s3  }
0x95: {  	s3 =	sld [smem:$0x3FFD];
	_ =	sdelay $0x3  }
0x96: {  	_ =	strace s3  }
0x97: {  	_ =	strace $0x8FFFFFFF  }
0x98: {  	s19 =	sld [smem:$0x3FDB];
	_ =	sdelay $0x1  }
0x99: {  	s4 =	simm.s32 $_scs_section_size  }
0x9a: {  	s5 =	simm.s32 $_size__tile_overlayer_lowered;
	s6 =	simm.s32 $_tile_overlayer_lowered  }
0x9b: {  	s22 =	simm.s32 $0x1BFF;
	s21 =	sshll.u32 s6, $0x1;
	s3 =	sadd.s32 s4, s19  }
0x9c: {  	s7 =	simm.s32 $0x0;
	s20 =	sshll.u32 s5, $0x1;
	s5 =	sadd.s32 s21, s3  }
0x9d: {  	[timem:s7], [sflag:s22] =	dma.local [hbm:s5], s20  }
0x9e: {  	_ =	swait.ge [sflag:s22], s20  }
0x9f: {  	s4 =	ssub.s32 $0x0, s20;
	[sflag:s22] =	ssyncset.done $0x0  }
0xa0: {  	[sflag:s22] =	ssyncadd.s32 s4;
	_ =	sdelay $0x1  }
0xa1: {  	s23 =	simm.s32 $0x1B8B  }
0xa2: {  	_ =	swait.ge [sflag:s23], $0x1  }
0xa3: {  	[sflag:s23] =	ssyncset.done $0x0  }
0xa4: {  	s25 =	simm.s32 $0x1B8E;
	s24 =	sld [smem:$0x3FFE];
	[sflag:s23] =	ssyncadd.s32 $0xFFFFFFFF  }
0xa5: {  	s26 =	simm.s32 $execute0_lowered;
	[smem:$0x3FD2] =	sst s25  }
0xa6: {  	s5 =	sshll.u32 s26, $0x1;
	_ =	strace $0x80000046;
	[dreg:$0x1] =	wrdreg $0xFFFFFFFF  }
0xa7: {  	s28 =	simm.s32 $_size_execute0_lowered;
	s3 =	sadd.s32 s3, s5;
	[dreg:$0x0] =	wrdreg $0x0  }
0xa8: {  	s5 =	sshll.u32 s28, $0x1;
	[dreg:$0x2] =	wrdreg s3  }
0xa9: {  	[dreg:$0x3] =	wrdreg s5  }
0xaa: {  	[dreg:$0x4] =	wrdreg $0xC0  }
0xab: {  	_ =	task [dreg:s7], $0x5FFFF  }
0xac: {  	[dreg:$0x1] =	wrdreg $0xFFFFFFFF  }
0xad: {  	[dreg:$0x0] =	wrdreg $0x60  }
0xae: {  	[dreg:$0x2] =	wrdreg s24  }
0xaf: {  	[dreg:$0x3] =	wrdreg s2  }
0xb0: {  	[dreg:$0x4] =	wrdreg $0x28800  }
0xb1: {  	[dreg:$0x5] =	wrdreg $0x9  }
0xb2: {  	_ =	task.clear_ibuf [dreg:s7], $0x6FFFF;
	_ =	strace $0x90000046  }
0xb3: {  	s29 =	simm.s32 $0x9;
	_ =	strace $0x80000048  }
0xb4: {  	_ =	swait.ge [sflag:s29], $0x1  }
0xb5: {  	[sflag:s29] =	ssyncadd.s32 $0xFFFFFFFF  }
0xb6: {  	_ =	strace $0x90000048  }
0xb7: {  	_ =	sfence  }
0xb8: {  	s30 =	sld [smem:$0x0];
	_ =	sdelay $0x2  }
0xb9: {  	s31 =	sshll.u32 s1, $0xD;
	s1 =	sshrl.u32 s1, $0x2  }
0xba: {  	s3 =	sand.u32 $0x4000, s31;
	s1 =	sadd.s32 s1, s30  }
0xbb: {  	s0 =	sor.u32 s3, s0;
	s1 =	sshll.u32 s1, $0x11  }
0xbc: {  	s0 =	sor.u32 s1, s0  }
0xbd: {  	s0 =	sadd.s32 $0x8F2B, s0  }
0xbe: {  	[sflag:s0] =	ssyncadd.remote.s32 $0x1  }
0xbf: {  	_ =	sfence.sel $0xFFFF  }
0xc0: {  	[dreg:$0x0] =	wrdreg $0xFFFFFFFF;
	(pc) =	sbr.abs _section_cstart, $3  }
0xc1: {  	[dreg:$0x1] =	wrdreg $0xFFFFFFFF  }
0xc2: {  	_ =	task.clear_ibuf [dreg:s7], $0x2FFFF;
	_ =	strace $0x9FFFFFFF  }
0xc3: {  	(tm) =	ssettm $0x7FFFFFFF  }
tec
execute0_lowered:
.L_overlay_start_1:
0x0: {  	(tag) =	ssettag $0x1  }
0x1: {  	s4 =	rddreg [dreg:$0x0]  }
0x2: {  	s0 =	srdreg.scid;
	s11 =	rddreg [dreg:$0x1]  }
0x3: {  	s2 =	rddreg [dreg:$0x2];
	s1 =	stileid.u32;
	s3 =	simm.s32 $0x0  }
0x4: {  	s18 =	simm.s32 $0x2800;
	s19 =	simm.s32 $0x80;
	s20 =	simm.s32 $0x2780  }
0x5: {  	s21 =	simm.s32 $0x1;
	s5 =	sand.u32 $0x1, s0;
	s0 =	rddreg [dreg:$0x3]  }
0x6: {  	s22 =	simm.s32 $0x0;
	[smem:$0x7FF] =	sst s3;
	s6 =	sshll.u32 s5, $0x4  }
0x7: {  	s7 =	sadd.s32 $0x3E00, s4;
	s9 =	smul.u32 $0x280, s1;
	s17 =	sor.u32 s1, s6  }
0x8: {  	s10 =	sshll.u32 s1, $0x4;
	_ =	strace $0x80000047;
	s6 =	smul.u32 $0x2700, s17  }
0x9: {  	s30 =	ssub.s32 $0x2, s5;
	s12 =	smul.u32 $0x2800, s5;
	s31 =	sadd.s32 s10, s7  }
0xa: {  	s8 =	sshrl.u32 s30, $0x1;
	s5 =	sadd.s32 $0x13840, s31;
	s6 =	sshrl.u32 s6, $0x3  }
0xb: {  	s16 =	ssub.s32 s30, s8;
	p0 =	sgt.u32 s17, $0x3;
	s6 =	sadd.s32 s7, s6  }
0xc: {  	s4 =	sadd.s32 $0x9C40, s6;
	s6 =	sadd.s32 s9, s2;
	s9 =	sadd.s32 s9, s12  }
0xd: {  	s17 =	simm.s32 $0x2;
	s16 =	smax.u32 s16, $0x1;
	s12 =	sshrl.u32 s9, $0x3  }
0xe: {  	s7 =	sadd.s32 $0x80, s6;
	s8 =	sadd.s32 $0x100, s6;
	s11 =	sadd.s32 s11, s12  }
0xf: {  	s9 =	sadd.s32 $0x180, s6;
	s10 =	sadd.s32 $0x200, s6;
	s12 =	sadd.s32 $0x10, s11  }
0x10: {  	v0 =	vimm.f32 $1.000000000e+00;
	v1 =	vimm.f32 $0.0e+00;
	s13 =	sadd.s32 $0x20, s11;
	s14 =	sadd.s32 $0x30, s11;
	s15 =	sadd.s32 $0x40, s11  }
.LBB2_1:
0x11: {  	[tilespmem:s3], [sflag:$0x2] =	stream.linear.gather [hbm4b:s4+s3], $0x2700, $0x38;
	[tilespmem:$0x2B00] =	vst v63  }
0x12: {  	_ =	swait.ge [sflag:s17], $0x2700  }
0x13: {  	[sflag:s17] =	ssyncset.done $0x0  }
0x14: {  	s23 =	simm.s32 @!p0 $0x0;
	s24 =	simm.s32 @!p0 $0x2700;
	[sflag:s17] =	ssyncadd.s32 $0xFFFFD900  }
0x15: {  	[tilespmem:s24], [sflag:$0x2] =	stream.linear.gather @!p0 [hbm4b:s5+s23], $0x80, $0x38;
	[tilespmem:$0x2B00] =	vst v63  }
0x16: {  	s23 =	simm.s32 @!p0 $0x2  }
0x17: {  	_ =	swait.ge @!p0 [sflag:s23], $0x80  }
0x18: {  	[sflag:s23] =	ssyncset.done @!p0 $0x0  }
0x19: {  	[sflag:s23] =	ssyncadd.s32 @!p0 $0xFFFFFF80  }
0x1a: {  	[tilespmem:$0x2780] =	vst v0  }
0x1b: {  	[tilespmem:$0x2800] =	vst v1  }
0x1c: {  	[tilespmem:$0x2790] =	vst v0  }
0x1d: {  	[tilespmem:$0x2810] =	vst v1  }
0x1e: {  	[tilespmem:$0x27A0] =	vst v0  }
0x1f: {  	[tilespmem:$0x2820] =	vst v1  }
0x20: {  	[tilespmem:$0x27B0] =	vst v0  }
0x21: {  	[tilespmem:$0x2830] =	vst v1  }
0x22: {  	[tilespmem:$0x27C0] =	vst v0  }
0x23: {  	[tilespmem:$0x2840] =	vst v1  }
0x24: {  	[tilespmem:$0x27D0] =	vst v0  }
0x25: {  	[tilespmem:$0x2850] =	vst v1  }
0x26: {  	[tilespmem:$0x27E0] =	vst v0  }
0x27: {  	[tilespmem:$0x2860] =	vst v1  }
0x28: {  	[tilespmem:$0x27F0] =	vst v0  }
0x29: {  	[tilespmem:$0x2870] =	vst v1  }
0x2a: {  	[spmem:s6] =	stream.linear.scatter [tilespmem:s18], [sflag:$0x2], $0x80, $0x38;
	[tilespmem:$0x2B00] =	vst v63  }
0x2b: {  	_ =	swait.ge [sflag:s17], $0x80  }
0x2c: {  	[sflag:s17] =	ssyncset.done $0x0  }
0x2d: {  	[sflag:s17] =	ssyncadd.s32 $0xFFFFFF80  }
0x2e: {  	[spmem:s7] =	stream.linear.scatter [tilespmem:s18], [sflag:$0x2], $0x80, $0x38;
	[tilespmem:$0x2B00] =	vst v63  }
0x2f: {  	_ =	swait.ge [sflag:s17], $0x80  }
0x30: {  	[sflag:s17] =	ssyncset.done $0x0  }
0x31: {  	[sflag:s17] =	ssyncadd.s32 $0xFFFFFF80  }
0x32: {  	[spmem:s8] =	stream.linear.scatter [tilespmem:s18], [sflag:$0x2], $0x80, $0x38;
	[tilespmem:$0x2B00] =	vst v63  }
0x33: {  	_ =	swait.ge [sflag:s17], $0x80  }
0x34: {  	[sflag:s17] =	ssyncset.done $0x0  }
0x35: {  	[sflag:s17] =	ssyncadd.s32 $0xFFFFFF80  }
0x36: {  	[spmem:s9] =	stream.linear.scatter [tilespmem:s18], [sflag:$0x2], $0x80, $0x38;
	[tilespmem:$0x2B00] =	vst v63  }
0x37: {  	_ =	swait.ge [sflag:s17], $0x80  }
0x38: {  	[sflag:s17] =	ssyncset.done $0x0  }
0x39: {  	[sflag:s17] =	ssyncadd.s32 $0xFFFFFF80  }
0x3a: {  	[spmem:s10] =	stream.linear.scatter [tilespmem:s18], [sflag:$0x2], $0x80, $0x38;
	[tilespmem:$0x2B00] =	vst v63  }
0x3b: {  	_ =	swait.ge [sflag:s17], $0x80  }
0x3c: {  	[sflag:s17] =	ssyncset.done $0x0  }
0x3d: {  	[sflag:s17] =	ssyncadd.s32 $0xFFFFFF80  }
0x3e: {  	s25 =	simm.s32 $0x0;
	[bflag:$0x0] =	sbarrier.arrive $0xFFFF  }
0x3f: {  	[spmem:s2] =	stream.indirect.scatter.add.f32 [tilespmem:s20], [sflag:$0x1], $0x1, s25, s19, $0xb8;
	[tilespmem:$0x2B00] =	vst v63  }
0x40: {  	s26 =	simm.s32 $0x80  }
0x41: {  	[spmem:s2] =	stream.indirect.scatter.add.f32 [tilespmem:s20], [sflag:$0x1], $0x1, s26, s19, $0xb8;
	[tilespmem:$0x2B00] =	vst v63  }
0x42: {  	s28 =	simm.s32 $0x100  }
0x43: {  	[spmem:s2] =	stream.indirect.scatter.add.f32 [tilespmem:s20], [sflag:$0x1], $0x1, s28, s19, $0xb8;
	[tilespmem:$0x2B00] =	vst v63  }
0x44: {  	s29 =	simm.s32 $0x180  }
0x45: {  	[spmem:s2] =	stream.indirect.scatter.add.f32 [tilespmem:s20], [sflag:$0x1], $0x1, s29, s19, $0xb8;
	[tilespmem:$0x2B00] =	vst v63  }
0x46: {  	s30 =	simm.s32 $0x200  }
0x47: {  	[spmem:s2] =	stream.indirect.scatter.add.f32 [tilespmem:s20], [sflag:$0x1], $0x1, s30, s19, $0xb8;
	[tilespmem:$0x2B00] =	vst v63  }
0x48: {  	s31 =	simm.s32 $0x280  }
0x49: {  	[spmem:s2] =	stream.indirect.scatter.add.f32 [tilespmem:s20], [sflag:$0x1], $0x1, s31, s19, $0xb8;
	[tilespmem:$0x2B00] =	vst v63  }
0x4a: {  	_ =	swait.ge [sflag:s21], $0x80  }
0x4b: {  	[sflag:s21] =	ssyncset.done $0x0  }
0x4c: {  	[sflag:s21] =	ssyncadd.s32 $0xFFFFFF80  }
0x4d: {  	_ =	swait.ge [sflag:s21], $0x80  }
0x4e: {  	[sflag:s21] =	ssyncset.done $0x0  }
0x4f: {  	[sflag:s21] =	ssyncadd.s32 $0xFFFFFF80  }
0x50: {  	_ =	swait.ge [sflag:s21], $0x80  }
0x51: {  	[sflag:s21] =	ssyncset.done $0x0  }
0x52: {  	[sflag:s21] =	ssyncadd.s32 $0xFFFFFF80  }
0x53: {  	_ =	swait.ge [sflag:s21], $0x80  }
0x54: {  	[sflag:s21] =	ssyncset.done $0x0  }
0x55: {  	[sflag:s21] =	ssyncadd.s32 $0xFFFFFF80  }
0x56: {  	_ =	swait.ge [sflag:s21], $0x80  }
0x57: {  	[sflag:s21] =	ssyncset.done $0x0  }
0x58: {  	[sflag:s21] =	ssyncadd.s32 $0xFFFFFF80  }
0x59: {  	_ =	swait.ge [sflag:s21], $0x80  }
0x5a: {  	s24 =	simm.s32 $0x1800;
	s23 =	simm.s32 $0xC00;
	[sflag:s21] =	ssyncset.done $0x0  }
.LBB2_2:
0x5b: {  	s25 =	sshra.s32 s23, $0x2  }
0x5c: {  	[sflag:s21] =	ssyncadd.s32 $0xFFFFFF80;
	s23 =	smov.u32 s24;
	s26 =	sadd.s32 $0xC00, s24  }
0x5d: {  	[spmem:s2] =	stream.indirect.scatter.add.f32 [tilespmem:s20], [sflag:$0x1], $0x1, s25, s19, $0xb8;
	[tilespmem:$0x2B00] =	vst v63  }
0x5e: {  	p1 =	sne.s32 s24, $0x9000;
	s24 =	sadd.s32 $0x80, s25  }
0x5f: {  	[spmem:s2] =	stream.indirect.scatter.add.f32 [tilespmem:s20], [sflag:$0x1], $0x1, s24, s19, $0xb8;
	[tilespmem:$0x2B00] =	vst v63  }
0x60: {  	s24 =	sadd.s32 $0x100, s25  }
0x61: {  	[spmem:s2] =	stream.indirect.scatter.add.f32 [tilespmem:s20], [sflag:$0x1], $0x1, s24, s19, $0xb8;
	[tilespmem:$0x2B00] =	vst v63  }
0x62: {  	s24 =	sadd.s32 $0x180, s25  }
0x63: {  	[spmem:s2] =	stream.indirect.scatter.add.f32 [tilespmem:s20], [sflag:$0x1], $0x1, s24, s19, $0xb8;
	[tilespmem:$0x2B00] =	vst v63  }
0x64: {  	s24 =	sadd.s32 $0x200, s25  }
0x65: {  	[spmem:s2] =	stream.indirect.scatter.add.f32 [tilespmem:s20], [sflag:$0x1], $0x1, s24, s19, $0xb8;
	[tilespmem:$0x2B00] =	vst v63  }
0x66: {  	s24 =	sadd.s32 $0x280, s25  }
0x67: {  	[spmem:s2] =	stream.indirect.scatter.add.f32 [tilespmem:s20], [sflag:$0x1], $0x1, s24, s19, $0xb8;
	[tilespmem:$0x2B00] =	vst v63  }
0x68: {  	_ =	swait.ge [sflag:s21], $0x80  }
0x69: {  	[sflag:s21] =	ssyncset.done $0x0  }
0x6a: {  	[sflag:s21] =	ssyncadd.s32 $0xFFFFFF80  }
0x6b: {  	_ =	swait.ge [sflag:s21], $0x80  }
0x6c: {  	[sflag:s21] =	ssyncset.done $0x0  }
0x6d: {  	[sflag:s21] =	ssyncadd.s32 $0xFFFFFF80  }
0x6e: {  	_ =	swait.ge [sflag:s21], $0x80  }
0x6f: {  	[sflag:s21] =	ssyncset.done $0x0  }
0x70: {  	[sflag:s21] =	ssyncadd.s32 $0xFFFFFF80  }
0x71: {  	_ =	swait.ge [sflag:s21], $0x80  }
0x72: {  	[sflag:s21] =	ssyncset.done $0x0  }
0x73: {  	[sflag:s21] =	ssyncadd.s32 $0xFFFFFF80  }
.Ltmp0:
0x74: {  	_ =	swait.ge [sflag:s21], $0x80;
	(pc) =	sbr.rel @p1 .LBB2_2-.Ltmp0, $4  }
0x75: {  	[sflag:s21] =	ssyncset.done $0x0  }
0x76: {  	[sflag:s21] =	ssyncadd.s32 $0xFFFFFF80  }
0x77: {  	_ =	swait.ge [sflag:s21], $0x80  }
0x78: {  	s24 =	smov.u32 s26;
	[sflag:s21] =	ssyncset.done $0x0  }
0x79: {  	s23 =	sshra.s32 s23, $0x2;
	[sflag:s21] =	ssyncadd.s32 $0xFFFFFF80  }
0x7a: {  	[spmem:s2] =	stream.indirect.scatter.add.f32 [tilespmem:s20], [sflag:$0x1], $0x1, s23, s19, $0xb8;
	[tilespmem:$0x2B00] =	vst v63  }
0x7b: {  	s24 =	sadd.s32 $0x80, s23  }
0x7c: {  	[spmem:s2] =	stream.indirect.scatter.add.f32 [tilespmem:s20], [sflag:$0x1], $0x1, s24, s19, $0xb8;
	[tilespmem:$0x2B00] =	vst v63  }
0x7d: {  	s29 =	sadd.s32 $0x100, s23  }
0x7e: {  	[spmem:s2] =	stream.indirect.scatter.add.f32 [tilespmem:s20], [sflag:$0x1], $0x1, s29, s19, $0xb8;
	[tilespmem:$0x2B00] =	vst v63  }
0x7f: {  	s30 =	sadd.s32 $0x180, s23  }
0x80: {  	[spmem:s2] =	stream.indirect.scatter.add.f32 [tilespmem:s20], [sflag:$0x1], $0x1, s30, s19, $0xb8;
	[tilespmem:$0x2B00] =	vst v63  }
0x81: {  	s31 =	sadd.s32 $0x200, s23  }
0x82: {  	[spmem:s2] =	stream.indirect.scatter.add.f32 [tilespmem:s20], [sflag:$0x1], $0x1, s31, s19, $0xb8;
	[tilespmem:$0x2B00] =	vst v63  }
0x83: {  	s23 =	sadd.s32 $0x280, s23  }
0x84: {  	[spmem:s2] =	stream.indirect.scatter.add.f32 [tilespmem:s20], [sflag:$0x1], $0x1, s23, s19, $0xb8;
	[tilespmem:$0x2B00] =	vst v63  }
0x85: {  	_ =	swait.ge [sflag:s21], $0x80  }
0x86: {  	[sflag:s21] =	ssyncset.done $0x0  }
0x87: {  	[sflag:s21] =	ssyncadd.s32 $0xFFFFFF80  }
0x88: {  	_ =	swait.ge [sflag:s21], $0x80  }
0x89: {  	[sflag:s21] =	ssyncset.done $0x0  }
0x8a: {  	[sflag:s21] =	ssyncadd.s32 $0xFFFFFF80  }
0x8b: {  	_ =	swait.ge [sflag:s21], $0x80  }
0x8c: {  	[sflag:s21] =	ssyncset.done $0x0  }
0x8d: {  	[sflag:s21] =	ssyncadd.s32 $0xFFFFFF80  }
0x8e: {  	_ =	swait.ge [sflag:s21], $0x80  }
0x8f: {  	[sflag:s21] =	ssyncset.done $0x0  }
0x90: {  	[sflag:s21] =	ssyncadd.s32 $0xFFFFFF80  }
0x91: {  	_ =	swait.ge [sflag:s21], $0x80  }
0x92: {  	[sflag:s21] =	ssyncset.done $0x0  }
0x93: {  	[sflag:s21] =	ssyncadd.s32 $0xFFFFFF80  }
0x94: {  	_ =	swait.ge [sflag:s21], $0x80  }
0x95: {  	s25 =	simm.s32 @!p0 $0x2780;
	[sflag:s21] =	ssyncset.done $0x0  }
0x96: {  	s24 =	simm.s32 @!p0 $0x2700;
	s23 =	simm.s32 @!p0 $0x80;
	[sflag:s21] =	ssyncadd.s32 $0xFFFFFF80  }
0x97: {  	[spmem:s2] =	stream.indirect.scatter.add.f32 @!p0 [tilespmem:s25], [sflag:$0x1], $0x1, s24, s23, $0xb8;
	[tilespmem:$0x2B00] =	vst v63  }
0x98: {  	s23 =	simm.s32 @!p0 $0x1  }
0x99: {  	_ =	swait.ge @!p0 [sflag:s23], $0x80  }
0x9a: {  	[sflag:s23] =	ssyncset.done @!p0 $0x0  }
0x9b: {  	[sflag:s23] =	ssyncadd.s32 @!p0 $0xFFFFFF80  }
0x9c: {  	[bflag:$0x0] =	sbarrier.arrive $0xFFFF  }
0x9d: {  	[tilespmem:s18], [sflag:$0x2] =	stream.linear.gather [spmem:s6], $0x80, $0x38;
	[tilespmem:$0x2B00] =	vst v63  }
0x9e: {  	_ =	swait.ge [sflag:s17], $0x80  }
0x9f: {  	[sflag:s17] =	ssyncset.done $0x0  }
0xa0: {  	[sflag:s17] =	ssyncadd.s32 $0xFFFFFF80  }
0xa1: {  	[hbm4b:s11+s3] =	stream.linear.scatter [tilespmem:s18], [sflag:$0x2], $0x80, $0x38;
	[tilespmem:$0x2B00] =	vst v63  }
0xa2: {  	_ =	swait.ge [sflag:s17], $0x80  }
0xa3: {  	[sflag:s17] =	ssyncset.done $0x0  }
0xa4: {  	[sflag:s17] =	ssyncadd.s32 $0xFFFFFF80  }
0xa5: {  	[tilespmem:s18], [sflag:$0x2] =	stream.linear.gather [spmem:s7], $0x80, $0x38;
	[tilespmem:$0x2B00] =	vst v63  }
0xa6: {  	_ =	swait.ge [sflag:s17], $0x80  }
0xa7: {  	[sflag:s17] =	ssyncset.done $0x0  }
0xa8: {  	[sflag:s17] =	ssyncadd.s32 $0xFFFFFF80  }
0xa9: {  	[hbm4b:s12+s3] =	stream.linear.scatter [tilespmem:s18], [sflag:$0x2], $0x80, $0x38;
	[tilespmem:$0x2B00] =	vst v63  }
0xaa: {  	_ =	swait.ge [sflag:s17], $0x80  }
0xab: {  	[sflag:s17] =	ssyncset.done $0x0  }
0xac: {  	[sflag:s17] =	ssyncadd.s32 $0xFFFFFF80  }
0xad: {  	[tilespmem:s18], [sflag:$0x2] =	stream.linear.gather [spmem:s8], $0x80, $0x38;
	[tilespmem:$0x2B00] =	vst v63  }
0xae: {  	_ =	swait.ge [sflag:s17], $0x80  }
0xaf: {  	[sflag:s17] =	ssyncset.done $0x0  }
0xb0: {  	[sflag:s17] =	ssyncadd.s32 $0xFFFFFF80  }
0xb1: {  	[hbm4b:s13+s3] =	stream.linear.scatter [tilespmem:s18], [sflag:$0x2], $0x80, $0x38;
	[tilespmem:$0x2B00] =	vst v63  }
0xb2: {  	_ =	swait.ge [sflag:s17], $0x80  }
0xb3: {  	[sflag:s17] =	ssyncset.done $0x0  }
0xb4: {  	[sflag:s17] =	ssyncadd.s32 $0xFFFFFF80  }
0xb5: {  	[tilespmem:s18], [sflag:$0x2] =	stream.linear.gather [spmem:s9], $0x80, $0x38;
	[tilespmem:$0x2B00] =	vst v63  }
0xb6: {  	_ =	swait.ge [sflag:s17], $0x80  }
0xb7: {  	[sflag:s17] =	ssyncset.done $0x0  }
0xb8: {  	[sflag:s17] =	ssyncadd.s32 $0xFFFFFF80  }
0xb9: {  	[hbm4b:s14+s3] =	stream.linear.scatter [tilespmem:s18], [sflag:$0x2], $0x80, $0x38;
	[tilespmem:$0x2B00] =	vst v63  }
0xba: {  	_ =	swait.ge [sflag:s17], $0x80  }
0xbb: {  	[sflag:s17] =	ssyncset.done $0x0  }
0xbc: {  	[sflag:s17] =	ssyncadd.s32 $0xFFFFFF80  }
0xbd: {  	[tilespmem:s18], [sflag:$0x2] =	stream.linear.gather [spmem:s10], $0x80, $0x38;
	[tilespmem:$0x2B00] =	vst v63  }
0xbe: {  	s22 =	sadd.s32 $0x1, s22;
	_ =	swait.ge [sflag:s17], $0x80  }
0xbf: {  	p1 =	sne.s32 s22, s16;
	[sflag:s17] =	ssyncset.done $0x0  }
.Ltmp1:
0xc0: {  	[sflag:s17] =	ssyncadd.s32 $0xFFFFFF80;
	(pc) =	sbr.rel @p1 .LBB2_1-.Ltmp1, $4  }
0xc1: {  	[hbm4b:s15+s3] =	stream.linear.scatter [tilespmem:s18], [sflag:$0x2], $0x80, $0x38;
	[tilespmem:$0x2B00] =	vst v63  }
0xc2: {  	_ =	swait.ge [sflag:s17], $0x80  }
0xc3: {  	[sflag:s17] =	ssyncset.done $0x0  }
0xc4: {  	[sflag:s17] =	ssyncadd.s32 $0xFFFFFF80  }
0xc5: {  	_ =	sfence.sel $0x180000  }
0xc6: {  	[bflag:$0x0] =	sbarrier.arrive $0xFFFF  }
0xc7: {  	p0 =	sne.s32 s1, $0x0;
	_ =	strace $0x90000047  }
0xc8: {  	s0 =	sadd.s32 @!p0 $0x100000, s0;
	[bflag:$0x2] =	sbarrier.arrive $0xFFFF  }
0xc9: {  	[sflag:s0] =	ssyncadd.tile.s32 @!p0 $0x1;
	_ =	shalt  }
.Lfunc_end2:
_tile_overlayer_lowered:
.L_overlay_start_2:
0xca: {  	(tag) =	ssettag $0x2  }
0xcb: {  	s0 =	rddreg [dreg:$0x0];
	s2 =	stileid.u32  }
0xcc: {  	s1 =	rddreg [dreg:$0x1];
	p0 =	sne.s32 s2, $0x0  }
0xcd: {  	s3 =	rddreg [dreg:$0x2];
	[bflag:$0x3] =	sbarrier.arrive $0xFFFF;
	s2 =	simm.s32 @!p0 $0x1C02  }
0xce: {  	[timem:s3], [sflag:s2] =	dma.local @!p0 [hbm:s0], s1  }
0xcf: {  	s0 =	simm.s32 @!p0 $0x2  }
0xd0: {  	_ =	swait.ge @!p0 [sflag:s0], s1  }
0xd1: {  	s1 =	ssub.s32 @!p0 $0x0, s1;
	[sflag:s0] =	ssyncset.done @!p0 $0x0  }
0xd2: {  	[sflag:s0] =	ssyncadd.s32 @!p0 s1  }
0xd3: {  	[bflag:$0x3] =	sbarrier.arrive $0xFFFF  }
0xd4: {  	_ =	shalt  }

// kernel: kernel.13.cloned.1.call-start
scs
__scs_entry_jumppad:
0x0: {  	(pc) =	sbr.rel $0x88, $3  }
0x1: {  	(tag) =	ssettag $0x0;
	lr =	simm.s32 $0x1  }
0x2: {  	[smem:$0x3F94] =	sst lr;
	_ =	strace $0xD0000000  }
0x3: {  	_ = 	snop  }
0x4: {  	_ = 	snop  }
0x5: {  	_ = 	snop  }
0x6: {  	_ = 	snop  }
0x7: {  	_ = 	snop  }
__scs_overlays_trampoline_lowered:
0x8: {  	[smem:$0x3FA3] =	sst s0  }
0x9: {  	[smem:$0x3FA4] =	sst s1  }
0xa: {  	[smem:$0x3FA5] =	sst s2  }
0xb: {  	[smem:$0x3FA6] =	sst s3  }
0xc: {  	[smem:$0x3FA7] =	sst s4  }
0xd: {  	[smem:$0x3FA8] =	sst s5  }
0xe: {  	[smem:$0x3FA9] =	sst s6  }
0xf: {  	[smem:$0x3FAA] =	sst s7  }
0x10: {  	[smem:$0x3FAB] =	sst s8  }
0x11: {  	[smem:$0x3FAC] =	sst s9;
	s0 =	simm.s32 @!p0 $0x0  }
0x12: {  	s1 =	sld [smem:$0x3F92];
	s0 =	simm.s32 @p0 $0x1  }
0x13: {  	[smem:$0x3FAD] =	sst s0;
	s0 =	simm.s32 @!p1 $0x0  }
0x14: {  	s2 =	sld [smem:$0x3F91];
	s0 =	simm.s32 @p1 $0x1  }
0x15: {  	[smem:$0x3FAE] =	sst s0;
	s0 =	simm.s32 @!p2 $0x0  }
0x16: {  	s3 =	sld [smem:$0x3FDB];
	s0 =	simm.s32 @p2 $0x1  }
0x17: {  	s4 =	simm.s32 $0x1BF5;
	[smem:$0x3FB0] =	sst s0  }
0x18: {  	s0 =	sld [smem:$0x3F93];
	_ =	swait.ge [sflag:s4], $0x0  }
0x19: {  	s7 =	sld [smem:$0x3F94]  }
0x1a: {  	s8 =	sadd.s32 $0xFFFFE003, lr  }
0x1b: {  	s9 =	sadd.s32 $0xFFFFFEF7, lr;
	s5 =	simm.s32 $0xFFFFFFFF;
	p2 =	slt.u32 s8, $0xFFFFF086  }
0x1c: {  	p1 =	slt.u32 s9, $0xF7A;
	s5 =	simm.s32 @!p2 $0x0  }
0x1d: {  	s5 =	simm.s32 @p1 $0x1;
	p0 =	seq.s32 s7, s2  }
0x1e: {  	s7 =	smul.u32 @!p0 $0xF7A, s2;
	p2 =	seq.s32 @!p0 s5, $0x0  }
0x1f: {  	s9 =	smul.u32 $0xF7A, s1;
	s8 =	simm.s32 @!p0 $0x1BF5;
	p2 =	por !p2, p0  }
0x20: {  	[sflag:s8] =	ssyncset.s32 @!p0 $0xFFFFF086;
	s6 =	sadd.s32 @!p0 s3, s7;
	s7 =	simm.s32 @!p0 $0x108  }
0x21: {  	s3 =	sadd.s32 s3, s9;
	s6 =	sadd.s32 @!p0 $0x88, s6;
	s7 =	simm.s32 @p2 $0x1082  }
0x22: {  	[simem:s7], [sflag:s8] =	dma.local @!p0 [hbm:s6], $0xF7A  }
0x23: {  	s9 =	sor.u32 $0xD0000000, s2;
	s6 =	simm.s32 $0x108;
	_ =	swait.ge @!p0 [sflag:s8], $0x0  }
0x24: {  	s3 =	sadd.s32 $0x88, s3;
	s6 =	simm.s32 @!p1 $0x1082;
	[sflag:s4] =	ssyncset.s32 $0xFFFFF086  }
0x25: {  	[simem:s6], [sflag:s4] =	dma.local [hbm:s3], $0xF7A  }
0x26: {  	[smem:$0x3F94] =	sst s1;
	(tag) =	ssettag s2;
	_ =	strace s9  }
0x27: {  	s1 =	sld [smem:$0x3FA4]  }
0x28: {  	s2 =	sld [smem:$0x3FA5]  }
0x29: {  	s4 =	sld [smem:$0x3FA7]  }
0x2a: {  	p0 =	seq.s32 s5, $0x0;
	s5 =	sld [smem:$0x3FA8]  }
0x2b: {  	s6 =	sld [smem:$0x3FA9]  }
0x2c: {  	s7 =	sld [smem:$0x3FAA]  }
0x2d: {  	s3 =	simm.s32 $0x108;
	s8 =	sld [smem:$0x3FAB]  }
0x2e: {  	s3 =	simm.s32 @!p0 $0x1082;
	s9 =	sld [smem:$0x3FAC]  }
0x2f: {  	lr =	sadd.s32 s0, s3;
	s0 =	sld [smem:$0x3FA3]  }
0x30: {  	s3 =	sld [smem:$0x3FA6]  }
0x31: {  	[smem:$0x3FAF] =	sst s10  }
0x32: {  	s10 =	sld [smem:$0x3FAD];
	_ =	sdelay $0x3  }
0x33: {  	p0 =	seq.s32 s10, $0x1;
	s10 =	sld [smem:$0x3FAF];
	_ =	sdelay $0x3  }
0x34: {  	[smem:$0x3FAF] =	sst s10  }
0x35: {  	s10 =	sld [smem:$0x3FAE];
	_ =	sdelay $0x3  }
0x36: {  	p1 =	seq.s32 s10, $0x1;
	s10 =	sld [smem:$0x3FAF];
	_ =	sdelay $0x3  }
0x37: {  	[smem:$0x3FAF] =	sst s10  }
0x38: {  	s10 =	sld [smem:$0x3FB0]  }
0x39: {  	_ = 	snop;
	(pc) =	sbr.ind lr, $3  }
0x3a: {  	_ = 	snop  }
0x3b: {  	_ = 	snop  }
0x3c: {  	p2 =	seq.s32 s10, $0x1;
	s10 =	sld [smem:$0x3FAF]  }
0x3d: {  	_ =	shalt  }
0x3e: {  	_ =	shalt  }
0x3f: {  	_ =	shalt  }
0x40: {  	_ =	shalt  }
0x41: {  	_ =	shalt  }
0x42: {  	_ =	shalt  }
0x43: {  	_ =	shalt  }
0x44: {  	_ =	shalt  }
0x45: {  	_ =	shalt  }
0x46: {  	_ =	shalt  }
0x47: {  	_ =	shalt  }
0x48: {  	_ =	shalt  }
0x49: {  	_ =	shalt  }
0x4a: {  	_ =	shalt  }
0x4b: {  	_ =	shalt  }
0x4c: {  	_ =	shalt  }
0x4d: {  	_ =	shalt  }
0x4e: {  	_ =	shalt  }
0x4f: {  	_ =	shalt  }
0x50: {  	_ =	shalt  }
0x51: {  	_ =	shalt  }
0x52: {  	_ =	shalt  }
0x53: {  	_ =	shalt  }
0x54: {  	_ =	shalt  }
0x55: {  	_ =	shalt  }
0x56: {  	_ =	shalt  }
0x57: {  	_ =	shalt  }
0x58: {  	_ =	shalt  }
0x59: {  	_ =	shalt  }
0x5a: {  	_ =	shalt  }
0x5b: {  	_ =	shalt  }
0x5c: {  	_ =	shalt  }
0x5d: {  	_ =	shalt  }
0x5e: {  	_ =	shalt  }
0x5f: {  	_ =	shalt  }
0x60: {  	_ =	shalt  }
0x61: {  	_ =	shalt  }
0x62: {  	_ =	shalt  }
0x63: {  	_ =	shalt  }
0x64: {  	_ =	shalt  }
0x65: {  	_ =	shalt  }
0x66: {  	_ =	shalt  }
0x67: {  	_ =	shalt  }
0x68: {  	_ =	shalt  }
0x69: {  	_ =	shalt  }
0x6a: {  	_ =	shalt  }
0x6b: {  	_ =	shalt  }
0x6c: {  	_ =	shalt  }
0x6d: {  	_ =	shalt  }
0x6e: {  	_ =	shalt  }
0x6f: {  	_ =	shalt  }
0x70: {  	_ =	shalt  }
0x71: {  	_ =	shalt  }
0x72: {  	_ =	shalt  }
0x73: {  	_ =	shalt  }
0x74: {  	_ =	shalt  }
0x75: {  	_ =	shalt  }
0x76: {  	_ =	shalt  }
0x77: {  	_ =	shalt  }
0x78: {  	_ =	shalt  }
0x79: {  	_ =	shalt  }
0x7a: {  	_ =	shalt  }
0x7b: {  	_ =	shalt  }
0x7c: {  	_ =	shalt  }
0x7d: {  	_ =	shalt  }
0x7e: {  	_ =	shalt  }
0x7f: {  	_ =	shalt  }
0x80: {  	_ =	shalt  }
0x81: {  	_ =	shalt  }
0x82: {  	_ =	shalt  }
0x83: {  	_ =	shalt  }
0x84: {  	_ =	shalt  }
0x85: {  	_ =	shalt  }
0x86: {  	_ =	shalt  }
0x87: {  	_ =	shalt  }
.Lfunc_end0:
.L_simem_size_0:
called_computation.1_lowered:
.L_overlay_start_0:
0x88: {  	s2 =	sld [smem:$0x3FD9]  }
0x89: {  	s3 =	sld [smem:$0x3FFE];
	_ =	sdelay $0x1  }
0x8a: {  	s1 =	srdreg.scid  }
0x8b: {  	s0 =	sand.u32 $0x1, s1  }
0x8c: {  	s17 =	sshll.u32 s0, $0xA;
	s2 =	sadd.s32 s3, s2  }
0x8d: {  	s2 =	sadd.s32 s2, s17  }
0x8e: {  	[smem:$0x3FBB] =	sst s2  }
0x8f: {  	_ = 	snop  }
0x90: {  	s2 =	sld [smem:$0x3FD0];
	(tm) =	ssettm $0x1  }
0x91: {  	s18 =	sld [smem:$0x3FFB];
	_ =	sdelay $0x3  }
0x92: {  	_ =	strace s18  }
0x93: {  	s3 =	sld [smem:$0x3FFC];
	_ =	sdelay $0x3  }
0x94: {  	_ =	strace s3  }
0x95: {  	s3 =	sld [smem:$0x3FFD];
	_ =	sdelay $0x3  }
0x96: {  	_ =	strace s3  }
0x97: {  	_ =	strace $0x8FFFFFFF  }
0x98: {  	s19 =	sld [smem:$0x3FDB];
	_ =	sdelay $0x1  }
0x99: {  	s4 =	simm.s32 $_scs_section_size  }
0x9a: {  	s5 =	simm.s32 $_size__tile_overlayer_lowered;
	s6 =	simm.s32 $_tile_overlayer_lowered  }
0x9b: {  	s22 =	simm.s32 $0x1BFF;
	s21 =	sshll.u32 s6, $0x1;
	s3 =	sadd.s32 s4, s19  }
0x9c: {  	s7 =	simm.s32 $0x0;
	s20 =	sshll.u32 s5, $0x1;
	s5 =	sadd.s32 s21, s3  }
0x9d: {  	[timem:s7], [sflag:s22] =	dma.local [hbm:s5], s20  }
0x9e: {  	_ =	swait.ge [sflag:s22], s20  }
0x9f: {  	s4 =	ssub.s32 $0x0, s20;
	[sflag:s22] =	ssyncset.done $0x0  }
0xa0: {  	[sflag:s22] =	ssyncadd.s32 s4;
	_ =	sdelay $0x1  }
0xa1: {  	s23 =	simm.s32 $0x1B8B  }
0xa2: {  	_ =	swait.ge [sflag:s23], $0x1  }
0xa3: {  	[sflag:s23] =	ssyncset.done $0x0  }
0xa4: {  	s25 =	simm.s32 $0x1B8E;
	s24 =	sld [smem:$0x3FFE];
	[sflag:s23] =	ssyncadd.s32 $0xFFFFFFFF  }
0xa5: {  	s26 =	simm.s32 $execute0_lowered;
	[smem:$0x3FD2] =	sst s25  }
0xa6: {  	s5 =	sshll.u32 s26, $0x1;
	_ =	strace $0x80000049;
	[dreg:$0x1] =	wrdreg $0xFFFFFFFF  }
0xa7: {  	s28 =	simm.s32 $_size_execute0_lowered;
	s3 =	sadd.s32 s3, s5;
	[dreg:$0x0] =	wrdreg $0x0  }
0xa8: {  	s5 =	sshll.u32 s28, $0x1;
	[dreg:$0x2] =	wrdreg s3  }
0xa9: {  	[dreg:$0x3] =	wrdreg s5  }
0xaa: {  	[dreg:$0x4] =	wrdreg $0xC0  }
0xab: {  	_ =	task [dreg:s7], $0x5FFFF  }
0xac: {  	[dreg:$0x1] =	wrdreg $0xFFFFFFFF  }
0xad: {  	[dreg:$0x0] =	wrdreg $0x60  }
0xae: {  	[dreg:$0x2] =	wrdreg s2  }
0xaf: {  	[dreg:$0x3] =	wrdreg s24  }
0xb0: {  	[dreg:$0x4] =	wrdreg $0x10F000  }
0xb1: {  	[dreg:$0x5] =	wrdreg $0x9  }
0xb2: {  	_ =	task.clear_ibuf [dreg:s7], $0x6FFFF;
	_ =	strace $0x90000049  }
0xb3: {  	s29 =	simm.s32 $0x9;
	_ =	strace $0x8000004B  }
0xb4: {  	_ =	swait.ge [sflag:s29], $0x1  }
0xb5: {  	[sflag:s29] =	ssyncadd.s32 $0xFFFFFFFF  }
0xb6: {  	_ =	strace $0x9000004B  }
0xb7: {  	_ =	sfence  }
0xb8: {  	s30 =	sld [smem:$0x0];
	_ =	sdelay $0x2  }
0xb9: {  	s31 =	sshll.u32 s1, $0xD;
	s1 =	sshrl.u32 s1, $0x2  }
0xba: {  	s3 =	sand.u32 $0x4000, s31;
	s1 =	sadd.s32 s1, s30  }
0xbb: {  	s0 =	sor.u32 s3, s0;
	s1 =	sshll.u32 s1, $0x11  }
0xbc: {  	s0 =	sor.u32 s1, s0  }
0xbd: {  	s0 =	sadd.s32 $0x8F2B, s0  }
0xbe: {  	[sflag:s0] =	ssyncadd.remote.s32 $0x1  }
0xbf: {  	_ =	sfence.sel $0xFFFF  }
0xc0: {  	[dreg:$0x0] =	wrdreg $0xFFFFFFFF;
	(pc) =	sbr.abs _section_cstart, $3  }
0xc1: {  	[dreg:$0x1] =	wrdreg $0xFFFFFFFF  }
0xc2: {  	_ =	task.clear_ibuf [dreg:s7], $0x2FFFF;
	_ =	strace $0x9FFFFFFF  }
0xc3: {  	(tm) =	ssettm $0x7FFFFFFF  }
tec
execute0_lowered:
.L_overlay_start_1:
0x0: {  	(tag) =	ssettag $0x1  }
0x1: {  	s1 =	rddreg [dreg:$0x0]  }
0x2: {  	s0 =	rddreg [dreg:$0x1]  }
0x3: {  	s2 =	rddreg [dreg:$0x2];
	s3 =	srdreg.scid;
	s4 =	simm.s32 $0x0  }
0x4: {  	s10 =	stileid.u32;
	s28 =	simm.s32 $0xCF00;
	s29 =	simm.s32 $0xEF00  }
0x5: {  	s30 =	simm.s32 $0x1;
	s31 =	simm.s32 $0x2;
	s3 =	sand.u32 $0x1, s3  }
0x6: {  	[smem:$0x7FF] =	sst s4;
	s8 =	sadd.s32 $0x3E00, s0;
	s0 =	sadd.s32 $0x17800, s0  }
0x7: {  	s21 =	sshll.u32 s10, $0x4;
	s13 =	smul.u32 $0xA000, s10;
	s5 =	sshll.u32 s3, $0x4  }
0x8: {  	_ =	strace $0x8000004A;
	s19 =	ssub.s32 $0x2, s3;
	s3 =	smul.u32 $0xA0000, s3  }
0x9: {  	s6 =	sor.u32 s10, s5;
	s9 =	sshrl.u32 s19, $0x1;
	s24 =	sadd.s32 $0x2000, s13  }
0xa: {  	s16 =	sadd.s32 $0x4000, s13;
	s17 =	sadd.s32 $0x6000, s13;
	s18 =	sadd.s32 $0x8000, s13  }
0xb: {  	s7 =	smul.u32 $0x2700, s6;
	s19 =	ssub.s32 s19, s9;
	s9 =	sadd.s32 s13, s2  }
0xc: {  	s10 =	sadd.s32 s24, s2;
	s11 =	sadd.s32 s16, s2;
	s12 =	sadd.s32 s17, s2  }
0xd: {  	s14 =	sadd.s32 s13, s3;
	s13 =	sadd.s32 s18, s2;
	s25 =	sadd.s32 s3, s16  }
0xe: {  	s26 =	sadd.s32 s3, s17;
	p0 =	sgt.u32 s6, $0x3;
	s14 =	sshrl.u32 s14, $0x3  }
0xf: {  	s17 =	sshrl.u32 s26, $0x3;
	s19 =	smax.u32 s19, $0x1;
	s26 =	simm.s32 $0xAF00  }
0x10: {  	s20 =	sshrl.u32 s7, $0x3;
	s7 =	sadd.s32 s21, s8;
	s14 =	sadd.s32 s0, s14  }
0x11: {  	s17 =	sadd.s32 s0, s17;
	s5 =	sadd.s32 s8, s20;
	s23 =	sadd.s32 $0x9C00, s7  }
0x12: {  	s8 =	sadd.s32 $0x13840, s7;
	s7 =	sadd.s32 s3, s24;
	s3 =	sadd.s32 s3, s18  }
0x13: {  	s20 =	simm.s32 $0x3;
	s24 =	simm.s32 $0x6F00;
	s22 =	sadd.s32 $0x9C40, s5  }
0x14: {  	[dreg:$0x5] =	wrdreg s23;
	s7 =	sshrl.u32 s7, $0x3;
	s3 =	sshrl.u32 s3, $0x3  }
0x15: {  	s23 =	simm.s32 $0x80;
	[dreg:$0x4] =	wrdreg s22;
	s15 =	sadd.s32 s0, s7  }
0x16: {  	s7 =	sshrl.u32 s25, $0x3;
	s18 =	sadd.s32 s0, s3;
	s22 =	simm.s32 $0x4F00  }
0x17: {  	v0 =	vimm.f32 $0.0e+00;
	s25 =	simm.s32 $0x8F00;
	s16 =	sadd.s32 s0, s7;
	s0 =	simm.s32 $0x0  }
.LBB2_1:
0x18: {  	[tilespmem:s4], [sflag:$0x3] =	stream.linear.gather [hbm4b:s5+s4], $0x2700, $0x38;
	[tilespmem:$0x1AF00] =	vst v63  }
0x19: {  	_ =	swait.ge [sflag:s20], $0x2700  }
0x1a: {  	[sflag:s20] =	ssyncset.done $0x0  }
0x1b: {  	s6 =	simm.s32 $0x2700;
	s3 =	rddreg [dreg:$0x4];
	[sflag:s20] =	ssyncadd.s32 $0xFFFFD900  }
0x1c: {  	[tilespmem:s6], [sflag:$0x3] =	stream.linear.gather [hbm4b:s3+s4], $0x2700, $0x38;
	[tilespmem:$0x1AF00] =	vst v63  }
0x1d: {  	_ =	swait.ge [sflag:s20], $0x2700  }
0x1e: {  	s3 =	simm.s32 @!p0 $0x0;
	[sflag:s20] =	ssyncset.done $0x0  }
0x1f: {  	s6 =	simm.s32 @!p0 $0x4E00;
	s7 =	rddreg [dreg:$0x5];
	[sflag:s20] =	ssyncadd.s32 $0xFFFFD900  }
0x20: {  	[tilespmem:s6], [sflag:$0x3] =	stream.linear.gather @!p0 [hbm4b:s7+s3], $0x80, $0x38;
	[tilespmem:$0x1AF00] =	vst v63  }
0x21: {  	s6 =	simm.s32 @!p0 $0x3  }
0x22: {  	_ =	swait.ge @!p0 [sflag:s6], $0x80  }
0x23: {  	[sflag:s6] =	ssyncset.done @!p0 $0x0  }
0x24: {  	s7 =	simm.s32 @!p0 $0x4E80;
	[sflag:s6] =	ssyncadd.s32 @!p0 $0xFFFFFF80  }
0x25: {  	[tilespmem:s7], [sflag:$0x3] =	stream.linear.gather @!p0 [hbm4b:s8+s3], $0x80, $0x38;
	[tilespmem:$0x1AF00] =	vst v63  }
0x26: {  	_ =	swait.ge @!p0 [sflag:s6], $0x80  }
0x27: {  	[sflag:s6] =	ssyncset.done @!p0 $0x0  }
0x28: {  	s3 =	simm.s32 $0x0;
	[sflag:s6] =	ssyncadd.s32 @!p0 $0xFFFFFF80;
	s6 =	simm.s32 $0x100  }
.LBB2_2:
0x29: {  	p1 =	sne.s32 s6, $0x7F00;
	[tilespmem:s3+$0x4F30] =	vst v0;
	s7 =	smov.u32 s6;
	s6 =	sadd.s32 $0x100, s6  }
.Ltmp0:
0x2a: {  	[tilespmem:s3+$0x4F20] =	vst v0;
	(pc) =	sbr.rel @p1 .LBB2_2-.Ltmp0, $3  }
0x2b: {  	[tilespmem:s3+$0x4F00] =	vst v0  }
0x2c: {  	[tilespmem:s3+$0x4F10] =	vst v0;
	_ =	sdelay $0x1  }
0x2d: {  	s3 =	sshra.s32 s7, $0x2  }
0x2e: {  	[tilespmem:s3+$0x4F30] =	vst v0  }
0x2f: {  	[tilespmem:s3+$0x4F20] =	vst v0  }
0x30: {  	[tilespmem:s3+$0x4F00] =	vst v0  }
0x31: {  	[tilespmem:s3+$0x4F10] =	vst v0  }
0x32: {  	[spmem:s9] =	stream.linear.scatter [tilespmem:s22], [sflag:$0x3], $0x2000, $0x38;
	[tilespmem:$0x1AF00] =	vst v63  }
0x33: {  	_ =	swait.ge [sflag:s20], $0x2000  }
0x34: {  	[sflag:s20] =	ssyncset.done $0x0  }
0x35: {  	[sflag:s20] =	ssyncadd.s32 $0xFFFFE000  }
0x36: {  	[spmem:s10] =	stream.linear.scatter [tilespmem:s22], [sflag:$0x3], $0x2000, $0x38;
	[tilespmem:$0x1AF00] =	vst v63  }
0x37: {  	_ =	swait.ge [sflag:s20], $0x2000  }
0x38: {  	[sflag:s20] =	ssyncset.done $0x0  }
0x39: {  	[sflag:s20] =	ssyncadd.s32 $0xFFFFE000  }
0x3a: {  	[spmem:s11] =	stream.linear.scatter [tilespmem:s22], [sflag:$0x3], $0x2000, $0x38;
	[tilespmem:$0x1AF00] =	vst v63  }
0x3b: {  	_ =	swait.ge [sflag:s20], $0x2000  }
0x3c: {  	[sflag:s20] =	ssyncset.done $0x0  }
0x3d: {  	[sflag:s20] =	ssyncadd.s32 $0xFFFFE000  }
0x3e: {  	[spmem:s12] =	stream.linear.scatter [tilespmem:s22], [sflag:$0x3], $0x2000, $0x38;
	[tilespmem:$0x1AF00] =	vst v63  }
0x3f: {  	_ =	swait.ge [sflag:s20], $0x2000  }
0x40: {  	[sflag:s20] =	ssyncset.done $0x0  }
0x41: {  	[sflag:s20] =	ssyncadd.s32 $0xFFFFE000  }
0x42: {  	[spmem:s13] =	stream.linear.scatter [tilespmem:s22], [sflag:$0x3], $0x2000, $0x38;
	[tilespmem:$0x1AF00] =	vst v63  }
0x43: {  	_ =	swait.ge [sflag:s20], $0x2000  }
0x44: {  	[sflag:s20] =	ssyncset.done $0x0  }
0x45: {  	[sflag:s20] =	ssyncadd.s32 $0xFFFFE000  }
0x46: {  	s6 =	simm.s32 $0x0;
	[bflag:$0x0] =	sbarrier.arrive $0xFFFF  }
0x47: {  	[tilespmem:s22], [sflag:$0x1] =	stream.indirect.gather [hbm4b:s1+s23], $0x40, s6, s23, $0xb8;
	[tilespmem:$0x1AF00] =	vst v63  }
0x48: {  	s7 =	simm.s32 $0x80  }
0x49: {  	[tilespmem:s24], [sflag:$0x1] =	stream.indirect.gather [hbm4b:s1+s23], $0x40, s7, s23, $0xb8;
	[tilespmem:$0x1AF00] =	vst v63  }
0x4a: {  	s21 =	simm.s32 $0x100  }
0x4b: {  	[tilespmem:s25], [sflag:$0x1] =	stream.indirect.gather [hbm4b:s1+s23], $0x40, s21, s23, $0xb8;
	[tilespmem:$0x1AF00] =	vst v63  }
0x4c: {  	s6 =	simm.s32 $0x180  }
0x4d: {  	[tilespmem:s26], [sflag:$0x1] =	stream.indirect.gather [hbm4b:s1+s23], $0x40, s6, s23, $0xb8;
	[tilespmem:$0x1AF00] =	vst v63  }
0x4e: {  	s7 =	simm.s32 $0x200  }
0x4f: {  	[tilespmem:s28], [sflag:$0x1] =	stream.indirect.gather [hbm4b:s1+s23], $0x40, s7, s23, $0xb8;
	[tilespmem:$0x1AF00] =	vst v63  }
0x50: {  	s21 =	simm.s32 $0x280  }
0x51: {  	[tilespmem:s29], [sflag:$0x1] =	stream.indirect.gather [hbm4b:s1+s23], $0x40, s21, s23, $0xb8;
	[tilespmem:$0x1AF00] =	vst v63  }
0x52: {  	_ =	swait.ge [sflag:s30], $0x2000  }
0x53: {  	[sflag:s30] =	ssyncset.done $0x0  }
0x54: {  	s6 =	simm.s32 $0x2700;
	[sflag:s30] =	ssyncadd.s32 $0xFFFFE000  }
0x55: {  	[spmem:s2] =	stream.indirect.scatter.add.f32 [tilespmem:s22], [sflag:$0x2], $0x40, s6, s23, $0xb8;
	[tilespmem:$0x1AF00] =	vst v63  }
0x56: {  	_ =	swait.ge [sflag:s30], $0x2000  }
0x57: {  	[sflag:s30] =	ssyncset.done $0x0  }
0x58: {  	s7 =	simm.s32 $0x2780;
	[sflag:s30] =	ssyncadd.s32 $0xFFFFE000  }
0x59: {  	[spmem:s2] =	stream.indirect.scatter.add.f32 [tilespmem:s24], [sflag:$0x2], $0x40, s7, s23, $0xb8;
	[tilespmem:$0x1AF00] =	vst v63  }
0x5a: {  	_ =	swait.ge [sflag:s30], $0x2000  }
0x5b: {  	[sflag:s30] =	ssyncset.done $0x0  }
0x5c: {  	s21 =	simm.s32 $0x2800;
	[sflag:s30] =	ssyncadd.s32 $0xFFFFE000  }
0x5d: {  	[spmem:s2] =	stream.indirect.scatter.add.f32 [tilespmem:s25], [sflag:$0x2], $0x40, s21, s23, $0xb8;
	[tilespmem:$0x1AF00] =	vst v63  }
0x5e: {  	_ =	swait.ge [sflag:s30], $0x2000  }
0x5f: {  	[sflag:s30] =	ssyncset.done $0x0  }
0x60: {  	s6 =	simm.s32 $0x2880;
	[sflag:s30] =	ssyncadd.s32 $0xFFFFE000  }
0x61: {  	[spmem:s2] =	stream.indirect.scatter.add.f32 [tilespmem:s26], [sflag:$0x2], $0x40, s6, s23, $0xb8;
	[tilespmem:$0x1AF00] =	vst v63  }
0x62: {  	_ =	swait.ge [sflag:s30], $0x2000  }
0x63: {  	[sflag:s30] =	ssyncset.done $0x0  }
0x64: {  	s7 =	simm.s32 $0x2900;
	[sflag:s30] =	ssyncadd.s32 $0xFFFFE000  }
0x65: {  	[spmem:s2] =	stream.indirect.scatter.add.f32 [tilespmem:s28], [sflag:$0x2], $0x40, s7, s23, $0xb8;
	[tilespmem:$0x1AF00] =	vst v63  }
0x66: {  	_ =	swait.ge [sflag:s30], $0x2000  }
0x67: {  	[sflag:s30] =	ssyncset.done $0x0  }
0x68: {  	s21 =	simm.s32 $0x2980;
	[sflag:s30] =	ssyncadd.s32 $0xFFFFE000  }
0x69: {  	[spmem:s2] =	stream.indirect.scatter.add.f32 [tilespmem:s29], [sflag:$0x2], $0x40, s21, s23, $0xb8;
	[tilespmem:$0x1AF00] =	vst v63  }
0x6a: {  	_ =	swait.ge [sflag:s31], $0x2000  }
0x6b: {  	[sflag:s31] =	ssyncset.done $0x0  }
0x6c: {  	[sflag:s31] =	ssyncadd.s32 $0xFFFFE000  }
0x6d: {  	_ =	swait.ge [sflag:s31], $0x2000  }
0x6e: {  	[sflag:s31] =	ssyncset.done $0x0  }
0x6f: {  	[sflag:s31] =	ssyncadd.s32 $0xFFFFE000  }
0x70: {  	_ =	swait.ge [sflag:s31], $0x2000  }
0x71: {  	[sflag:s31] =	ssyncset.done $0x0  }
0x72: {  	[sflag:s31] =	ssyncadd.s32 $0xFFFFE000  }
0x73: {  	_ =	swait.ge [sflag:s31], $0x2000  }
0x74: {  	[sflag:s31] =	ssyncset.done $0x0  }
0x75: {  	[sflag:s31] =	ssyncadd.s32 $0xFFFFE000  }
0x76: {  	_ =	swait.ge [sflag:s31], $0x2000  }
0x77: {  	[sflag:s31] =	ssyncset.done $0x0  }
0x78: {  	[sflag:s31] =	ssyncadd.s32 $0xFFFFE000  }
0x79: {  	_ =	swait.ge [sflag:s31], $0x2000  }
0x7a: {  	s3 =	simm.s32 $0xC00;
	s21 =	simm.s32 $0x1800;
	[sflag:s31] =	ssyncset.done $0x0  }
.LBB2_4:
0x7b: {  	s6 =	sshra.s32 s3, $0x2  }
0x7c: {  	[sflag:s31] =	ssyncadd.s32 $0xFFFFE000;
	s3 =	smov.u32 s21;
	s7 =	sadd.s32 $0xC00, s21  }
0x7d: {  	[tilespmem:s22], [sflag:$0x1] =	stream.indirect.gather [hbm4b:s1+s23], $0x40, s6, s23, $0xb8;
	[tilespmem:$0x1AF00] =	vst v63  }
0x7e: {  	p1 =	sne.s32 s21, $0x9000;
	s21 =	sadd.s32 $0x80, s6  }
0x7f: {  	[tilespmem:s24], [sflag:$0x1] =	stream.indirect.gather [hbm4b:s1+s23], $0x40, s21, s23, $0xb8;
	[tilespmem:$0x1AF00] =	vst v63  }
0x80: {  	s21 =	sadd.s32 $0x100, s6  }
0x81: {  	[tilespmem:s25], [sflag:$0x1] =	stream.indirect.gather [hbm4b:s1+s23], $0x40, s21, s23, $0xb8;
	[tilespmem:$0x1AF00] =	vst v63  }
0x82: {  	s21 =	sadd.s32 $0x180, s6  }
0x83: {  	[tilespmem:s26], [sflag:$0x1] =	stream.indirect.gather [hbm4b:s1+s23], $0x40, s21, s23, $0xb8;
	[tilespmem:$0x1AF00] =	vst v63  }
0x84: {  	s21 =	sadd.s32 $0x200, s6  }
0x85: {  	[tilespmem:s28], [sflag:$0x1] =	stream.indirect.gather [hbm4b:s1+s23], $0x40, s21, s23, $0xb8;
	[tilespmem:$0x1AF00] =	vst v63  }
0x86: {  	s21 =	sadd.s32 $0x280, s6  }
0x87: {  	[tilespmem:s29], [sflag:$0x1] =	stream.indirect.gather [hbm4b:s1+s23], $0x40, s21, s23, $0xb8;
	[tilespmem:$0x1AF00] =	vst v63  }
0x88: {  	_ =	swait.ge [sflag:s30], $0x2000  }
0x89: {  	[sflag:s30] =	ssyncset.done $0x0  }
0x8a: {  	s21 =	sadd.s32 $0x2700, s6;
	[sflag:s30] =	ssyncadd.s32 $0xFFFFE000  }
0x8b: {  	[spmem:s2] =	stream.indirect.scatter.add.f32 [tilespmem:s22], [sflag:$0x2], $0x40, s21, s23, $0xb8;
	[tilespmem:$0x1AF00] =	vst v63  }
0x8c: {  	_ =	swait.ge [sflag:s30], $0x2000  }
0x8d: {  	[sflag:s30] =	ssyncset.done $0x0  }
0x8e: {  	s21 =	sadd.s32 $0x2780, s6;
	[sflag:s30] =	ssyncadd.s32 $0xFFFFE000  }
0x8f: {  	[spmem:s2] =	stream.indirect.scatter.add.f32 [tilespmem:s24], [sflag:$0x2], $0x40, s21, s23, $0xb8;
	[tilespmem:$0x1AF00] =	vst v63  }
0x90: {  	_ =	swait.ge [sflag:s30], $0x2000  }
0x91: {  	[sflag:s30] =	ssyncset.done $0x0  }
0x92: {  	s21 =	sadd.s32 $0x2800, s6;
	[sflag:s30] =	ssyncadd.s32 $0xFFFFE000  }
0x93: {  	[spmem:s2] =	stream.indirect.scatter.add.f32 [tilespmem:s25], [sflag:$0x2], $0x40, s21, s23, $0xb8;
	[tilespmem:$0x1AF00] =	vst v63  }
0x94: {  	_ =	swait.ge [sflag:s30], $0x2000  }
0x95: {  	[sflag:s30] =	ssyncset.done $0x0  }
0x96: {  	s21 =	sadd.s32 $0x2880, s6;
	[sflag:s30] =	ssyncadd.s32 $0xFFFFE000  }
0x97: {  	[spmem:s2] =	stream.indirect.scatter.add.f32 [tilespmem:s26], [sflag:$0x2], $0x40, s21, s23, $0xb8;
	[tilespmem:$0x1AF00] =	vst v63  }
0x98: {  	_ =	swait.ge [sflag:s30], $0x2000  }
0x99: {  	[sflag:s30] =	ssyncset.done $0x0  }
0x9a: {  	s21 =	sadd.s32 $0x2900, s6;
	[sflag:s30] =	ssyncadd.s32 $0xFFFFE000  }
0x9b: {  	[spmem:s2] =	stream.indirect.scatter.add.f32 [tilespmem:s28], [sflag:$0x2], $0x40, s21, s23, $0xb8;
	[tilespmem:$0x1AF00] =	vst v63  }
0x9c: {  	_ =	swait.ge [sflag:s30], $0x2000  }
0x9d: {  	[sflag:s30] =	ssyncset.done $0x0  }
0x9e: {  	s6 =	sadd.s32 $0x2980, s6;
	[sflag:s30] =	ssyncadd.s32 $0xFFFFE000  }
0x9f: {  	[spmem:s2] =	stream.indirect.scatter.add.f32 [tilespmem:s29], [sflag:$0x2], $0x40, s6, s23, $0xb8;
	[tilespmem:$0x1AF00] =	vst v63  }
0xa0: {  	_ =	swait.ge [sflag:s31], $0x2000  }
0xa1: {  	[sflag:s31] =	ssyncset.done $0x0  }
0xa2: {  	[sflag:s31] =	ssyncadd.s32 $0xFFFFE000  }
0xa3: {  	_ =	swait.ge [sflag:s31], $0x2000  }
0xa4: {  	[sflag:s31] =	ssyncset.done $0x0  }
0xa5: {  	[sflag:s31] =	ssyncadd.s32 $0xFFFFE000  }
0xa6: {  	_ =	swait.ge [sflag:s31], $0x2000  }
0xa7: {  	[sflag:s31] =	ssyncset.done $0x0  }
0xa8: {  	[sflag:s31] =	ssyncadd.s32 $0xFFFFE000  }
0xa9: {  	_ =	swait.ge [sflag:s31], $0x2000  }
0xaa: {  	[sflag:s31] =	ssyncset.done $0x0  }
0xab: {  	[sflag:s31] =	ssyncadd.s32 $0xFFFFE000  }
.Ltmp1:
0xac: {  	_ =	swait.ge [sflag:s31], $0x2000;
	(pc) =	sbr.rel @p1 .LBB2_4-.Ltmp1, $4  }
0xad: {  	[sflag:s31] =	ssyncset.done $0x0  }
0xae: {  	[sflag:s31] =	ssyncadd.s32 $0xFFFFE000  }
0xaf: {  	_ =	swait.ge [sflag:s31], $0x2000  }
0xb0: {  	s21 =	smov.u32 s7;
	[sflag:s31] =	ssyncset.done $0x0  }
0xb1: {  	s3 =	sshra.s32 s3, $0x2;
	[sflag:s31] =	ssyncadd.s32 $0xFFFFE000  }
0xb2: {  	[tilespmem:s22], [sflag:$0x1] =	stream.indirect.gather [hbm4b:s1+s23], $0x40, s3, s23, $0xb8;
	[tilespmem:$0x1AF00] =	vst v63  }
0xb3: {  	s6 =	sadd.s32 $0x80, s3  }
0xb4: {  	[tilespmem:s24], [sflag:$0x1] =	stream.indirect.gather [hbm4b:s1+s23], $0x40, s6, s23, $0xb8;
	[tilespmem:$0x1AF00] =	vst v63  }
0xb5: {  	s21 =	sadd.s32 $0x100, s3  }
0xb6: {  	[tilespmem:s25], [sflag:$0x1] =	stream.indirect.gather [hbm4b:s1+s23], $0x40, s21, s23, $0xb8;
	[tilespmem:$0x1AF00] =	vst v63  }
0xb7: {  	s7 =	sadd.s32 $0x180, s3  }
0xb8: {  	[tilespmem:s26], [sflag:$0x1] =	stream.indirect.gather [hbm4b:s1+s23], $0x40, s7, s23, $0xb8;
	[tilespmem:$0x1AF00] =	vst v63  }
0xb9: {  	s21 =	sadd.s32 $0x200, s3  }
0xba: {  	[tilespmem:s28], [sflag:$0x1] =	stream.indirect.gather [hbm4b:s1+s23], $0x40, s21, s23, $0xb8;
	[tilespmem:$0x1AF00] =	vst v63  }
0xbb: {  	s7 =	sadd.s32 $0x280, s3  }
0xbc: {  	[tilespmem:s29], [sflag:$0x1] =	stream.indirect.gather [hbm4b:s1+s23], $0x40, s7, s23, $0xb8;
	[tilespmem:$0x1AF00] =	vst v63  }
0xbd: {  	_ =	swait.ge [sflag:s30], $0x2000  }
0xbe: {  	[sflag:s30] =	ssyncset.done $0x0  }
0xbf: {  	s21 =	sadd.s32 $0x2700, s3;
	[sflag:s30] =	ssyncadd.s32 $0xFFFFE000  }
0xc0: {  	[spmem:s2] =	stream.indirect.scatter.add.f32 [tilespmem:s22], [sflag:$0x2], $0x40, s21, s23, $0xb8;
	[tilespmem:$0x1AF00] =	vst v63  }
0xc1: {  	_ =	swait.ge [sflag:s30], $0x2000  }
0xc2: {  	[sflag:s30] =	ssyncset.done $0x0  }
0xc3: {  	s7 =	sadd.s32 $0x2780, s3;
	[sflag:s30] =	ssyncadd.s32 $0xFFFFE000  }
0xc4: {  	[spmem:s2] =	stream.indirect.scatter.add.f32 [tilespmem:s24], [sflag:$0x2], $0x40, s7, s23, $0xb8;
	[tilespmem:$0x1AF00] =	vst v63  }
0xc5: {  	_ =	swait.ge [sflag:s30], $0x2000  }
0xc6: {  	[sflag:s30] =	ssyncset.done $0x0  }
0xc7: {  	s21 =	sadd.s32 $0x2800, s3;
	[sflag:s30] =	ssyncadd.s32 $0xFFFFE000  }
0xc8: {  	[spmem:s2] =	stream.indirect.scatter.add.f32 [tilespmem:s25], [sflag:$0x2], $0x40, s21, s23, $0xb8;
	[tilespmem:$0x1AF00] =	vst v63  }
0xc9: {  	_ =	swait.ge [sflag:s30], $0x2000  }
0xca: {  	[sflag:s30] =	ssyncset.done $0x0  }
0xcb: {  	s7 =	sadd.s32 $0x2880, s3;
	[sflag:s30] =	ssyncadd.s32 $0xFFFFE000  }
0xcc: {  	[spmem:s2] =	stream.indirect.scatter.add.f32 [tilespmem:s26], [sflag:$0x2], $0x40, s7, s23, $0xb8;
	[tilespmem:$0x1AF00] =	vst v63  }
0xcd: {  	_ =	swait.ge [sflag:s30], $0x2000  }
0xce: {  	[sflag:s30] =	ssyncset.done $0x0  }
0xcf: {  	s21 =	sadd.s32 $0x2900, s3;
	[sflag:s30] =	ssyncadd.s32 $0xFFFFE000  }
0xd0: {  	[spmem:s2] =	stream.indirect.scatter.add.f32 [tilespmem:s28], [sflag:$0x2], $0x40, s21, s23, $0xb8;
	[tilespmem:$0x1AF00] =	vst v63  }
0xd1: {  	_ =	swait.ge [sflag:s30], $0x2000  }
0xd2: {  	[sflag:s30] =	ssyncset.done $0x0  }
0xd3: {  	s3 =	sadd.s32 $0x2980, s3;
	[sflag:s30] =	ssyncadd.s32 $0xFFFFE000  }
0xd4: {  	[spmem:s2] =	stream.indirect.scatter.add.f32 [tilespmem:s29], [sflag:$0x2], $0x40, s3, s23, $0xb8;
	[tilespmem:$0x1AF00] =	vst v63  }
0xd5: {  	_ =	swait.ge [sflag:s31], $0x2000  }
0xd6: {  	[sflag:s31] =	ssyncset.done $0x0  }
0xd7: {  	[sflag:s31] =	ssyncadd.s32 $0xFFFFE000  }
0xd8: {  	_ =	swait.ge [sflag:s31], $0x2000  }
0xd9: {  	[sflag:s31] =	ssyncset.done $0x0  }
0xda: {  	[sflag:s31] =	ssyncadd.s32 $0xFFFFE000  }
0xdb: {  	_ =	swait.ge [sflag:s31], $0x2000  }
0xdc: {  	[sflag:s31] =	ssyncset.done $0x0  }
0xdd: {  	[sflag:s31] =	ssyncadd.s32 $0xFFFFE000  }
0xde: {  	_ =	swait.ge [sflag:s31], $0x2000  }
0xdf: {  	[sflag:s31] =	ssyncset.done $0x0  }
0xe0: {  	[sflag:s31] =	ssyncadd.s32 $0xFFFFE000  }
0xe1: {  	_ =	swait.ge [sflag:s31], $0x2000  }
0xe2: {  	[sflag:s31] =	ssyncset.done $0x0  }
0xe3: {  	[sflag:s31] =	ssyncadd.s32 $0xFFFFE000  }
0xe4: {  	_ =	swait.ge [sflag:s31], $0x2000  }
0xe5: {  	s6 =	simm.s32 @!p0 $0x4E00;
	[sflag:s31] =	ssyncset.done $0x0  }
0xe6: {  	s7 =	simm.s32 @!p0 $0x4F00;
	s3 =	simm.s32 @!p0 $0x80;
	[sflag:s31] =	ssyncadd.s32 $0xFFFFE000  }
0xe7: {  	[tilespmem:s7], [sflag:$0x1] =	stream.indirect.gather @!p0 [hbm4b:s1+s3], $0x40, s6, s3, $0xb8;
	[tilespmem:$0x1AF00] =	vst v63  }
0xe8: {  	s6 =	simm.s32 @!p0 $0x1  }
0xe9: {  	_ =	swait.ge @!p0 [sflag:s6], $0x2000  }
0xea: {  	[sflag:s6] =	ssyncset.done @!p0 $0x0  }
0xeb: {  	[sflag:s6] =	ssyncadd.s32 @!p0 $0xFFFFE000;
	s6 =	simm.s32 @!p0 $0x4E80  }
0xec: {  	[spmem:s2] =	stream.indirect.scatter.add.f32 @!p0 [tilespmem:s7], [sflag:$0x2], $0x40, s6, s3, $0xb8;
	[tilespmem:$0x1AF00] =	vst v63  }
0xed: {  	s3 =	simm.s32 @!p0 $0x2  }
0xee: {  	_ =	swait.ge @!p0 [sflag:s3], $0x2000  }
0xef: {  	[sflag:s3] =	ssyncset.done @!p0 $0x0  }
0xf0: {  	[sflag:s3] =	ssyncadd.s32 @!p0 $0xFFFFE000  }
0xf1: {  	[bflag:$0x0] =	sbarrier.arrive $0xFFFF  }
0xf2: {  	[tilespmem:s22], [sflag:$0x3] =	stream.linear.gather [spmem:s9], $0x2000, $0x38;
	[tilespmem:$0x1AF00] =	vst v63  }
0xf3: {  	_ =	swait.ge [sflag:s20], $0x2000  }
0xf4: {  	[sflag:s20] =	ssyncset.done $0x0  }
0xf5: {  	[sflag:s20] =	ssyncadd.s32 $0xFFFFE000  }
0xf6: {  	[hbm4b:s14+s4] =	stream.linear.scatter [tilespmem:s22], [sflag:$0x3], $0x2000, $0x38;
	[tilespmem:$0x1AF00] =	vst v63  }
0xf7: {  	_ =	swait.ge [sflag:s20], $0x2000  }
0xf8: {  	[sflag:s20] =	ssyncset.done $0x0  }
0xf9: {  	[sflag:s20] =	ssyncadd.s32 $0xFFFFE000  }
0xfa: {  	[tilespmem:s22], [sflag:$0x3] =	stream.linear.gather [spmem:s10], $0x2000, $0x38;
	[tilespmem:$0x1AF00] =	vst v63  }
0xfb: {  	_ =	swait.ge [sflag:s20], $0x2000  }
0xfc: {  	[sflag:s20] =	ssyncset.done $0x0  }
0xfd: {  	[sflag:s20] =	ssyncadd.s32 $0xFFFFE000  }
0xfe: {  	[hbm4b:s15+s4] =	stream.linear.scatter [tilespmem:s22], [sflag:$0x3], $0x2000, $0x38;
	[tilespmem:$0x1AF00] =	vst v63  }
0xff: {  	_ =	swait.ge [sflag:s20], $0x2000  }
0x100: {  	[sflag:s20] =	ssyncset.done $0x0  }
0x101: {  	[sflag:s20] =	ssyncadd.s32 $0xFFFFE000  }
0x102: {  	[tilespmem:s22], [sflag:$0x3] =	stream.linear.gather [spmem:s11], $0x2000, $0x38;
	[tilespmem:$0x1AF00] =	vst v63  }
0x103: {  	_ =	swait.ge [sflag:s20], $0x2000  }
0x104: {  	[sflag:s20] =	ssyncset.done $0x0  }
0x105: {  	[sflag:s20] =	ssyncadd.s32 $0xFFFFE000  }
0x106: {  	[hbm4b:s16+s4] =	stream.linear.scatter [tilespmem:s22], [sflag:$0x3], $0x2000, $0x38;
	[tilespmem:$0x1AF00] =	vst v63  }
0x107: {  	_ =	swait.ge [sflag:s20], $0x2000  }
0x108: {  	[sflag:s20] =	ssyncset.done $0x0  }
0x109: {  	[sflag:s20] =	ssyncadd.s32 $0xFFFFE000  }
0x10a: {  	[tilespmem:s22], [sflag:$0x3] =	stream.linear.gather [spmem:s12], $0x2000, $0x38;
	[tilespmem:$0x1AF00] =	vst v63  }
0x10b: {  	_ =	swait.ge [sflag:s20], $0x2000  }
0x10c: {  	[sflag:s20] =	ssyncset.done $0x0  }
0x10d: {  	[sflag:s20] =	ssyncadd.s32 $0xFFFFE000  }
0x10e: {  	[hbm4b:s17+s4] =	stream.linear.scatter [tilespmem:s22], [sflag:$0x3], $0x2000, $0x38;
	[tilespmem:$0x1AF00] =	vst v63  }
0x10f: {  	_ =	swait.ge [sflag:s20], $0x2000  }
0x110: {  	[sflag:s20] =	ssyncset.done $0x0  }
0x111: {  	[sflag:s20] =	ssyncadd.s32 $0xFFFFE000  }
0x112: {  	[tilespmem:s22], [sflag:$0x3] =	stream.linear.gather [spmem:s13], $0x2000, $0x38;
	[tilespmem:$0x1AF00] =	vst v63  }
0x113: {  	s0 =	sadd.s32 $0x1, s0;
	_ =	swait.ge [sflag:s20], $0x2000  }
0x114: {  	p1 =	sne.s32 s0, s19;
	[sflag:s20] =	ssyncset.done $0x0  }
.Ltmp2:
0x115: {  	[sflag:s20] =	ssyncadd.s32 $0xFFFFE000;
	(pc) =	sbr.rel @p1 .LBB2_1-.Ltmp2, $4  }
0x116: {  	[hbm4b:s18+s4] =	stream.linear.scatter [tilespmem:s22], [sflag:$0x3], $0x2000, $0x38;
	[tilespmem:$0x1AF00] =	vst v63  }
0x117: {  	_ =	swait.ge [sflag:s20], $0x2000  }
0x118: {  	[sflag:s20] =	ssyncset.done $0x0  }
0x119: {  	[sflag:s20] =	ssyncadd.s32 $0xFFFFE000  }
0x11a: {  	_ =	sfence.sel $0x180000  }
0x11b: {  	[bflag:$0x0] =	sbarrier.arrive $0xFFFF  }
0x11c: {  	_ =	strace $0x9000004A  }
0x11d: {  	s0 =	stileid.u32;
	[bflag:$0x2] =	sbarrier.arrive $0xFFFF  }
0x11e: {  	p0 =	sne.s32 s0, $0x0;
	s0 =	rddreg [dreg:$0x3]  }
0x11f: {  	s0 =	sadd.s32 @!p0 $0x100000, s0  }
0x120: {  	[sflag:s0] =	ssyncadd.tile.s32 @!p0 $0x1;
	_ =	shalt  }
.Lfunc_end2:
_tile_overlayer_lowered:
.L_overlay_start_2:
0x121: {  	(tag) =	ssettag $0x2  }
0x122: {  	s0 =	rddreg [dreg:$0x0];
	s2 =	stileid.u32  }
0x123: {  	s1 =	rddreg [dreg:$0x1];
	p0 =	sne.s32 s2, $0x0  }
0x124: {  	s3 =	rddreg [dreg:$0x2];
	[bflag:$0x3] =	sbarrier.arrive $0xFFFF;
	s2 =	simm.s32 @!p0 $0x1C03  }
0x125: {  	[timem:s3], [sflag:s2] =	dma.local @!p0 [hbm:s0], s1  }
0x126: {  	s0 =	simm.s32 @!p0 $0x3  }
0x127: {  	_ =	swait.ge @!p0 [sflag:s0], s1  }
0x128: {  	s1 =	ssub.s32 @!p0 $0x0, s1;
	[sflag:s0] =	ssyncset.done @!p0 $0x0  }
0x129: {  	[sflag:s0] =	ssyncadd.s32 @!p0 s1  }
0x12a: {  	[bflag:$0x3] =	sbarrier.arrive $0xFFFF  }
0x12b: {  	_ =	shalt  }

// kernel: kernel.16.cloned.1.call-start
scs
__scs_entry_jumppad:
0x0: {  	(pc) =	sbr.rel $0x88, $3  }
0x1: {  	(tag) =	ssettag $0x0;
	lr =	simm.s32 $0x1  }
0x2: {  	[smem:$0x3F94] =	sst lr;
	_ =	strace $0xD0000000  }
0x3: {  	_ = 	snop  }
0x4: {  	_ = 	snop  }
0x5: {  	_ = 	snop  }
0x6: {  	_ = 	snop  }
0x7: {  	_ = 	snop  }
__scs_overlays_trampoline_lowered:
0x8: {  	[smem:$0x3FA3] =	sst s0  }
0x9: {  	[smem:$0x3FA4] =	sst s1  }
0xa: {  	[smem:$0x3FA5] =	sst s2  }
0xb: {  	[smem:$0x3FA6] =	sst s3  }
0xc: {  	[smem:$0x3FA7] =	sst s4  }
0xd: {  	[smem:$0x3FA8] =	sst s5  }
0xe: {  	[smem:$0x3FA9] =	sst s6  }
0xf: {  	[smem:$0x3FAA] =	sst s7  }
0x10: {  	[smem:$0x3FAB] =	sst s8  }
0x11: {  	[smem:$0x3FAC] =	sst s9;
	s0 =	simm.s32 @!p0 $0x0  }
0x12: {  	s1 =	sld [smem:$0x3F92];
	s0 =	simm.s32 @p0 $0x1  }
0x13: {  	[smem:$0x3FAD] =	sst s0;
	s0 =	simm.s32 @!p1 $0x0  }
0x14: {  	s2 =	sld [smem:$0x3F91];
	s0 =	simm.s32 @p1 $0x1  }
0x15: {  	[smem:$0x3FAE] =	sst s0;
	s0 =	simm.s32 @!p2 $0x0  }
0x16: {  	s3 =	sld [smem:$0x3FDB];
	s0 =	simm.s32 @p2 $0x1  }
0x17: {  	s4 =	simm.s32 $0x1BF5;
	[smem:$0x3FB0] =	sst s0  }
0x18: {  	s0 =	sld [smem:$0x3F93];
	_ =	swait.ge [sflag:s4], $0x0  }
0x19: {  	s7 =	sld [smem:$0x3F94]  }
0x1a: {  	s8 =	sadd.s32 $0xFFFFE003, lr  }
0x1b: {  	s9 =	sadd.s32 $0xFFFFFEF7, lr;
	s5 =	simm.s32 $0xFFFFFFFF;
	p2 =	slt.u32 s8, $0xFFFFF086  }
0x1c: {  	p1 =	slt.u32 s9, $0xF7A;
	s5 =	simm.s32 @!p2 $0x0  }
0x1d: {  	s5 =	simm.s32 @p1 $0x1;
	p0 =	seq.s32 s7, s2  }
0x1e: {  	s7 =	smul.u32 @!p0 $0xF7A, s2;
	p2 =	seq.s32 @!p0 s5, $0x0  }
0x1f: {  	s9 =	smul.u32 $0xF7A, s1;
	s8 =	simm.s32 @!p0 $0x1BF5;
	p2 =	por !p2, p0  }
0x20: {  	[sflag:s8] =	ssyncset.s32 @!p0 $0xFFFFF086;
	s6 =	sadd.s32 @!p0 s3, s7;
	s7 =	simm.s32 @!p0 $0x108  }
0x21: {  	s3 =	sadd.s32 s3, s9;
	s6 =	sadd.s32 @!p0 $0x88, s6;
	s7 =	simm.s32 @p2 $0x1082  }
0x22: {  	[simem:s7], [sflag:s8] =	dma.local @!p0 [hbm:s6], $0xF7A  }
0x23: {  	s9 =	sor.u32 $0xD0000000, s2;
	s6 =	simm.s32 $0x108;
	_ =	swait.ge @!p0 [sflag:s8], $0x0  }
0x24: {  	s3 =	sadd.s32 $0x88, s3;
	s6 =	simm.s32 @!p1 $0x1082;
	[sflag:s4] =	ssyncset.s32 $0xFFFFF086  }
0x25: {  	[simem:s6], [sflag:s4] =	dma.local [hbm:s3], $0xF7A  }
0x26: {  	[smem:$0x3F94] =	sst s1;
	(tag) =	ssettag s2;
	_ =	strace s9  }
0x27: {  	s1 =	sld [smem:$0x3FA4]  }
0x28: {  	s2 =	sld [smem:$0x3FA5]  }
0x29: {  	s4 =	sld [smem:$0x3FA7]  }
0x2a: {  	p0 =	seq.s32 s5, $0x0;
	s5 =	sld [smem:$0x3FA8]  }
0x2b: {  	s6 =	sld [smem:$0x3FA9]  }
0x2c: {  	s7 =	sld [smem:$0x3FAA]  }
0x2d: {  	s3 =	simm.s32 $0x108;
	s8 =	sld [smem:$0x3FAB]  }
0x2e: {  	s3 =	simm.s32 @!p0 $0x1082;
	s9 =	sld [smem:$0x3FAC]  }
0x2f: {  	lr =	sadd.s32 s0, s3;
	s0 =	sld [smem:$0x3FA3]  }
0x30: {  	s3 =	sld [smem:$0x3FA6]  }
0x31: {  	[smem:$0x3FAF] =	sst s10  }
0x32: {  	s10 =	sld [smem:$0x3FAD];
	_ =	sdelay $0x3  }
0x33: {  	p0 =	seq.s32 s10, $0x1;
	s10 =	sld [smem:$0x3FAF];
	_ =	sdelay $0x3  }
0x34: {  	[smem:$0x3FAF] =	sst s10  }
0x35: {  	s10 =	sld [smem:$0x3FAE];
	_ =	sdelay $0x3  }
0x36: {  	p1 =	seq.s32 s10, $0x1;
	s10 =	sld [smem:$0x3FAF];
	_ =	sdelay $0x3  }
0x37: {  	[smem:$0x3FAF] =	sst s10  }
0x38: {  	s10 =	sld [smem:$0x3FB0]  }
0x39: {  	_ = 	snop;
	(pc) =	sbr.ind lr, $3  }
0x3a: {  	_ = 	snop  }
0x3b: {  	_ = 	snop  }
0x3c: {  	p2 =	seq.s32 s10, $0x1;
	s10 =	sld [smem:$0x3FAF]  }
0x3d: {  	_ =	shalt  }
0x3e: {  	_ =	shalt  }
0x3f: {  	_ =	shalt  }
0x40: {  	_ =	shalt  }
0x41: {  	_ =	shalt  }
0x42: {  	_ =	shalt  }
0x43: {  	_ =	shalt  }
0x44: {  	_ =	shalt  }
0x45: {  	_ =	shalt  }
0x46: {  	_ =	shalt  }
0x47: {  	_ =	shalt  }
0x48: {  	_ =	shalt  }
0x49: {  	_ =	shalt  }
0x4a: {  	_ =	shalt  }
0x4b: {  	_ =	shalt  }
0x4c: {  	_ =	shalt  }
0x4d: {  	_ =	shalt  }
0x4e: {  	_ =	shalt  }
0x4f: {  	_ =	shalt  }
0x50: {  	_ =	shalt  }
0x51: {  	_ =	shalt  }
0x52: {  	_ =	shalt  }
0x53: {  	_ =	shalt  }
0x54: {  	_ =	shalt  }
0x55: {  	_ =	shalt  }
0x56: {  	_ =	shalt  }
0x57: {  	_ =	shalt  }
0x58: {  	_ =	shalt  }
0x59: {  	_ =	shalt  }
0x5a: {  	_ =	shalt  }
0x5b: {  	_ =	shalt  }
0x5c: {  	_ =	shalt  }
0x5d: {  	_ =	shalt  }
0x5e: {  	_ =	shalt  }
0x5f: {  	_ =	shalt  }
0x60: {  	_ =	shalt  }
0x61: {  	_ =	shalt  }
0x62: {  	_ =	shalt  }
0x63: {  	_ =	shalt  }
0x64: {  	_ =	shalt  }
0x65: {  	_ =	shalt  }
0x66: {  	_ =	shalt  }
0x67: {  	_ =	shalt  }
0x68: {  	_ =	shalt  }
0x69: {  	_ =	shalt  }
0x6a: {  	_ =	shalt  }
0x6b: {  	_ =	shalt  }
0x6c: {  	_ =	shalt  }
0x6d: {  	_ =	shalt  }
0x6e: {  	_ =	shalt  }
0x6f: {  	_ =	shalt  }
0x70: {  	_ =	shalt  }
0x71: {  	_ =	shalt  }
0x72: {  	_ =	shalt  }
0x73: {  	_ =	shalt  }
0x74: {  	_ =	shalt  }
0x75: {  	_ =	shalt  }
0x76: {  	_ =	shalt  }
0x77: {  	_ =	shalt  }
0x78: {  	_ =	shalt  }
0x79: {  	_ =	shalt  }
0x7a: {  	_ =	shalt  }
0x7b: {  	_ =	shalt  }
0x7c: {  	_ =	shalt  }
0x7d: {  	_ =	shalt  }
0x7e: {  	_ =	shalt  }
0x7f: {  	_ =	shalt  }
0x80: {  	_ =	shalt  }
0x81: {  	_ =	shalt  }
0x82: {  	_ =	shalt  }
0x83: {  	_ =	shalt  }
0x84: {  	_ =	shalt  }
0x85: {  	_ =	shalt  }
0x86: {  	_ =	shalt  }
0x87: {  	_ =	shalt  }
.Lfunc_end0:
.L_simem_size_0:
called_computation.2_lowered:
.L_overlay_start_0:
0x88: {  	s2 =	sld [smem:$0x3FD9]  }
0x89: {  	s3 =	sld [smem:$0x3FFE];
	_ =	sdelay $0x1  }
0x8a: {  	s1 =	srdreg.scid  }
0x8b: {  	s0 =	sand.u32 $0x1, s1  }
0x8c: {  	s17 =	sshll.u32 s0, $0xA;
	s2 =	sadd.s32 s3, s2  }
0x8d: {  	s2 =	sadd.s32 s2, s17  }
0x8e: {  	[smem:$0x3FBB] =	sst s2  }
0x8f: {  	_ = 	snop  }
0x90: {  	s2 =	sld [smem:$0x3FD0];
	(tm) =	ssettm $0x1  }
0x91: {  	s18 =	sld [smem:$0x3FFB];
	_ =	sdelay $0x3  }
0x92: {  	_ =	strace s18  }
0x93: {  	s3 =	sld [smem:$0x3FFC];
	_ =	sdelay $0x3  }
0x94: {  	_ =	strace s3  }
0x95: {  	s3 =	sld [smem:$0x3FFD];
	_ =	sdelay $0x3  }
0x96: {  	_ =	strace s3  }
0x97: {  	_ =	strace $0x8FFFFFFF  }
0x98: {  	s19 =	sld [smem:$0x3FDB];
	_ =	sdelay $0x1  }
0x99: {  	s4 =	simm.s32 $_scs_section_size  }
0x9a: {  	s5 =	simm.s32 $_size__tile_overlayer_lowered;
	s6 =	simm.s32 $_tile_overlayer_lowered  }
0x9b: {  	s22 =	simm.s32 $0x1BFF;
	s21 =	sshll.u32 s6, $0x1;
	s3 =	sadd.s32 s4, s19  }
0x9c: {  	s7 =	simm.s32 $0x0;
	s20 =	sshll.u32 s5, $0x1;
	s5 =	sadd.s32 s21, s3  }
0x9d: {  	[timem:s7], [sflag:s22] =	dma.local [hbm:s5], s20  }
0x9e: {  	_ =	swait.ge [sflag:s22], s20  }
0x9f: {  	s4 =	ssub.s32 $0x0, s20;
	[sflag:s22] =	ssyncset.done $0x0  }
0xa0: {  	[sflag:s22] =	ssyncadd.s32 s4;
	_ =	sdelay $0x1  }
0xa1: {  	s23 =	simm.s32 $0x1B8B  }
0xa2: {  	_ =	swait.ge [sflag:s23], $0x1  }
0xa3: {  	[sflag:s23] =	ssyncset.done $0x0  }
0xa4: {  	s25 =	simm.s32 $0x1B8E;
	s24 =	sld [smem:$0x3FFE];
	[sflag:s23] =	ssyncadd.s32 $0xFFFFFFFF  }
0xa5: {  	s26 =	simm.s32 $execute0_lowered;
	[smem:$0x3FD2] =	sst s25  }
0xa6: {  	s5 =	sshll.u32 s26, $0x1;
	_ =	strace $0x8000004C;
	[dreg:$0x1] =	wrdreg $0xFFFFFFFF  }
0xa7: {  	s28 =	simm.s32 $_size_execute0_lowered;
	s3 =	sadd.s32 s3, s5;
	[dreg:$0x0] =	wrdreg $0x0  }
0xa8: {  	s5 =	sshll.u32 s28, $0x1;
	[dreg:$0x2] =	wrdreg s3  }
0xa9: {  	[dreg:$0x3] =	wrdreg s5  }
0xaa: {  	[dreg:$0x4] =	wrdreg $0xC0  }
0xab: {  	_ =	task [dreg:s7], $0x5FFFF  }
0xac: {  	[dreg:$0x1] =	wrdreg $0xFFFFFFFF  }
0xad: {  	[dreg:$0x0] =	wrdreg $0x60  }
0xae: {  	[dreg:$0x2] =	wrdreg s2  }
0xaf: {  	[dreg:$0x3] =	wrdreg s24  }
0xb0: {  	[dreg:$0x4] =	wrdreg $0xAF000  }
0xb1: {  	[dreg:$0x5] =	wrdreg $0x9  }
0xb2: {  	_ =	task.clear_ibuf [dreg:s7], $0x6FFFF;
	_ =	strace $0x9000004C  }
0xb3: {  	s29 =	simm.s32 $0x9;
	_ =	strace $0x8000004E  }
0xb4: {  	_ =	swait.ge [sflag:s29], $0x1  }
0xb5: {  	[sflag:s29] =	ssyncadd.s32 $0xFFFFFFFF  }
0xb6: {  	_ =	strace $0x9000004E  }
0xb7: {  	_ =	sfence  }
0xb8: {  	s30 =	sld [smem:$0x0];
	_ =	sdelay $0x2  }
0xb9: {  	s31 =	sshll.u32 s1, $0xD;
	s1 =	sshrl.u32 s1, $0x2  }
0xba: {  	s3 =	sand.u32 $0x4000, s31;
	s1 =	sadd.s32 s1, s30  }
0xbb: {  	s0 =	sor.u32 s3, s0;
	s1 =	sshll.u32 s1, $0x11  }
0xbc: {  	s0 =	sor.u32 s1, s0  }
0xbd: {  	s0 =	sadd.s32 $0x8F2B, s0  }
0xbe: {  	[sflag:s0] =	ssyncadd.remote.s32 $0x1  }
0xbf: {  	_ =	sfence.sel $0xFFFF  }
0xc0: {  	[dreg:$0x0] =	wrdreg $0xFFFFFFFF;
	(pc) =	sbr.abs _section_cstart, $3  }
0xc1: {  	[dreg:$0x1] =	wrdreg $0xFFFFFFFF  }
0xc2: {  	_ =	task.clear_ibuf [dreg:s7], $0x2FFFF;
	_ =	strace $0x9FFFFFFF  }
0xc3: {  	(tm) =	ssettm $0x7FFFFFFF  }
tec
execute0_lowered:
.L_overlay_start_1:
0x0: {  	(tag) =	ssettag $0x1  }
0x1: {  	s1 =	rddreg [dreg:$0x0]  }
0x2: {  	s0 =	rddreg [dreg:$0x1]  }
0x3: {  	s2 =	rddreg [dreg:$0x2];
	s3 =	srdreg.scid;
	s4 =	simm.s32 $0x0  }
0x4: {  	s10 =	stileid.u32;
	s28 =	simm.s32 $0x8F00;
	s29 =	simm.s32 $0x9F00  }
0x5: {  	s30 =	simm.s32 $0x1;
	s31 =	simm.s32 $0x2;
	s3 =	sand.u32 $0x1, s3  }
0x6: {  	[smem:$0x7FF] =	sst s4;
	s8 =	sadd.s32 $0x3E00, s0;
	s0 =	sadd.s32 $0x17800, s0  }
0x7: {  	s21 =	sshll.u32 s10, $0x4;
	s13 =	smul.u32 $0x5000, s10;
	s5 =	sshll.u32 s3, $0x4  }
0x8: {  	_ =	strace $0x8000004D;
	s19 =	ssub.s32 $0x2, s3;
	s3 =	smul.u32 $0x50000, s3  }
0x9: {  	s6 =	sor.u32 s10, s5;
	s9 =	sshrl.u32 s19, $0x1;
	s24 =	sadd.s32 $0x1000, s13  }
0xa: {  	s16 =	sadd.s32 $0x2000, s13;
	s17 =	sadd.s32 $0x3000, s13;
	s18 =	sadd.s32 $0x4000, s13  }
0xb: {  	s7 =	smul.u32 $0x2700, s6;
	s19 =	ssub.s32 s19, s9;
	s9 =	sadd.s32 s13, s2  }
0xc: {  	s10 =	sadd.s32 s24, s2;
	s11 =	sadd.s32 s16, s2;
	s12 =	sadd.s32 s17, s2  }
0xd: {  	s14 =	sadd.s32 s13, s3;
	s13 =	sadd.s32 s18, s2;
	s25 =	sadd.s32 s3, s16  }
0xe: {  	s26 =	sadd.s32 s3, s17;
	p0 =	sgt.u32 s6, $0x3;
	s14 =	sshrl.u32 s14, $0x3  }
0xf: {  	s17 =	sshrl.u32 s26, $0x3;
	s19 =	smax.u32 s19, $0x1;
	s26 =	simm.s32 $0x7F00  }
0x10: {  	s20 =	sshrl.u32 s7, $0x3;
	s7 =	sadd.s32 s21, s8;
	s14 =	sadd.s32 s0, s14  }
0x11: {  	s17 =	sadd.s32 s0, s17;
	s5 =	sadd.s32 s8, s20;
	s23 =	sadd.s32 $0x9C00, s7  }
0x12: {  	s8 =	sadd.s32 $0x13840, s7;
	s7 =	sadd.s32 s3, s24;
	s3 =	sadd.s32 s3, s18  }
0x13: {  	s20 =	simm.s32 $0x3;
	s24 =	simm.s32 $0x5F00;
	s22 =	sadd.s32 $0x9C40, s5  }
0x14: {  	[dreg:$0x5] =	wrdreg s23;
	s7 =	sshrl.u32 s7, $0x3;
	s3 =	sshrl.u32 s3, $0x3  }
0x15: {  	s23 =	simm.s32 $0x80;
	[dreg:$0x4] =	wrdreg s22;
	s15 =	sadd.s32 s0, s7  }
0x16: {  	s7 =	sshrl.u32 s25, $0x3;
	s18 =	sadd.s32 s0, s3;
	s22 =	simm.s32 $0x4F00  }
0x17: {  	v0 =	vimm.f32 $0.0e+00;
	s25 =	simm.s32 $0x6F00;
	s16 =	sadd.s32 s0, s7;
	s0 =	simm.s32 $0x0  }
.LBB2_1:
0x18: {  	[tilespmem:s4], [sflag:$0x3] =	stream.linear.gather [hbm4b:s5+s4], $0x2700, $0x38;
	[tilespmem:$0xFF00] =	vst v63  }
0x19: {  	_ =	swait.ge [sflag:s20], $0x2700  }
0x1a: {  	[sflag:s20] =	ssyncset.done $0x0  }
0x1b: {  	s6 =	simm.s32 $0x2700;
	s3 =	rddreg [dreg:$0x4];
	[sflag:s20] =	ssyncadd.s32 $0xFFFFD900  }
0x1c: {  	[tilespmem:s6], [sflag:$0x3] =	stream.linear.gather [hbm4b:s3+s4], $0x2700, $0x38;
	[tilespmem:$0xFF00] =	vst v63  }
0x1d: {  	_ =	swait.ge [sflag:s20], $0x2700  }
0x1e: {  	s3 =	simm.s32 @!p0 $0x0;
	[sflag:s20] =	ssyncset.done $0x0  }
0x1f: {  	s6 =	simm.s32 @!p0 $0x4E00;
	s7 =	rddreg [dreg:$0x5];
	[sflag:s20] =	ssyncadd.s32 $0xFFFFD900  }
0x20: {  	[tilespmem:s6], [sflag:$0x3] =	stream.linear.gather @!p0 [hbm4b:s7+s3], $0x80, $0x38;
	[tilespmem:$0xFF00] =	vst v63  }
0x21: {  	s6 =	simm.s32 @!p0 $0x3  }
0x22: {  	_ =	swait.ge @!p0 [sflag:s6], $0x80  }
0x23: {  	[sflag:s6] =	ssyncset.done @!p0 $0x0  }
0x24: {  	s7 =	simm.s32 @!p0 $0x4E80;
	[sflag:s6] =	ssyncadd.s32 @!p0 $0xFFFFFF80  }
0x25: {  	[tilespmem:s7], [sflag:$0x3] =	stream.linear.gather @!p0 [hbm4b:s8+s3], $0x80, $0x38;
	[tilespmem:$0xFF00] =	vst v63  }
0x26: {  	_ =	swait.ge @!p0 [sflag:s6], $0x80  }
0x27: {  	[sflag:s6] =	ssyncset.done @!p0 $0x0  }
0x28: {  	s3 =	simm.s32 $0x80;
	[sflag:s6] =	ssyncadd.s32 @!p0 $0xFFFFFF80;
	s6 =	simm.s32 $0x0  }
.LBB2_2:
0x29: {  	p1 =	sne.s32 s3, $0x3F80;
	[tilespmem:s6+$0x4F00] =	vst v0;
	s7 =	smov.u32 s3;
	s3 =	sadd.s32 $0x80, s3  }
.Ltmp0:
0x2a: {  	[tilespmem:s6+$0x4F10] =	vst v0;
	(pc) =	sbr.rel @p1 .LBB2_2-.Ltmp0, $2  }
0x2b: {  	_ =	sdelay $0x2  }
0x2c: {  	s6 =	sshra.s32 s7, $0x2  }
0x2d: {  	[tilespmem:s6+$0x4F00] =	vst v0  }
0x2e: {  	[tilespmem:s6+$0x4F10] =	vst v0  }
0x2f: {  	[spmem:s9] =	stream.linear.scatter [tilespmem:s22], [sflag:$0x3], $0x1000, $0x38;
	[tilespmem:$0xFF00] =	vst v63  }
0x30: {  	_ =	swait.ge [sflag:s20], $0x1000  }
0x31: {  	[sflag:s20] =	ssyncset.done $0x0  }
0x32: {  	[sflag:s20] =	ssyncadd.s32 $0xFFFFF000  }
0x33: {  	[spmem:s10] =	stream.linear.scatter [tilespmem:s22], [sflag:$0x3], $0x1000, $0x38;
	[tilespmem:$0xFF00] =	vst v63  }
0x34: {  	_ =	swait.ge [sflag:s20], $0x1000  }
0x35: {  	[sflag:s20] =	ssyncset.done $0x0  }
0x36: {  	[sflag:s20] =	ssyncadd.s32 $0xFFFFF000  }
0x37: {  	[spmem:s11] =	stream.linear.scatter [tilespmem:s22], [sflag:$0x3], $0x1000, $0x38;
	[tilespmem:$0xFF00] =	vst v63  }
0x38: {  	_ =	swait.ge [sflag:s20], $0x1000  }
0x39: {  	[sflag:s20] =	ssyncset.done $0x0  }
0x3a: {  	[sflag:s20] =	ssyncadd.s32 $0xFFFFF000  }
0x3b: {  	[spmem:s12] =	stream.linear.scatter [tilespmem:s22], [sflag:$0x3], $0x1000, $0x38;
	[tilespmem:$0xFF00] =	vst v63  }
0x3c: {  	_ =	swait.ge [sflag:s20], $0x1000  }
0x3d: {  	[sflag:s20] =	ssyncset.done $0x0  }
0x3e: {  	[sflag:s20] =	ssyncadd.s32 $0xFFFFF000  }
0x3f: {  	[spmem:s13] =	stream.linear.scatter [tilespmem:s22], [sflag:$0x3], $0x1000, $0x38;
	[tilespmem:$0xFF00] =	vst v63  }
0x40: {  	_ =	swait.ge [sflag:s20], $0x1000  }
0x41: {  	[sflag:s20] =	ssyncset.done $0x0  }
0x42: {  	[sflag:s20] =	ssyncadd.s32 $0xFFFFF000  }
0x43: {  	s3 =	simm.s32 $0x0;
	[bflag:$0x0] =	sbarrier.arrive $0xFFFF  }
0x44: {  	[tilespmem:s22], [sflag:$0x1] =	stream.indirect.gather [hbm4b:s1+s23], $0x20, s3, s23, $0xb8;
	[tilespmem:$0xFF00] =	vst v63  }
0x45: {  	s7 =	simm.s32 $0x80  }
0x46: {  	[tilespmem:s24], [sflag:$0x1] =	stream.indirect.gather [hbm4b:s1+s23], $0x20, s7, s23, $0xb8;
	[tilespmem:$0xFF00] =	vst v63  }
0x47: {  	s21 =	simm.s32 $0x100  }
0x48: {  	[tilespmem:s25], [sflag:$0x1] =	stream.indirect.gather [hbm4b:s1+s23], $0x20, s21, s23, $0xb8;
	[tilespmem:$0xFF00] =	vst v63  }
0x49: {  	s6 =	simm.s32 $0x180  }
0x4a: {  	[tilespmem:s26], [sflag:$0x1] =	stream.indirect.gather [hbm4b:s1+s23], $0x20, s6, s23, $0xb8;
	[tilespmem:$0xFF00] =	vst v63  }
0x4b: {  	s7 =	simm.s32 $0x200  }
0x4c: {  	[tilespmem:s28], [sflag:$0x1] =	stream.indirect.gather [hbm4b:s1+s23], $0x20, s7, s23, $0xb8;
	[tilespmem:$0xFF00] =	vst v63  }
0x4d: {  	s21 =	simm.s32 $0x280  }
0x4e: {  	[tilespmem:s29], [sflag:$0x1] =	stream.indirect.gather [hbm4b:s1+s23], $0x20, s21, s23, $0xb8;
	[tilespmem:$0xFF00] =	vst v63  }
0x4f: {  	_ =	swait.ge [sflag:s30], $0x1000  }
0x50: {  	[sflag:s30] =	ssyncset.done $0x0  }
0x51: {  	s6 =	simm.s32 $0x2700;
	[sflag:s30] =	ssyncadd.s32 $0xFFFFF000  }
0x52: {  	[spmem:s2] =	stream.indirect.scatter.add.f32 [tilespmem:s22], [sflag:$0x2], $0x20, s6, s23, $0xb8;
	[tilespmem:$0xFF00] =	vst v63  }
0x53: {  	_ =	swait.ge [sflag:s30], $0x1000  }
0x54: {  	[sflag:s30] =	ssyncset.done $0x0  }
0x55: {  	s7 =	simm.s32 $0x2780;
	[sflag:s30] =	ssyncadd.s32 $0xFFFFF000  }
0x56: {  	[spmem:s2] =	stream.indirect.scatter.add.f32 [tilespmem:s24], [sflag:$0x2], $0x20, s7, s23, $0xb8;
	[tilespmem:$0xFF00] =	vst v63  }
0x57: {  	_ =	swait.ge [sflag:s30], $0x1000  }
0x58: {  	[sflag:s30] =	ssyncset.done $0x0  }
0x59: {  	s21 =	simm.s32 $0x2800;
	[sflag:s30] =	ssyncadd.s32 $0xFFFFF000  }
0x5a: {  	[spmem:s2] =	stream.indirect.scatter.add.f32 [tilespmem:s25], [sflag:$0x2], $0x20, s21, s23, $0xb8;
	[tilespmem:$0xFF00] =	vst v63  }
0x5b: {  	_ =	swait.ge [sflag:s30], $0x1000  }
0x5c: {  	[sflag:s30] =	ssyncset.done $0x0  }
0x5d: {  	s6 =	simm.s32 $0x2880;
	[sflag:s30] =	ssyncadd.s32 $0xFFFFF000  }
0x5e: {  	[spmem:s2] =	stream.indirect.scatter.add.f32 [tilespmem:s26], [sflag:$0x2], $0x20, s6, s23, $0xb8;
	[tilespmem:$0xFF00] =	vst v63  }
0x5f: {  	_ =	swait.ge [sflag:s30], $0x1000  }
0x60: {  	[sflag:s30] =	ssyncset.done $0x0  }
0x61: {  	s7 =	simm.s32 $0x2900;
	[sflag:s30] =	ssyncadd.s32 $0xFFFFF000  }
0x62: {  	[spmem:s2] =	stream.indirect.scatter.add.f32 [tilespmem:s28], [sflag:$0x2], $0x20, s7, s23, $0xb8;
	[tilespmem:$0xFF00] =	vst v63  }
0x63: {  	_ =	swait.ge [sflag:s30], $0x1000  }
0x64: {  	[sflag:s30] =	ssyncset.done $0x0  }
0x65: {  	s21 =	simm.s32 $0x2980;
	[sflag:s30] =	ssyncadd.s32 $0xFFFFF000  }
0x66: {  	[spmem:s2] =	stream.indirect.scatter.add.f32 [tilespmem:s29], [sflag:$0x2], $0x20, s21, s23, $0xb8;
	[tilespmem:$0xFF00] =	vst v63  }
0x67: {  	_ =	swait.ge [sflag:s31], $0x1000  }
0x68: {  	[sflag:s31] =	ssyncset.done $0x0  }
0x69: {  	[sflag:s31] =	ssyncadd.s32 $0xFFFFF000  }
0x6a: {  	_ =	swait.ge [sflag:s31], $0x1000  }
0x6b: {  	[sflag:s31] =	ssyncset.done $0x0  }
0x6c: {  	[sflag:s31] =	ssyncadd.s32 $0xFFFFF000  }
0x6d: {  	_ =	swait.ge [sflag:s31], $0x1000  }
0x6e: {  	[sflag:s31] =	ssyncset.done $0x0  }
0x6f: {  	[sflag:s31] =	ssyncadd.s32 $0xFFFFF000  }
0x70: {  	_ =	swait.ge [sflag:s31], $0x1000  }
0x71: {  	[sflag:s31] =	ssyncset.done $0x0  }
0x72: {  	[sflag:s31] =	ssyncadd.s32 $0xFFFFF000  }
0x73: {  	_ =	swait.ge [sflag:s31], $0x1000  }
0x74: {  	[sflag:s31] =	ssyncset.done $0x0  }
0x75: {  	[sflag:s31] =	ssyncadd.s32 $0xFFFFF000  }
0x76: {  	_ =	swait.ge [sflag:s31], $0x1000  }
0x77: {  	s3 =	simm.s32 $0xC00;
	s21 =	simm.s32 $0x1800;
	[sflag:s31] =	ssyncset.done $0x0  }
.LBB2_4:
0x78: {  	s6 =	sshra.s32 s3, $0x2  }
0x79: {  	[sflag:s31] =	ssyncadd.s32 $0xFFFFF000;
	s3 =	smov.u32 s21;
	s7 =	sadd.s32 $0xC00, s21  }
0x7a: {  	[tilespmem:s22], [sflag:$0x1] =	stream.indirect.gather [hbm4b:s1+s23], $0x20, s6, s23, $0xb8;
	[tilespmem:$0xFF00] =	vst v63  }
0x7b: {  	p1 =	sne.s32 s21, $0x9000;
	s21 =	sadd.s32 $0x80, s6  }
0x7c: {  	[tilespmem:s24], [sflag:$0x1] =	stream.indirect.gather [hbm4b:s1+s23], $0x20, s21, s23, $0xb8;
	[tilespmem:$0xFF00] =	vst v63  }
0x7d: {  	s21 =	sadd.s32 $0x100, s6  }
0x7e: {  	[tilespmem:s25], [sflag:$0x1] =	stream.indirect.gather [hbm4b:s1+s23], $0x20, s21, s23, $0xb8;
	[tilespmem:$0xFF00] =	vst v63  }
0x7f: {  	s21 =	sadd.s32 $0x180, s6  }
0x80: {  	[tilespmem:s26], [sflag:$0x1] =	stream.indirect.gather [hbm4b:s1+s23], $0x20, s21, s23, $0xb8;
	[tilespmem:$0xFF00] =	vst v63  }
0x81: {  	s21 =	sadd.s32 $0x200, s6  }
0x82: {  	[tilespmem:s28], [sflag:$0x1] =	stream.indirect.gather [hbm4b:s1+s23], $0x20, s21, s23, $0xb8;
	[tilespmem:$0xFF00] =	vst v63  }
0x83: {  	s21 =	sadd.s32 $0x280, s6  }
0x84: {  	[tilespmem:s29], [sflag:$0x1] =	stream.indirect.gather [hbm4b:s1+s23], $0x20, s21, s23, $0xb8;
	[tilespmem:$0xFF00] =	vst v63  }
0x85: {  	_ =	swait.ge [sflag:s30], $0x1000  }
0x86: {  	[sflag:s30] =	ssyncset.done $0x0  }
0x87: {  	s21 =	sadd.s32 $0x2700, s6;
	[sflag:s30] =	ssyncadd.s32 $0xFFFFF000  }
0x88: {  	[spmem:s2] =	stream.indirect.scatter.add.f32 [tilespmem:s22], [sflag:$0x2], $0x20, s21, s23, $0xb8;
	[tilespmem:$0xFF00] =	vst v63  }
0x89: {  	_ =	swait.ge [sflag:s30], $0x1000  }
0x8a: {  	[sflag:s30] =	ssyncset.done $0x0  }
0x8b: {  	s21 =	sadd.s32 $0x2780, s6;
	[sflag:s30] =	ssyncadd.s32 $0xFFFFF000  }
0x8c: {  	[spmem:s2] =	stream.indirect.scatter.add.f32 [tilespmem:s24], [sflag:$0x2], $0x20, s21, s23, $0xb8;
	[tilespmem:$0xFF00] =	vst v63  }
0x8d: {  	_ =	swait.ge [sflag:s30], $0x1000  }
0x8e: {  	[sflag:s30] =	ssyncset.done $0x0  }
0x8f: {  	s21 =	sadd.s32 $0x2800, s6;
	[sflag:s30] =	ssyncadd.s32 $0xFFFFF000  }
0x90: {  	[spmem:s2] =	stream.indirect.scatter.add.f32 [tilespmem:s25], [sflag:$0x2], $0x20, s21, s23, $0xb8;
	[tilespmem:$0xFF00] =	vst v63  }
0x91: {  	_ =	swait.ge [sflag:s30], $0x1000  }
0x92: {  	[sflag:s30] =	ssyncset.done $0x0  }
0x93: {  	s21 =	sadd.s32 $0x2880, s6;
	[sflag:s30] =	ssyncadd.s32 $0xFFFFF000  }
0x94: {  	[spmem:s2] =	stream.indirect.scatter.add.f32 [tilespmem:s26], [sflag:$0x2], $0x20, s21, s23, $0xb8;
	[tilespmem:$0xFF00] =	vst v63  }
0x95: {  	_ =	swait.ge [sflag:s30], $0x1000  }
0x96: {  	[sflag:s30] =	ssyncset.done $0x0  }
0x97: {  	s21 =	sadd.s32 $0x2900, s6;
	[sflag:s30] =	ssyncadd.s32 $0xFFFFF000  }
0x98: {  	[spmem:s2] =	stream.indirect.scatter.add.f32 [tilespmem:s28], [sflag:$0x2], $0x20, s21, s23, $0xb8;
	[tilespmem:$0xFF00] =	vst v63  }
0x99: {  	_ =	swait.ge [sflag:s30], $0x1000  }
0x9a: {  	[sflag:s30] =	ssyncset.done $0x0  }
0x9b: {  	s6 =	sadd.s32 $0x2980, s6;
	[sflag:s30] =	ssyncadd.s32 $0xFFFFF000  }
0x9c: {  	[spmem:s2] =	stream.indirect.scatter.add.f32 [tilespmem:s29], [sflag:$0x2], $0x20, s6, s23, $0xb8;
	[tilespmem:$0xFF00] =	vst v63  }
0x9d: {  	_ =	swait.ge [sflag:s31], $0x1000  }
0x9e: {  	[sflag:s31] =	ssyncset.done $0x0  }
0x9f: {  	[sflag:s31] =	ssyncadd.s32 $0xFFFFF000  }
0xa0: {  	_ =	swait.ge [sflag:s31], $0x1000  }
0xa1: {  	[sflag:s31] =	ssyncset.done $0x0  }
0xa2: {  	[sflag:s31] =	ssyncadd.s32 $0xFFFFF000  }
0xa3: {  	_ =	swait.ge [sflag:s31], $0x1000  }
0xa4: {  	[sflag:s31] =	ssyncset.done $0x0  }
0xa5: {  	[sflag:s31] =	ssyncadd.s32 $0xFFFFF000  }
0xa6: {  	_ =	swait.ge [sflag:s31], $0x1000  }
0xa7: {  	[sflag:s31] =	ssyncset.done $0x0  }
0xa8: {  	[sflag:s31] =	ssyncadd.s32 $0xFFFFF000  }
.Ltmp1:
0xa9: {  	_ =	swait.ge [sflag:s31], $0x1000;
	(pc) =	sbr.rel @p1 .LBB2_4-.Ltmp1, $4  }
0xaa: {  	[sflag:s31] =	ssyncset.done $0x0  }
0xab: {  	[sflag:s31] =	ssyncadd.s32 $0xFFFFF000  }
0xac: {  	_ =	swait.ge [sflag:s31], $0x1000  }
0xad: {  	s21 =	smov.u32 s7;
	[sflag:s31] =	ssyncset.done $0x0  }
0xae: {  	s3 =	sshra.s32 s3, $0x2;
	[sflag:s31] =	ssyncadd.s32 $0xFFFFF000  }
0xaf: {  	[tilespmem:s22], [sflag:$0x1] =	stream.indirect.gather [hbm4b:s1+s23], $0x20, s3, s23, $0xb8;
	[tilespmem:$0xFF00] =	vst v63  }
0xb0: {  	s6 =	sadd.s32 $0x80, s3  }
0xb1: {  	[tilespmem:s24], [sflag:$0x1] =	stream.indirect.gather [hbm4b:s1+s23], $0x20, s6, s23, $0xb8;
	[tilespmem:$0xFF00] =	vst v63  }
0xb2: {  	s21 =	sadd.s32 $0x100, s3  }
0xb3: {  	[tilespmem:s25], [sflag:$0x1] =	stream.indirect.gather [hbm4b:s1+s23], $0x20, s21, s23, $0xb8;
	[tilespmem:$0xFF00] =	vst v63  }
0xb4: {  	s7 =	sadd.s32 $0x180, s3  }
0xb5: {  	[tilespmem:s26], [sflag:$0x1] =	stream.indirect.gather [hbm4b:s1+s23], $0x20, s7, s23, $0xb8;
	[tilespmem:$0xFF00] =	vst v63  }
0xb6: {  	s21 =	sadd.s32 $0x200, s3  }
0xb7: {  	[tilespmem:s28], [sflag:$0x1] =	stream.indirect.gather [hbm4b:s1+s23], $0x20, s21, s23, $0xb8;
	[tilespmem:$0xFF00] =	vst v63  }
0xb8: {  	s7 =	sadd.s32 $0x280, s3  }
0xb9: {  	[tilespmem:s29], [sflag:$0x1] =	stream.indirect.gather [hbm4b:s1+s23], $0x20, s7, s23, $0xb8;
	[tilespmem:$0xFF00] =	vst v63  }
0xba: {  	_ =	swait.ge [sflag:s30], $0x1000  }
0xbb: {  	[sflag:s30] =	ssyncset.done $0x0  }
0xbc: {  	s21 =	sadd.s32 $0x2700, s3;
	[sflag:s30] =	ssyncadd.s32 $0xFFFFF000  }
0xbd: {  	[spmem:s2] =	stream.indirect.scatter.add.f32 [tilespmem:s22], [sflag:$0x2], $0x20, s21, s23, $0xb8;
	[tilespmem:$0xFF00] =	vst v63  }
0xbe: {  	_ =	swait.ge [sflag:s30], $0x1000  }
0xbf: {  	[sflag:s30] =	ssyncset.done $0x0  }
0xc0: {  	s7 =	sadd.s32 $0x2780, s3;
	[sflag:s30] =	ssyncadd.s32 $0xFFFFF000  }
0xc1: {  	[spmem:s2] =	stream.indirect.scatter.add.f32 [tilespmem:s24], [sflag:$0x2], $0x20, s7, s23, $0xb8;
	[tilespmem:$0xFF00] =	vst v63  }
0xc2: {  	_ =	swait.ge [sflag:s30], $0x1000  }
0xc3: {  	[sflag:s30] =	ssyncset.done $0x0  }
0xc4: {  	s21 =	sadd.s32 $0x2800, s3;
	[sflag:s30] =	ssyncadd.s32 $0xFFFFF000  }
0xc5: {  	[spmem:s2] =	stream.indirect.scatter.add.f32 [tilespmem:s25], [sflag:$0x2], $0x20, s21, s23, $0xb8;
	[tilespmem:$0xFF00] =	vst v63  }
0xc6: {  	_ =	swait.ge [sflag:s30], $0x1000  }
0xc7: {  	[sflag:s30] =	ssyncset.done $0x0  }
0xc8: {  	s7 =	sadd.s32 $0x2880, s3;
	[sflag:s30] =	ssyncadd.s32 $0xFFFFF000  }
0xc9: {  	[spmem:s2] =	stream.indirect.scatter.add.f32 [tilespmem:s26], [sflag:$0x2], $0x20, s7, s23, $0xb8;
	[tilespmem:$0xFF00] =	vst v63  }
0xca: {  	_ =	swait.ge [sflag:s30], $0x1000  }
0xcb: {  	[sflag:s30] =	ssyncset.done $0x0  }
0xcc: {  	s21 =	sadd.s32 $0x2900, s3;
	[sflag:s30] =	ssyncadd.s32 $0xFFFFF000  }
0xcd: {  	[spmem:s2] =	stream.indirect.scatter.add.f32 [tilespmem:s28], [sflag:$0x2], $0x20, s21, s23, $0xb8;
	[tilespmem:$0xFF00] =	vst v63  }
0xce: {  	_ =	swait.ge [sflag:s30], $0x1000  }
0xcf: {  	[sflag:s30] =	ssyncset.done $0x0  }
0xd0: {  	s3 =	sadd.s32 $0x2980, s3;
	[sflag:s30] =	ssyncadd.s32 $0xFFFFF000  }
0xd1: {  	[spmem:s2] =	stream.indirect.scatter.add.f32 [tilespmem:s29], [sflag:$0x2], $0x20, s3, s23, $0xb8;
	[tilespmem:$0xFF00] =	vst v63  }
0xd2: {  	_ =	swait.ge [sflag:s31], $0x1000  }
0xd3: {  	[sflag:s31] =	ssyncset.done $0x0  }
0xd4: {  	[sflag:s31] =	ssyncadd.s32 $0xFFFFF000  }
0xd5: {  	_ =	swait.ge [sflag:s31], $0x1000  }
0xd6: {  	[sflag:s31] =	ssyncset.done $0x0  }
0xd7: {  	[sflag:s31] =	ssyncadd.s32 $0xFFFFF000  }
0xd8: {  	_ =	swait.ge [sflag:s31], $0x1000  }
0xd9: {  	[sflag:s31] =	ssyncset.done $0x0  }
0xda: {  	[sflag:s31] =	ssyncadd.s32 $0xFFFFF000  }
0xdb: {  	_ =	swait.ge [sflag:s31], $0x1000  }
0xdc: {  	[sflag:s31] =	ssyncset.done $0x0  }
0xdd: {  	[sflag:s31] =	ssyncadd.s32 $0xFFFFF000  }
0xde: {  	_ =	swait.ge [sflag:s31], $0x1000  }
0xdf: {  	[sflag:s31] =	ssyncset.done $0x0  }
0xe0: {  	[sflag:s31] =	ssyncadd.s32 $0xFFFFF000  }
0xe1: {  	_ =	swait.ge [sflag:s31], $0x1000  }
0xe2: {  	s6 =	simm.s32 @!p0 $0x4E00;
	[sflag:s31] =	ssyncset.done $0x0  }
0xe3: {  	s7 =	simm.s32 @!p0 $0x4F00;
	s3 =	simm.s32 @!p0 $0x80;
	[sflag:s31] =	ssyncadd.s32 $0xFFFFF000  }
0xe4: {  	[tilespmem:s7], [sflag:$0x1] =	stream.indirect.gather @!p0 [hbm4b:s1+s3], $0x20, s6, s3, $0xb8;
	[tilespmem:$0xFF00] =	vst v63  }
0xe5: {  	s6 =	simm.s32 @!p0 $0x1  }
0xe6: {  	_ =	swait.ge @!p0 [sflag:s6], $0x1000  }
0xe7: {  	[sflag:s6] =	ssyncset.done @!p0 $0x0  }
0xe8: {  	[sflag:s6] =	ssyncadd.s32 @!p0 $0xFFFFF000;
	s6 =	simm.s32 @!p0 $0x4E80  }
0xe9: {  	[spmem:s2] =	stream.indirect.scatter.add.f32 @!p0 [tilespmem:s7], [sflag:$0x2], $0x20, s6, s3, $0xb8;
	[tilespmem:$0xFF00] =	vst v63  }
0xea: {  	s3 =	simm.s32 @!p0 $0x2  }
0xeb: {  	_ =	swait.ge @!p0 [sflag:s3], $0x1000  }
0xec: {  	[sflag:s3] =	ssyncset.done @!p0 $0x0  }
0xed: {  	[sflag:s3] =	ssyncadd.s32 @!p0 $0xFFFFF000  }
0xee: {  	[bflag:$0x0] =	sbarrier.arrive $0xFFFF  }
0xef: {  	[tilespmem:s22], [sflag:$0x3] =	stream.linear.gather [spmem:s9], $0x1000, $0x38;
	[tilespmem:$0xFF00] =	vst v63  }
0xf0: {  	_ =	swait.ge [sflag:s20], $0x1000  }
0xf1: {  	[sflag:s20] =	ssyncset.done $0x0  }
0xf2: {  	[sflag:s20] =	ssyncadd.s32 $0xFFFFF000  }
0xf3: {  	[hbm4b:s14+s4] =	stream.linear.scatter [tilespmem:s22], [sflag:$0x3], $0x1000, $0x38;
	[tilespmem:$0xFF00] =	vst v63  }
0xf4: {  	_ =	swait.ge [sflag:s20], $0x1000  }
0xf5: {  	[sflag:s20] =	ssyncset.done $0x0  }
0xf6: {  	[sflag:s20] =	ssyncadd.s32 $0xFFFFF000  }
0xf7: {  	[tilespmem:s22], [sflag:$0x3] =	stream.linear.gather [spmem:s10], $0x1000, $0x38;
	[tilespmem:$0xFF00] =	vst v63  }
0xf8: {  	_ =	swait.ge [sflag:s20], $0x1000  }
0xf9: {  	[sflag:s20] =	ssyncset.done $0x0  }
0xfa: {  	[sflag:s20] =	ssyncadd.s32 $0xFFFFF000  }
0xfb: {  	[hbm4b:s15+s4] =	stream.linear.scatter [tilespmem:s22], [sflag:$0x3], $0x1000, $0x38;
	[tilespmem:$0xFF00] =	vst v63  }
0xfc: {  	_ =	swait.ge [sflag:s20], $0x1000  }
0xfd: {  	[sflag:s20] =	ssyncset.done $0x0  }
0xfe: {  	[sflag:s20] =	ssyncadd.s32 $0xFFFFF000  }
0xff: {  	[tilespmem:s22], [sflag:$0x3] =	stream.linear.gather [spmem:s11], $0x1000, $0x38;
	[tilespmem:$0xFF00] =	vst v63  }
0x100: {  	_ =	swait.ge [sflag:s20], $0x1000  }
0x101: {  	[sflag:s20] =	ssyncset.done $0x0  }
0x102: {  	[sflag:s20] =	ssyncadd.s32 $0xFFFFF000  }
0x103: {  	[hbm4b:s16+s4] =	stream.linear.scatter [tilespmem:s22], [sflag:$0x3], $0x1000, $0x38;
	[tilespmem:$0xFF00] =	vst v63  }
0x104: {  	_ =	swait.ge [sflag:s20], $0x1000  }
0x105: {  	[sflag:s20] =	ssyncset.done $0x0  }
0x106: {  	[sflag:s20] =	ssyncadd.s32 $0xFFFFF000  }
0x107: {  	[tilespmem:s22], [sflag:$0x3] =	stream.linear.gather [spmem:s12], $0x1000, $0x38;
	[tilespmem:$0xFF00] =	vst v63  }
0x108: {  	_ =	swait.ge [sflag:s20], $0x1000  }
0x109: {  	[sflag:s20] =	ssyncset.done $0x0  }
0x10a: {  	[sflag:s20] =	ssyncadd.s32 $0xFFFFF000  }
0x10b: {  	[hbm4b:s17+s4] =	stream.linear.scatter [tilespmem:s22], [sflag:$0x3], $0x1000, $0x38;
	[tilespmem:$0xFF00] =	vst v63  }
0x10c: {  	_ =	swait.ge [sflag:s20], $0x1000  }
0x10d: {  	[sflag:s20] =	ssyncset.done $0x0  }
0x10e: {  	[sflag:s20] =	ssyncadd.s32 $0xFFFFF000  }
0x10f: {  	[tilespmem:s22], [sflag:$0x3] =	stream.linear.gather [spmem:s13], $0x1000, $0x38;
	[tilespmem:$0xFF00] =	vst v63  }
0x110: {  	s0 =	sadd.s32 $0x1, s0;
	_ =	swait.ge [sflag:s20], $0x1000  }
0x111: {  	p1 =	sne.s32 s0, s19;
	[sflag:s20] =	ssyncset.done $0x0  }
.Ltmp2:
0x112: {  	[sflag:s20] =	ssyncadd.s32 $0xFFFFF000;
	(pc) =	sbr.rel @p1 .LBB2_1-.Ltmp2, $4  }
0x113: {  	[hbm4b:s18+s4] =	stream.linear.scatter [tilespmem:s22], [sflag:$0x3], $0x1000, $0x38;
	[tilespmem:$0xFF00] =	vst v63  }
0x114: {  	_ =	swait.ge [sflag:s20], $0x1000  }
0x115: {  	[sflag:s20] =	ssyncset.done $0x0  }
0x116: {  	[sflag:s20] =	ssyncadd.s32 $0xFFFFF000  }
0x117: {  	_ =	sfence.sel $0x180000  }
0x118: {  	[bflag:$0x0] =	sbarrier.arrive $0xFFFF  }
0x119: {  	_ =	strace $0x9000004D  }
0x11a: {  	s0 =	stileid.u32;
	[bflag:$0x2] =	sbarrier.arrive $0xFFFF  }
0x11b: {  	p0 =	sne.s32 s0, $0x0;
	s0 =	rddreg [dreg:$0x3]  }
0x11c: {  	s0 =	sadd.s32 @!p0 $0x100000, s0  }
0x11d: {  	[sflag:s0] =	ssyncadd.tile.s32 @!p0 $0x1;
	_ =	shalt  }
.Lfunc_end2:
_tile_overlayer_lowered:
.L_overlay_start_2:
0x11e: {  	(tag) =	ssettag $0x2  }
0x11f: {  	s0 =	rddreg [dreg:$0x0];
	s2 =	stileid.u32  }
0x120: {  	s1 =	rddreg [dreg:$0x1];
	p0 =	sne.s32 s2, $0x0  }
0x121: {  	s3 =	rddreg [dreg:$0x2];
	[bflag:$0x3] =	sbarrier.arrive $0xFFFF;
	s2 =	simm.s32 @!p0 $0x1C03  }
0x122: {  	[timem:s3], [sflag:s2] =	dma.local @!p0 [hbm:s0], s1  }
0x123: {  	s0 =	simm.s32 @!p0 $0x3  }
0x124: {  	_ =	swait.ge @!p0 [sflag:s0], s1  }
0x125: {  	s1 =	ssub.s32 @!p0 $0x0, s1;
	[sflag:s0] =	ssyncset.done @!p0 $0x0  }
0x126: {  	[sflag:s0] =	ssyncadd.s32 @!p0 s1  }
0x127: {  	[bflag:$0x3] =	sbarrier.arrive $0xFFFF  }
0x128: {  	_ =	shalt  }

</sc_bundles>
